<compile_context>
chip_gen: v7x
topology: tpu7x:2x2x1
jax: 0.10.2.dev20260603
libtpu: 0.0.44.dev20260713+nightly
codegen_flags: <defaults>
</compile_context>

<pallas_src>
import functools

import jax
import jax.numpy as jnp
from jax import lax
from jax.experimental import pallas as pl
from jax.experimental.pallas import tpu as pltpu
from jax.experimental.pallas import tpu_sc as plsc

NN = 10000
NP = 10240
EE = 320000
CH = 128
EP = 327680
NROW = EP // CH
NC, NS = 2, 16
RPT = NROW // (NC * NS)
RPTF = NROW // NS
RPS = NP // NS
HP = 80
BR = 1024
NB = 4

_mesh = plsc.VectorSubcoreMesh(core_axis_name="c", subcore_axis_name="s")
_sc_params = pltpu.CompilerParams(use_tc_tiling_on_sc=False)


def _zero_vmem_1d(ref, n):
    z = jnp.zeros((16,), jnp.float32)

    def body(i, _):
        for k in range(4):
            ref[pl.ds(i * 64 + k * 16, 16)] = z
        return 0
    lax.fori_loop(0, n // 64, body, 0)


def _propagate(tab, acc, src_v, dst_v, bufs, gsems, ssems, nrows):
    nb = len(bufs)
    for k in range(nb):
        pltpu.async_copy(tab.at[src_v.at[k]], bufs[k], gsems[k])

    def body(j, _):
        for k in range(nb):
            r = j * nb + k
            pltpu.make_async_copy(tab.at[src_v.at[r]], bufs[k], gsems[k]).wait()
            pltpu.async_copy(bufs[k], acc.at[dst_v.at[r]], ssems[k], add=True)
        for k in range(nb):
            r = j * nb + k

            @pl.when(r + nb < nrows)
            def _():
                pltpu.make_async_copy(
                    bufs[k], acc.at[dst_v.at[r]], ssems[k]).wait()
                pltpu.async_copy(tab.at[src_v.at[r + nb]], bufs[k], gsems[k])
        return 0
    lax.fori_loop(0, nrows // nb, body, 0)
    for k in range(nb):
        r = nrows - nb + k
        pltpu.make_async_copy(bufs[k], acc.at[dst_v.at[r]], ssems[k]).wait()


@functools.partial(
    pl.kernel,
    out_type=jax.ShapeDtypeStruct((NC, NP), jnp.float32),
    mesh=_mesh,
    compiler_params=_sc_params,
    scratch_types=[
        pltpu.VMEM((RPT, CH), jnp.int32),
        pltpu.VMEM((CH,), jnp.float32),
        pltpu.VMEM((RPS,), jnp.float32),
        pltpu.VMEM_SHARED((NP,), jnp.float32),
        pltpu.SemaphoreType.DMA,
    ],
)
def _sc_deg(dst_hbm, out_hbm, dst_v, ones_v, zero_v, acc, sem):
    c = lax.axis_index("c")
    s = lax.axis_index("s")
    t = c * NS + s
    pltpu.sync_copy(dst_hbm.at[pl.ds(t * RPT, RPT)], dst_v)

    def ones_body(i, _):
        ones_v[pl.ds(i * 16, 16)] = jnp.ones((16,), jnp.float32)
        return 0
    lax.fori_loop(0, CH // 16, ones_body, 0)

    _zero_vmem_1d(zero_v, RPS)
    pltpu.sync_copy(zero_v, acc.at[pl.ds(s * RPS, RPS)])
    plsc.subcore_barrier()

    def body(r, _):
        pltpu.async_copy(ones_v, acc.at[dst_v.at[r]], sem, add=True)
        return 0
    lax.fori_loop(0, RPT, body, 0)

    def drain(r, _):
        pltpu.make_async_copy(ones_v, acc.at[dst_v.at[r]], sem).wait()
        return 0
    lax.fori_loop(0, RPT, drain, 0)

    plsc.subcore_barrier()
    pltpu.sync_copy(acc.at[pl.ds(s * RPS, RPS)],
                    out_hbm.at[c, pl.ds(s * RPS, RPS)])


@functools.partial(
    pl.kernel,
    out_type=jax.ShapeDtypeStruct((NC, NP, HP), jnp.float32),
    mesh=_mesh,
    compiler_params=_sc_params,
    scratch_types=[
        pltpu.VMEM((RPT, CH), jnp.int32),
        pltpu.VMEM((RPT, CH), jnp.int32),
        [pltpu.VMEM((CH, HP), jnp.float32)] * NB,
        pltpu.VMEM((CH, HP), jnp.float32),
        pltpu.VMEM_SHARED((NP, HP), jnp.float32),
        [pltpu.SemaphoreType.DMA] * NB,
        [pltpu.SemaphoreType.DMA] * NB,
    ],
)
def _sc_wide(tab_hbm, src_hbm, dst_hbm, out_hbm,
             src_v, dst_v, bufs, zbuf, acc, gsems, ssems):
    c = lax.axis_index("c")
    s = lax.axis_index("s")
    t = c * NS + s
    pltpu.sync_copy(src_hbm.at[pl.ds(t * RPT, RPT)], src_v)
    pltpu.sync_copy(dst_hbm.at[pl.ds(t * RPT, RPT)], dst_v)

    def zrow(i, _):
        def zcol(k, _):
            zbuf[i, pl.ds(k * 16, 16)] = jnp.zeros((16,), jnp.float32)
            return 0
        lax.fori_loop(0, HP // 16, zcol, 0)
        return 0
    lax.fori_loop(0, CH, zrow, 0)
    for k in range(RPS // CH):
        pltpu.sync_copy(zbuf, acc.at[pl.ds(s * RPS + k * CH, CH)])
    plsc.subcore_barrier()

    _propagate(tab_hbm, acc, src_v, dst_v, bufs, gsems, ssems, RPT)

    plsc.subcore_barrier()
    for k in range(RPS // CH):
        pltpu.sync_copy(acc.at[pl.ds(s * RPS + k * CH, CH)],
                        out_hbm.at[c, pl.ds(s * RPS + k * CH, CH)])


NBS = 8


@functools.partial(
    pl.kernel,
    out_type=jax.ShapeDtypeStruct((NP,), jnp.float32),
    mesh=_mesh,
    compiler_params=_sc_params,
    scratch_types=[
        pltpu.VMEM((RPTF, CH), jnp.int32),
        pltpu.VMEM((RPTF, CH), jnp.int32),
        [pltpu.VMEM((CH,), jnp.float32)] * NBS,
        pltpu.VMEM((RPS,), jnp.float32),
        pltpu.VMEM((RPS,), jnp.float32),
        pltpu.VMEM((RPS,), jnp.float32),
        pltpu.VMEM((RPS,), jnp.float32),
        pltpu.VMEM((RPS,), jnp.float32),
        pltpu.VMEM((16,), jnp.float32),
        pltpu.VMEM((16,), jnp.float32),
        pltpu.VMEM_SHARED((NP,), jnp.float32),
        pltpu.VMEM_SHARED((NP,), jnp.float32),
        [pltpu.SemaphoreType.DMA] * NBS,
        [pltpu.SemaphoreType.DMA] * NBS,
    ],
)
def _sc_final(ut_hbm, dinv_hbm, cvec_hbm, b3vec_hbm, src_hbm, dst_hbm,
              out_hbm, src_v, dst_v, bufs, zero_v, ut_v, dinv_v, su_v,
              vt_v, c_v, b3_v, tab_s, acc_s, gsems, ssems):
    c = lax.axis_index("c")
    s = lax.axis_index("s")
    sl = pl.ds(s * RPS, RPS)
    pltpu.sync_copy(src_hbm.at[pl.ds(s * RPTF, RPTF)], src_v)
    pltpu.sync_copy(dst_hbm.at[pl.ds(s * RPTF, RPTF)], dst_v)
    pltpu.sync_copy(ut_hbm.at[sl], ut_v)
    pltpu.sync_copy(dinv_hbm.at[sl], dinv_v)
    pltpu.sync_copy(cvec_hbm, c_v)
    pltpu.sync_copy(b3vec_hbm, b3_v)
    _zero_vmem_1d(zero_v, RPS)
    pltpu.sync_copy(zero_v, acc_s.at[sl])
    pltpu.sync_copy(ut_v, tab_s.at[sl])
    plsc.subcore_barrier()

    _propagate(tab_s, acc_s, src_v, dst_v, bufs, gsems, ssems, RPTF)
    plsc.subcore_barrier()

    pltpu.sync_copy(acc_s.at[sl], su_v)
    cb = c_v[...]

    def vt_body(i, _):
        ix = pl.ds(i * 16, 16)
        dv = dinv_v[ix]
        vt_v[ix] = dv * (dv * (su_v[ix] + ut_v[ix]) + cb)
        return 0
    lax.fori_loop(0, RPS // 16, vt_body, 0)
    pltpu.sync_copy(zero_v, acc_s.at[sl])
    pltpu.sync_copy(vt_v, tab_s.at[sl])
    plsc.subcore_barrier()

    _propagate(tab_s, acc_s, src_v, dst_v, bufs, gsems, ssems, RPTF)
    plsc.subcore_barrier()

    pltpu.sync_copy(acc_s.at[sl], su_v)
    bb = b3_v[...]

    def out_body(i, _):
        ix = pl.ds(i * 16, 16)
        ut_v[ix] = dinv_v[ix] * (su_v[ix] + vt_v[ix]) + bb
        return 0
    lax.fori_loop(0, RPS // 16, out_body, 0)

    @pl.when(c == 0)
    def _():
        pltpu.sync_copy(ut_v, out_hbm.at[sl])


def _tc_a_body(x_ref, w_ref, degs_ref, t1s_ref, dinv_ref):
    deg = degs_ref[0] + degs_ref[1] + 1.0
    dinv = lax.rsqrt(deg)
    t1 = jnp.dot(x_ref[...], w_ref[...], preferred_element_type=jnp.float32)
    t1s_ref[...] = t1 * dinv
    dinv_ref[...] = dinv


def _tc_a(xp, w1p, degs):
    return pl.pallas_call(
        _tc_a_body,
        grid=(NP // BR,),
        in_specs=[
            pl.BlockSpec((BR, 128), lambda i: (i, 0)),
            pl.BlockSpec((128, HP), lambda i: (0, 0)),
            pl.BlockSpec((NC, BR, 1), lambda i: (0, i, 0)),
        ],
        out_specs=[
            pl.BlockSpec((BR, HP), lambda i: (i, 0)),
            pl.BlockSpec((BR, 1), lambda i: (i, 0)),
        ],
        out_shape=[
            jax.ShapeDtypeStruct((NP, HP), jnp.float32),
            jax.ShapeDtypeStruct((NP, 1), jnp.float32),
        ],
    )(xp, w1p, degs)


def _tc_b_body(parts_ref, t1s_ref, dinv_ref, b1_ref, w2_ref, w3_ref, b2_ref,
               ut_ref, misc_ref):
    dinv = dinv_ref[...]
    p1 = dinv * (parts_ref[0] + parts_ref[1] + t1s_ref[...])
    h1r = jnp.maximum(p1 + b1_ref[...], 0.0)
    u2 = jnp.dot(h1r, w2_ref[...], preferred_element_type=jnp.float32)
    u = jnp.dot(u2, w3_ref[...], preferred_element_type=jnp.float32)
    ut_ref[...] = dinv * u
    cterm = jnp.sum(b2_ref[...] * w3_ref[...].reshape(1, 96))
    misc_ref[...] = jnp.full((1, 16), cterm, jnp.float32)


def _tc_b(parts, t1s, dinv, b1p, w2p, w3p, b2p):
    return pl.pallas_call(
        _tc_b_body,
        grid=(NP // BR,),
        in_specs=[
            pl.BlockSpec((NC, BR, HP), lambda i: (0, i, 0)),
            pl.BlockSpec((BR, HP), lambda i: (i, 0)),
            pl.BlockSpec((BR, 1), lambda i: (i, 0)),
            pl.BlockSpec((1, HP), lambda i: (0, 0)),
            pl.BlockSpec((HP, 96), lambda i: (0, 0)),
            pl.BlockSpec((96, 1), lambda i: (0, 0)),
            pl.BlockSpec((1, 96), lambda i: (0, 0)),
        ],
        out_specs=[
            pl.BlockSpec((BR, 1), lambda i: (i, 0)),
            pl.BlockSpec((1, 16), lambda i: (0, 0)),
        ],
        out_shape=[
            jax.ShapeDtypeStruct((NP, 1), jnp.float32),
            jax.ShapeDtypeStruct((1, 16), jnp.float32),
        ],
    )(parts, t1s, dinv, b1p, w2p, w3p, b2p)


def kernel(x, edge_index, W1, b1, W2, b2, W3, b3):
    f32 = jnp.float32
    xp = jnp.zeros((NP, 128), f32).at[:NN].set(x)
    w1p = jnp.zeros((128, HP), f32).at[:, :71].set(W1)
    b1p = jnp.zeros((1, HP), f32).at[0, :71].set(b1)
    w2p = jnp.zeros((HP, 96), f32).at[:71, :82].set(W2)
    w3p = jnp.zeros((96, 1), f32).at[:82].set(W3)
    b2p = jnp.zeros((1, 96), f32).at[0, :82].set(b2)
    b3vec = jnp.broadcast_to(b3.astype(f32), (16,))

    npad = EP - EE
    spread = NN + (jnp.arange(npad, dtype=jnp.int32) % (NP - NN))
    src1d = jnp.concatenate([edge_index[0], spread])
    dst1d = jnp.concatenate([edge_index[1], spread])
    src2d = src1d.reshape(NROW, CH)
    dst2d = dst1d.reshape(NROW, CH)

    degs = _sc_deg(dst2d)
    t1s, dinv = _tc_a(xp, w1p, degs.reshape(NC, NP, 1))
    parts = _sc_wide(t1s, src2d, dst2d)
    ut, misc = _tc_b(parts, t1s, dinv, b1p, w2p, w3p, b2p)
    out = _sc_final(ut.reshape(NP), dinv.reshape(NP), misc.reshape(16),
                    b3vec, src2d, dst2d)
    return out[:NN].reshape(NN, 1)

# --- scband reference (transcript-rebuilt; emitter-appended) ---
"""Pipeline reference for scband-graph-level-gnn-87144886435840 (READ-ONLY COPY).

The authoritative reference and input builder live on the scoring server;
editing this copy changes nothing except your own understanding.
"""

import jax, jax.numpy as jnp
import numpy as np

N = 10000
E = 320000
D_IN = 128
H1 = 71
H2 = 82
D_OUT = 1


def gcn_conv(x, src, dst, W, b, num_nodes):
    # PyG GCNConv: linear transform first, then symmetric-normalized propagation
    x = x @ W
    ones = jnp.ones(src.shape[0], dtype=x.dtype)
    deg = jax.ops.segment_sum(ones, dst, num_segments=num_nodes)
    dinv = jnp.where(deg > 0, 1.0 / jnp.sqrt(deg), 0.0)
    norm = dinv[src] * dinv[dst]
    msg = x[src] * norm[:, None]
    out = jax.ops.segment_sum(msg, dst, num_segments=num_nodes)
    return out + b


def setup_inputs(seed: int = 0) -> dict:
    key = jax.random.key(seed)
    ks = jax.random.split(key, 8)
    x = jax.random.normal(ks[0], (N, D_IN), dtype=jnp.float32)
    edge_index = jax.random.randint(ks[1], (2, E), 0, N, dtype=jnp.int32)
    W1 = jax.random.normal(ks[2], (D_IN, H1), dtype=jnp.float32) / jnp.sqrt(D_IN)
    b1 = jnp.zeros((H1,), dtype=jnp.float32)
    W2 = jax.random.normal(ks[3], (H1, H2), dtype=jnp.float32) / jnp.sqrt(H1)
    b2 = jnp.zeros((H2,), dtype=jnp.float32)
    W3 = jax.random.normal(ks[4], (H2, D_OUT), dtype=jnp.float32) / jnp.sqrt(H2)
    b3 = jnp.zeros((D_OUT,), dtype=jnp.float32)
    return {"x": x, "edge_index": edge_index, "W1": W1, "b1": b1, "W2": W2, "b2": b2, "W3": W3, "b3": b3}


def reference(x, edge_index, W1, b1, W2, b2, W3, b3):
    # add self loops once (same augmented graph for every GCNConv layer)
    loop = jnp.arange(N, dtype=edge_index.dtype)
    src = jnp.concatenate([edge_index[0], loop])
    dst = jnp.concatenate([edge_index[1], loop])
    h = gcn_conv(x, src, dst, W1, b1, N)
    h = jax.nn.relu(h)
    h = gcn_conv(h, src, dst, W2, b2, N)
    out = gcn_conv(h, src, dst, W3, b3, N)
    return out

if __name__ == "__main__":
    import jax
    _d = setup_inputs()
    print(jax.jit(kernel)(*tuple(_d.values())))

</pallas_src>

<mosaic_0001>
#map = affine_map<(d0, d1) -> (0, 0)>
#map1 = affine_map<(d0, d1) -> (0, 0, 0)>
module attributes {stable_mosaic.version = 14 : i64} {
  func.func @_sc_wide(%arg0: i32, %arg1: i32, %arg2: memref<10240x80xf32, #tpu.memory_space<hbm>>, %arg3: memref<2560x128xi32, #tpu.memory_space<hbm>>, %arg4: memref<2560x128xi32, #tpu.memory_space<hbm>>, %arg5: memref<2x10240x80xf32, #tpu.memory_space<hbm>>, %arg6: memref<80x128xi32, #tpu.memory_space<vmem>>, %arg7: memref<80x128xi32, #tpu.memory_space<vmem>>, %arg8: memref<128x80xf32, #tpu.memory_space<vmem>>, %arg9: memref<128x80xf32, #tpu.memory_space<vmem>>, %arg10: memref<128x80xf32, #tpu.memory_space<vmem>>, %arg11: memref<128x80xf32, #tpu.memory_space<vmem>>, %arg12: memref<128x80xf32, #tpu.memory_space<vmem>>, %arg13: memref<10240x80xf32, #tpu.memory_space<vmem_shared>>, %arg14: memref<!tpu.dma_semaphore, #tpu.memory_space<semaphore_mem>>, %arg15: memref<!tpu.dma_semaphore, #tpu.memory_space<semaphore_mem>>, %arg16: memref<!tpu.dma_semaphore, #tpu.memory_space<semaphore_mem>>, %arg17: memref<!tpu.dma_semaphore, #tpu.memory_space<semaphore_mem>>, %arg18: memref<!tpu.dma_semaphore, #tpu.memory_space<semaphore_mem>>, %arg19: memref<!tpu.dma_semaphore, #tpu.memory_space<semaphore_mem>>, %arg20: memref<!tpu.dma_semaphore, #tpu.memory_space<semaphore_mem>>, %arg21: memref<!tpu.dma_semaphore, #tpu.memory_space<semaphore_mem>>) attributes {dimension_semantics = [#tpu.dimension_semantics<core_parallel>, #tpu.dimension_semantics<subcore_parallel>], iteration_bounds = array<i64: 2, 16>, scalar_prefetch = 0 : i64, scratch_operands = 16 : i64, tpu.core_type = #tpu.core_type<sc_vector_subcore>, window_params = [{transform_indices = #map}, {transform_indices = #map}, {transform_indices = #map}, {transform_indices = #map1}]} {
    %mul3A = arith.constant 16 : i32
    %mul3A_0 = arith.muli %arg0, %mul3A : i32
    %add3A = arith.addi %mul3A_0, %arg1 : i32
    %mul3A_1 = arith.constant 80 : i32
    %mul3A_2 = arith.muli %add3A, %mul3A_1 : i32
    "tpu.region"() ({
      %run_scoped3A = tpu.sem_alloc : memref<!tpu.dma_semaphore, #tpu.memory_space<semaphore_mem>>
      %dma_start3A_133 = arith.constant 0 : i32
      %dma_start3A_134 = tpu.memref_slice %arg3[%mul3A_2, %dma_start3A_133] : memref<2560x128xi32, #tpu.memory_space<hbm>> -> memref<80x128xi32, #tpu.memory_space<hbm>>
      %dma_start3A_135 = arith.constant 0 : i32
      %dma_start3A_136 = tpu.memref_slice %arg3[%mul3A_2, %dma_start3A_135] : memref<2560x128xi32, #tpu.memory_space<hbm>> -> memref<80x128xi32, #tpu.memory_space<hbm>>
      tpu.enqueue_dma source(%dma_start3A_136 : memref<80x128xi32, #tpu.memory_space<hbm>>) target(%arg6 : memref<80x128xi32, #tpu.memory_space<vmem>>) target_semaphore(%run_scoped3A : memref<!tpu.dma_semaphore, #tpu.memory_space<semaphore_mem>>)
      %dma_wait3A_137 = arith.constant 0 : i32
      %dma_wait3A_138 = tpu.memref_slice %arg3[%mul3A_2, %dma_wait3A_137] : memref<2560x128xi32, #tpu.memory_space<hbm>> -> memref<80x128xi32, #tpu.memory_space<hbm>>
      %dma_wait3A_139 = arith.constant 0 : i32
      %dma_wait3A_140 = tpu.memref_slice %arg3[%mul3A_2, %dma_wait3A_139] : memref<2560x128xi32, #tpu.memory_space<hbm>> -> memref<80x128xi32, #tpu.memory_space<hbm>>
      tpu.wait_dma2 semaphore(%run_scoped3A : memref<!tpu.dma_semaphore, #tpu.memory_space<semaphore_mem>>) src(%dma_wait3A_140 : memref<80x128xi32, #tpu.memory_space<hbm>>) dst(%arg6 : memref<80x128xi32, #tpu.memory_space<vmem>>)
      tpu.yield
    }) : () -> ()
    %mul3A_3 = arith.constant 80 : i32
    %mul3A_4 = arith.muli %add3A, %mul3A_3 : i32
    "tpu.region"() ({
      %run_scoped3A = tpu.sem_alloc : memref<!tpu.dma_semaphore, #tpu.memory_space<semaphore_mem>>
      %dma_start3A_133 = arith.constant 0 : i32
      %dma_start3A_134 = tpu.memref_slice %arg4[%mul3A_4, %dma_start3A_133] : memref<2560x128xi32, #tpu.memory_space<hbm>> -> memref<80x128xi32, #tpu.memory_space<hbm>>
      %dma_start3A_135 = arith.constant 0 : i32
      %dma_start3A_136 = tpu.memref_slice %arg4[%mul3A_4, %dma_start3A_135] : memref<2560x128xi32, #tpu.memory_space<hbm>> -> memref<80x128xi32, #tpu.memory_space<hbm>>
      tpu.enqueue_dma source(%dma_start3A_136 : memref<80x128xi32, #tpu.memory_space<hbm>>) target(%arg7 : memref<80x128xi32, #tpu.memory_space<vmem>>) target_semaphore(%run_scoped3A : memref<!tpu.dma_semaphore, #tpu.memory_space<semaphore_mem>>)
      %dma_wait3A_137 = arith.constant 0 : i32
      %dma_wait3A_138 = tpu.memref_slice %arg4[%mul3A_4, %dma_wait3A_137] : memref<2560x128xi32, #tpu.memory_space<hbm>> -> memref<80x128xi32, #tpu.memory_space<hbm>>
      %dma_wait3A_139 = arith.constant 0 : i32
      %dma_wait3A_140 = tpu.memref_slice %arg4[%mul3A_4, %dma_wait3A_139] : memref<2560x128xi32, #tpu.memory_space<hbm>> -> memref<80x128xi32, #tpu.memory_space<hbm>>
      tpu.wait_dma2 semaphore(%run_scoped3A : memref<!tpu.dma_semaphore, #tpu.memory_space<semaphore_mem>>) src(%dma_wait3A_140 : memref<80x128xi32, #tpu.memory_space<hbm>>) dst(%arg7 : memref<80x128xi32, #tpu.memory_space<vmem>>)
      tpu.yield
    }) : () -> ()
    %scan3A = arith.constant 0 : i32
    %scan3A_5 = arith.constant 0 : i32
    %scan3A_6 = arith.constant 128 : i32
    %scan3A_7 = arith.addi %scan3A_5, %scan3A_6 : i32
    %scan3A_8 = arith.constant 1 : i32
    %scan3A_9 = scf.for %scan3A_133 = %scan3A_5 to %scan3A_7 step %scan3A_8 iter_args(%scan3A_134 = %scan3A) -> (i32)  : i32 {
      %scan3A_135 = arith.constant 0 : i32
      %scan3A_136 = arith.constant 0 : i32
      %scan3A_137 = arith.constant 5 : i32
      %scan3A_138 = arith.addi %scan3A_136, %scan3A_137 : i32
      %scan3A_139 = arith.constant 1 : i32
      %scan3A_140 = scf.for %scan3A_143 = %scan3A_136 to %scan3A_138 step %scan3A_139 iter_args(%scan3A_144 = %scan3A_135) -> (i32)  : i32 {
        %broadcast_in_dim3A = arith.constant 0.000000e+00 : f32
        %broadcast_in_dim3A_145 = vector.broadcast %broadcast_in_dim3A : f32 to vector<16xf32>
        %mul3A_146 = arith.constant 16 : i32
        %mul3A_147 = arith.muli %scan3A_143, %mul3A_146 : i32
        %swap3A = arith.index_cast %scan3A_133 : i32 to index
        %swap3A_148 = arith.index_cast %mul3A_147 : i32 to index
        %swap3A_149 = tpu.vector_load %arg12[%swap3A, %swap3A_148] {strides = array<i32>} : memref<128x80xf32, #tpu.memory_space<vmem>>, vector<1x16xf32>,
        %swap3A_150 = vector.shape_cast %swap3A_149 : vector<1x16xf32> to vector<16xf32>
        %swap3A_151 = vector.shape_cast %broadcast_in_dim3A_145 : vector<16xf32> to vector<1x16xf32>
        tpu.vector_store %arg12[%swap3A, %swap3A_148], %swap3A_151 {strides = array<i32>} : memref<128x80xf32, #tpu.memory_space<vmem>>, vector<1x16xf32>,
        %scan3A_152 = arith.constant 0 : i32
        scf.yield %scan3A_152 : i32
      }
      %scan3A_141 = arith.constant 5 : i32
      %scan3A_142 = arith.constant 0 : i32
      scf.yield %scan3A_142 : i32
    }
    %scan3A_10 = arith.constant 128 : i32
    %mul3A_11 = arith.constant 640 : i32
    %mul3A_12 = arith.muli %arg1, %mul3A_11 : i32
    %add3A_13 = arith.constant 0 : i32
    %add3A_14 = arith.addi %mul3A_12, %add3A_13 : i32
    "tpu.region"() ({
      %run_scoped3A = tpu.sem_alloc : memref<!tpu.dma_semaphore, #tpu.memory_space<semaphore_mem>>
      %dma_start3A_133 = arith.constant 0 : i32
      %dma_start3A_134 = tpu.memref_slice %arg13[%add3A_14, %dma_start3A_133] : memref<10240x80xf32, #tpu.memory_space<vmem_shared>> -> memref<128x80xf32, #tpu.memory_space<vmem_shared>>
      %dma_start3A_135 = arith.constant 0 : i32
      %dma_start3A_136 = tpu.memref_slice %arg13[%add3A_14, %dma_start3A_135] : memref<10240x80xf32, #tpu.memory_space<vmem_shared>> -> memref<128x80xf32, #tpu.memory_space<vmem_shared>>
      tpu.enqueue_dma source(%arg12 : memref<128x80xf32, #tpu.memory_space<vmem>>) target(%dma_start3A_136 : memref<128x80xf32, #tpu.memory_space<vmem_shared>>) target_semaphore(%run_scoped3A : memref<!tpu.dma_semaphore, #tpu.memory_space<semaphore_mem>>)
      %dma_wait3A_137 = arith.constant 0 : i32
      %dma_wait3A_138 = tpu.memref_slice %arg13[%add3A_14, %dma_wait3A_137] : memref<10240x80xf32, #tpu.memory_space<vmem_shared>> -> memref<128x80xf32, #tpu.memory_space<vmem_shared>>
      %dma_wait3A_139 = arith.constant 0 : i32
      %dma_wait3A_140 = tpu.memref_slice %arg13[%add3A_14, %dma_wait3A_139] : memref<10240x80xf32, #tpu.memory_space<vmem_shared>> -> memref<128x80xf32, #tpu.memory_space<vmem_shared>>
      tpu.wait_dma2 semaphore(%run_scoped3A : memref<!tpu.dma_semaphore, #tpu.memory_space<semaphore_mem>>) src(%arg12 : memref<128x80xf32, #tpu.memory_space<vmem>>) dst(%dma_wait3A_140 : memref<128x80xf32, #tpu.memory_space<vmem_shared>>)
      tpu.yield
    }) : () -> ()
    %mul3A_15 = arith.constant 640 : i32
    %mul3A_16 = arith.muli %arg1, %mul3A_15 : i32
    %add3A_17 = arith.constant 128 : i32
    %add3A_18 = arith.addi %mul3A_16, %add3A_17 : i32
    "tpu.region"() ({
      %run_scoped3A = tpu.sem_alloc : memref<!tpu.dma_semaphore, #tpu.memory_space<semaphore_mem>>
      %dma_start3A_133 = arith.constant 0 : i32
      %dma_start3A_134 = tpu.memref_slice %arg13[%add3A_18, %dma_start3A_133] : memref<10240x80xf32, #tpu.memory_space<vmem_shared>> -> memref<128x80xf32, #tpu.memory_space<vmem_shared>>
      %dma_start3A_135 = arith.constant 0 : i32
      %dma_start3A_136 = tpu.memref_slice %arg13[%add3A_18, %dma_start3A_135] : memref<10240x80xf32, #tpu.memory_space<vmem_shared>> -> memref<128x80xf32, #tpu.memory_space<vmem_shared>>
      tpu.enqueue_dma source(%arg12 : memref<128x80xf32, #tpu.memory_space<vmem>>) target(%dma_start3A_136 : memref<128x80xf32, #tpu.memory_space<vmem_shared>>) target_semaphore(%run_scoped3A : memref<!tpu.dma_semaphore, #tpu.memory_space<semaphore_mem>>)
      %dma_wait3A_137 = arith.constant 0 : i32
      %dma_wait3A_138 = tpu.memref_slice %arg13[%add3A_18, %dma_wait3A_137] : memref<10240x80xf32, #tpu.memory_space<vmem_shared>> -> memref<128x80xf32, #tpu.memory_space<vmem_shared>>
      %dma_wait3A_139 = arith.constant 0 : i32
      %dma_wait3A_140 = tpu.memref_slice %arg13[%add3A_18, %dma_wait3A_139] : memref<10240x80xf32, #tpu.memory_space<vmem_shared>> -> memref<128x80xf32, #tpu.memory_space<vmem_shared>>
      tpu.wait_dma2 semaphore(%run_scoped3A : memref<!tpu.dma_semaphore, #tpu.memory_space<semaphore_mem>>) src(%arg12 : memref<128x80xf32, #tpu.memory_space<vmem>>) dst(%dma_wait3A_140 : memref<128x80xf32, #tpu.memory_space<vmem_shared>>)
      tpu.yield
    }) : () -> ()
    %mul3A_19 = arith.constant 640 : i32
    %mul3A_20 = arith.muli %arg1, %mul3A_19 : i32
    %add3A_21 = arith.constant 256 : i32
    %add3A_22 = arith.addi %mul3A_20, %add3A_21 : i32
    "tpu.region"() ({
      %run_scoped3A = tpu.sem_alloc : memref<!tpu.dma_semaphore, #tpu.memory_space<semaphore_mem>>
      %dma_start3A_133 = arith.constant 0 : i32
      %dma_start3A_134 = tpu.memref_slice %arg13[%add3A_22, %dma_start3A_133] : memref<10240x80xf32, #tpu.memory_space<vmem_shared>> -> memref<128x80xf32, #tpu.memory_space<vmem_shared>>
      %dma_start3A_135 = arith.constant 0 : i32
      %dma_start3A_136 = tpu.memref_slice %arg13[%add3A_22, %dma_start3A_135] : memref<10240x80xf32, #tpu.memory_space<vmem_shared>> -> memref<128x80xf32, #tpu.memory_space<vmem_shared>>
      tpu.enqueue_dma source(%arg12 : memref<128x80xf32, #tpu.memory_space<vmem>>) target(%dma_start3A_136 : memref<128x80xf32, #tpu.memory_space<vmem_shared>>) target_semaphore(%run_scoped3A : memref<!tpu.dma_semaphore, #tpu.memory_space<semaphore_mem>>)
      %dma_wait3A_137 = arith.constant 0 : i32
      %dma_wait3A_138 = tpu.memref_slice %arg13[%add3A_22, %dma_wait3A_137] : memref<10240x80xf32, #tpu.memory_space<vmem_shared>> -> memref<128x80xf32, #tpu.memory_space<vmem_shared>>
      %dma_wait3A_139 = arith.constant 0 : i32
      %dma_wait3A_140 = tpu.memref_slice %arg13[%add3A_22, %dma_wait3A_139] : memref<10240x80xf32, #tpu.memory_space<vmem_shared>> -> memref<128x80xf32, #tpu.memory_space<vmem_shared>>
      tpu.wait_dma2 semaphore(%run_scoped3A : memref<!tpu.dma_semaphore, #tpu.memory_space<semaphore_mem>>) src(%arg12 : memref<128x80xf32, #tpu.memory_space<vmem>>) dst(%dma_wait3A_140 : memref<128x80xf32, #tpu.memory_space<vmem_shared>>)
      tpu.yield
    }) : () -> ()
    %mul3A_23 = arith.constant 640 : i32
    %mul3A_24 = arith.muli %arg1, %mul3A_23 : i32
    %add3A_25 = arith.constant 384 : i32
    %add3A_26 = arith.addi %mul3A_24, %add3A_25 : i32
    "tpu.region"() ({
      %run_scoped3A = tpu.sem_alloc : memref<!tpu.dma_semaphore, #tpu.memory_space<semaphore_mem>>
      %dma_start3A_133 = arith.constant 0 : i32
      %dma_start3A_134 = tpu.memref_slice %arg13[%add3A_26, %dma_start3A_133] : memref<10240x80xf32, #tpu.memory_space<vmem_shared>> -> memref<128x80xf32, #tpu.memory_space<vmem_shared>>
      %dma_start3A_135 = arith.constant 0 : i32
      %dma_start3A_136 = tpu.memref_slice %arg13[%add3A_26, %dma_start3A_135] : memref<10240x80xf32, #tpu.memory_space<vmem_shared>> -> memref<128x80xf32, #tpu.memory_space<vmem_shared>>
      tpu.enqueue_dma source(%arg12 : memref<128x80xf32, #tpu.memory_space<vmem>>) target(%dma_start3A_136 : memref<128x80xf32, #tpu.memory_space<vmem_shared>>) target_semaphore(%run_scoped3A : memref<!tpu.dma_semaphore, #tpu.memory_space<semaphore_mem>>)
      %dma_wait3A_137 = arith.constant 0 : i32
      %dma_wait3A_138 = tpu.memref_slice %arg13[%add3A_26, %dma_wait3A_137] : memref<10240x80xf32, #tpu.memory_space<vmem_shared>> -> memref<128x80xf32, #tpu.memory_space<vmem_shared>>
      %dma_wait3A_139 = arith.constant 0 : i32
      %dma_wait3A_140 = tpu.memref_slice %arg13[%add3A_26, %dma_wait3A_139] : memref<10240x80xf32, #tpu.memory_space<vmem_shared>> -> memref<128x80xf32, #tpu.memory_space<vmem_shared>>
      tpu.wait_dma2 semaphore(%run_scoped3A : memref<!tpu.dma_semaphore, #tpu.memory_space<semaphore_mem>>) src(%arg12 : memref<128x80xf32, #tpu.memory_space<vmem>>) dst(%dma_wait3A_140 : memref<128x80xf32, #tpu.memory_space<vmem_shared>>)
      tpu.yield
    }) : () -> ()
    %mul3A_27 = arith.constant 640 : i32
    %mul3A_28 = arith.muli %arg1, %mul3A_27 : i32
    %add3A_29 = arith.constant 512 : i32
    %add3A_30 = arith.addi %mul3A_28, %add3A_29 : i32
    "tpu.region"() ({
      %run_scoped3A = tpu.sem_alloc : memref<!tpu.dma_semaphore, #tpu.memory_space<semaphore_mem>>
      %dma_start3A_133 = arith.constant 0 : i32
      %dma_start3A_134 = tpu.memref_slice %arg13[%add3A_30, %dma_start3A_133] : memref<10240x80xf32, #tpu.memory_space<vmem_shared>> -> memref<128x80xf32, #tpu.memory_space<vmem_shared>>
      %dma_start3A_135 = arith.constant 0 : i32
      %dma_start3A_136 = tpu.memref_slice %arg13[%add3A_30, %dma_start3A_135] : memref<10240x80xf32, #tpu.memory_space<vmem_shared>> -> memref<128x80xf32, #tpu.memory_space<vmem_shared>>
      tpu.enqueue_dma source(%arg12 : memref<128x80xf32, #tpu.memory_space<vmem>>) target(%dma_start3A_136 : memref<128x80xf32, #tpu.memory_space<vmem_shared>>) target_semaphore(%run_scoped3A : memref<!tpu.dma_semaphore, #tpu.memory_space<semaphore_mem>>)
      %dma_wait3A_137 = arith.constant 0 : i32
      %dma_wait3A_138 = tpu.memref_slice %arg13[%add3A_30, %dma_wait3A_137] : memref<10240x80xf32, #tpu.memory_space<vmem_shared>> -> memref<128x80xf32, #tpu.memory_space<vmem_shared>>
      %dma_wait3A_139 = arith.constant 0 : i32
      %dma_wait3A_140 = tpu.memref_slice %arg13[%add3A_30, %dma_wait3A_139] : memref<10240x80xf32, #tpu.memory_space<vmem_shared>> -> memref<128x80xf32, #tpu.memory_space<vmem_shared>>
      tpu.wait_dma2 semaphore(%run_scoped3A : memref<!tpu.dma_semaphore, #tpu.memory_space<semaphore_mem>>) src(%arg12 : memref<128x80xf32, #tpu.memory_space<vmem>>) dst(%dma_wait3A_140 : memref<128x80xf32, #tpu.memory_space<vmem_shared>>)
      tpu.yield
    }) : () -> ()
    %barrier3A = arith.constant 0 : index
    tpu.barrier barrier_id(%barrier3A)
    %dma_start3A = arith.constant 0 : i32
    %dma_start3A_31 = arith.constant 0 : i32
    %dma_start3A_32 = tpu.memref_slice %arg6[%dma_start3A, %dma_start3A_31] : memref<80x128xi32, #tpu.memory_space<vmem>> -> memref<1x128xi32, #tpu.memory_space<vmem>>
    %dma_start3A_33 = tpu.memref_squeeze %dma_start3A_32 : memref<1x128xi32, #tpu.memory_space<vmem>> -> memref<128xi32, #tpu.memory_space<vmem>>
    %dma_start3A_34 = arith.constant 0 : i32
    %dma_start3A_35 = arith.constant 0 : i32
    %dma_start3A_36 = tpu.memref_slice %arg2[%dma_start3A_34, %dma_start3A_35] : memref<10240x80xf32, #tpu.memory_space<hbm>> -> memref<10240x80xf32, #tpu.memory_space<hbm>>
    tpu.enqueue_indirect_dma source(%dma_start3A_36 : memref<10240x80xf32, #tpu.memory_space<hbm>>) target(%arg8 : memref<128x80xf32, #tpu.memory_space<vmem>>) offsets(%dma_start3A_33 : memref<128xi32, #tpu.memory_space<vmem>>) semaphore(%arg14 : memref<!tpu.dma_semaphore, #tpu.memory_space<semaphore_mem>>)
    %dma_start3A_37 = arith.constant 1 : i32
    %dma_start3A_38 = arith.constant 0 : i32
    %dma_start3A_39 = tpu.memref_slice %arg6[%dma_start3A_37, %dma_start3A_38] : memref<80x128xi32, #tpu.memory_space<vmem>> -> memref<1x128xi32, #tpu.memory_space<vmem>>
    %dma_start3A_40 = tpu.memref_squeeze %dma_start3A_39 : memref<1x128xi32, #tpu.memory_space<vmem>> -> memref<128xi32, #tpu.memory_space<vmem>>
    %dma_start3A_41 = arith.constant 0 : i32
    %dma_start3A_42 = arith.constant 0 : i32
    %dma_start3A_43 = tpu.memref_slice %arg2[%dma_start3A_41, %dma_start3A_42] : memref<10240x80xf32, #tpu.memory_space<hbm>> -> memref<10240x80xf32, #tpu.memory_space<hbm>>
    tpu.enqueue_indirect_dma source(%dma_start3A_43 : memref<10240x80xf32, #tpu.memory_space<hbm>>) target(%arg9 : memref<128x80xf32, #tpu.memory_space<vmem>>) offsets(%dma_start3A_40 : memref<128xi32, #tpu.memory_space<vmem>>) semaphore(%arg15 : memref<!tpu.dma_semaphore, #tpu.memory_space<semaphore_mem>>)
    %dma_start3A_44 = arith.constant 2 : i32
    %dma_start3A_45 = arith.constant 0 : i32
    %dma_start3A_46 = tpu.memref_slice %arg6[%dma_start3A_44, %dma_start3A_45] : memref<80x128xi32, #tpu.memory_space<vmem>> -> memref<1x128xi32, #tpu.memory_space<vmem>>
    %dma_start3A_47 = tpu.memref_squeeze %dma_start3A_46 : memref<1x128xi32, #tpu.memory_space<vmem>> -> memref<128xi32, #tpu.memory_space<vmem>>
    %dma_start3A_48 = arith.constant 0 : i32
    %dma_start3A_49 = arith.constant 0 : i32
    %dma_start3A_50 = tpu.memref_slice %arg2[%dma_start3A_48, %dma_start3A_49] : memref<10240x80xf32, #tpu.memory_space<hbm>> -> memref<10240x80xf32, #tpu.memory_space<hbm>>
    tpu.enqueue_indirect_dma source(%dma_start3A_50 : memref<10240x80xf32, #tpu.memory_space<hbm>>) target(%arg10 : memref<128x80xf32, #tpu.memory_space<vmem>>) offsets(%dma_start3A_47 : memref<128xi32, #tpu.memory_space<vmem>>) semaphore(%arg16 : memref<!tpu.dma_semaphore, #tpu.memory_space<semaphore_mem>>)
    %dma_start3A_51 = arith.constant 3 : i32
    %dma_start3A_52 = arith.constant 0 : i32
    %dma_start3A_53 = tpu.memref_slice %arg6[%dma_start3A_51, %dma_start3A_52] : memref<80x128xi32, #tpu.memory_space<vmem>> -> memref<1x128xi32, #tpu.memory_space<vmem>>
    %dma_start3A_54 = tpu.memref_squeeze %dma_start3A_53 : memref<1x128xi32, #tpu.memory_space<vmem>> -> memref<128xi32, #tpu.memory_space<vmem>>
    %dma_start3A_55 = arith.constant 0 : i32
    %dma_start3A_56 = arith.constant 0 : i32
    %dma_start3A_57 = tpu.memref_slice %arg2[%dma_start3A_55, %dma_start3A_56] : memref<10240x80xf32, #tpu.memory_space<hbm>> -> memref<10240x80xf32, #tpu.memory_space<hbm>>
    tpu.enqueue_indirect_dma source(%dma_start3A_57 : memref<10240x80xf32, #tpu.memory_space<hbm>>) target(%arg11 : memref<128x80xf32, #tpu.memory_space<vmem>>) offsets(%dma_start3A_54 : memref<128xi32, #tpu.memory_space<vmem>>) semaphore(%arg17 : memref<!tpu.dma_semaphore, #tpu.memory_space<semaphore_mem>>)
    %scan3A_58 = arith.constant 0 : i32
    %scan3A_59 = arith.constant 0 : i32
    %scan3A_60 = arith.constant 20 : i32
    %scan3A_61 = arith.addi %scan3A_59, %scan3A_60 : i32
    %scan3A_62 = arith.constant 1 : i32
    %scan3A_63 = scf.for %scan3A_133 = %scan3A_59 to %scan3A_61 step %scan3A_62 iter_args(%scan3A_134 = %scan3A_58) -> (i32)  : i32 {
      %mul3A_135 = arith.constant 4 : i32
      %mul3A_136 = arith.muli %scan3A_133, %mul3A_135 : i32
      %add3A_137 = arith.constant 0 : i32
      %add3A_138 = arith.addi %mul3A_136, %add3A_137 : i32
      %dma_wait3A_139 = arith.constant 0 : i32
      %dma_wait3A_140 = tpu.memref_slice %arg6[%add3A_138, %dma_wait3A_139] : memref<80x128xi32, #tpu.memory_space<vmem>> -> memref<1x128xi32, #tpu.memory_space<vmem>>
      %dma_wait3A_141 = tpu.memref_squeeze %dma_wait3A_140 : memref<1x128xi32, #tpu.memory_space<vmem>> -> memref<128xi32, #tpu.memory_space<vmem>>
      %dma_wait3A_142 = arith.constant 0 : i32
      %dma_wait3A_143 = arith.constant 0 : i32
      %dma_wait3A_144 = tpu.memref_slice %arg2[%dma_wait3A_142, %dma_wait3A_143] : memref<10240x80xf32, #tpu.memory_space<hbm>> -> memref<10240x80xf32, #tpu.memory_space<hbm>>
      tpu.wait_indirect_dma semaphore(%arg14 : memref<!tpu.dma_semaphore, #tpu.memory_space<semaphore_mem>>) src(%dma_wait3A_144 : memref<10240x80xf32, #tpu.memory_space<hbm>>) dst(%arg8 : memref<128x80xf32, #tpu.memory_space<vmem>>)
      %dma_start3A_145 = arith.constant 0 : i32
      %dma_start3A_146 = tpu.memref_slice %arg7[%add3A_138, %dma_start3A_145] : memref<80x128xi32, #tpu.memory_space<vmem>> -> memref<1x128xi32, #tpu.memory_space<vmem>>
      %dma_start3A_147 = tpu.memref_squeeze %dma_start3A_146 : memref<1x128xi32, #tpu.memory_space<vmem>> -> memref<128xi32, #tpu.memory_space<vmem>>
      %dma_start3A_148 = arith.constant 0 : i32
      %dma_start3A_149 = arith.constant 0 : i32
      %dma_start3A_150 = tpu.memref_slice %arg13[%dma_start3A_148, %dma_start3A_149] : memref<10240x80xf32, #tpu.memory_space<vmem_shared>> -> memref<10240x80xf32, #tpu.memory_space<vmem_shared>>
      tpu.enqueue_indirect_dma source(%arg8 : memref<128x80xf32, #tpu.memory_space<vmem>>) target(%dma_start3A_150 : memref<10240x80xf32, #tpu.memory_space<vmem_shared>>) offsets(%dma_start3A_147 : memref<128xi32, #tpu.memory_space<vmem>>) semaphore(%arg18 : memref<!tpu.dma_semaphore, #tpu.memory_space<semaphore_mem>>) {add = true}
      %mul3A_151 = arith.constant 4 : i32
      %mul3A_152 = arith.muli %scan3A_133, %mul3A_151 : i32
      %add3A_153 = arith.constant 1 : i32
      %add3A_154 = arith.addi %mul3A_152, %add3A_153 : i32
      %dma_wait3A_155 = arith.constant 0 : i32
      %dma_wait3A_156 = tpu.memref_slice %arg6[%add3A_154, %dma_wait3A_155] : memref<80x128xi32, #tpu.memory_space<vmem>> -> memref<1x128xi32, #tpu.memory_space<vmem>>
      %dma_wait3A_157 = tpu.memref_squeeze %dma_wait3A_156 : memref<1x128xi32, #tpu.memory_space<vmem>> -> memref<128xi32, #tpu.memory_space<vmem>>
      %dma_wait3A_158 = arith.constant 0 : i32
      %dma_wait3A_159 = arith.constant 0 : i32
      %dma_wait3A_160 = tpu.memref_slice %arg2[%dma_wait3A_158, %dma_wait3A_159] : memref<10240x80xf32, #tpu.memory_space<hbm>> -> memref<10240x80xf32, #tpu.memory_space<hbm>>
      tpu.wait_indirect_dma semaphore(%arg15 : memref<!tpu.dma_semaphore, #tpu.memory_space<semaphore_mem>>) src(%dma_wait3A_160 : memref<10240x80xf32, #tpu.memory_space<hbm>>) dst(%arg9 : memref<128x80xf32, #tpu.memory_space<vmem>>)
      %dma_start3A_161 = arith.constant 0 : i32
      %dma_start3A_162 = tpu.memref_slice %arg7[%add3A_154, %dma_start3A_161] : memref<80x128xi32, #tpu.memory_space<vmem>> -> memref<1x128xi32, #tpu.memory_space<vmem>>
      %dma_start3A_163 = tpu.memref_squeeze %dma_start3A_162 : memref<1x128xi32, #tpu.memory_space<vmem>> -> memref<128xi32, #tpu.memory_space<vmem>>
      %dma_start3A_164 = arith.constant 0 : i32
      %dma_start3A_165 = arith.constant 0 : i32
      %dma_start3A_166 = tpu.memref_slice %arg13[%dma_start3A_164, %dma_start3A_165] : memref<10240x80xf32, #tpu.memory_space<vmem_shared>> -> memref<10240x80xf32, #tpu.memory_space<vmem_shared>>
      tpu.enqueue_indirect_dma source(%arg9 : memref<128x80xf32, #tpu.memory_space<vmem>>) target(%dma_start3A_166 : memref<10240x80xf32, #tpu.memory_space<vmem_shared>>) offsets(%dma_start3A_163 : memref<128xi32, #tpu.memory_space<vmem>>) semaphore(%arg19 : memref<!tpu.dma_semaphore, #tpu.memory_space<semaphore_mem>>) {add = true}
      %mul3A_167 = arith.constant 4 : i32
      %mul3A_168 = arith.muli %scan3A_133, %mul3A_167 : i32
      %add3A_169 = arith.constant 2 : i32
      %add3A_170 = arith.addi %mul3A_168, %add3A_169 : i32
      %dma_wait3A_171 = arith.constant 0 : i32
      %dma_wait3A_172 = tpu.memref_slice %arg6[%add3A_170, %dma_wait3A_171] : memref<80x128xi32, #tpu.memory_space<vmem>> -> memref<1x128xi32, #tpu.memory_space<vmem>>
      %dma_wait3A_173 = tpu.memref_squeeze %dma_wait3A_172 : memref<1x128xi32, #tpu.memory_space<vmem>> -> memref<128xi32, #tpu.memory_space<vmem>>
      %dma_wait3A_174 = arith.constant 0 : i32
      %dma_wait3A_175 = arith.constant 0 : i32
      %dma_wait3A_176 = tpu.memref_slice %arg2[%dma_wait3A_174, %dma_wait3A_175] : memref<10240x80xf32, #tpu.memory_space<hbm>> -> memref<10240x80xf32, #tpu.memory_space<hbm>>
      tpu.wait_indirect_dma semaphore(%arg16 : memref<!tpu.dma_semaphore, #tpu.memory_space<semaphore_mem>>) src(%dma_wait3A_176 : memref<10240x80xf32, #tpu.memory_space<hbm>>) dst(%arg10 : memref<128x80xf32, #tpu.memory_space<vmem>>)
      %dma_start3A_177 = arith.constant 0 : i32
      %dma_start3A_178 = tpu.memref_slice %arg7[%add3A_170, %dma_start3A_177] : memref<80x128xi32, #tpu.memory_space<vmem>> -> memref<1x128xi32, #tpu.memory_space<vmem>>
      %dma_start3A_179 = tpu.memref_squeeze %dma_start3A_178 : memref<1x128xi32, #tpu.memory_space<vmem>> -> memref<128xi32, #tpu.memory_space<vmem>>
      %dma_start3A_180 = arith.constant 0 : i32
      %dma_start3A_181 = arith.constant 0 : i32
      %dma_start3A_182 = tpu.memref_slice %arg13[%dma_start3A_180, %dma_start3A_181] : memref<10240x80xf32, #tpu.memory_space<vmem_shared>> -> memref<10240x80xf32, #tpu.memory_space<vmem_shared>>
      tpu.enqueue_indirect_dma source(%arg10 : memref<128x80xf32, #tpu.memory_space<vmem>>) target(%dma_start3A_182 : memref<10240x80xf32, #tpu.memory_space<vmem_shared>>) offsets(%dma_start3A_179 : memref<128xi32, #tpu.memory_space<vmem>>) semaphore(%arg20 : memref<!tpu.dma_semaphore, #tpu.memory_space<semaphore_mem>>) {add = true}
      %mul3A_183 = arith.constant 4 : i32
      %mul3A_184 = arith.muli %scan3A_133, %mul3A_183 : i32
      %add3A_185 = arith.constant 3 : i32
      %add3A_186 = arith.addi %mul3A_184, %add3A_185 : i32
      %dma_wait3A_187 = arith.constant 0 : i32
      %dma_wait3A_188 = tpu.memref_slice %arg6[%add3A_186, %dma_wait3A_187] : memref<80x128xi32, #tpu.memory_space<vmem>> -> memref<1x128xi32, #tpu.memory_space<vmem>>
      %dma_wait3A_189 = tpu.memref_squeeze %dma_wait3A_188 : memref<1x128xi32, #tpu.memory_space<vmem>> -> memref<128xi32, #tpu.memory_space<vmem>>
      %dma_wait3A_190 = arith.constant 0 : i32
      %dma_wait3A_191 = arith.constant 0 : i32
      %dma_wait3A_192 = tpu.memref_slice %arg2[%dma_wait3A_190, %dma_wait3A_191] : memref<10240x80xf32, #tpu.memory_space<hbm>> -> memref<10240x80xf32, #tpu.memory_space<hbm>>
      tpu.wait_indirect_dma semaphore(%arg17 : memref<!tpu.dma_semaphore, #tpu.memory_space<semaphore_mem>>) src(%dma_wait3A_192 : memref<10240x80xf32, #tpu.memory_space<hbm>>) dst(%arg11 : memref<128x80xf32, #tpu.memory_space<vmem>>)
      %dma_start3A_193 = arith.constant 0 : i32
      %dma_start3A_194 = tpu.memref_slice %arg7[%add3A_186, %dma_start3A_193] : memref<80x128xi32, #tpu.memory_space<vmem>> -> memref<1x128xi32, #tpu.memory_space<vmem>>
      %dma_start3A_195 = tpu.memref_squeeze %dma_start3A_194 : memref<1x128xi32, #tpu.memory_space<vmem>> -> memref<128xi32, #tpu.memory_space<vmem>>
      %dma_start3A_196 = arith.constant 0 : i32
      %dma_start3A_197 = arith.constant 0 : i32
      %dma_start3A_198 = tpu.memref_slice %arg13[%dma_start3A_196, %dma_start3A_197] : memref<10240x80xf32, #tpu.memory_space<vmem_shared>> -> memref<10240x80xf32, #tpu.memory_space<vmem_shared>>
      tpu.enqueue_indirect_dma source(%arg11 : memref<128x80xf32, #tpu.memory_space<vmem>>) target(%dma_start3A_198 : memref<10240x80xf32, #tpu.memory_space<vmem_shared>>) offsets(%dma_start3A_195 : memref<128xi32, #tpu.memory_space<vmem>>) semaphore(%arg21 : memref<!tpu.dma_semaphore, #tpu.memory_space<semaphore_mem>>) {add = true}
      %mul3A_199 = arith.constant 4 : i32
      %mul3A_200 = arith.muli %scan3A_133, %mul3A_199 : i32
      %add3A_201 = arith.constant 0 : i32
      %add3A_202 = arith.addi %mul3A_200, %add3A_201 : i32
      %add3A_203 = arith.constant 4 : i32
      %add3A_204 = arith.addi %add3A_202, %add3A_203 : i32
      %lt3A = arith.constant 80 : i32
      %lt3A_205 = arith.cmpi slt, %add3A_204, %lt3A : i32
      %convert_element_type3A = arith.extui %lt3A_205 : i1 to i32
      %cond3A = arith.constant 0 : i32
      %cond3A_206 = arith.cmpi ne, %convert_element_type3A, %cond3A : i32
      scf.if %cond3A_206 {
        %dma_wait3A_241 = arith.constant 0 : i32
        %dma_wait3A_242 = tpu.memref_slice %arg7[%add3A_202, %dma_wait3A_241] : memref<80x128xi32, #tpu.memory_space<vmem>> -> memref<1x128xi32, #tpu.memory_space<vmem>>
        %dma_wait3A_243 = tpu.memref_squeeze %dma_wait3A_242 : memref<1x128xi32, #tpu.memory_space<vmem>> -> memref<128xi32, #tpu.memory_space<vmem>>
        %dma_wait3A_244 = arith.constant 0 : i32
        %dma_wait3A_245 = arith.constant 0 : i32
        %dma_wait3A_246 = tpu.memref_slice %arg13[%dma_wait3A_244, %dma_wait3A_245] : memref<10240x80xf32, #tpu.memory_space<vmem_shared>> -> memref<10240x80xf32, #tpu.memory_space<vmem_shared>>
        tpu.wait_indirect_dma semaphore(%arg18 : memref<!tpu.dma_semaphore, #tpu.memory_space<semaphore_mem>>) src(%arg8 : memref<128x80xf32, #tpu.memory_space<vmem>>) dst(%dma_wait3A_246 : memref<10240x80xf32, #tpu.memory_space<vmem_shared>>)
        %add3A_247 = arith.constant 4 : i32
        %add3A_248 = arith.addi %add3A_202, %add3A_247 : i32
        %dma_start3A_249 = arith.constant 0 : i32
        %dma_start3A_250 = tpu.memref_slice %arg6[%add3A_248, %dma_start3A_249] : memref<80x128xi32, #tpu.memory_space<vmem>> -> memref<1x128xi32, #tpu.memory_space<vmem>>
        %dma_start3A_251 = tpu.memref_squeeze %dma_start3A_250 : memref<1x128xi32, #tpu.memory_space<vmem>> -> memref<128xi32, #tpu.memory_space<vmem>>
        %dma_start3A_252 = arith.constant 0 : i32
        %dma_start3A_253 = arith.constant 0 : i32
        %dma_start3A_254 = tpu.memref_slice %arg2[%dma_start3A_252, %dma_start3A_253] : memref<10240x80xf32, #tpu.memory_space<hbm>> -> memref<10240x80xf32, #tpu.memory_space<hbm>>
        tpu.enqueue_indirect_dma source(%dma_start3A_254 : memref<10240x80xf32, #tpu.memory_space<hbm>>) target(%arg8 : memref<128x80xf32, #tpu.memory_space<vmem>>) offsets(%dma_start3A_251 : memref<128xi32, #tpu.memory_space<vmem>>) semaphore(%arg14 : memref<!tpu.dma_semaphore, #tpu.memory_space<semaphore_mem>>)
      } else {
      }
      %mul3A_207 = arith.constant 4 : i32
      %mul3A_208 = arith.muli %scan3A_133, %mul3A_207 : i32
      %add3A_209 = arith.constant 1 : i32
      %add3A_210 = arith.addi %mul3A_208, %add3A_209 : i32
      %add3A_211 = arith.constant 4 : i32
      %add3A_212 = arith.addi %add3A_210, %add3A_211 : i32
      %lt3A_213 = arith.constant 80 : i32
      %lt3A_214 = arith.cmpi slt, %add3A_212, %lt3A_213 : i32
      %convert_element_type3A_215 = arith.extui %lt3A_214 : i1 to i32
      %cond3A_216 = arith.constant 0 : i32
      %cond3A_217 = arith.cmpi ne, %convert_element_type3A_215, %cond3A_216 : i32
      scf.if %cond3A_217 {
        %dma_wait3A_241 = arith.constant 0 : i32
        %dma_wait3A_242 = tpu.memref_slice %arg7[%add3A_210, %dma_wait3A_241] : memref<80x128xi32, #tpu.memory_space<vmem>> -> memref<1x128xi32, #tpu.memory_space<vmem>>
        %dma_wait3A_243 = tpu.memref_squeeze %dma_wait3A_242 : memref<1x128xi32, #tpu.memory_space<vmem>> -> memref<128xi32, #tpu.memory_space<vmem>>
        %dma_wait3A_244 = arith.constant 0 : i32
        %dma_wait3A_245 = arith.constant 0 : i32
        %dma_wait3A_246 = tpu.memref_slice %arg13[%dma_wait3A_244, %dma_wait3A_245] : memref<10240x80xf32, #tpu.memory_space<vmem_shared>> -> memref<10240x80xf32, #tpu.memory_space<vmem_shared>>
        tpu.wait_indirect_dma semaphore(%arg19 : memref<!tpu.dma_semaphore, #tpu.memory_space<semaphore_mem>>) src(%arg9 : memref<128x80xf32, #tpu.memory_space<vmem>>) dst(%dma_wait3A_246 : memref<10240x80xf32, #tpu.memory_space<vmem_shared>>)
        %add3A_247 = arith.constant 4 : i32
        %add3A_248 = arith.addi %add3A_210, %add3A_247 : i32
        %dma_start3A_249 = arith.constant 0 : i32
        %dma_start3A_250 = tpu.memref_slice %arg6[%add3A_248, %dma_start3A_249] : memref<80x128xi32, #tpu.memory_space<vmem>> -> memref<1x128xi32, #tpu.memory_space<vmem>>
        %dma_start3A_251 = tpu.memref_squeeze %dma_start3A_250 : memref<1x128xi32, #tpu.memory_space<vmem>> -> memref<128xi32, #tpu.memory_space<vmem>>
        %dma_start3A_252 = arith.constant 0 : i32
        %dma_start3A_253 = arith.constant 0 : i32
        %dma_start3A_254 = tpu.memref_slice %arg2[%dma_start3A_252, %dma_start3A_253] : memref<10240x80xf32, #tpu.memory_space<hbm>> -> memref<10240x80xf32, #tpu.memory_space<hbm>>
        tpu.enqueue_indirect_dma source(%dma_start3A_254 : memref<10240x80xf32, #tpu.memory_space<hbm>>) target(%arg9 : memref<128x80xf32, #tpu.memory_space<vmem>>) offsets(%dma_start3A_251 : memref<128xi32, #tpu.memory_space<vmem>>) semaphore(%arg15 : memref<!tpu.dma_semaphore, #tpu.memory_space<semaphore_mem>>)
      } else {
      }
      %mul3A_218 = arith.constant 4 : i32
      %mul3A_219 = arith.muli %scan3A_133, %mul3A_218 : i32
      %add3A_220 = arith.constant 2 : i32
      %add3A_221 = arith.addi %mul3A_219, %add3A_220 : i32
      %add3A_222 = arith.constant 4 : i32
      %add3A_223 = arith.addi %add3A_221, %add3A_222 : i32
      %lt3A_224 = arith.constant 80 : i32
      %lt3A_225 = arith.cmpi slt, %add3A_223, %lt3A_224 : i32
      %convert_element_type3A_226 = arith.extui %lt3A_225 : i1 to i32
      %cond3A_227 = arith.constant 0 : i32
      %cond3A_228 = arith.cmpi ne, %convert_element_type3A_226, %cond3A_227 : i32
      scf.if %cond3A_228 {
        %dma_wait3A_241 = arith.constant 0 : i32
        %dma_wait3A_242 = tpu.memref_slice %arg7[%add3A_221, %dma_wait3A_241] : memref<80x128xi32, #tpu.memory_space<vmem>> -> memref<1x128xi32, #tpu.memory_space<vmem>>
        %dma_wait3A_243 = tpu.memref_squeeze %dma_wait3A_242 : memref<1x128xi32, #tpu.memory_space<vmem>> -> memref<128xi32, #tpu.memory_space<vmem>>
        %dma_wait3A_244 = arith.constant 0 : i32
        %dma_wait3A_245 = arith.constant 0 : i32
        %dma_wait3A_246 = tpu.memref_slice %arg13[%dma_wait3A_244, %dma_wait3A_245] : memref<10240x80xf32, #tpu.memory_space<vmem_shared>> -> memref<10240x80xf32, #tpu.memory_space<vmem_shared>>
        tpu.wait_indirect_dma semaphore(%arg20 : memref<!tpu.dma_semaphore, #tpu.memory_space<semaphore_mem>>) src(%arg10 : memref<128x80xf32, #tpu.memory_space<vmem>>) dst(%dma_wait3A_246 : memref<10240x80xf32, #tpu.memory_space<vmem_shared>>)
        %add3A_247 = arith.constant 4 : i32
        %add3A_248 = arith.addi %add3A_221, %add3A_247 : i32
        %dma_start3A_249 = arith.constant 0 : i32
        %dma_start3A_250 = tpu.memref_slice %arg6[%add3A_248, %dma_start3A_249] : memref<80x128xi32, #tpu.memory_space<vmem>> -> memref<1x128xi32, #tpu.memory_space<vmem>>
        %dma_start3A_251 = tpu.memref_squeeze %dma_start3A_250 : memref<1x128xi32, #tpu.memory_space<vmem>> -> memref<128xi32, #tpu.memory_space<vmem>>
        %dma_start3A_252 = arith.constant 0 : i32
        %dma_start3A_253 = arith.constant 0 : i32
        %dma_start3A_254 = tpu.memref_slice %arg2[%dma_start3A_252, %dma_start3A_253] : memref<10240x80xf32, #tpu.memory_space<hbm>> -> memref<10240x80xf32, #tpu.memory_space<hbm>>
        tpu.enqueue_indirect_dma source(%dma_start3A_254 : memref<10240x80xf32, #tpu.memory_space<hbm>>) target(%arg10 : memref<128x80xf32, #tpu.memory_space<vmem>>) offsets(%dma_start3A_251 : memref<128xi32, #tpu.memory_space<vmem>>) semaphore(%arg16 : memref<!tpu.dma_semaphore, #tpu.memory_space<semaphore_mem>>)
      } else {
      }
      %mul3A_229 = arith.constant 4 : i32
      %mul3A_230 = arith.muli %scan3A_133, %mul3A_229 : i32
      %add3A_231 = arith.constant 3 : i32
      %add3A_232 = arith.addi %mul3A_230, %add3A_231 : i32
      %add3A_233 = arith.constant 4 : i32
      %add3A_234 = arith.addi %add3A_232, %add3A_233 : i32
      %lt3A_235 = arith.constant 80 : i32
      %lt3A_236 = arith.cmpi slt, %add3A_234, %lt3A_235 : i32
      %convert_element_type3A_237 = arith.extui %lt3A_236 : i1 to i32
      %cond3A_238 = arith.constant 0 : i32
      %cond3A_239 = arith.cmpi ne, %convert_element_type3A_237, %cond3A_238 : i32
      scf.if %cond3A_239 {
        %dma_wait3A_241 = arith.constant 0 : i32
        %dma_wait3A_242 = tpu.memref_slice %arg7[%add3A_232, %dma_wait3A_241] : memref<80x128xi32, #tpu.memory_space<vmem>> -> memref<1x128xi32, #tpu.memory_space<vmem>>
        %dma_wait3A_243 = tpu.memref_squeeze %dma_wait3A_242 : memref<1x128xi32, #tpu.memory_space<vmem>> -> memref<128xi32, #tpu.memory_space<vmem>>
        %dma_wait3A_244 = arith.constant 0 : i32
        %dma_wait3A_245 = arith.constant 0 : i32
        %dma_wait3A_246 = tpu.memref_slice %arg13[%dma_wait3A_244, %dma_wait3A_245] : memref<10240x80xf32, #tpu.memory_space<vmem_shared>> -> memref<10240x80xf32, #tpu.memory_space<vmem_shared>>
        tpu.wait_indirect_dma semaphore(%arg21 : memref<!tpu.dma_semaphore, #tpu.memory_space<semaphore_mem>>) src(%arg11 : memref<128x80xf32, #tpu.memory_space<vmem>>) dst(%dma_wait3A_246 : memref<10240x80xf32, #tpu.memory_space<vmem_shared>>)
        %add3A_247 = arith.constant 4 : i32
        %add3A_248 = arith.addi %add3A_232, %add3A_247 : i32
        %dma_start3A_249 = arith.constant 0 : i32
        %dma_start3A_250 = tpu.memref_slice %arg6[%add3A_248, %dma_start3A_249] : memref<80x128xi32, #tpu.memory_space<vmem>> -> memref<1x128xi32, #tpu.memory_space<vmem>>
        %dma_start3A_251 = tpu.memref_squeeze %dma_start3A_250 : memref<1x128xi32, #tpu.memory_space<vmem>> -> memref<128xi32, #tpu.memory_space<vmem>>
        %dma_start3A_252 = arith.constant 0 : i32
        %dma_start3A_253 = arith.constant 0 : i32
        %dma_start3A_254 = tpu.memref_slice %arg2[%dma_start3A_252, %dma_start3A_253] : memref<10240x80xf32, #tpu.memory_space<hbm>> -> memref<10240x80xf32, #tpu.memory_space<hbm>>
        tpu.enqueue_indirect_dma source(%dma_start3A_254 : memref<10240x80xf32, #tpu.memory_space<hbm>>) target(%arg11 : memref<128x80xf32, #tpu.memory_space<vmem>>) offsets(%dma_start3A_251 : memref<128xi32, #tpu.memory_space<vmem>>) semaphore(%arg17 : memref<!tpu.dma_semaphore, #tpu.memory_space<semaphore_mem>>)
      } else {
      }
      %scan3A_240 = arith.constant 0 : i32
      scf.yield %scan3A_240 : i32
    }
    %scan3A_64 = arith.constant 20 : i32
    %dma_wait3A = arith.constant 76 : i32
    %dma_wait3A_65 = arith.constant 0 : i32
    %dma_wait3A_66 = tpu.memref_slice %arg7[%dma_wait3A, %dma_wait3A_65] : memref<80x128xi32, #tpu.memory_space<vmem>> -> memref<1x128xi32, #tpu.memory_space<vmem>>
    %dma_wait3A_67 = tpu.memref_squeeze %dma_wait3A_66 : memref<1x128xi32, #tpu.memory_space<vmem>> -> memref<128xi32, #tpu.memory_space<vmem>>
    %dma_wait3A_68 = arith.constant 0 : i32
    %dma_wait3A_69 = arith.constant 0 : i32
    %dma_wait3A_70 = tpu.memref_slice %arg13[%dma_wait3A_68, %dma_wait3A_69] : memref<10240x80xf32, #tpu.memory_space<vmem_shared>> -> memref<10240x80xf32, #tpu.memory_space<vmem_shared>>
    tpu.wait_indirect_dma semaphore(%arg18 : memref<!tpu.dma_semaphore, #tpu.memory_space<semaphore_mem>>) src(%arg8 : memref<128x80xf32, #tpu.memory_space<vmem>>) dst(%dma_wait3A_70 : memref<10240x80xf32, #tpu.memory_space<vmem_shared>>)
    %dma_wait3A_71 = arith.constant 77 : i32
    %dma_wait3A_72 = arith.constant 0 : i32
    %dma_wait3A_73 = tpu.memref_slice %arg7[%dma_wait3A_71, %dma_wait3A_72] : memref<80x128xi32, #tpu.memory_space<vmem>> -> memref<1x128xi32, #tpu.memory_space<vmem>>
    %dma_wait3A_74 = tpu.memref_squeeze %dma_wait3A_73 : memref<1x128xi32, #tpu.memory_space<vmem>> -> memref<128xi32, #tpu.memory_space<vmem>>
    %dma_wait3A_75 = arith.constant 0 : i32
    %dma_wait3A_76 = arith.constant 0 : i32
    %dma_wait3A_77 = tpu.memref_slice %arg13[%dma_wait3A_75, %dma_wait3A_76] : memref<10240x80xf32, #tpu.memory_space<vmem_shared>> -> memref<10240x80xf32, #tpu.memory_space<vmem_shared>>
    tpu.wait_indirect_dma semaphore(%arg19 : memref<!tpu.dma_semaphore, #tpu.memory_space<semaphore_mem>>) src(%arg9 : memref<128x80xf32, #tpu.memory_space<vmem>>) dst(%dma_wait3A_77 : memref<10240x80xf32, #tpu.memory_space<vmem_shared>>)
    %dma_wait3A_78 = arith.constant 78 : i32
    %dma_wait3A_79 = arith.constant 0 : i32
    %dma_wait3A_80 = tpu.memref_slice %arg7[%dma_wait3A_78, %dma_wait3A_79] : memref<80x128xi32, #tpu.memory_space<vmem>> -> memref<1x128xi32, #tpu.memory_space<vmem>>
    %dma_wait3A_81 = tpu.memref_squeeze %dma_wait3A_80 : memref<1x128xi32, #tpu.memory_space<vmem>> -> memref<128xi32, #tpu.memory_space<vmem>>
    %dma_wait3A_82 = arith.constant 0 : i32
    %dma_wait3A_83 = arith.constant 0 : i32
    %dma_wait3A_84 = tpu.memref_slice %arg13[%dma_wait3A_82, %dma_wait3A_83] : memref<10240x80xf32, #tpu.memory_space<vmem_shared>> -> memref<10240x80xf32, #tpu.memory_space<vmem_shared>>
    tpu.wait_indirect_dma semaphore(%arg20 : memref<!tpu.dma_semaphore, #tpu.memory_space<semaphore_mem>>) src(%arg10 : memref<128x80xf32, #tpu.memory_space<vmem>>) dst(%dma_wait3A_84 : memref<10240x80xf32, #tpu.memory_space<vmem_shared>>)
    %dma_wait3A_85 = arith.constant 79 : i32
    %dma_wait3A_86 = arith.constant 0 : i32
    %dma_wait3A_87 = tpu.memref_slice %arg7[%dma_wait3A_85, %dma_wait3A_86] : memref<80x128xi32, #tpu.memory_space<vmem>> -> memref<1x128xi32, #tpu.memory_space<vmem>>
    %dma_wait3A_88 = tpu.memref_squeeze %dma_wait3A_87 : memref<1x128xi32, #tpu.memory_space<vmem>> -> memref<128xi32, #tpu.memory_space<vmem>>
    %dma_wait3A_89 = arith.constant 0 : i32
    %dma_wait3A_90 = arith.constant 0 : i32
    %dma_wait3A_91 = tpu.memref_slice %arg13[%dma_wait3A_89, %dma_wait3A_90] : memref<10240x80xf32, #tpu.memory_space<vmem_shared>> -> memref<10240x80xf32, #tpu.memory_space<vmem_shared>>
    tpu.wait_indirect_dma semaphore(%arg21 : memref<!tpu.dma_semaphore, #tpu.memory_space<semaphore_mem>>) src(%arg11 : memref<128x80xf32, #tpu.memory_space<vmem>>) dst(%dma_wait3A_91 : memref<10240x80xf32, #tpu.memory_space<vmem_shared>>)
    %barrier3A_92 = arith.constant 0 : index
    tpu.barrier barrier_id(%barrier3A_92)
    %mul3A_93 = arith.constant 640 : i32
    %mul3A_94 = arith.muli %arg1, %mul3A_93 : i32
    %add3A_95 = arith.constant 0 : i32
    %add3A_96 = arith.addi %mul3A_94, %add3A_95 : i32
    %mul3A_97 = arith.constant 640 : i32
    %mul3A_98 = arith.muli %arg1, %mul3A_97 : i32
    %add3A_99 = arith.constant 0 : i32
    %add3A_100 = arith.addi %mul3A_98, %add3A_99 : i32
    "tpu.region"() ({
      %run_scoped3A = tpu.sem_alloc : memref<!tpu.dma_semaphore, #tpu.memory_space<semaphore_mem>>
      %dma_start3A_133 = arith.constant 0 : i32
      %dma_start3A_134 = tpu.memref_slice %arg5[%arg0, %add3A_100, %dma_start3A_133] : memref<2x10240x80xf32, #tpu.memory_space<hbm>> -> memref<1x128x80xf32, #tpu.memory_space<hbm>>
      %dma_start3A_135 = tpu.memref_squeeze %dma_start3A_134 : memref<1x128x80xf32, #tpu.memory_space<hbm>> -> memref<128x80xf32, #tpu.memory_space<hbm>>
      %dma_start3A_136 = arith.constant 0 : i32
      %dma_start3A_137 = tpu.memref_slice %arg13[%add3A_96, %dma_start3A_136] : memref<10240x80xf32, #tpu.memory_space<vmem_shared>> -> memref<128x80xf32, #tpu.memory_space<vmem_shared>>
      tpu.enqueue_dma source(%dma_start3A_137 : memref<128x80xf32, #tpu.memory_space<vmem_shared>>) target(%dma_start3A_135 : memref<128x80xf32, #tpu.memory_space<hbm>>) target_semaphore(%run_scoped3A : memref<!tpu.dma_semaphore, #tpu.memory_space<semaphore_mem>>)
      %dma_wait3A_138 = arith.constant 0 : i32
      %dma_wait3A_139 = tpu.memref_slice %arg5[%arg0, %add3A_100, %dma_wait3A_138] : memref<2x10240x80xf32, #tpu.memory_space<hbm>> -> memref<1x128x80xf32, #tpu.memory_space<hbm>>
      %dma_wait3A_140 = tpu.memref_squeeze %dma_wait3A_139 : memref<1x128x80xf32, #tpu.memory_space<hbm>> -> memref<128x80xf32, #tpu.memory_space<hbm>>
      %dma_wait3A_141 = arith.constant 0 : i32
      %dma_wait3A_142 = tpu.memref_slice %arg13[%add3A_96, %dma_wait3A_141] : memref<10240x80xf32, #tpu.memory_space<vmem_shared>> -> memref<128x80xf32, #tpu.memory_space<vmem_shared>>
      tpu.wait_dma2 semaphore(%run_scoped3A : memref<!tpu.dma_semaphore, #tpu.memory_space<semaphore_mem>>) src(%dma_wait3A_142 : memref<128x80xf32, #tpu.memory_space<vmem_shared>>) dst(%dma_wait3A_140 : memref<128x80xf32, #tpu.memory_space<hbm>>)
      tpu.yield
    }) : () -> ()
    %mul3A_101 = arith.constant 640 : i32
    %mul3A_102 = arith.muli %arg1, %mul3A_101 : i32
    %add3A_103 = arith.constant 128 : i32
    %add3A_104 = arith.addi %mul3A_102, %add3A_103 : i32
    %mul3A_105 = arith.constant 640 : i32
    %mul3A_106 = arith.muli %arg1, %mul3A_105 : i32
    %add3A_107 = arith.constant 128 : i32
    %add3A_108 = arith.addi %mul3A_106, %add3A_107 : i32
    "tpu.region"() ({
      %run_scoped3A = tpu.sem_alloc : memref<!tpu.dma_semaphore, #tpu.memory_space<semaphore_mem>>
      %dma_start3A_133 = arith.constant 0 : i32
      %dma_start3A_134 = tpu.memref_slice %arg5[%arg0, %add3A_108, %dma_start3A_133] : memref<2x10240x80xf32, #tpu.memory_space<hbm>> -> memref<1x128x80xf32, #tpu.memory_space<hbm>>
      %dma_start3A_135 = tpu.memref_squeeze %dma_start3A_134 : memref<1x128x80xf32, #tpu.memory_space<hbm>> -> memref<128x80xf32, #tpu.memory_space<hbm>>
      %dma_start3A_136 = arith.constant 0 : i32
      %dma_start3A_137 = tpu.memref_slice %arg13[%add3A_104, %dma_start3A_136] : memref<10240x80xf32, #tpu.memory_space<vmem_shared>> -> memref<128x80xf32, #tpu.memory_space<vmem_shared>>
      tpu.enqueue_dma source(%dma_start3A_137 : memref<128x80xf32, #tpu.memory_space<vmem_shared>>) target(%dma_start3A_135 : memref<128x80xf32, #tpu.memory_space<hbm>>) target_semaphore(%run_scoped3A : memref<!tpu.dma_semaphore, #tpu.memory_space<semaphore_mem>>)
      %dma_wait3A_138 = arith.constant 0 : i32
      %dma_wait3A_139 = tpu.memref_slice %arg5[%arg0, %add3A_108, %dma_wait3A_138] : memref<2x10240x80xf32, #tpu.memory_space<hbm>> -> memref<1x128x80xf32, #tpu.memory_space<hbm>>
      %dma_wait3A_140 = tpu.memref_squeeze %dma_wait3A_139 : memref<1x128x80xf32, #tpu.memory_space<hbm>> -> memref<128x80xf32, #tpu.memory_space<hbm>>
      %dma_wait3A_141 = arith.constant 0 : i32
      %dma_wait3A_142 = tpu.memref_slice %arg13[%add3A_104, %dma_wait3A_141] : memref<10240x80xf32, #tpu.memory_space<vmem_shared>> -> memref<128x80xf32, #tpu.memory_space<vmem_shared>>
      tpu.wait_dma2 semaphore(%run_scoped3A : memref<!tpu.dma_semaphore, #tpu.memory_space<semaphore_mem>>) src(%dma_wait3A_142 : memref<128x80xf32, #tpu.memory_space<vmem_shared>>) dst(%dma_wait3A_140 : memref<128x80xf32, #tpu.memory_space<hbm>>)
      tpu.yield
    }) : () -> ()
    %mul3A_109 = arith.constant 640 : i32
    %mul3A_110 = arith.muli %arg1, %mul3A_109 : i32
    %add3A_111 = arith.constant 256 : i32
    %add3A_112 = arith.addi %mul3A_110, %add3A_111 : i32
    %mul3A_113 = arith.constant 640 : i32
    %mul3A_114 = arith.muli %arg1, %mul3A_113 : i32
    %add3A_115 = arith.constant 256 : i32
    %add3A_116 = arith.addi %mul3A_114, %add3A_115 : i32
    "tpu.region"() ({
      %run_scoped3A = tpu.sem_alloc : memref<!tpu.dma_semaphore, #tpu.memory_space<semaphore_mem>>
      %dma_start3A_133 = arith.constant 0 : i32
      %dma_start3A_134 = tpu.memref_slice %arg5[%arg0, %add3A_116, %dma_start3A_133] : memref<2x10240x80xf32, #tpu.memory_space<hbm>> -> memref<1x128x80xf32, #tpu.memory_space<hbm>>
      %dma_start3A_135 = tpu.memref_squeeze %dma_start3A_134 : memref<1x128x80xf32, #tpu.memory_space<hbm>> -> memref<128x80xf32, #tpu.memory_space<hbm>>
      %dma_start3A_136 = arith.constant 0 : i32
      %dma_start3A_137 = tpu.memref_slice %arg13[%add3A_112, %dma_start3A_136] : memref<10240x80xf32, #tpu.memory_space<vmem_shared>> -> memref<128x80xf32, #tpu.memory_space<vmem_shared>>
      tpu.enqueue_dma source(%dma_start3A_137 : memref<128x80xf32, #tpu.memory_space<vmem_shared>>) target(%dma_start3A_135 : memref<128x80xf32, #tpu.memory_space<hbm>>) target_semaphore(%run_scoped3A : memref<!tpu.dma_semaphore, #tpu.memory_space<semaphore_mem>>)
      %dma_wait3A_138 = arith.constant 0 : i32
      %dma_wait3A_139 = tpu.memref_slice %arg5[%arg0, %add3A_116, %dma_wait3A_138] : memref<2x10240x80xf32, #tpu.memory_space<hbm>> -> memref<1x128x80xf32, #tpu.memory_space<hbm>>
      %dma_wait3A_140 = tpu.memref_squeeze %dma_wait3A_139 : memref<1x128x80xf32, #tpu.memory_space<hbm>> -> memref<128x80xf32, #tpu.memory_space<hbm>>
      %dma_wait3A_141 = arith.constant 0 : i32
      %dma_wait3A_142 = tpu.memref_slice %arg13[%add3A_112, %dma_wait3A_141] : memref<10240x80xf32, #tpu.memory_space<vmem_shared>> -> memref<128x80xf32, #tpu.memory_space<vmem_shared>>
      tpu.wait_dma2 semaphore(%run_scoped3A : memref<!tpu.dma_semaphore, #tpu.memory_space<semaphore_mem>>) src(%dma_wait3A_142 : memref<128x80xf32, #tpu.memory_space<vmem_shared>>) dst(%dma_wait3A_140 : memref<128x80xf32, #tpu.memory_space<hbm>>)
      tpu.yield
    }) : () -> ()
    %mul3A_117 = arith.constant 640 : i32
    %mul3A_118 = arith.muli %arg1, %mul3A_117 : i32
    %add3A_119 = arith.constant 384 : i32
    %add3A_120 = arith.addi %mul3A_118, %add3A_119 : i32
    %mul3A_121 = arith.constant 640 : i32
    %mul3A_122 = arith.muli %arg1, %mul3A_121 : i32
    %add3A_123 = arith.constant 384 : i32
    %add3A_124 = arith.addi %mul3A_122, %add3A_123 : i32
    "tpu.region"() ({
      %run_scoped3A = tpu.sem_alloc : memref<!tpu.dma_semaphore, #tpu.memory_space<semaphore_mem>>
      %dma_start3A_133 = arith.constant 0 : i32
      %dma_start3A_134 = tpu.memref_slice %arg5[%arg0, %add3A_124, %dma_start3A_133] : memref<2x10240x80xf32, #tpu.memory_space<hbm>> -> memref<1x128x80xf32, #tpu.memory_space<hbm>>
      %dma_start3A_135 = tpu.memref_squeeze %dma_start3A_134 : memref<1x128x80xf32, #tpu.memory_space<hbm>> -> memref<128x80xf32, #tpu.memory_space<hbm>>
      %dma_start3A_136 = arith.constant 0 : i32
      %dma_start3A_137 = tpu.memref_slice %arg13[%add3A_120, %dma_start3A_136] : memref<10240x80xf32, #tpu.memory_space<vmem_shared>> -> memref<128x80xf32, #tpu.memory_space<vmem_shared>>
      tpu.enqueue_dma source(%dma_start3A_137 : memref<128x80xf32, #tpu.memory_space<vmem_shared>>) target(%dma_start3A_135 : memref<128x80xf32, #tpu.memory_space<hbm>>) target_semaphore(%run_scoped3A : memref<!tpu.dma_semaphore, #tpu.memory_space<semaphore_mem>>)
      %dma_wait3A_138 = arith.constant 0 : i32
      %dma_wait3A_139 = tpu.memref_slice %arg5[%arg0, %add3A_124, %dma_wait3A_138] : memref<2x10240x80xf32, #tpu.memory_space<hbm>> -> memref<1x128x80xf32, #tpu.memory_space<hbm>>
      %dma_wait3A_140 = tpu.memref_squeeze %dma_wait3A_139 : memref<1x128x80xf32, #tpu.memory_space<hbm>> -> memref<128x80xf32, #tpu.memory_space<hbm>>
      %dma_wait3A_141 = arith.constant 0 : i32
      %dma_wait3A_142 = tpu.memref_slice %arg13[%add3A_120, %dma_wait3A_141] : memref<10240x80xf32, #tpu.memory_space<vmem_shared>> -> memref<128x80xf32, #tpu.memory_space<vmem_shared>>
      tpu.wait_dma2 semaphore(%run_scoped3A : memref<!tpu.dma_semaphore, #tpu.memory_space<semaphore_mem>>) src(%dma_wait3A_142 : memref<128x80xf32, #tpu.memory_space<vmem_shared>>) dst(%dma_wait3A_140 : memref<128x80xf32, #tpu.memory_space<hbm>>)
      tpu.yield
    }) : () -> ()
    %mul3A_125 = arith.constant 640 : i32
    %mul3A_126 = arith.muli %arg1, %mul3A_125 : i32
    %add3A_127 = arith.constant 512 : i32
    %add3A_128 = arith.addi %mul3A_126, %add3A_127 : i32
    %mul3A_129 = arith.constant 640 : i32
    %mul3A_130 = arith.muli %arg1, %mul3A_129 : i32
    %add3A_131 = arith.constant 512 : i32
    %add3A_132 = arith.addi %mul3A_130, %add3A_131 : i32
    "tpu.region"() ({
      %run_scoped3A = tpu.sem_alloc : memref<!tpu.dma_semaphore, #tpu.memory_space<semaphore_mem>>
      %dma_start3A_133 = arith.constant 0 : i32
      %dma_start3A_134 = tpu.memref_slice %arg5[%arg0, %add3A_132, %dma_start3A_133] : memref<2x10240x80xf32, #tpu.memory_space<hbm>> -> memref<1x128x80xf32, #tpu.memory_space<hbm>>
      %dma_start3A_135 = tpu.memref_squeeze %dma_start3A_134 : memref<1x128x80xf32, #tpu.memory_space<hbm>> -> memref<128x80xf32, #tpu.memory_space<hbm>>
      %dma_start3A_136 = arith.constant 0 : i32
      %dma_start3A_137 = tpu.memref_slice %arg13[%add3A_128, %dma_start3A_136] : memref<10240x80xf32, #tpu.memory_space<vmem_shared>> -> memref<128x80xf32, #tpu.memory_space<vmem_shared>>
      tpu.enqueue_dma source(%dma_start3A_137 : memref<128x80xf32, #tpu.memory_space<vmem_shared>>) target(%dma_start3A_135 : memref<128x80xf32, #tpu.memory_space<hbm>>) target_semaphore(%run_scoped3A : memref<!tpu.dma_semaphore, #tpu.memory_space<semaphore_mem>>)
      %dma_wait3A_138 = arith.constant 0 : i32
      %dma_wait3A_139 = tpu.memref_slice %arg5[%arg0, %add3A_132, %dma_wait3A_138] : memref<2x10240x80xf32, #tpu.memory_space<hbm>> -> memref<1x128x80xf32, #tpu.memory_space<hbm>>
      %dma_wait3A_140 = tpu.memref_squeeze %dma_wait3A_139 : memref<1x128x80xf32, #tpu.memory_space<hbm>> -> memref<128x80xf32, #tpu.memory_space<hbm>>
      %dma_wait3A_141 = arith.constant 0 : i32
      %dma_wait3A_142 = tpu.memref_slice %arg13[%add3A_128, %dma_wait3A_141] : memref<10240x80xf32, #tpu.memory_space<vmem_shared>> -> memref<128x80xf32, #tpu.memory_space<vmem_shared>>
      tpu.wait_dma2 semaphore(%run_scoped3A : memref<!tpu.dma_semaphore, #tpu.memory_space<semaphore_mem>>) src(%dma_wait3A_142 : memref<128x80xf32, #tpu.memory_space<vmem_shared>>) dst(%dma_wait3A_140 : memref<128x80xf32, #tpu.memory_space<hbm>>)
      tpu.yield
    }) : () -> ()
    return
  }
}

#map = affine_map<(d0, d1) -> (0, 0)>
module attributes {stable_mosaic.version = 14 : i64} {
  func.func @_sc_deg(%arg0: i32, %arg1: i32, %arg2: memref<2560x128xi32, #tpu.memory_space<hbm>>, %arg3: memref<2x10240xf32, #tpu.memory_space<hbm>>, %arg4: memref<80x128xi32, #tpu.memory_space<vmem>>, %arg5: memref<128xf32, #tpu.memory_space<vmem>>, %arg6: memref<640xf32, #tpu.memory_space<vmem>>, %arg7: memref<10240xf32, #tpu.memory_space<vmem_shared>>, %arg8: memref<!tpu.dma_semaphore, #tpu.memory_space<semaphore_mem>>) attributes {dimension_semantics = [#tpu.dimension_semantics<core_parallel>, #tpu.dimension_semantics<subcore_parallel>], iteration_bounds = array<i64: 2, 16>, scalar_prefetch = 0 : i64, scratch_operands = 5 : i64, tpu.core_type = #tpu.core_type<sc_vector_subcore>, window_params = [{transform_indices = #map}, {transform_indices = #map}]} {
    %mul3A = arith.constant 16 : i32
    %mul3A_0 = arith.muli %arg0, %mul3A : i32
    %add3A = arith.addi %mul3A_0, %arg1 : i32
    %mul3A_1 = arith.constant 80 : i32
    %mul3A_2 = arith.muli %add3A, %mul3A_1 : i32
    "tpu.region"() ({
      %run_scoped3A = tpu.sem_alloc : memref<!tpu.dma_semaphore, #tpu.memory_space<semaphore_mem>>
      %dma_start3A = arith.constant 0 : i32
      %dma_start3A_38 = tpu.memref_slice %arg2[%mul3A_2, %dma_start3A] : memref<2560x128xi32, #tpu.memory_space<hbm>> -> memref<80x128xi32, #tpu.memory_space<hbm>>
      %dma_start3A_39 = arith.constant 0 : i32
      %dma_start3A_40 = tpu.memref_slice %arg2[%mul3A_2, %dma_start3A_39] : memref<2560x128xi32, #tpu.memory_space<hbm>> -> memref<80x128xi32, #tpu.memory_space<hbm>>
      tpu.enqueue_dma source(%dma_start3A_40 : memref<80x128xi32, #tpu.memory_space<hbm>>) target(%arg4 : memref<80x128xi32, #tpu.memory_space<vmem>>) target_semaphore(%run_scoped3A : memref<!tpu.dma_semaphore, #tpu.memory_space<semaphore_mem>>)
      %dma_wait3A = arith.constant 0 : i32
      %dma_wait3A_41 = tpu.memref_slice %arg2[%mul3A_2, %dma_wait3A] : memref<2560x128xi32, #tpu.memory_space<hbm>> -> memref<80x128xi32, #tpu.memory_space<hbm>>
      %dma_wait3A_42 = arith.constant 0 : i32
      %dma_wait3A_43 = tpu.memref_slice %arg2[%mul3A_2, %dma_wait3A_42] : memref<2560x128xi32, #tpu.memory_space<hbm>> -> memref<80x128xi32, #tpu.memory_space<hbm>>
      tpu.wait_dma2 semaphore(%run_scoped3A : memref<!tpu.dma_semaphore, #tpu.memory_space<semaphore_mem>>) src(%dma_wait3A_43 : memref<80x128xi32, #tpu.memory_space<hbm>>) dst(%arg4 : memref<80x128xi32, #tpu.memory_space<vmem>>)
      tpu.yield
    }) : () -> ()
    %scan3A = arith.constant 0 : i32
    %scan3A_3 = arith.constant 0 : i32
    %scan3A_4 = arith.constant 8 : i32
    %scan3A_5 = arith.addi %scan3A_3, %scan3A_4 : i32
    %scan3A_6 = arith.constant 1 : i32
    %scan3A_7 = scf.for %scan3A_38 = %scan3A_3 to %scan3A_5 step %scan3A_6 iter_args(%scan3A_39 = %scan3A) -> (i32)  : i32 {
      %broadcast_in_dim3A_40 = arith.constant 1.000000e+00 : f32
      %broadcast_in_dim3A_41 = vector.broadcast %broadcast_in_dim3A_40 : f32 to vector<16xf32>
      %mul3A_42 = arith.constant 16 : i32
      %mul3A_43 = arith.muli %scan3A_38, %mul3A_42 : i32
      %swap3A = arith.index_cast %mul3A_43 : i32 to index
      %swap3A_44 = tpu.vector_load %arg5[%swap3A] {strides = array<i32>} : memref<128xf32, #tpu.memory_space<vmem>>, vector<16xf32>,
      %swap3A_45 = vector.shape_cast %swap3A_44 : vector<16xf32> to vector<16xf32>
      %swap3A_46 = vector.shape_cast %broadcast_in_dim3A_41 : vector<16xf32> to vector<16xf32>
      tpu.vector_store %arg5[%swap3A], %swap3A_46 {strides = array<i32>} : memref<128xf32, #tpu.memory_space<vmem>>, vector<16xf32>,
      %scan3A_47 = arith.constant 0 : i32
      scf.yield %scan3A_47 : i32
    }
    %scan3A_8 = arith.constant 8 : i32
    %broadcast_in_dim3A = arith.constant 0.000000e+00 : f32
    %broadcast_in_dim3A_9 = vector.broadcast %broadcast_in_dim3A : f32 to vector<16xf32>
    %scan3A_10 = arith.constant 0 : i32
    %scan3A_11 = arith.constant 0 : i32
    %scan3A_12 = arith.constant 10 : i32
    %scan3A_13 = arith.addi %scan3A_11, %scan3A_12 : i32
    %scan3A_14 = arith.constant 1 : i32
    %scan3A_15 = scf.for %scan3A_38 = %scan3A_11 to %scan3A_13 step %scan3A_14 iter_args(%scan3A_39 = %scan3A_10) -> (i32)  : i32 {
      %mul3A_40 = arith.constant 64 : i32
      %mul3A_41 = arith.muli %scan3A_38, %mul3A_40 : i32
      %add3A_42 = arith.constant 0 : i32
      %add3A_43 = arith.addi %mul3A_41, %add3A_42 : i32
      %swap3A = arith.index_cast %add3A_43 : i32 to index
      %swap3A_44 = tpu.vector_load %arg6[%swap3A] {strides = array<i32>} : memref<640xf32, #tpu.memory_space<vmem>>, vector<16xf32>,
      %swap3A_45 = vector.shape_cast %swap3A_44 : vector<16xf32> to vector<16xf32>
      %swap3A_46 = vector.shape_cast %broadcast_in_dim3A_9 : vector<16xf32> to vector<16xf32>
      tpu.vector_store %arg6[%swap3A], %swap3A_46 {strides = array<i32>} : memref<640xf32, #tpu.memory_space<vmem>>, vector<16xf32>,
      %mul3A_47 = arith.constant 64 : i32
      %mul3A_48 = arith.muli %scan3A_38, %mul3A_47 : i32
      %add3A_49 = arith.constant 16 : i32
      %add3A_50 = arith.addi %mul3A_48, %add3A_49 : i32
      %swap3A_51 = arith.index_cast %add3A_50 : i32 to index
      %swap3A_52 = tpu.vector_load %arg6[%swap3A_51] {strides = array<i32>} : memref<640xf32, #tpu.memory_space<vmem>>, vector<16xf32>,
      %swap3A_53 = vector.shape_cast %swap3A_52 : vector<16xf32> to vector<16xf32>
      %swap3A_54 = vector.shape_cast %broadcast_in_dim3A_9 : vector<16xf32> to vector<16xf32>
      tpu.vector_store %arg6[%swap3A_51], %swap3A_54 {strides = array<i32>} : memref<640xf32, #tpu.memory_space<vmem>>, vector<16xf32>,
      %mul3A_55 = arith.constant 64 : i32
      %mul3A_56 = arith.muli %scan3A_38, %mul3A_55 : i32
      %add3A_57 = arith.constant 32 : i32
      %add3A_58 = arith.addi %mul3A_56, %add3A_57 : i32
      %swap3A_59 = arith.index_cast %add3A_58 : i32 to index
      %swap3A_60 = tpu.vector_load %arg6[%swap3A_59] {strides = array<i32>} : memref<640xf32, #tpu.memory_space<vmem>>, vector<16xf32>,
      %swap3A_61 = vector.shape_cast %swap3A_60 : vector<16xf32> to vector<16xf32>
      %swap3A_62 = vector.shape_cast %broadcast_in_dim3A_9 : vector<16xf32> to vector<16xf32>
      tpu.vector_store %arg6[%swap3A_59], %swap3A_62 {strides = array<i32>} : memref<640xf32, #tpu.memory_space<vmem>>, vector<16xf32>,
      %mul3A_63 = arith.constant 64 : i32
      %mul3A_64 = arith.muli %scan3A_38, %mul3A_63 : i32
      %add3A_65 = arith.constant 48 : i32
      %add3A_66 = arith.addi %mul3A_64, %add3A_65 : i32
      %swap3A_67 = arith.index_cast %add3A_66 : i32 to index
      %swap3A_68 = tpu.vector_load %arg6[%swap3A_67] {strides = array<i32>} : memref<640xf32, #tpu.memory_space<vmem>>, vector<16xf32>,
      %swap3A_69 = vector.shape_cast %swap3A_68 : vector<16xf32> to vector<16xf32>
      %swap3A_70 = vector.shape_cast %broadcast_in_dim3A_9 : vector<16xf32> to vector<16xf32>
      tpu.vector_store %arg6[%swap3A_67], %swap3A_70 {strides = array<i32>} : memref<640xf32, #tpu.memory_space<vmem>>, vector<16xf32>,
      %scan3A_71 = arith.constant 0 : i32
      scf.yield %scan3A_71 : i32
    }
    %scan3A_16 = arith.constant 10 : i32
    %mul3A_17 = arith.constant 640 : i32
    %mul3A_18 = arith.muli %arg1, %mul3A_17 : i32
    "tpu.region"() ({
      %run_scoped3A = tpu.sem_alloc : memref<!tpu.dma_semaphore, #tpu.memory_space<semaphore_mem>>
      %dma_start3A = tpu.memref_slice %arg7[%mul3A_18] : memref<10240xf32, #tpu.memory_space<vmem_shared>> -> memref<640xf32, #tpu.memory_space<vmem_shared>>
      %dma_start3A_38 = tpu.memref_slice %arg7[%mul3A_18] : memref<10240xf32, #tpu.memory_space<vmem_shared>> -> memref<640xf32, #tpu.memory_space<vmem_shared>>
      tpu.enqueue_dma source(%arg6 : memref<640xf32, #tpu.memory_space<vmem>>) target(%dma_start3A_38 : memref<640xf32, #tpu.memory_space<vmem_shared>>) target_semaphore(%run_scoped3A : memref<!tpu.dma_semaphore, #tpu.memory_space<semaphore_mem>>)
      %dma_wait3A = tpu.memref_slice %arg7[%mul3A_18] : memref<10240xf32, #tpu.memory_space<vmem_shared>> -> memref<640xf32, #tpu.memory_space<vmem_shared>>
      %dma_wait3A_39 = tpu.memref_slice %arg7[%mul3A_18] : memref<10240xf32, #tpu.memory_space<vmem_shared>> -> memref<640xf32, #tpu.memory_space<vmem_shared>>
      tpu.wait_dma2 semaphore(%run_scoped3A : memref<!tpu.dma_semaphore, #tpu.memory_space<semaphore_mem>>) src(%arg6 : memref<640xf32, #tpu.memory_space<vmem>>) dst(%dma_wait3A_39 : memref<640xf32, #tpu.memory_space<vmem_shared>>)
      tpu.yield
    }) : () -> ()
    %barrier3A = arith.constant 0 : index
    tpu.barrier barrier_id(%barrier3A)
    %scan3A_19 = arith.constant 0 : i32
    %scan3A_20 = arith.constant 0 : i32
    %scan3A_21 = arith.constant 80 : i32
    %scan3A_22 = arith.addi %scan3A_20, %scan3A_21 : i32
    %scan3A_23 = arith.constant 1 : i32
    %scan3A_24 = scf.for %scan3A_38 = %scan3A_20 to %scan3A_22 step %scan3A_23 iter_args(%scan3A_39 = %scan3A_19) -> (i32)  : i32 {
      %dma_start3A = arith.constant 0 : i32
      %dma_start3A_40 = tpu.memref_slice %arg4[%scan3A_38, %dma_start3A] : memref<80x128xi32, #tpu.memory_space<vmem>> -> memref<1x128xi32, #tpu.memory_space<vmem>>
      %dma_start3A_41 = tpu.memref_squeeze %dma_start3A_40 : memref<1x128xi32, #tpu.memory_space<vmem>> -> memref<128xi32, #tpu.memory_space<vmem>>
      %dma_start3A_42 = arith.constant 0 : i32
      %dma_start3A_43 = tpu.memref_slice %arg7[%dma_start3A_42] : memref<10240xf32, #tpu.memory_space<vmem_shared>> -> memref<10240xf32, #tpu.memory_space<vmem_shared>>
      tpu.enqueue_indirect_dma source(%arg5 : memref<128xf32, #tpu.memory_space<vmem>>) target(%dma_start3A_43 : memref<10240xf32, #tpu.memory_space<vmem_shared>>) offsets(%dma_start3A_41 : memref<128xi32, #tpu.memory_space<vmem>>) semaphore(%arg8 : memref<!tpu.dma_semaphore, #tpu.memory_space<semaphore_mem>>) {add = true}
      %scan3A_44 = arith.constant 0 : i32
      scf.yield %scan3A_44 : i32
    }
    %scan3A_25 = arith.constant 80 : i32
    %scan3A_26 = arith.constant 0 : i32
    %scan3A_27 = arith.constant 0 : i32
    %scan3A_28 = arith.constant 80 : i32
    %scan3A_29 = arith.addi %scan3A_27, %scan3A_28 : i32
    %scan3A_30 = arith.constant 1 : i32
    %scan3A_31 = scf.for %scan3A_38 = %scan3A_27 to %scan3A_29 step %scan3A_30 iter_args(%scan3A_39 = %scan3A_26) -> (i32)  : i32 {
      %dma_wait3A = arith.constant 0 : i32
      %dma_wait3A_40 = tpu.memref_slice %arg4[%scan3A_38, %dma_wait3A] : memref<80x128xi32, #tpu.memory_space<vmem>> -> memref<1x128xi32, #tpu.memory_space<vmem>>
      %dma_wait3A_41 = tpu.memref_squeeze %dma_wait3A_40 : memref<1x128xi32, #tpu.memory_space<vmem>> -> memref<128xi32, #tpu.memory_space<vmem>>
      %dma_wait3A_42 = arith.constant 0 : i32
      %dma_wait3A_43 = tpu.memref_slice %arg7[%dma_wait3A_42] : memref<10240xf32, #tpu.memory_space<vmem_shared>> -> memref<10240xf32, #tpu.memory_space<vmem_shared>>
      tpu.wait_indirect_dma semaphore(%arg8 : memref<!tpu.dma_semaphore, #tpu.memory_space<semaphore_mem>>) src(%arg5 : memref<128xf32, #tpu.memory_space<vmem>>) dst(%dma_wait3A_43 : memref<10240xf32, #tpu.memory_space<vmem_shared>>)
      %scan3A_44 = arith.constant 0 : i32
      scf.yield %scan3A_44 : i32
    }
    %scan3A_32 = arith.constant 80 : i32
    %barrier3A_33 = arith.constant 0 : index
    tpu.barrier barrier_id(%barrier3A_33)
    %mul3A_34 = arith.constant 640 : i32
    %mul3A_35 = arith.muli %arg1, %mul3A_34 : i32
    %mul3A_36 = arith.constant 640 : i32
    %mul3A_37 = arith.muli %arg1, %mul3A_36 : i32
    "tpu.region"() ({
      %run_scoped3A = tpu.sem_alloc : memref<!tpu.dma_semaphore, #tpu.memory_space<semaphore_mem>>
      %dma_start3A = tpu.memref_slice %arg3[%arg0, %mul3A_37] : memref<2x10240xf32, #tpu.memory_space<hbm>> -> memref<1x640xf32, #tpu.memory_space<hbm>>
      %dma_start3A_38 = tpu.memref_squeeze %dma_start3A : memref<1x640xf32, #tpu.memory_space<hbm>> -> memref<640xf32, #tpu.memory_space<hbm>>
      %dma_start3A_39 = tpu.memref_slice %arg7[%mul3A_35] : memref<10240xf32, #tpu.memory_space<vmem_shared>> -> memref<640xf32, #tpu.memory_space<vmem_shared>>
      tpu.enqueue_dma source(%dma_start3A_39 : memref<640xf32, #tpu.memory_space<vmem_shared>>) target(%dma_start3A_38 : memref<640xf32, #tpu.memory_space<hbm>>) target_semaphore(%run_scoped3A : memref<!tpu.dma_semaphore, #tpu.memory_space<semaphore_mem>>)
      %dma_wait3A = tpu.memref_slice %arg3[%arg0, %mul3A_37] : memref<2x10240xf32, #tpu.memory_space<hbm>> -> memref<1x640xf32, #tpu.memory_space<hbm>>
      %dma_wait3A_40 = tpu.memref_squeeze %dma_wait3A : memref<1x640xf32, #tpu.memory_space<hbm>> -> memref<640xf32, #tpu.memory_space<hbm>>
      %dma_wait3A_41 = tpu.memref_slice %arg7[%mul3A_35] : memref<10240xf32, #tpu.memory_space<vmem_shared>> -> memref<640xf32, #tpu.memory_space<vmem_shared>>
      tpu.wait_dma2 semaphore(%run_scoped3A : memref<!tpu.dma_semaphore, #tpu.memory_space<semaphore_mem>>) src(%dma_wait3A_41 : memref<640xf32, #tpu.memory_space<vmem_shared>>) dst(%dma_wait3A_40 : memref<640xf32, #tpu.memory_space<hbm>>)
      tpu.yield
    }) : () -> ()
    return
  }
}

#map = affine_map<(d0, d1) -> (0)>
#map1 = affine_map<(d0, d1) -> (0, 0)>
module attributes {stable_mosaic.version = 14 : i64} {
  func.func @_sc_final(%arg0: i32, %arg1: i32, %arg2: memref<10240xf32, #tpu.memory_space<hbm>>, %arg3: memref<10240xf32, #tpu.memory_space<hbm>>, %arg4: memref<16xf32, #tpu.memory_space<hbm>>, %arg5: memref<16xf32, #tpu.memory_space<hbm>>, %arg6: memref<2560x128xi32, #tpu.memory_space<hbm>>, %arg7: memref<2560x128xi32, #tpu.memory_space<hbm>>, %arg8: memref<10240xf32, #tpu.memory_space<hbm>>, %arg9: memref<160x128xi32, #tpu.memory_space<vmem>>, %arg10: memref<160x128xi32, #tpu.memory_space<vmem>>, %arg11: memref<128xf32, #tpu.memory_space<vmem>>, %arg12: memref<128xf32, #tpu.memory_space<vmem>>, %arg13: memref<128xf32, #tpu.memory_space<vmem>>, %arg14: memref<128xf32, #tpu.memory_space<vmem>>, %arg15: memref<128xf32, #tpu.memory_space<vmem>>, %arg16: memref<128xf32, #tpu.memory_space<vmem>>, %arg17: memref<128xf32, #tpu.memory_space<vmem>>, %arg18: memref<128xf32, #tpu.memory_space<vmem>>, %arg19: memref<640xf32, #tpu.memory_space<vmem>>, %arg20: memref<640xf32, #tpu.memory_space<vmem>>, %arg21: memref<640xf32, #tpu.memory_space<vmem>>, %arg22: memref<640xf32, #tpu.memory_space<vmem>>, %arg23: memref<640xf32, #tpu.memory_space<vmem>>, %arg24: memref<16xf32, #tpu.memory_space<vmem>>, %arg25: memref<16xf32, #tpu.memory_space<vmem>>, %arg26: memref<10240xf32, #tpu.memory_space<vmem_shared>>, %arg27: memref<10240xf32, #tpu.memory_space<vmem_shared>>, %arg28: memref<!tpu.dma_semaphore, #tpu.memory_space<semaphore_mem>>, %arg29: memref<!tpu.dma_semaphore, #tpu.memory_space<semaphore_mem>>, %arg30: memref<!tpu.dma_semaphore, #tpu.memory_space<semaphore_mem>>, %arg31: memref<!tpu.dma_semaphore, #tpu.memory_space<semaphore_mem>>, %arg32: memref<!tpu.dma_semaphore, #tpu.memory_space<semaphore_mem>>, %arg33: memref<!tpu.dma_semaphore, #tpu.memory_space<semaphore_mem>>, %arg34: memref<!tpu.dma_semaphore, #tpu.memory_space<semaphore_mem>>, %arg35: memref<!tpu.dma_semaphore, #tpu.memory_space<semaphore_mem>>, %arg36: memref<!tpu.dma_semaphore, #tpu.memory_space<semaphore_mem>>, %arg37: memref<!tpu.dma_semaphore, #tpu.memory_space<semaphore_mem>>, %arg38: memref<!tpu.dma_semaphore, #tpu.memory_space<semaphore_mem>>, %arg39: memref<!tpu.dma_semaphore, #tpu.memory_space<semaphore_mem>>, %arg40: memref<!tpu.dma_semaphore, #tpu.memory_space<semaphore_mem>>, %arg41: memref<!tpu.dma_semaphore, #tpu.memory_space<semaphore_mem>>, %arg42: memref<!tpu.dma_semaphore, #tpu.memory_space<semaphore_mem>>, %arg43: memref<!tpu.dma_semaphore, #tpu.memory_space<semaphore_mem>>) attributes {dimension_semantics = [#tpu.dimension_semantics<core_parallel>, #tpu.dimension_semantics<subcore_parallel>], iteration_bounds = array<i64: 2, 16>, scalar_prefetch = 0 : i64, scratch_operands = 35 : i64, tpu.core_type = #tpu.core_type<sc_vector_subcore>, window_params = [{transform_indices = #map}, {transform_indices = #map}, {transform_indices = #map}, {transform_indices = #map}, {transform_indices = #map1}, {transform_indices = #map1}, {transform_indices = #map}]} {
    %mul3A = arith.constant 640 : i32
    %mul3A_0 = arith.muli %arg1, %mul3A : i32
    %mul3A_1 = arith.constant 160 : i32
    %mul3A_2 = arith.muli %arg1, %mul3A_1 : i32
    "tpu.region"() ({
      %run_scoped3A = tpu.sem_alloc : memref<!tpu.dma_semaphore, #tpu.memory_space<semaphore_mem>>
      %dma_start3A_240 = arith.constant 0 : i32
      %dma_start3A_241 = tpu.memref_slice %arg6[%mul3A_2, %dma_start3A_240] : memref<2560x128xi32, #tpu.memory_space<hbm>> -> memref<160x128xi32, #tpu.memory_space<hbm>>
      %dma_start3A_242 = arith.constant 0 : i32
      %dma_start3A_243 = tpu.memref_slice %arg6[%mul3A_2, %dma_start3A_242] : memref<2560x128xi32, #tpu.memory_space<hbm>> -> memref<160x128xi32, #tpu.memory_space<hbm>>
      tpu.enqueue_dma source(%dma_start3A_243 : memref<160x128xi32, #tpu.memory_space<hbm>>) target(%arg9 : memref<160x128xi32, #tpu.memory_space<vmem>>) target_semaphore(%run_scoped3A : memref<!tpu.dma_semaphore, #tpu.memory_space<semaphore_mem>>)
      %dma_wait3A_244 = arith.constant 0 : i32
      %dma_wait3A_245 = tpu.memref_slice %arg6[%mul3A_2, %dma_wait3A_244] : memref<2560x128xi32, #tpu.memory_space<hbm>> -> memref<160x128xi32, #tpu.memory_space<hbm>>
      %dma_wait3A_246 = arith.constant 0 : i32
      %dma_wait3A_247 = tpu.memref_slice %arg6[%mul3A_2, %dma_wait3A_246] : memref<2560x128xi32, #tpu.memory_space<hbm>> -> memref<160x128xi32, #tpu.memory_space<hbm>>
      tpu.wait_dma2 semaphore(%run_scoped3A : memref<!tpu.dma_semaphore, #tpu.memory_space<semaphore_mem>>) src(%dma_wait3A_247 : memref<160x128xi32, #tpu.memory_space<hbm>>) dst(%arg9 : memref<160x128xi32, #tpu.memory_space<vmem>>)
      tpu.yield
    }) : () -> ()
    %mul3A_3 = arith.constant 160 : i32
    %mul3A_4 = arith.muli %arg1, %mul3A_3 : i32
    "tpu.region"() ({
      %run_scoped3A = tpu.sem_alloc : memref<!tpu.dma_semaphore, #tpu.memory_space<semaphore_mem>>
      %dma_start3A_240 = arith.constant 0 : i32
      %dma_start3A_241 = tpu.memref_slice %arg7[%mul3A_4, %dma_start3A_240] : memref<2560x128xi32, #tpu.memory_space<hbm>> -> memref<160x128xi32, #tpu.memory_space<hbm>>
      %dma_start3A_242 = arith.constant 0 : i32
      %dma_start3A_243 = tpu.memref_slice %arg7[%mul3A_4, %dma_start3A_242] : memref<2560x128xi32, #tpu.memory_space<hbm>> -> memref<160x128xi32, #tpu.memory_space<hbm>>
      tpu.enqueue_dma source(%dma_start3A_243 : memref<160x128xi32, #tpu.memory_space<hbm>>) target(%arg10 : memref<160x128xi32, #tpu.memory_space<vmem>>) target_semaphore(%run_scoped3A : memref<!tpu.dma_semaphore, #tpu.memory_space<semaphore_mem>>)
      %dma_wait3A_244 = arith.constant 0 : i32
      %dma_wait3A_245 = tpu.memref_slice %arg7[%mul3A_4, %dma_wait3A_244] : memref<2560x128xi32, #tpu.memory_space<hbm>> -> memref<160x128xi32, #tpu.memory_space<hbm>>
      %dma_wait3A_246 = arith.constant 0 : i32
      %dma_wait3A_247 = tpu.memref_slice %arg7[%mul3A_4, %dma_wait3A_246] : memref<2560x128xi32, #tpu.memory_space<hbm>> -> memref<160x128xi32, #tpu.memory_space<hbm>>
      tpu.wait_dma2 semaphore(%run_scoped3A : memref<!tpu.dma_semaphore, #tpu.memory_space<semaphore_mem>>) src(%dma_wait3A_247 : memref<160x128xi32, #tpu.memory_space<hbm>>) dst(%arg10 : memref<160x128xi32, #tpu.memory_space<vmem>>)
      tpu.yield
    }) : () -> ()
    "tpu.region"() ({
      %run_scoped3A = tpu.sem_alloc : memref<!tpu.dma_semaphore, #tpu.memory_space<semaphore_mem>>
      %dma_start3A_240 = tpu.memref_slice %arg2[%mul3A_0] : memref<10240xf32, #tpu.memory_space<hbm>> -> memref<640xf32, #tpu.memory_space<hbm>>
      %dma_start3A_241 = tpu.memref_slice %arg2[%mul3A_0] : memref<10240xf32, #tpu.memory_space<hbm>> -> memref<640xf32, #tpu.memory_space<hbm>>
      tpu.enqueue_dma source(%dma_start3A_241 : memref<640xf32, #tpu.memory_space<hbm>>) target(%arg20 : memref<640xf32, #tpu.memory_space<vmem>>) target_semaphore(%run_scoped3A : memref<!tpu.dma_semaphore, #tpu.memory_space<semaphore_mem>>)
      %dma_wait3A_242 = tpu.memref_slice %arg2[%mul3A_0] : memref<10240xf32, #tpu.memory_space<hbm>> -> memref<640xf32, #tpu.memory_space<hbm>>
      %dma_wait3A_243 = tpu.memref_slice %arg2[%mul3A_0] : memref<10240xf32, #tpu.memory_space<hbm>> -> memref<640xf32, #tpu.memory_space<hbm>>
      tpu.wait_dma2 semaphore(%run_scoped3A : memref<!tpu.dma_semaphore, #tpu.memory_space<semaphore_mem>>) src(%dma_wait3A_243 : memref<640xf32, #tpu.memory_space<hbm>>) dst(%arg20 : memref<640xf32, #tpu.memory_space<vmem>>)
      tpu.yield
    }) : () -> ()
    "tpu.region"() ({
      %run_scoped3A = tpu.sem_alloc : memref<!tpu.dma_semaphore, #tpu.memory_space<semaphore_mem>>
      %dma_start3A_240 = tpu.memref_slice %arg3[%mul3A_0] : memref<10240xf32, #tpu.memory_space<hbm>> -> memref<640xf32, #tpu.memory_space<hbm>>
      %dma_start3A_241 = tpu.memref_slice %arg3[%mul3A_0] : memref<10240xf32, #tpu.memory_space<hbm>> -> memref<640xf32, #tpu.memory_space<hbm>>
      tpu.enqueue_dma source(%dma_start3A_241 : memref<640xf32, #tpu.memory_space<hbm>>) target(%arg21 : memref<640xf32, #tpu.memory_space<vmem>>) target_semaphore(%run_scoped3A : memref<!tpu.dma_semaphore, #tpu.memory_space<semaphore_mem>>)
      %dma_wait3A_242 = tpu.memref_slice %arg3[%mul3A_0] : memref<10240xf32, #tpu.memory_space<hbm>> -> memref<640xf32, #tpu.memory_space<hbm>>
      %dma_wait3A_243 = tpu.memref_slice %arg3[%mul3A_0] : memref<10240xf32, #tpu.memory_space<hbm>> -> memref<640xf32, #tpu.memory_space<hbm>>
      tpu.wait_dma2 semaphore(%run_scoped3A : memref<!tpu.dma_semaphore, #tpu.memory_space<semaphore_mem>>) src(%dma_wait3A_243 : memref<640xf32, #tpu.memory_space<hbm>>) dst(%arg21 : memref<640xf32, #tpu.memory_space<vmem>>)
      tpu.yield
    }) : () -> ()
    "tpu.region"() ({
      %run_scoped3A = tpu.sem_alloc : memref<!tpu.dma_semaphore, #tpu.memory_space<semaphore_mem>>
      tpu.enqueue_dma source(%arg4 : memref<16xf32, #tpu.memory_space<hbm>>) target(%arg24 : memref<16xf32, #tpu.memory_space<vmem>>) target_semaphore(%run_scoped3A : memref<!tpu.dma_semaphore, #tpu.memory_space<semaphore_mem>>)
      tpu.wait_dma2 semaphore(%run_scoped3A : memref<!tpu.dma_semaphore, #tpu.memory_space<semaphore_mem>>) src(%arg4 : memref<16xf32, #tpu.memory_space<hbm>>) dst(%arg24 : memref<16xf32, #tpu.memory_space<vmem>>)
      tpu.yield
    }) : () -> ()
    "tpu.region"() ({
      %run_scoped3A = tpu.sem_alloc : memref<!tpu.dma_semaphore, #tpu.memory_space<semaphore_mem>>
      tpu.enqueue_dma source(%arg5 : memref<16xf32, #tpu.memory_space<hbm>>) target(%arg25 : memref<16xf32, #tpu.memory_space<vmem>>) target_semaphore(%run_scoped3A : memref<!tpu.dma_semaphore, #tpu.memory_space<semaphore_mem>>)
      tpu.wait_dma2 semaphore(%run_scoped3A : memref<!tpu.dma_semaphore, #tpu.memory_space<semaphore_mem>>) src(%arg5 : memref<16xf32, #tpu.memory_space<hbm>>) dst(%arg25 : memref<16xf32, #tpu.memory_space<vmem>>)
      tpu.yield
    }) : () -> ()
    %broadcast_in_dim3A = arith.constant 0.000000e+00 : f32
    %broadcast_in_dim3A_5 = vector.broadcast %broadcast_in_dim3A : f32 to vector<16xf32>
    %scan3A = arith.constant 0 : i32
    %scan3A_6 = arith.constant 0 : i32
    %scan3A_7 = arith.constant 10 : i32
    %scan3A_8 = arith.addi %scan3A_6, %scan3A_7 : i32
    %scan3A_9 = arith.constant 1 : i32
    %scan3A_10 = scf.for %scan3A_240 = %scan3A_6 to %scan3A_8 step %scan3A_9 iter_args(%scan3A_241 = %scan3A) -> (i32)  : i32 {
      %mul3A_242 = arith.constant 64 : i32
      %mul3A_243 = arith.muli %scan3A_240, %mul3A_242 : i32
      %add3A = arith.constant 0 : i32
      %add3A_244 = arith.addi %mul3A_243, %add3A : i32
      %swap3A = arith.index_cast %add3A_244 : i32 to index
      %swap3A_245 = tpu.vector_load %arg19[%swap3A] {strides = array<i32>} : memref<640xf32, #tpu.memory_space<vmem>>, vector<16xf32>,
      %swap3A_246 = vector.shape_cast %swap3A_245 : vector<16xf32> to vector<16xf32>
      %swap3A_247 = vector.shape_cast %broadcast_in_dim3A_5 : vector<16xf32> to vector<16xf32>
      tpu.vector_store %arg19[%swap3A], %swap3A_247 {strides = array<i32>} : memref<640xf32, #tpu.memory_space<vmem>>, vector<16xf32>,
      %mul3A_248 = arith.constant 64 : i32
      %mul3A_249 = arith.muli %scan3A_240, %mul3A_248 : i32
      %add3A_250 = arith.constant 16 : i32
      %add3A_251 = arith.addi %mul3A_249, %add3A_250 : i32
      %swap3A_252 = arith.index_cast %add3A_251 : i32 to index
      %swap3A_253 = tpu.vector_load %arg19[%swap3A_252] {strides = array<i32>} : memref<640xf32, #tpu.memory_space<vmem>>, vector<16xf32>,
      %swap3A_254 = vector.shape_cast %swap3A_253 : vector<16xf32> to vector<16xf32>
      %swap3A_255 = vector.shape_cast %broadcast_in_dim3A_5 : vector<16xf32> to vector<16xf32>
      tpu.vector_store %arg19[%swap3A_252], %swap3A_255 {strides = array<i32>} : memref<640xf32, #tpu.memory_space<vmem>>, vector<16xf32>,
      %mul3A_256 = arith.constant 64 : i32
      %mul3A_257 = arith.muli %scan3A_240, %mul3A_256 : i32
      %add3A_258 = arith.constant 32 : i32
      %add3A_259 = arith.addi %mul3A_257, %add3A_258 : i32
      %swap3A_260 = arith.index_cast %add3A_259 : i32 to index
      %swap3A_261 = tpu.vector_load %arg19[%swap3A_260] {strides = array<i32>} : memref<640xf32, #tpu.memory_space<vmem>>, vector<16xf32>,
      %swap3A_262 = vector.shape_cast %swap3A_261 : vector<16xf32> to vector<16xf32>
      %swap3A_263 = vector.shape_cast %broadcast_in_dim3A_5 : vector<16xf32> to vector<16xf32>
      tpu.vector_store %arg19[%swap3A_260], %swap3A_263 {strides = array<i32>} : memref<640xf32, #tpu.memory_space<vmem>>, vector<16xf32>,
      %mul3A_264 = arith.constant 64 : i32
      %mul3A_265 = arith.muli %scan3A_240, %mul3A_264 : i32
      %add3A_266 = arith.constant 48 : i32
      %add3A_267 = arith.addi %mul3A_265, %add3A_266 : i32
      %swap3A_268 = arith.index_cast %add3A_267 : i32 to index
      %swap3A_269 = tpu.vector_load %arg19[%swap3A_268] {strides = array<i32>} : memref<640xf32, #tpu.memory_space<vmem>>, vector<16xf32>,
      %swap3A_270 = vector.shape_cast %swap3A_269 : vector<16xf32> to vector<16xf32>
      %swap3A_271 = vector.shape_cast %broadcast_in_dim3A_5 : vector<16xf32> to vector<16xf32>
      tpu.vector_store %arg19[%swap3A_268], %swap3A_271 {strides = array<i32>} : memref<640xf32, #tpu.memory_space<vmem>>, vector<16xf32>,
      %scan3A_272 = arith.constant 0 : i32
      scf.yield %scan3A_272 : i32
    }
    %scan3A_11 = arith.constant 10 : i32
    "tpu.region"() ({
      %run_scoped3A = tpu.sem_alloc : memref<!tpu.dma_semaphore, #tpu.memory_space<semaphore_mem>>
      %dma_start3A_240 = tpu.memref_slice %arg27[%mul3A_0] : memref<10240xf32, #tpu.memory_space<vmem_shared>> -> memref<640xf32, #tpu.memory_space<vmem_shared>>
      %dma_start3A_241 = tpu.memref_slice %arg27[%mul3A_0] : memref<10240xf32, #tpu.memory_space<vmem_shared>> -> memref<640xf32, #tpu.memory_space<vmem_shared>>
      tpu.enqueue_dma source(%arg19 : memref<640xf32, #tpu.memory_space<vmem>>) target(%dma_start3A_241 : memref<640xf32, #tpu.memory_space<vmem_shared>>) target_semaphore(%run_scoped3A : memref<!tpu.dma_semaphore, #tpu.memory_space<semaphore_mem>>)
      %dma_wait3A_242 = tpu.memref_slice %arg27[%mul3A_0] : memref<10240xf32, #tpu.memory_space<vmem_shared>> -> memref<640xf32, #tpu.memory_space<vmem_shared>>
      %dma_wait3A_243 = tpu.memref_slice %arg27[%mul3A_0] : memref<10240xf32, #tpu.memory_space<vmem_shared>> -> memref<640xf32, #tpu.memory_space<vmem_shared>>
      tpu.wait_dma2 semaphore(%run_scoped3A : memref<!tpu.dma_semaphore, #tpu.memory_space<semaphore_mem>>) src(%arg19 : memref<640xf32, #tpu.memory_space<vmem>>) dst(%dma_wait3A_243 : memref<640xf32, #tpu.memory_space<vmem_shared>>)
      tpu.yield
    }) : () -> ()
    "tpu.region"() ({
      %run_scoped3A = tpu.sem_alloc : memref<!tpu.dma_semaphore, #tpu.memory_space<semaphore_mem>>
      %dma_start3A_240 = tpu.memref_slice %arg26[%mul3A_0] : memref<10240xf32, #tpu.memory_space<vmem_shared>> -> memref<640xf32, #tpu.memory_space<vmem_shared>>
      %dma_start3A_241 = tpu.memref_slice %arg26[%mul3A_0] : memref<10240xf32, #tpu.memory_space<vmem_shared>> -> memref<640xf32, #tpu.memory_space<vmem_shared>>
      tpu.enqueue_dma source(%arg20 : memref<640xf32, #tpu.memory_space<vmem>>) target(%dma_start3A_241 : memref<640xf32, #tpu.memory_space<vmem_shared>>) target_semaphore(%run_scoped3A : memref<!tpu.dma_semaphore, #tpu.memory_space<semaphore_mem>>)
      %dma_wait3A_242 = tpu.memref_slice %arg26[%mul3A_0] : memref<10240xf32, #tpu.memory_space<vmem_shared>> -> memref<640xf32, #tpu.memory_space<vmem_shared>>
      %dma_wait3A_243 = tpu.memref_slice %arg26[%mul3A_0] : memref<10240xf32, #tpu.memory_space<vmem_shared>> -> memref<640xf32, #tpu.memory_space<vmem_shared>>
      tpu.wait_dma2 semaphore(%run_scoped3A : memref<!tpu.dma_semaphore, #tpu.memory_space<semaphore_mem>>) src(%arg20 : memref<640xf32, #tpu.memory_space<vmem>>) dst(%dma_wait3A_243 : memref<640xf32, #tpu.memory_space<vmem_shared>>)
      tpu.yield
    }) : () -> ()
    %barrier3A = arith.constant 0 : index
    tpu.barrier barrier_id(%barrier3A)
    %dma_start3A = arith.constant 0 : i32
    %dma_start3A_12 = arith.constant 0 : i32
    %dma_start3A_13 = tpu.memref_slice %arg9[%dma_start3A, %dma_start3A_12] : memref<160x128xi32, #tpu.memory_space<vmem>> -> memref<1x128xi32, #tpu.memory_space<vmem>>
    %dma_start3A_14 = tpu.memref_squeeze %dma_start3A_13 : memref<1x128xi32, #tpu.memory_space<vmem>> -> memref<128xi32, #tpu.memory_space<vmem>>
    %dma_start3A_15 = arith.constant 0 : i32
    %dma_start3A_16 = tpu.memref_slice %arg26[%dma_start3A_15] : memref<10240xf32, #tpu.memory_space<vmem_shared>> -> memref<10240xf32, #tpu.memory_space<vmem_shared>>
    tpu.enqueue_indirect_dma source(%dma_start3A_16 : memref<10240xf32, #tpu.memory_space<vmem_shared>>) target(%arg11 : memref<128xf32, #tpu.memory_space<vmem>>) offsets(%dma_start3A_14 : memref<128xi32, #tpu.memory_space<vmem>>) semaphore(%arg28 : memref<!tpu.dma_semaphore, #tpu.memory_space<semaphore_mem>>)
    %dma_start3A_17 = arith.constant 1 : i32
    %dma_start3A_18 = arith.constant 0 : i32
    %dma_start3A_19 = tpu.memref_slice %arg9[%dma_start3A_17, %dma_start3A_18] : memref<160x128xi32, #tpu.memory_space<vmem>> -> memref<1x128xi32, #tpu.memory_space<vmem>>
    %dma_start3A_20 = tpu.memref_squeeze %dma_start3A_19 : memref<1x128xi32, #tpu.memory_space<vmem>> -> memref<128xi32, #tpu.memory_space<vmem>>
    %dma_start3A_21 = arith.constant 0 : i32
    %dma_start3A_22 = tpu.memref_slice %arg26[%dma_start3A_21] : memref<10240xf32, #tpu.memory_space<vmem_shared>> -> memref<10240xf32, #tpu.memory_space<vmem_shared>>
    tpu.enqueue_indirect_dma source(%dma_start3A_22 : memref<10240xf32, #tpu.memory_space<vmem_shared>>) target(%arg12 : memref<128xf32, #tpu.memory_space<vmem>>) offsets(%dma_start3A_20 : memref<128xi32, #tpu.memory_space<vmem>>) semaphore(%arg29 : memref<!tpu.dma_semaphore, #tpu.memory_space<semaphore_mem>>)
    %dma_start3A_23 = arith.constant 2 : i32
    %dma_start3A_24 = arith.constant 0 : i32
    %dma_start3A_25 = tpu.memref_slice %arg9[%dma_start3A_23, %dma_start3A_24] : memref<160x128xi32, #tpu.memory_space<vmem>> -> memref<1x128xi32, #tpu.memory_space<vmem>>
    %dma_start3A_26 = tpu.memref_squeeze %dma_start3A_25 : memref<1x128xi32, #tpu.memory_space<vmem>> -> memref<128xi32, #tpu.memory_space<vmem>>
    %dma_start3A_27 = arith.constant 0 : i32
    %dma_start3A_28 = tpu.memref_slice %arg26[%dma_start3A_27] : memref<10240xf32, #tpu.memory_space<vmem_shared>> -> memref<10240xf32, #tpu.memory_space<vmem_shared>>
    tpu.enqueue_indirect_dma source(%dma_start3A_28 : memref<10240xf32, #tpu.memory_space<vmem_shared>>) target(%arg13 : memref<128xf32, #tpu.memory_space<vmem>>) offsets(%dma_start3A_26 : memref<128xi32, #tpu.memory_space<vmem>>) semaphore(%arg30 : memref<!tpu.dma_semaphore, #tpu.memory_space<semaphore_mem>>)
    %dma_start3A_29 = arith.constant 3 : i32
    %dma_start3A_30 = arith.constant 0 : i32
    %dma_start3A_31 = tpu.memref_slice %arg9[%dma_start3A_29, %dma_start3A_30] : memref<160x128xi32, #tpu.memory_space<vmem>> -> memref<1x128xi32, #tpu.memory_space<vmem>>
    %dma_start3A_32 = tpu.memref_squeeze %dma_start3A_31 : memref<1x128xi32, #tpu.memory_space<vmem>> -> memref<128xi32, #tpu.memory_space<vmem>>
    %dma_start3A_33 = arith.constant 0 : i32
    %dma_start3A_34 = tpu.memref_slice %arg26[%dma_start3A_33] : memref<10240xf32, #tpu.memory_space<vmem_shared>> -> memref<10240xf32, #tpu.memory_space<vmem_shared>>
    tpu.enqueue_indirect_dma source(%dma_start3A_34 : memref<10240xf32, #tpu.memory_space<vmem_shared>>) target(%arg14 : memref<128xf32, #tpu.memory_space<vmem>>) offsets(%dma_start3A_32 : memref<128xi32, #tpu.memory_space<vmem>>) semaphore(%arg31 : memref<!tpu.dma_semaphore, #tpu.memory_space<semaphore_mem>>)
    %dma_start3A_35 = arith.constant 4 : i32
    %dma_start3A_36 = arith.constant 0 : i32
    %dma_start3A_37 = tpu.memref_slice %arg9[%dma_start3A_35, %dma_start3A_36] : memref<160x128xi32, #tpu.memory_space<vmem>> -> memref<1x128xi32, #tpu.memory_space<vmem>>
    %dma_start3A_38 = tpu.memref_squeeze %dma_start3A_37 : memref<1x128xi32, #tpu.memory_space<vmem>> -> memref<128xi32, #tpu.memory_space<vmem>>
    %dma_start3A_39 = arith.constant 0 : i32
    %dma_start3A_40 = tpu.memref_slice %arg26[%dma_start3A_39] : memref<10240xf32, #tpu.memory_space<vmem_shared>> -> memref<10240xf32, #tpu.memory_space<vmem_shared>>
    tpu.enqueue_indirect_dma source(%dma_start3A_40 : memref<10240xf32, #tpu.memory_space<vmem_shared>>) target(%arg15 : memref<128xf32, #tpu.memory_space<vmem>>) offsets(%dma_start3A_38 : memref<128xi32, #tpu.memory_space<vmem>>) semaphore(%arg32 : memref<!tpu.dma_semaphore, #tpu.memory_space<semaphore_mem>>)
    %dma_start3A_41 = arith.constant 5 : i32
    %dma_start3A_42 = arith.constant 0 : i32
    %dma_start3A_43 = tpu.memref_slice %arg9[%dma_start3A_41, %dma_start3A_42] : memref<160x128xi32, #tpu.memory_space<vmem>> -> memref<1x128xi32, #tpu.memory_space<vmem>>
    %dma_start3A_44 = tpu.memref_squeeze %dma_start3A_43 : memref<1x128xi32, #tpu.memory_space<vmem>> -> memref<128xi32, #tpu.memory_space<vmem>>
    %dma_start3A_45 = arith.constant 0 : i32
    %dma_start3A_46 = tpu.memref_slice %arg26[%dma_start3A_45] : memref<10240xf32, #tpu.memory_space<vmem_shared>> -> memref<10240xf32, #tpu.memory_space<vmem_shared>>
    tpu.enqueue_indirect_dma source(%dma_start3A_46 : memref<10240xf32, #tpu.memory_space<vmem_shared>>) target(%arg16 : memref<128xf32, #tpu.memory_space<vmem>>) offsets(%dma_start3A_44 : memref<128xi32, #tpu.memory_space<vmem>>) semaphore(%arg33 : memref<!tpu.dma_semaphore, #tpu.memory_space<semaphore_mem>>)
    %dma_start3A_47 = arith.constant 6 : i32
    %dma_start3A_48 = arith.constant 0 : i32
    %dma_start3A_49 = tpu.memref_slice %arg9[%dma_start3A_47, %dma_start3A_48] : memref<160x128xi32, #tpu.memory_space<vmem>> -> memref<1x128xi32, #tpu.memory_space<vmem>>
    %dma_start3A_50 = tpu.memref_squeeze %dma_start3A_49 : memref<1x128xi32, #tpu.memory_space<vmem>> -> memref<128xi32, #tpu.memory_space<vmem>>
    %dma_start3A_51 = arith.constant 0 : i32
    %dma_start3A_52 = tpu.memref_slice %arg26[%dma_start3A_51] : memref<10240xf32, #tpu.memory_space<vmem_shared>> -> memref<10240xf32, #tpu.memory_space<vmem_shared>>
    tpu.enqueue_indirect_dma source(%dma_start3A_52 : memref<10240xf32, #tpu.memory_space<vmem_shared>>) target(%arg17 : memref<128xf32, #tpu.memory_space<vmem>>) offsets(%dma_start3A_50 : memref<128xi32, #tpu.memory_space<vmem>>) semaphore(%arg34 : memref<!tpu.dma_semaphore, #tpu.memory_space<semaphore_mem>>)
    %dma_start3A_53 = arith.constant 7 : i32
    %dma_start3A_54 = arith.constant 0 : i32
    %dma_start3A_55 = tpu.memref_slice %arg9[%dma_start3A_53, %dma_start3A_54] : memref<160x128xi32, #tpu.memory_space<vmem>> -> memref<1x128xi32, #tpu.memory_space<vmem>>
    %dma_start3A_56 = tpu.memref_squeeze %dma_start3A_55 : memref<1x128xi32, #tpu.memory_space<vmem>> -> memref<128xi32, #tpu.memory_space<vmem>>
    %dma_start3A_57 = arith.constant 0 : i32
    %dma_start3A_58 = tpu.memref_slice %arg26[%dma_start3A_57] : memref<10240xf32, #tpu.memory_space<vmem_shared>> -> memref<10240xf32, #tpu.memory_space<vmem_shared>>
    tpu.enqueue_indirect_dma source(%dma_start3A_58 : memref<10240xf32, #tpu.memory_space<vmem_shared>>) target(%arg18 : memref<128xf32, #tpu.memory_space<vmem>>) offsets(%dma_start3A_56 : memref<128xi32, #tpu.memory_space<vmem>>) semaphore(%arg35 : memref<!tpu.dma_semaphore, #tpu.memory_space<semaphore_mem>>)
    %scan3A_59 = arith.constant 0 : i32
    %scan3A_60 = arith.constant 0 : i32
    %scan3A_61 = arith.constant 20 : i32
    %scan3A_62 = arith.addi %scan3A_60, %scan3A_61 : i32
    %scan3A_63 = arith.constant 1 : i32
    %scan3A_64 = scf.for %scan3A_240 = %scan3A_60 to %scan3A_62 step %scan3A_63 iter_args(%scan3A_241 = %scan3A_59) -> (i32)  : i32 {
      %mul3A_242 = arith.constant 8 : i32
      %mul3A_243 = arith.muli %scan3A_240, %mul3A_242 : i32
      %add3A = arith.constant 0 : i32
      %add3A_244 = arith.addi %mul3A_243, %add3A : i32
      %dma_wait3A_245 = arith.constant 0 : i32
      %dma_wait3A_246 = tpu.memref_slice %arg9[%add3A_244, %dma_wait3A_245] : memref<160x128xi32, #tpu.memory_space<vmem>> -> memref<1x128xi32, #tpu.memory_space<vmem>>
      %dma_wait3A_247 = tpu.memref_squeeze %dma_wait3A_246 : memref<1x128xi32, #tpu.memory_space<vmem>> -> memref<128xi32, #tpu.memory_space<vmem>>
      %dma_wait3A_248 = arith.constant 0 : i32
      %dma_wait3A_249 = tpu.memref_slice %arg26[%dma_wait3A_248] : memref<10240xf32, #tpu.memory_space<vmem_shared>> -> memref<10240xf32, #tpu.memory_space<vmem_shared>>
      tpu.wait_indirect_dma semaphore(%arg28 : memref<!tpu.dma_semaphore, #tpu.memory_space<semaphore_mem>>) src(%dma_wait3A_249 : memref<10240xf32, #tpu.memory_space<vmem_shared>>) dst(%arg11 : memref<128xf32, #tpu.memory_space<vmem>>)
      %dma_start3A_250 = arith.constant 0 : i32
      %dma_start3A_251 = tpu.memref_slice %arg10[%add3A_244, %dma_start3A_250] : memref<160x128xi32, #tpu.memory_space<vmem>> -> memref<1x128xi32, #tpu.memory_space<vmem>>
      %dma_start3A_252 = tpu.memref_squeeze %dma_start3A_251 : memref<1x128xi32, #tpu.memory_space<vmem>> -> memref<128xi32, #tpu.memory_space<vmem>>
      %dma_start3A_253 = arith.constant 0 : i32
      %dma_start3A_254 = tpu.memref_slice %arg27[%dma_start3A_253] : memref<10240xf32, #tpu.memory_space<vmem_shared>> -> memref<10240xf32, #tpu.memory_space<vmem_shared>>
      tpu.enqueue_indirect_dma source(%arg11 : memref<128xf32, #tpu.memory_space<vmem>>) target(%dma_start3A_254 : memref<10240xf32, #tpu.memory_space<vmem_shared>>) offsets(%dma_start3A_252 : memref<128xi32, #tpu.memory_space<vmem>>) semaphore(%arg36 : memref<!tpu.dma_semaphore, #tpu.memory_space<semaphore_mem>>) {add = true}
      %mul3A_255 = arith.constant 8 : i32
      %mul3A_256 = arith.muli %scan3A_240, %mul3A_255 : i32
      %add3A_257 = arith.constant 1 : i32
      %add3A_258 = arith.addi %mul3A_256, %add3A_257 : i32
      %dma_wait3A_259 = arith.constant 0 : i32
      %dma_wait3A_260 = tpu.memref_slice %arg9[%add3A_258, %dma_wait3A_259] : memref<160x128xi32, #tpu.memory_space<vmem>> -> memref<1x128xi32, #tpu.memory_space<vmem>>
      %dma_wait3A_261 = tpu.memref_squeeze %dma_wait3A_260 : memref<1x128xi32, #tpu.memory_space<vmem>> -> memref<128xi32, #tpu.memory_space<vmem>>
      %dma_wait3A_262 = arith.constant 0 : i32
      %dma_wait3A_263 = tpu.memref_slice %arg26[%dma_wait3A_262] : memref<10240xf32, #tpu.memory_space<vmem_shared>> -> memref<10240xf32, #tpu.memory_space<vmem_shared>>
      tpu.wait_indirect_dma semaphore(%arg29 : memref<!tpu.dma_semaphore, #tpu.memory_space<semaphore_mem>>) src(%dma_wait3A_263 : memref<10240xf32, #tpu.memory_space<vmem_shared>>) dst(%arg12 : memref<128xf32, #tpu.memory_space<vmem>>)
      %dma_start3A_264 = arith.constant 0 : i32
      %dma_start3A_265 = tpu.memref_slice %arg10[%add3A_258, %dma_start3A_264] : memref<160x128xi32, #tpu.memory_space<vmem>> -> memref<1x128xi32, #tpu.memory_space<vmem>>
      %dma_start3A_266 = tpu.memref_squeeze %dma_start3A_265 : memref<1x128xi32, #tpu.memory_space<vmem>> -> memref<128xi32, #tpu.memory_space<vmem>>
      %dma_start3A_267 = arith.constant 0 : i32
      %dma_start3A_268 = tpu.memref_slice %arg27[%dma_start3A_267] : memref<10240xf32, #tpu.memory_space<vmem_shared>> -> memref<10240xf32, #tpu.memory_space<vmem_shared>>
      tpu.enqueue_indirect_dma source(%arg12 : memref<128xf32, #tpu.memory_space<vmem>>) target(%dma_start3A_268 : memref<10240xf32, #tpu.memory_space<vmem_shared>>) offsets(%dma_start3A_266 : memref<128xi32, #tpu.memory_space<vmem>>) semaphore(%arg37 : memref<!tpu.dma_semaphore, #tpu.memory_space<semaphore_mem>>) {add = true}
      %mul3A_269 = arith.constant 8 : i32
      %mul3A_270 = arith.muli %scan3A_240, %mul3A_269 : i32
      %add3A_271 = arith.constant 2 : i32
      %add3A_272 = arith.addi %mul3A_270, %add3A_271 : i32
      %dma_wait3A_273 = arith.constant 0 : i32
      %dma_wait3A_274 = tpu.memref_slice %arg9[%add3A_272, %dma_wait3A_273] : memref<160x128xi32, #tpu.memory_space<vmem>> -> memref<1x128xi32, #tpu.memory_space<vmem>>
      %dma_wait3A_275 = tpu.memref_squeeze %dma_wait3A_274 : memref<1x128xi32, #tpu.memory_space<vmem>> -> memref<128xi32, #tpu.memory_space<vmem>>
      %dma_wait3A_276 = arith.constant 0 : i32
      %dma_wait3A_277 = tpu.memref_slice %arg26[%dma_wait3A_276] : memref<10240xf32, #tpu.memory_space<vmem_shared>> -> memref<10240xf32, #tpu.memory_space<vmem_shared>>
      tpu.wait_indirect_dma semaphore(%arg30 : memref<!tpu.dma_semaphore, #tpu.memory_space<semaphore_mem>>) src(%dma_wait3A_277 : memref<10240xf32, #tpu.memory_space<vmem_shared>>) dst(%arg13 : memref<128xf32, #tpu.memory_space<vmem>>)
      %dma_start3A_278 = arith.constant 0 : i32
      %dma_start3A_279 = tpu.memref_slice %arg10[%add3A_272, %dma_start3A_278] : memref<160x128xi32, #tpu.memory_space<vmem>> -> memref<1x128xi32, #tpu.memory_space<vmem>>
      %dma_start3A_280 = tpu.memref_squeeze %dma_start3A_279 : memref<1x128xi32, #tpu.memory_space<vmem>> -> memref<128xi32, #tpu.memory_space<vmem>>
      %dma_start3A_281 = arith.constant 0 : i32
      %dma_start3A_282 = tpu.memref_slice %arg27[%dma_start3A_281] : memref<10240xf32, #tpu.memory_space<vmem_shared>> -> memref<10240xf32, #tpu.memory_space<vmem_shared>>
      tpu.enqueue_indirect_dma source(%arg13 : memref<128xf32, #tpu.memory_space<vmem>>) target(%dma_start3A_282 : memref<10240xf32, #tpu.memory_space<vmem_shared>>) offsets(%dma_start3A_280 : memref<128xi32, #tpu.memory_space<vmem>>) semaphore(%arg38 : memref<!tpu.dma_semaphore, #tpu.memory_space<semaphore_mem>>) {add = true}
      %mul3A_283 = arith.constant 8 : i32
      %mul3A_284 = arith.muli %scan3A_240, %mul3A_283 : i32
      %add3A_285 = arith.constant 3 : i32
      %add3A_286 = arith.addi %mul3A_284, %add3A_285 : i32
      %dma_wait3A_287 = arith.constant 0 : i32
      %dma_wait3A_288 = tpu.memref_slice %arg9[%add3A_286, %dma_wait3A_287] : memref<160x128xi32, #tpu.memory_space<vmem>> -> memref<1x128xi32, #tpu.memory_space<vmem>>
      %dma_wait3A_289 = tpu.memref_squeeze %dma_wait3A_288 : memref<1x128xi32, #tpu.memory_space<vmem>> -> memref<128xi32, #tpu.memory_space<vmem>>
      %dma_wait3A_290 = arith.constant 0 : i32
      %dma_wait3A_291 = tpu.memref_slice %arg26[%dma_wait3A_290] : memref<10240xf32, #tpu.memory_space<vmem_shared>> -> memref<10240xf32, #tpu.memory_space<vmem_shared>>
      tpu.wait_indirect_dma semaphore(%arg31 : memref<!tpu.dma_semaphore, #tpu.memory_space<semaphore_mem>>) src(%dma_wait3A_291 : memref<10240xf32, #tpu.memory_space<vmem_shared>>) dst(%arg14 : memref<128xf32, #tpu.memory_space<vmem>>)
      %dma_start3A_292 = arith.constant 0 : i32
      %dma_start3A_293 = tpu.memref_slice %arg10[%add3A_286, %dma_start3A_292] : memref<160x128xi32, #tpu.memory_space<vmem>> -> memref<1x128xi32, #tpu.memory_space<vmem>>
      %dma_start3A_294 = tpu.memref_squeeze %dma_start3A_293 : memref<1x128xi32, #tpu.memory_space<vmem>> -> memref<128xi32, #tpu.memory_space<vmem>>
      %dma_start3A_295 = arith.constant 0 : i32
      %dma_start3A_296 = tpu.memref_slice %arg27[%dma_start3A_295] : memref<10240xf32, #tpu.memory_space<vmem_shared>> -> memref<10240xf32, #tpu.memory_space<vmem_shared>>
      tpu.enqueue_indirect_dma source(%arg14 : memref<128xf32, #tpu.memory_space<vmem>>) target(%dma_start3A_296 : memref<10240xf32, #tpu.memory_space<vmem_shared>>) offsets(%dma_start3A_294 : memref<128xi32, #tpu.memory_space<vmem>>) semaphore(%arg39 : memref<!tpu.dma_semaphore, #tpu.memory_space<semaphore_mem>>) {add = true}
      %mul3A_297 = arith.constant 8 : i32
      %mul3A_298 = arith.muli %scan3A_240, %mul3A_297 : i32
      %add3A_299 = arith.constant 4 : i32
      %add3A_300 = arith.addi %mul3A_298, %add3A_299 : i32
      %dma_wait3A_301 = arith.constant 0 : i32
      %dma_wait3A_302 = tpu.memref_slice %arg9[%add3A_300, %dma_wait3A_301] : memref<160x128xi32, #tpu.memory_space<vmem>> -> memref<1x128xi32, #tpu.memory_space<vmem>>
      %dma_wait3A_303 = tpu.memref_squeeze %dma_wait3A_302 : memref<1x128xi32, #tpu.memory_space<vmem>> -> memref<128xi32, #tpu.memory_space<vmem>>
      %dma_wait3A_304 = arith.constant 0 : i32
      %dma_wait3A_305 = tpu.memref_slice %arg26[%dma_wait3A_304] : memref<10240xf32, #tpu.memory_space<vmem_shared>> -> memref<10240xf32, #tpu.memory_space<vmem_shared>>
      tpu.wait_indirect_dma semaphore(%arg32 : memref<!tpu.dma_semaphore, #tpu.memory_space<semaphore_mem>>) src(%dma_wait3A_305 : memref<10240xf32, #tpu.memory_space<vmem_shared>>) dst(%arg15 : memref<128xf32, #tpu.memory_space<vmem>>)
      %dma_start3A_306 = arith.constant 0 : i32
      %dma_start3A_307 = tpu.memref_slice %arg10[%add3A_300, %dma_start3A_306] : memref<160x128xi32, #tpu.memory_space<vmem>> -> memref<1x128xi32, #tpu.memory_space<vmem>>
      %dma_start3A_308 = tpu.memref_squeeze %dma_start3A_307 : memref<1x128xi32, #tpu.memory_space<vmem>> -> memref<128xi32, #tpu.memory_space<vmem>>
      %dma_start3A_309 = arith.constant 0 : i32
      %dma_start3A_310 = tpu.memref_slice %arg27[%dma_start3A_309] : memref<10240xf32, #tpu.memory_space<vmem_shared>> -> memref<10240xf32, #tpu.memory_space<vmem_shared>>
      tpu.enqueue_indirect_dma source(%arg15 : memref<128xf32, #tpu.memory_space<vmem>>) target(%dma_start3A_310 : memref<10240xf32, #tpu.memory_space<vmem_shared>>) offsets(%dma_start3A_308 : memref<128xi32, #tpu.memory_space<vmem>>) semaphore(%arg40 : memref<!tpu.dma_semaphore, #tpu.memory_space<semaphore_mem>>) {add = true}
      %mul3A_311 = arith.constant 8 : i32
      %mul3A_312 = arith.muli %scan3A_240, %mul3A_311 : i32
      %add3A_313 = arith.constant 5 : i32
      %add3A_314 = arith.addi %mul3A_312, %add3A_313 : i32
      %dma_wait3A_315 = arith.constant 0 : i32
      %dma_wait3A_316 = tpu.memref_slice %arg9[%add3A_314, %dma_wait3A_315] : memref<160x128xi32, #tpu.memory_space<vmem>> -> memref<1x128xi32, #tpu.memory_space<vmem>>
      %dma_wait3A_317 = tpu.memref_squeeze %dma_wait3A_316 : memref<1x128xi32, #tpu.memory_space<vmem>> -> memref<128xi32, #tpu.memory_space<vmem>>
      %dma_wait3A_318 = arith.constant 0 : i32
      %dma_wait3A_319 = tpu.memref_slice %arg26[%dma_wait3A_318] : memref<10240xf32, #tpu.memory_space<vmem_shared>> -> memref<10240xf32, #tpu.memory_space<vmem_shared>>
      tpu.wait_indirect_dma semaphore(%arg33 : memref<!tpu.dma_semaphore, #tpu.memory_space<semaphore_mem>>) src(%dma_wait3A_319 : memref<10240xf32, #tpu.memory_space<vmem_shared>>) dst(%arg16 : memref<128xf32, #tpu.memory_space<vmem>>)
      %dma_start3A_320 = arith.constant 0 : i32
      %dma_start3A_321 = tpu.memref_slice %arg10[%add3A_314, %dma_start3A_320] : memref<160x128xi32, #tpu.memory_space<vmem>> -> memref<1x128xi32, #tpu.memory_space<vmem>>
      %dma_start3A_322 = tpu.memref_squeeze %dma_start3A_321 : memref<1x128xi32, #tpu.memory_space<vmem>> -> memref<128xi32, #tpu.memory_space<vmem>>
      %dma_start3A_323 = arith.constant 0 : i32
      %dma_start3A_324 = tpu.memref_slice %arg27[%dma_start3A_323] : memref<10240xf32, #tpu.memory_space<vmem_shared>> -> memref<10240xf32, #tpu.memory_space<vmem_shared>>
      tpu.enqueue_indirect_dma source(%arg16 : memref<128xf32, #tpu.memory_space<vmem>>) target(%dma_start3A_324 : memref<10240xf32, #tpu.memory_space<vmem_shared>>) offsets(%dma_start3A_322 : memref<128xi32, #tpu.memory_space<vmem>>) semaphore(%arg41 : memref<!tpu.dma_semaphore, #tpu.memory_space<semaphore_mem>>) {add = true}
      %mul3A_325 = arith.constant 8 : i32
      %mul3A_326 = arith.muli %scan3A_240, %mul3A_325 : i32
      %add3A_327 = arith.constant 6 : i32
      %add3A_328 = arith.addi %mul3A_326, %add3A_327 : i32
      %dma_wait3A_329 = arith.constant 0 : i32
      %dma_wait3A_330 = tpu.memref_slice %arg9[%add3A_328, %dma_wait3A_329] : memref<160x128xi32, #tpu.memory_space<vmem>> -> memref<1x128xi32, #tpu.memory_space<vmem>>
      %dma_wait3A_331 = tpu.memref_squeeze %dma_wait3A_330 : memref<1x128xi32, #tpu.memory_space<vmem>> -> memref<128xi32, #tpu.memory_space<vmem>>
      %dma_wait3A_332 = arith.constant 0 : i32
      %dma_wait3A_333 = tpu.memref_slice %arg26[%dma_wait3A_332] : memref<10240xf32, #tpu.memory_space<vmem_shared>> -> memref<10240xf32, #tpu.memory_space<vmem_shared>>
      tpu.wait_indirect_dma semaphore(%arg34 : memref<!tpu.dma_semaphore, #tpu.memory_space<semaphore_mem>>) src(%dma_wait3A_333 : memref<10240xf32, #tpu.memory_space<vmem_shared>>) dst(%arg17 : memref<128xf32, #tpu.memory_space<vmem>>)
      %dma_start3A_334 = arith.constant 0 : i32
      %dma_start3A_335 = tpu.memref_slice %arg10[%add3A_328, %dma_start3A_334] : memref<160x128xi32, #tpu.memory_space<vmem>> -> memref<1x128xi32, #tpu.memory_space<vmem>>
      %dma_start3A_336 = tpu.memref_squeeze %dma_start3A_335 : memref<1x128xi32, #tpu.memory_space<vmem>> -> memref<128xi32, #tpu.memory_space<vmem>>
      %dma_start3A_337 = arith.constant 0 : i32
      %dma_start3A_338 = tpu.memref_slice %arg27[%dma_start3A_337] : memref<10240xf32, #tpu.memory_space<vmem_shared>> -> memref<10240xf32, #tpu.memory_space<vmem_shared>>
      tpu.enqueue_indirect_dma source(%arg17 : memref<128xf32, #tpu.memory_space<vmem>>) target(%dma_start3A_338 : memref<10240xf32, #tpu.memory_space<vmem_shared>>) offsets(%dma_start3A_336 : memref<128xi32, #tpu.memory_space<vmem>>) semaphore(%arg42 : memref<!tpu.dma_semaphore, #tpu.memory_space<semaphore_mem>>) {add = true}
      %mul3A_339 = arith.constant 8 : i32
      %mul3A_340 = arith.muli %scan3A_240, %mul3A_339 : i32
      %add3A_341 = arith.constant 7 : i32
      %add3A_342 = arith.addi %mul3A_340, %add3A_341 : i32
      %dma_wait3A_343 = arith.constant 0 : i32
      %dma_wait3A_344 = tpu.memref_slice %arg9[%add3A_342, %dma_wait3A_343] : memref<160x128xi32, #tpu.memory_space<vmem>> -> memref<1x128xi32, #tpu.memory_space<vmem>>
      %dma_wait3A_345 = tpu.memref_squeeze %dma_wait3A_344 : memref<1x128xi32, #tpu.memory_space<vmem>> -> memref<128xi32, #tpu.memory_space<vmem>>
      %dma_wait3A_346 = arith.constant 0 : i32
      %dma_wait3A_347 = tpu.memref_slice %arg26[%dma_wait3A_346] : memref<10240xf32, #tpu.memory_space<vmem_shared>> -> memref<10240xf32, #tpu.memory_space<vmem_shared>>
      tpu.wait_indirect_dma semaphore(%arg35 : memref<!tpu.dma_semaphore, #tpu.memory_space<semaphore_mem>>) src(%dma_wait3A_347 : memref<10240xf32, #tpu.memory_space<vmem_shared>>) dst(%arg18 : memref<128xf32, #tpu.memory_space<vmem>>)
      %dma_start3A_348 = arith.constant 0 : i32
      %dma_start3A_349 = tpu.memref_slice %arg10[%add3A_342, %dma_start3A_348] : memref<160x128xi32, #tpu.memory_space<vmem>> -> memref<1x128xi32, #tpu.memory_space<vmem>>
      %dma_start3A_350 = tpu.memref_squeeze %dma_start3A_349 : memref<1x128xi32, #tpu.memory_space<vmem>> -> memref<128xi32, #tpu.memory_space<vmem>>
      %dma_start3A_351 = arith.constant 0 : i32
      %dma_start3A_352 = tpu.memref_slice %arg27[%dma_start3A_351] : memref<10240xf32, #tpu.memory_space<vmem_shared>> -> memref<10240xf32, #tpu.memory_space<vmem_shared>>
      tpu.enqueue_indirect_dma source(%arg18 : memref<128xf32, #tpu.memory_space<vmem>>) target(%dma_start3A_352 : memref<10240xf32, #tpu.memory_space<vmem_shared>>) offsets(%dma_start3A_350 : memref<128xi32, #tpu.memory_space<vmem>>) semaphore(%arg43 : memref<!tpu.dma_semaphore, #tpu.memory_space<semaphore_mem>>) {add = true}
      %mul3A_353 = arith.constant 8 : i32
      %mul3A_354 = arith.muli %scan3A_240, %mul3A_353 : i32
      %add3A_355 = arith.constant 0 : i32
      %add3A_356 = arith.addi %mul3A_354, %add3A_355 : i32
      %add3A_357 = arith.constant 8 : i32
      %add3A_358 = arith.addi %add3A_356, %add3A_357 : i32
      %lt3A = arith.constant 160 : i32
      %lt3A_359 = arith.cmpi slt, %add3A_358, %lt3A : i32
      %convert_element_type3A_360 = arith.extui %lt3A_359 : i1 to i32
      %cond3A_361 = arith.constant 0 : i32
      %cond3A_362 = arith.cmpi ne, %convert_element_type3A_360, %cond3A_361 : i32
      scf.if %cond3A_362 {
        %dma_wait3A_441 = arith.constant 0 : i32
        %dma_wait3A_442 = tpu.memref_slice %arg10[%add3A_356, %dma_wait3A_441] : memref<160x128xi32, #tpu.memory_space<vmem>> -> memref<1x128xi32, #tpu.memory_space<vmem>>
        %dma_wait3A_443 = tpu.memref_squeeze %dma_wait3A_442 : memref<1x128xi32, #tpu.memory_space<vmem>> -> memref<128xi32, #tpu.memory_space<vmem>>
        %dma_wait3A_444 = arith.constant 0 : i32
        %dma_wait3A_445 = tpu.memref_slice %arg27[%dma_wait3A_444] : memref<10240xf32, #tpu.memory_space<vmem_shared>> -> memref<10240xf32, #tpu.memory_space<vmem_shared>>
        tpu.wait_indirect_dma semaphore(%arg36 : memref<!tpu.dma_semaphore, #tpu.memory_space<semaphore_mem>>) src(%arg11 : memref<128xf32, #tpu.memory_space<vmem>>) dst(%dma_wait3A_445 : memref<10240xf32, #tpu.memory_space<vmem_shared>>)
        %add3A_446 = arith.constant 8 : i32
        %add3A_447 = arith.addi %add3A_356, %add3A_446 : i32
        %dma_start3A_448 = arith.constant 0 : i32
        %dma_start3A_449 = tpu.memref_slice %arg9[%add3A_447, %dma_start3A_448] : memref<160x128xi32, #tpu.memory_space<vmem>> -> memref<1x128xi32, #tpu.memory_space<vmem>>
        %dma_start3A_450 = tpu.memref_squeeze %dma_start3A_449 : memref<1x128xi32, #tpu.memory_space<vmem>> -> memref<128xi32, #tpu.memory_space<vmem>>
        %dma_start3A_451 = arith.constant 0 : i32
        %dma_start3A_452 = tpu.memref_slice %arg26[%dma_start3A_451] : memref<10240xf32, #tpu.memory_space<vmem_shared>> -> memref<10240xf32, #tpu.memory_space<vmem_shared>>
        tpu.enqueue_indirect_dma source(%dma_start3A_452 : memref<10240xf32, #tpu.memory_space<vmem_shared>>) target(%arg11 : memref<128xf32, #tpu.memory_space<vmem>>) offsets(%dma_start3A_450 : memref<128xi32, #tpu.memory_space<vmem>>) semaphore(%arg28 : memref<!tpu.dma_semaphore, #tpu.memory_space<semaphore_mem>>)
      } else {
      }
      %mul3A_363 = arith.constant 8 : i32
      %mul3A_364 = arith.muli %scan3A_240, %mul3A_363 : i32
      %add3A_365 = arith.constant 1 : i32
      %add3A_366 = arith.addi %mul3A_364, %add3A_365 : i32
      %add3A_367 = arith.constant 8 : i32
      %add3A_368 = arith.addi %add3A_366, %add3A_367 : i32
      %lt3A_369 = arith.constant 160 : i32
      %lt3A_370 = arith.cmpi slt, %add3A_368, %lt3A_369 : i32
      %convert_element_type3A_371 = arith.extui %lt3A_370 : i1 to i32
      %cond3A_372 = arith.constant 0 : i32
      %cond3A_373 = arith.cmpi ne, %convert_element_type3A_371, %cond3A_372 : i32
      scf.if %cond3A_373 {
        %dma_wait3A_441 = arith.constant 0 : i32
        %dma_wait3A_442 = tpu.memref_slice %arg10[%add3A_366, %dma_wait3A_441] : memref<160x128xi32, #tpu.memory_space<vmem>> -> memref<1x128xi32, #tpu.memory_space<vmem>>
        %dma_wait3A_443 = tpu.memref_squeeze %dma_wait3A_442 : memref<1x128xi32, #tpu.memory_space<vmem>> -> memref<128xi32, #tpu.memory_space<vmem>>
        %dma_wait3A_444 = arith.constant 0 : i32
        %dma_wait3A_445 = tpu.memref_slice %arg27[%dma_wait3A_444] : memref<10240xf32, #tpu.memory_space<vmem_shared>> -> memref<10240xf32, #tpu.memory_space<vmem_shared>>
        tpu.wait_indirect_dma semaphore(%arg37 : memref<!tpu.dma_semaphore, #tpu.memory_space<semaphore_mem>>) src(%arg12 : memref<128xf32, #tpu.memory_space<vmem>>) dst(%dma_wait3A_445 : memref<10240xf32, #tpu.memory_space<vmem_shared>>)
        %add3A_446 = arith.constant 8 : i32
        %add3A_447 = arith.addi %add3A_366, %add3A_446 : i32
        %dma_start3A_448 = arith.constant 0 : i32
        %dma_start3A_449 = tpu.memref_slice %arg9[%add3A_447, %dma_start3A_448] : memref<160x128xi32, #tpu.memory_space<vmem>> -> memref<1x128xi32, #tpu.memory_space<vmem>>
        %dma_start3A_450 = tpu.memref_squeeze %dma_start3A_449 : memref<1x128xi32, #tpu.memory_space<vmem>> -> memref<128xi32, #tpu.memory_space<vmem>>
        %dma_start3A_451 = arith.constant 0 : i32
        %dma_start3A_452 = tpu.memref_slice %arg26[%dma_start3A_451] : memref<10240xf32, #tpu.memory_space<vmem_shared>> -> memref<10240xf32, #tpu.memory_space<vmem_shared>>
        tpu.enqueue_indirect_dma source(%dma_start3A_452 : memref<10240xf32, #tpu.memory_space<vmem_shared>>) target(%arg12 : memref<128xf32, #tpu.memory_space<vmem>>) offsets(%dma_start3A_450 : memref<128xi32, #tpu.memory_space<vmem>>) semaphore(%arg29 : memref<!tpu.dma_semaphore, #tpu.memory_space<semaphore_mem>>)
      } else {
      }
      %mul3A_374 = arith.constant 8 : i32
      %mul3A_375 = arith.muli %scan3A_240, %mul3A_374 : i32
      %add3A_376 = arith.constant 2 : i32
      %add3A_377 = arith.addi %mul3A_375, %add3A_376 : i32
      %add3A_378 = arith.constant 8 : i32
      %add3A_379 = arith.addi %add3A_377, %add3A_378 : i32
      %lt3A_380 = arith.constant 160 : i32
      %lt3A_381 = arith.cmpi slt, %add3A_379, %lt3A_380 : i32
      %convert_element_type3A_382 = arith.extui %lt3A_381 : i1 to i32
      %cond3A_383 = arith.constant 0 : i32
      %cond3A_384 = arith.cmpi ne, %convert_element_type3A_382, %cond3A_383 : i32
      scf.if %cond3A_384 {
        %dma_wait3A_441 = arith.constant 0 : i32
        %dma_wait3A_442 = tpu.memref_slice %arg10[%add3A_377, %dma_wait3A_441] : memref<160x128xi32, #tpu.memory_space<vmem>> -> memref<1x128xi32, #tpu.memory_space<vmem>>
        %dma_wait3A_443 = tpu.memref_squeeze %dma_wait3A_442 : memref<1x128xi32, #tpu.memory_space<vmem>> -> memref<128xi32, #tpu.memory_space<vmem>>
        %dma_wait3A_444 = arith.constant 0 : i32
        %dma_wait3A_445 = tpu.memref_slice %arg27[%dma_wait3A_444] : memref<10240xf32, #tpu.memory_space<vmem_shared>> -> memref<10240xf32, #tpu.memory_space<vmem_shared>>
        tpu.wait_indirect_dma semaphore(%arg38 : memref<!tpu.dma_semaphore, #tpu.memory_space<semaphore_mem>>) src(%arg13 : memref<128xf32, #tpu.memory_space<vmem>>) dst(%dma_wait3A_445 : memref<10240xf32, #tpu.memory_space<vmem_shared>>)
        %add3A_446 = arith.constant 8 : i32
        %add3A_447 = arith.addi %add3A_377, %add3A_446 : i32
        %dma_start3A_448 = arith.constant 0 : i32
        %dma_start3A_449 = tpu.memref_slice %arg9[%add3A_447, %dma_start3A_448] : memref<160x128xi32, #tpu.memory_space<vmem>> -> memref<1x128xi32, #tpu.memory_space<vmem>>
        %dma_start3A_450 = tpu.memref_squeeze %dma_start3A_449 : memref<1x128xi32, #tpu.memory_space<vmem>> -> memref<128xi32, #tpu.memory_space<vmem>>
        %dma_start3A_451 = arith.constant 0 : i32
        %dma_start3A_452 = tpu.memref_slice %arg26[%dma_start3A_451] : memref<10240xf32, #tpu.memory_space<vmem_shared>> -> memref<10240xf32, #tpu.memory_space<vmem_shared>>
        tpu.enqueue_indirect_dma source(%dma_start3A_452 : memref<10240xf32, #tpu.memory_space<vmem_shared>>) target(%arg13 : memref<128xf32, #tpu.memory_space<vmem>>) offsets(%dma_start3A_450 : memref<128xi32, #tpu.memory_space<vmem>>) semaphore(%arg30 : memref<!tpu.dma_semaphore, #tpu.memory_space<semaphore_mem>>)
      } else {
      }
      %mul3A_385 = arith.constant 8 : i32
      %mul3A_386 = arith.muli %scan3A_240, %mul3A_385 : i32
      %add3A_387 = arith.constant 3 : i32
      %add3A_388 = arith.addi %mul3A_386, %add3A_387 : i32
      %add3A_389 = arith.constant 8 : i32
      %add3A_390 = arith.addi %add3A_388, %add3A_389 : i32
      %lt3A_391 = arith.constant 160 : i32
      %lt3A_392 = arith.cmpi slt, %add3A_390, %lt3A_391 : i32
      %convert_element_type3A_393 = arith.extui %lt3A_392 : i1 to i32
      %cond3A_394 = arith.constant 0 : i32
      %cond3A_395 = arith.cmpi ne, %convert_element_type3A_393, %cond3A_394 : i32
      scf.if %cond3A_395 {
        %dma_wait3A_441 = arith.constant 0 : i32
        %dma_wait3A_442 = tpu.memref_slice %arg10[%add3A_388, %dma_wait3A_441] : memref<160x128xi32, #tpu.memory_space<vmem>> -> memref<1x128xi32, #tpu.memory_space<vmem>>
        %dma_wait3A_443 = tpu.memref_squeeze %dma_wait3A_442 : memref<1x128xi32, #tpu.memory_space<vmem>> -> memref<128xi32, #tpu.memory_space<vmem>>
        %dma_wait3A_444 = arith.constant 0 : i32
        %dma_wait3A_445 = tpu.memref_slice %arg27[%dma_wait3A_444] : memref<10240xf32, #tpu.memory_space<vmem_shared>> -> memref<10240xf32, #tpu.memory_space<vmem_shared>>
        tpu.wait_indirect_dma semaphore(%arg39 : memref<!tpu.dma_semaphore, #tpu.memory_space<semaphore_mem>>) src(%arg14 : memref<128xf32, #tpu.memory_space<vmem>>) dst(%dma_wait3A_445 : memref<10240xf32, #tpu.memory_space<vmem_shared>>)
        %add3A_446 = arith.constant 8 : i32
        %add3A_447 = arith.addi %add3A_388, %add3A_446 : i32
        %dma_start3A_448 = arith.constant 0 : i32
        %dma_start3A_449 = tpu.memref_slice %arg9[%add3A_447, %dma_start3A_448] : memref<160x128xi32, #tpu.memory_space<vmem>> -> memref<1x128xi32, #tpu.memory_space<vmem>>
        %dma_start3A_450 = tpu.memref_squeeze %dma_start3A_449 : memref<1x128xi32, #tpu.memory_space<vmem>> -> memref<128xi32, #tpu.memory_space<vmem>>
        %dma_start3A_451 = arith.constant 0 : i32
        %dma_start3A_452 = tpu.memref_slice %arg26[%dma_start3A_451] : memref<10240xf32, #tpu.memory_space<vmem_shared>> -> memref<10240xf32, #tpu.memory_space<vmem_shared>>
        tpu.enqueue_indirect_dma source(%dma_start3A_452 : memref<10240xf32, #tpu.memory_space<vmem_shared>>) target(%arg14 : memref<128xf32, #tpu.memory_space<vmem>>) offsets(%dma_start3A_450 : memref<128xi32, #tpu.memory_space<vmem>>) semaphore(%arg31 : memref<!tpu.dma_semaphore, #tpu.memory_space<semaphore_mem>>)
      } else {
      }
      %mul3A_396 = arith.constant 8 : i32
      %mul3A_397 = arith.muli %scan3A_240, %mul3A_396 : i32
      %add3A_398 = arith.constant 4 : i32
      %add3A_399 = arith.addi %mul3A_397, %add3A_398 : i32
      %add3A_400 = arith.constant 8 : i32
      %add3A_401 = arith.addi %add3A_399, %add3A_400 : i32
      %lt3A_402 = arith.constant 160 : i32
      %lt3A_403 = arith.cmpi slt, %add3A_401, %lt3A_402 : i32
      %convert_element_type3A_404 = arith.extui %lt3A_403 : i1 to i32
      %cond3A_405 = arith.constant 0 : i32
      %cond3A_406 = arith.cmpi ne, %convert_element_type3A_404, %cond3A_405 : i32
      scf.if %cond3A_406 {
        %dma_wait3A_441 = arith.constant 0 : i32
        %dma_wait3A_442 = tpu.memref_slice %arg10[%add3A_399, %dma_wait3A_441] : memref<160x128xi32, #tpu.memory_space<vmem>> -> memref<1x128xi32, #tpu.memory_space<vmem>>
        %dma_wait3A_443 = tpu.memref_squeeze %dma_wait3A_442 : memref<1x128xi32, #tpu.memory_space<vmem>> -> memref<128xi32, #tpu.memory_space<vmem>>
        %dma_wait3A_444 = arith.constant 0 : i32
        %dma_wait3A_445 = tpu.memref_slice %arg27[%dma_wait3A_444] : memref<10240xf32, #tpu.memory_space<vmem_shared>> -> memref<10240xf32, #tpu.memory_space<vmem_shared>>
        tpu.wait_indirect_dma semaphore(%arg40 : memref<!tpu.dma_semaphore, #tpu.memory_space<semaphore_mem>>) src(%arg15 : memref<128xf32, #tpu.memory_space<vmem>>) dst(%dma_wait3A_445 : memref<10240xf32, #tpu.memory_space<vmem_shared>>)
        %add3A_446 = arith.constant 8 : i32
        %add3A_447 = arith.addi %add3A_399, %add3A_446 : i32
        %dma_start3A_448 = arith.constant 0 : i32
        %dma_start3A_449 = tpu.memref_slice %arg9[%add3A_447, %dma_start3A_448] : memref<160x128xi32, #tpu.memory_space<vmem>> -> memref<1x128xi32, #tpu.memory_space<vmem>>
        %dma_start3A_450 = tpu.memref_squeeze %dma_start3A_449 : memref<1x128xi32, #tpu.memory_space<vmem>> -> memref<128xi32, #tpu.memory_space<vmem>>
        %dma_start3A_451 = arith.constant 0 : i32
        %dma_start3A_452 = tpu.memref_slice %arg26[%dma_start3A_451] : memref<10240xf32, #tpu.memory_space<vmem_shared>> -> memref<10240xf32, #tpu.memory_space<vmem_shared>>
        tpu.enqueue_indirect_dma source(%dma_start3A_452 : memref<10240xf32, #tpu.memory_space<vmem_shared>>) target(%arg15 : memref<128xf32, #tpu.memory_space<vmem>>) offsets(%dma_start3A_450 : memref<128xi32, #tpu.memory_space<vmem>>) semaphore(%arg32 : memref<!tpu.dma_semaphore, #tpu.memory_space<semaphore_mem>>)
      } else {
      }
      %mul3A_407 = arith.constant 8 : i32
      %mul3A_408 = arith.muli %scan3A_240, %mul3A_407 : i32
      %add3A_409 = arith.constant 5 : i32
      %add3A_410 = arith.addi %mul3A_408, %add3A_409 : i32
      %add3A_411 = arith.constant 8 : i32
      %add3A_412 = arith.addi %add3A_410, %add3A_411 : i32
      %lt3A_413 = arith.constant 160 : i32
      %lt3A_414 = arith.cmpi slt, %add3A_412, %lt3A_413 : i32
      %convert_element_type3A_415 = arith.extui %lt3A_414 : i1 to i32
      %cond3A_416 = arith.constant 0 : i32
      %cond3A_417 = arith.cmpi ne, %convert_element_type3A_415, %cond3A_416 : i32
      scf.if %cond3A_417 {
        %dma_wait3A_441 = arith.constant 0 : i32
        %dma_wait3A_442 = tpu.memref_slice %arg10[%add3A_410, %dma_wait3A_441] : memref<160x128xi32, #tpu.memory_space<vmem>> -> memref<1x128xi32, #tpu.memory_space<vmem>>
        %dma_wait3A_443 = tpu.memref_squeeze %dma_wait3A_442 : memref<1x128xi32, #tpu.memory_space<vmem>> -> memref<128xi32, #tpu.memory_space<vmem>>
        %dma_wait3A_444 = arith.constant 0 : i32
        %dma_wait3A_445 = tpu.memref_slice %arg27[%dma_wait3A_444] : memref<10240xf32, #tpu.memory_space<vmem_shared>> -> memref<10240xf32, #tpu.memory_space<vmem_shared>>
        tpu.wait_indirect_dma semaphore(%arg41 : memref<!tpu.dma_semaphore, #tpu.memory_space<semaphore_mem>>) src(%arg16 : memref<128xf32, #tpu.memory_space<vmem>>) dst(%dma_wait3A_445 : memref<10240xf32, #tpu.memory_space<vmem_shared>>)
        %add3A_446 = arith.constant 8 : i32
        %add3A_447 = arith.addi %add3A_410, %add3A_446 : i32
        %dma_start3A_448 = arith.constant 0 : i32
        %dma_start3A_449 = tpu.memref_slice %arg9[%add3A_447, %dma_start3A_448] : memref<160x128xi32, #tpu.memory_space<vmem>> -> memref<1x128xi32, #tpu.memory_space<vmem>>
        %dma_start3A_450 = tpu.memref_squeeze %dma_start3A_449 : memref<1x128xi32, #tpu.memory_space<vmem>> -> memref<128xi32, #tpu.memory_space<vmem>>
        %dma_start3A_451 = arith.constant 0 : i32
        %dma_start3A_452 = tpu.memref_slice %arg26[%dma_start3A_451] : memref<10240xf32, #tpu.memory_space<vmem_shared>> -> memref<10240xf32, #tpu.memory_space<vmem_shared>>
        tpu.enqueue_indirect_dma source(%dma_start3A_452 : memref<10240xf32, #tpu.memory_space<vmem_shared>>) target(%arg16 : memref<128xf32, #tpu.memory_space<vmem>>) offsets(%dma_start3A_450 : memref<128xi32, #tpu.memory_space<vmem>>) semaphore(%arg33 : memref<!tpu.dma_semaphore, #tpu.memory_space<semaphore_mem>>)
      } else {
      }
      %mul3A_418 = arith.constant 8 : i32
      %mul3A_419 = arith.muli %scan3A_240, %mul3A_418 : i32
      %add3A_420 = arith.constant 6 : i32
      %add3A_421 = arith.addi %mul3A_419, %add3A_420 : i32
      %add3A_422 = arith.constant 8 : i32
      %add3A_423 = arith.addi %add3A_421, %add3A_422 : i32
      %lt3A_424 = arith.constant 160 : i32
      %lt3A_425 = arith.cmpi slt, %add3A_423, %lt3A_424 : i32
      %convert_element_type3A_426 = arith.extui %lt3A_425 : i1 to i32
      %cond3A_427 = arith.constant 0 : i32
      %cond3A_428 = arith.cmpi ne, %convert_element_type3A_426, %cond3A_427 : i32
      scf.if %cond3A_428 {
        %dma_wait3A_441 = arith.constant 0 : i32
        %dma_wait3A_442 = tpu.memref_slice %arg10[%add3A_421, %dma_wait3A_441] : memref<160x128xi32, #tpu.memory_space<vmem>> -> memref<1x128xi32, #tpu.memory_space<vmem>>
        %dma_wait3A_443 = tpu.memref_squeeze %dma_wait3A_442 : memref<1x128xi32, #tpu.memory_space<vmem>> -> memref<128xi32, #tpu.memory_space<vmem>>
        %dma_wait3A_444 = arith.constant 0 : i32
        %dma_wait3A_445 = tpu.memref_slice %arg27[%dma_wait3A_444] : memref<10240xf32, #tpu.memory_space<vmem_shared>> -> memref<10240xf32, #tpu.memory_space<vmem_shared>>
        tpu.wait_indirect_dma semaphore(%arg42 : memref<!tpu.dma_semaphore, #tpu.memory_space<semaphore_mem>>) src(%arg17 : memref<128xf32, #tpu.memory_space<vmem>>) dst(%dma_wait3A_445 : memref<10240xf32, #tpu.memory_space<vmem_shared>>)
        %add3A_446 = arith.constant 8 : i32
        %add3A_447 = arith.addi %add3A_421, %add3A_446 : i32
        %dma_start3A_448 = arith.constant 0 : i32
        %dma_start3A_449 = tpu.memref_slice %arg9[%add3A_447, %dma_start3A_448] : memref<160x128xi32, #tpu.memory_space<vmem>> -> memref<1x128xi32, #tpu.memory_space<vmem>>
        %dma_start3A_450 = tpu.memref_squeeze %dma_start3A_449 : memref<1x128xi32, #tpu.memory_space<vmem>> -> memref<128xi32, #tpu.memory_space<vmem>>
        %dma_start3A_451 = arith.constant 0 : i32
        %dma_start3A_452 = tpu.memref_slice %arg26[%dma_start3A_451] : memref<10240xf32, #tpu.memory_space<vmem_shared>> -> memref<10240xf32, #tpu.memory_space<vmem_shared>>
        tpu.enqueue_indirect_dma source(%dma_start3A_452 : memref<10240xf32, #tpu.memory_space<vmem_shared>>) target(%arg17 : memref<128xf32, #tpu.memory_space<vmem>>) offsets(%dma_start3A_450 : memref<128xi32, #tpu.memory_space<vmem>>) semaphore(%arg34 : memref<!tpu.dma_semaphore, #tpu.memory_space<semaphore_mem>>)
      } else {
      }
      %mul3A_429 = arith.constant 8 : i32
      %mul3A_430 = arith.muli %scan3A_240, %mul3A_429 : i32
      %add3A_431 = arith.constant 7 : i32
      %add3A_432 = arith.addi %mul3A_430, %add3A_431 : i32
      %add3A_433 = arith.constant 8 : i32
      %add3A_434 = arith.addi %add3A_432, %add3A_433 : i32
      %lt3A_435 = arith.constant 160 : i32
      %lt3A_436 = arith.cmpi slt, %add3A_434, %lt3A_435 : i32
      %convert_element_type3A_437 = arith.extui %lt3A_436 : i1 to i32
      %cond3A_438 = arith.constant 0 : i32
      %cond3A_439 = arith.cmpi ne, %convert_element_type3A_437, %cond3A_438 : i32
      scf.if %cond3A_439 {
        %dma_wait3A_441 = arith.constant 0 : i32
        %dma_wait3A_442 = tpu.memref_slice %arg10[%add3A_432, %dma_wait3A_441] : memref<160x128xi32, #tpu.memory_space<vmem>> -> memref<1x128xi32, #tpu.memory_space<vmem>>
        %dma_wait3A_443 = tpu.memref_squeeze %dma_wait3A_442 : memref<1x128xi32, #tpu.memory_space<vmem>> -> memref<128xi32, #tpu.memory_space<vmem>>
        %dma_wait3A_444 = arith.constant 0 : i32
        %dma_wait3A_445 = tpu.memref_slice %arg27[%dma_wait3A_444] : memref<10240xf32, #tpu.memory_space<vmem_shared>> -> memref<10240xf32, #tpu.memory_space<vmem_shared>>
        tpu.wait_indirect_dma semaphore(%arg43 : memref<!tpu.dma_semaphore, #tpu.memory_space<semaphore_mem>>) src(%arg18 : memref<128xf32, #tpu.memory_space<vmem>>) dst(%dma_wait3A_445 : memref<10240xf32, #tpu.memory_space<vmem_shared>>)
        %add3A_446 = arith.constant 8 : i32
        %add3A_447 = arith.addi %add3A_432, %add3A_446 : i32
        %dma_start3A_448 = arith.constant 0 : i32
        %dma_start3A_449 = tpu.memref_slice %arg9[%add3A_447, %dma_start3A_448] : memref<160x128xi32, #tpu.memory_space<vmem>> -> memref<1x128xi32, #tpu.memory_space<vmem>>
        %dma_start3A_450 = tpu.memref_squeeze %dma_start3A_449 : memref<1x128xi32, #tpu.memory_space<vmem>> -> memref<128xi32, #tpu.memory_space<vmem>>
        %dma_start3A_451 = arith.constant 0 : i32
        %dma_start3A_452 = tpu.memref_slice %arg26[%dma_start3A_451] : memref<10240xf32, #tpu.memory_space<vmem_shared>> -> memref<10240xf32, #tpu.memory_space<vmem_shared>>
        tpu.enqueue_indirect_dma source(%dma_start3A_452 : memref<10240xf32, #tpu.memory_space<vmem_shared>>) target(%arg18 : memref<128xf32, #tpu.memory_space<vmem>>) offsets(%dma_start3A_450 : memref<128xi32, #tpu.memory_space<vmem>>) semaphore(%arg35 : memref<!tpu.dma_semaphore, #tpu.memory_space<semaphore_mem>>)
      } else {
      }
      %scan3A_440 = arith.constant 0 : i32
      scf.yield %scan3A_440 : i32
    }
    %scan3A_65 = arith.constant 20 : i32
    %dma_wait3A = arith.constant 152 : i32
    %dma_wait3A_66 = arith.constant 0 : i32
    %dma_wait3A_67 = tpu.memref_slice %arg10[%dma_wait3A, %dma_wait3A_66] : memref<160x128xi32, #tpu.memory_space<vmem>> -> memref<1x128xi32, #tpu.memory_space<vmem>>
    %dma_wait3A_68 = tpu.memref_squeeze %dma_wait3A_67 : memref<1x128xi32, #tpu.memory_space<vmem>> -> memref<128xi32, #tpu.memory_space<vmem>>
    %dma_wait3A_69 = arith.constant 0 : i32
    %dma_wait3A_70 = tpu.memref_slice %arg27[%dma_wait3A_69] : memref<10240xf32, #tpu.memory_space<vmem_shared>> -> memref<10240xf32, #tpu.memory_space<vmem_shared>>
    tpu.wait_indirect_dma semaphore(%arg36 : memref<!tpu.dma_semaphore, #tpu.memory_space<semaphore_mem>>) src(%arg11 : memref<128xf32, #tpu.memory_space<vmem>>) dst(%dma_wait3A_70 : memref<10240xf32, #tpu.memory_space<vmem_shared>>)
    %dma_wait3A_71 = arith.constant 153 : i32
    %dma_wait3A_72 = arith.constant 0 : i32
    %dma_wait3A_73 = tpu.memref_slice %arg10[%dma_wait3A_71, %dma_wait3A_72] : memref<160x128xi32, #tpu.memory_space<vmem>> -> memref<1x128xi32, #tpu.memory_space<vmem>>
    %dma_wait3A_74 = tpu.memref_squeeze %dma_wait3A_73 : memref<1x128xi32, #tpu.memory_space<vmem>> -> memref<128xi32, #tpu.memory_space<vmem>>
    %dma_wait3A_75 = arith.constant 0 : i32
    %dma_wait3A_76 = tpu.memref_slice %arg27[%dma_wait3A_75] : memref<10240xf32, #tpu.memory_space<vmem_shared>> -> memref<10240xf32, #tpu.memory_space<vmem_shared>>
    tpu.wait_indirect_dma semaphore(%arg37 : memref<!tpu.dma_semaphore, #tpu.memory_space<semaphore_mem>>) src(%arg12 : memref<128xf32, #tpu.memory_space<vmem>>) dst(%dma_wait3A_76 : memref<10240xf32, #tpu.memory_space<vmem_shared>>)
    %dma_wait3A_77 = arith.constant 154 : i32
    %dma_wait3A_78 = arith.constant 0 : i32
    %dma_wait3A_79 = tpu.memref_slice %arg10[%dma_wait3A_77, %dma_wait3A_78] : memref<160x128xi32, #tpu.memory_space<vmem>> -> memref<1x128xi32, #tpu.memory_space<vmem>>
    %dma_wait3A_80 = tpu.memref_squeeze %dma_wait3A_79 : memref<1x128xi32, #tpu.memory_space<vmem>> -> memref<128xi32, #tpu.memory_space<vmem>>
    %dma_wait3A_81 = arith.constant 0 : i32
    %dma_wait3A_82 = tpu.memref_slice %arg27[%dma_wait3A_81] : memref<10240xf32, #tpu.memory_space<vmem_shared>> -> memref<10240xf32, #tpu.memory_space<vmem_shared>>
    tpu.wait_indirect_dma semaphore(%arg38 : memref<!tpu.dma_semaphore, #tpu.memory_space<semaphore_mem>>) src(%arg13 : memref<128xf32, #tpu.memory_space<vmem>>) dst(%dma_wait3A_82 : memref<10240xf32, #tpu.memory_space<vmem_shared>>)
    %dma_wait3A_83 = arith.constant 155 : i32
    %dma_wait3A_84 = arith.constant 0 : i32
    %dma_wait3A_85 = tpu.memref_slice %arg10[%dma_wait3A_83, %dma_wait3A_84] : memref<160x128xi32, #tpu.memory_space<vmem>> -> memref<1x128xi32, #tpu.memory_space<vmem>>
    %dma_wait3A_86 = tpu.memref_squeeze %dma_wait3A_85 : memref<1x128xi32, #tpu.memory_space<vmem>> -> memref<128xi32, #tpu.memory_space<vmem>>
    %dma_wait3A_87 = arith.constant 0 : i32
    %dma_wait3A_88 = tpu.memref_slice %arg27[%dma_wait3A_87] : memref<10240xf32, #tpu.memory_space<vmem_shared>> -> memref<10240xf32, #tpu.memory_space<vmem_shared>>
    tpu.wait_indirect_dma semaphore(%arg39 : memref<!tpu.dma_semaphore, #tpu.memory_space<semaphore_mem>>) src(%arg14 : memref<128xf32, #tpu.memory_space<vmem>>) dst(%dma_wait3A_88 : memref<10240xf32, #tpu.memory_space<vmem_shared>>)
    %dma_wait3A_89 = arith.constant 156 : i32
    %dma_wait3A_90 = arith.constant 0 : i32
    %dma_wait3A_91 = tpu.memref_slice %arg10[%dma_wait3A_89, %dma_wait3A_90] : memref<160x128xi32, #tpu.memory_space<vmem>> -> memref<1x128xi32, #tpu.memory_space<vmem>>
    %dma_wait3A_92 = tpu.memref_squeeze %dma_wait3A_91 : memref<1x128xi32, #tpu.memory_space<vmem>> -> memref<128xi32, #tpu.memory_space<vmem>>
    %dma_wait3A_93 = arith.constant 0 : i32
    %dma_wait3A_94 = tpu.memref_slice %arg27[%dma_wait3A_93] : memref<10240xf32, #tpu.memory_space<vmem_shared>> -> memref<10240xf32, #tpu.memory_space<vmem_shared>>
    tpu.wait_indirect_dma semaphore(%arg40 : memref<!tpu.dma_semaphore, #tpu.memory_space<semaphore_mem>>) src(%arg15 : memref<128xf32, #tpu.memory_space<vmem>>) dst(%dma_wait3A_94 : memref<10240xf32, #tpu.memory_space<vmem_shared>>)
    %dma_wait3A_95 = arith.constant 157 : i32
    %dma_wait3A_96 = arith.constant 0 : i32
    %dma_wait3A_97 = tpu.memref_slice %arg10[%dma_wait3A_95, %dma_wait3A_96] : memref<160x128xi32, #tpu.memory_space<vmem>> -> memref<1x128xi32, #tpu.memory_space<vmem>>
    %dma_wait3A_98 = tpu.memref_squeeze %dma_wait3A_97 : memref<1x128xi32, #tpu.memory_space<vmem>> -> memref<128xi32, #tpu.memory_space<vmem>>
    %dma_wait3A_99 = arith.constant 0 : i32
    %dma_wait3A_100 = tpu.memref_slice %arg27[%dma_wait3A_99] : memref<10240xf32, #tpu.memory_space<vmem_shared>> -> memref<10240xf32, #tpu.memory_space<vmem_shared>>
    tpu.wait_indirect_dma semaphore(%arg41 : memref<!tpu.dma_semaphore, #tpu.memory_space<semaphore_mem>>) src(%arg16 : memref<128xf32, #tpu.memory_space<vmem>>) dst(%dma_wait3A_100 : memref<10240xf32, #tpu.memory_space<vmem_shared>>)
    %dma_wait3A_101 = arith.constant 158 : i32
    %dma_wait3A_102 = arith.constant 0 : i32
    %dma_wait3A_103 = tpu.memref_slice %arg10[%dma_wait3A_101, %dma_wait3A_102] : memref<160x128xi32, #tpu.memory_space<vmem>> -> memref<1x128xi32, #tpu.memory_space<vmem>>
    %dma_wait3A_104 = tpu.memref_squeeze %dma_wait3A_103 : memref<1x128xi32, #tpu.memory_space<vmem>> -> memref<128xi32, #tpu.memory_space<vmem>>
    %dma_wait3A_105 = arith.constant 0 : i32
    %dma_wait3A_106 = tpu.memref_slice %arg27[%dma_wait3A_105] : memref<10240xf32, #tpu.memory_space<vmem_shared>> -> memref<10240xf32, #tpu.memory_space<vmem_shared>>
    tpu.wait_indirect_dma semaphore(%arg42 : memref<!tpu.dma_semaphore, #tpu.memory_space<semaphore_mem>>) src(%arg17 : memref<128xf32, #tpu.memory_space<vmem>>) dst(%dma_wait3A_106 : memref<10240xf32, #tpu.memory_space<vmem_shared>>)
    %dma_wait3A_107 = arith.constant 159 : i32
    %dma_wait3A_108 = arith.constant 0 : i32
    %dma_wait3A_109 = tpu.memref_slice %arg10[%dma_wait3A_107, %dma_wait3A_108] : memref<160x128xi32, #tpu.memory_space<vmem>> -> memref<1x128xi32, #tpu.memory_space<vmem>>
    %dma_wait3A_110 = tpu.memref_squeeze %dma_wait3A_109 : memref<1x128xi32, #tpu.memory_space<vmem>> -> memref<128xi32, #tpu.memory_space<vmem>>
    %dma_wait3A_111 = arith.constant 0 : i32
    %dma_wait3A_112 = tpu.memref_slice %arg27[%dma_wait3A_111] : memref<10240xf32, #tpu.memory_space<vmem_shared>> -> memref<10240xf32, #tpu.memory_space<vmem_shared>>
    tpu.wait_indirect_dma semaphore(%arg43 : memref<!tpu.dma_semaphore, #tpu.memory_space<semaphore_mem>>) src(%arg18 : memref<128xf32, #tpu.memory_space<vmem>>) dst(%dma_wait3A_112 : memref<10240xf32, #tpu.memory_space<vmem_shared>>)
    %barrier3A_113 = arith.constant 0 : index
    tpu.barrier barrier_id(%barrier3A_113)
    "tpu.region"() ({
      %run_scoped3A = tpu.sem_alloc : memref<!tpu.dma_semaphore, #tpu.memory_space<semaphore_mem>>
      %dma_start3A_240 = tpu.memref_slice %arg27[%mul3A_0] : memref<10240xf32, #tpu.memory_space<vmem_shared>> -> memref<640xf32, #tpu.memory_space<vmem_shared>>
      %dma_start3A_241 = tpu.memref_slice %arg27[%mul3A_0] : memref<10240xf32, #tpu.memory_space<vmem_shared>> -> memref<640xf32, #tpu.memory_space<vmem_shared>>
      tpu.enqueue_dma source(%dma_start3A_241 : memref<640xf32, #tpu.memory_space<vmem_shared>>) target(%arg22 : memref<640xf32, #tpu.memory_space<vmem>>) target_semaphore(%run_scoped3A : memref<!tpu.dma_semaphore, #tpu.memory_space<semaphore_mem>>)
      %dma_wait3A_242 = tpu.memref_slice %arg27[%mul3A_0] : memref<10240xf32, #tpu.memory_space<vmem_shared>> -> memref<640xf32, #tpu.memory_space<vmem_shared>>
      %dma_wait3A_243 = tpu.memref_slice %arg27[%mul3A_0] : memref<10240xf32, #tpu.memory_space<vmem_shared>> -> memref<640xf32, #tpu.memory_space<vmem_shared>>
      tpu.wait_dma2 semaphore(%run_scoped3A : memref<!tpu.dma_semaphore, #tpu.memory_space<semaphore_mem>>) src(%dma_wait3A_243 : memref<640xf32, #tpu.memory_space<vmem_shared>>) dst(%arg22 : memref<640xf32, #tpu.memory_space<vmem>>)
      tpu.yield
    }) : () -> ()
    %get3A = arith.constant 0 : index
    %get3A_114 = tpu.vector_load %arg24[%get3A] {strides = array<i32>} : memref<16xf32, #tpu.memory_space<vmem>>, vector<16xf32>,
    %get3A_115 = vector.shape_cast %get3A_114 : vector<16xf32> to vector<16xf32>
    %scan3A_116 = arith.constant 0 : i32
    %scan3A_117 = arith.constant 0 : i32
    %scan3A_118 = arith.constant 40 : i32
    %scan3A_119 = arith.addi %scan3A_117, %scan3A_118 : i32
    %scan3A_120 = arith.constant 1 : i32
    %scan3A_121 = scf.for %scan3A_240 = %scan3A_117 to %scan3A_119 step %scan3A_120 iter_args(%scan3A_241 = %scan3A_116) -> (i32)  : i32 {
      %mul3A_242 = arith.constant 16 : i32
      %mul3A_243 = arith.muli %scan3A_240, %mul3A_242 : i32
      %get3A_244 = arith.index_cast %mul3A_243 : i32 to index
      %get3A_245 = tpu.vector_load %arg21[%get3A_244] {strides = array<i32>} : memref<640xf32, #tpu.memory_space<vmem>>, vector<16xf32>,
      %get3A_246 = vector.shape_cast %get3A_245 : vector<16xf32> to vector<16xf32>
      %get3A_247 = arith.index_cast %mul3A_243 : i32 to index
      %get3A_248 = tpu.vector_load %arg22[%get3A_247] {strides = array<i32>} : memref<640xf32, #tpu.memory_space<vmem>>, vector<16xf32>,
      %get3A_249 = vector.shape_cast %get3A_248 : vector<16xf32> to vector<16xf32>
      %get3A_250 = arith.index_cast %mul3A_243 : i32 to index
      %get3A_251 = tpu.vector_load %arg20[%get3A_250] {strides = array<i32>} : memref<640xf32, #tpu.memory_space<vmem>>, vector<16xf32>,
      %get3A_252 = vector.shape_cast %get3A_251 : vector<16xf32> to vector<16xf32>
      %add3A = arith.addf %get3A_249, %get3A_252 : vector<16xf32>
      %mul3A_253 = arith.mulf %get3A_246, %add3A : vector<16xf32>
      %add3A_254 = arith.addf %mul3A_253, %get3A_115 : vector<16xf32>
      %mul3A_255 = arith.mulf %get3A_246, %add3A_254 : vector<16xf32>
      %swap3A = arith.index_cast %mul3A_243 : i32 to index
      %swap3A_256 = tpu.vector_load %arg23[%swap3A] {strides = array<i32>} : memref<640xf32, #tpu.memory_space<vmem>>, vector<16xf32>,
      %swap3A_257 = vector.shape_cast %swap3A_256 : vector<16xf32> to vector<16xf32>
      %swap3A_258 = vector.shape_cast %mul3A_255 : vector<16xf32> to vector<16xf32>
      tpu.vector_store %arg23[%swap3A], %swap3A_258 {strides = array<i32>} : memref<640xf32, #tpu.memory_space<vmem>>, vector<16xf32>,
      %scan3A_259 = arith.constant 0 : i32
      scf.yield %scan3A_259 : i32
    }
    %scan3A_122 = arith.constant 40 : i32
    "tpu.region"() ({
      %run_scoped3A = tpu.sem_alloc : memref<!tpu.dma_semaphore, #tpu.memory_space<semaphore_mem>>
      %dma_start3A_240 = tpu.memref_slice %arg27[%mul3A_0] : memref<10240xf32, #tpu.memory_space<vmem_shared>> -> memref<640xf32, #tpu.memory_space<vmem_shared>>
      %dma_start3A_241 = tpu.memref_slice %arg27[%mul3A_0] : memref<10240xf32, #tpu.memory_space<vmem_shared>> -> memref<640xf32, #tpu.memory_space<vmem_shared>>
      tpu.enqueue_dma source(%arg19 : memref<640xf32, #tpu.memory_space<vmem>>) target(%dma_start3A_241 : memref<640xf32, #tpu.memory_space<vmem_shared>>) target_semaphore(%run_scoped3A : memref<!tpu.dma_semaphore, #tpu.memory_space<semaphore_mem>>)
      %dma_wait3A_242 = tpu.memref_slice %arg27[%mul3A_0] : memref<10240xf32, #tpu.memory_space<vmem_shared>> -> memref<640xf32, #tpu.memory_space<vmem_shared>>
      %dma_wait3A_243 = tpu.memref_slice %arg27[%mul3A_0] : memref<10240xf32, #tpu.memory_space<vmem_shared>> -> memref<640xf32, #tpu.memory_space<vmem_shared>>
      tpu.wait_dma2 semaphore(%run_scoped3A : memref<!tpu.dma_semaphore, #tpu.memory_space<semaphore_mem>>) src(%arg19 : memref<640xf32, #tpu.memory_space<vmem>>) dst(%dma_wait3A_243 : memref<640xf32, #tpu.memory_space<vmem_shared>>)
      tpu.yield
    }) : () -> ()
    "tpu.region"() ({
      %run_scoped3A = tpu.sem_alloc : memref<!tpu.dma_semaphore, #tpu.memory_space<semaphore_mem>>
      %dma_start3A_240 = tpu.memref_slice %arg26[%mul3A_0] : memref<10240xf32, #tpu.memory_space<vmem_shared>> -> memref<640xf32, #tpu.memory_space<vmem_shared>>
      %dma_start3A_241 = tpu.memref_slice %arg26[%mul3A_0] : memref<10240xf32, #tpu.memory_space<vmem_shared>> -> memref<640xf32, #tpu.memory_space<vmem_shared>>
      tpu.enqueue_dma source(%arg23 : memref<640xf32, #tpu.memory_space<vmem>>) target(%dma_start3A_241 : memref<640xf32, #tpu.memory_space<vmem_shared>>) target_semaphore(%run_scoped3A : memref<!tpu.dma_semaphore, #tpu.memory_space<semaphore_mem>>)
      %dma_wait3A_242 = tpu.memref_slice %arg26[%mul3A_0] : memref<10240xf32, #tpu.memory_space<vmem_shared>> -> memref<640xf32, #tpu.memory_space<vmem_shared>>
      %dma_wait3A_243 = tpu.memref_slice %arg26[%mul3A_0] : memref<10240xf32, #tpu.memory_space<vmem_shared>> -> memref<640xf32, #tpu.memory_space<vmem_shared>>
      tpu.wait_dma2 semaphore(%run_scoped3A : memref<!tpu.dma_semaphore, #tpu.memory_space<semaphore_mem>>) src(%arg23 : memref<640xf32, #tpu.memory_space<vmem>>) dst(%dma_wait3A_243 : memref<640xf32, #tpu.memory_space<vmem_shared>>)
      tpu.yield
    }) : () -> ()
    %barrier3A_123 = arith.constant 0 : index
    tpu.barrier barrier_id(%barrier3A_123)
    %dma_start3A_124 = arith.constant 0 : i32
    %dma_start3A_125 = arith.constant 0 : i32
    %dma_start3A_126 = tpu.memref_slice %arg9[%dma_start3A_124, %dma_start3A_125] : memref<160x128xi32, #tpu.memory_space<vmem>> -> memref<1x128xi32, #tpu.memory_space<vmem>>
    %dma_start3A_127 = tpu.memref_squeeze %dma_start3A_126 : memref<1x128xi32, #tpu.memory_space<vmem>> -> memref<128xi32, #tpu.memory_space<vmem>>
    %dma_start3A_128 = arith.constant 0 : i32
    %dma_start3A_129 = tpu.memref_slice %arg26[%dma_start3A_128] : memref<10240xf32, #tpu.memory_space<vmem_shared>> -> memref<10240xf32, #tpu.memory_space<vmem_shared>>
    tpu.enqueue_indirect_dma source(%dma_start3A_129 : memref<10240xf32, #tpu.memory_space<vmem_shared>>) target(%arg11 : memref<128xf32, #tpu.memory_space<vmem>>) offsets(%dma_start3A_127 : memref<128xi32, #tpu.memory_space<vmem>>) semaphore(%arg28 : memref<!tpu.dma_semaphore, #tpu.memory_space<semaphore_mem>>)
    %dma_start3A_130 = arith.constant 1 : i32
    %dma_start3A_131 = arith.constant 0 : i32
    %dma_start3A_132 = tpu.memref_slice %arg9[%dma_start3A_130, %dma_start3A_131] : memref<160x128xi32, #tpu.memory_space<vmem>> -> memref<1x128xi32, #tpu.memory_space<vmem>>
    %dma_start3A_133 = tpu.memref_squeeze %dma_start3A_132 : memref<1x128xi32, #tpu.memory_space<vmem>> -> memref<128xi32, #tpu.memory_space<vmem>>
    %dma_start3A_134 = arith.constant 0 : i32
    %dma_start3A_135 = tpu.memref_slice %arg26[%dma_start3A_134] : memref<10240xf32, #tpu.memory_space<vmem_shared>> -> memref<10240xf32, #tpu.memory_space<vmem_shared>>
    tpu.enqueue_indirect_dma source(%dma_start3A_135 : memref<10240xf32, #tpu.memory_space<vmem_shared>>) target(%arg12 : memref<128xf32, #tpu.memory_space<vmem>>) offsets(%dma_start3A_133 : memref<128xi32, #tpu.memory_space<vmem>>) semaphore(%arg29 : memref<!tpu.dma_semaphore, #tpu.memory_space<semaphore_mem>>)
    %dma_start3A_136 = arith.constant 2 : i32
    %dma_start3A_137 = arith.constant 0 : i32
    %dma_start3A_138 = tpu.memref_slice %arg9[%dma_start3A_136, %dma_start3A_137] : memref<160x128xi32, #tpu.memory_space<vmem>> -> memref<1x128xi32, #tpu.memory_space<vmem>>
    %dma_start3A_139 = tpu.memref_squeeze %dma_start3A_138 : memref<1x128xi32, #tpu.memory_space<vmem>> -> memref<128xi32, #tpu.memory_space<vmem>>
    %dma_start3A_140 = arith.constant 0 : i32
    %dma_start3A_141 = tpu.memref_slice %arg26[%dma_start3A_140] : memref<10240xf32, #tpu.memory_space<vmem_shared>> -> memref<10240xf32, #tpu.memory_space<vmem_shared>>
    tpu.enqueue_indirect_dma source(%dma_start3A_141 : memref<10240xf32, #tpu.memory_space<vmem_shared>>) target(%arg13 : memref<128xf32, #tpu.memory_space<vmem>>) offsets(%dma_start3A_139 : memref<128xi32, #tpu.memory_space<vmem>>) semaphore(%arg30 : memref<!tpu.dma_semaphore, #tpu.memory_space<semaphore_mem>>)
    %dma_start3A_142 = arith.constant 3 : i32
    %dma_start3A_143 = arith.constant 0 : i32
    %dma_start3A_144 = tpu.memref_slice %arg9[%dma_start3A_142, %dma_start3A_143] : memref<160x128xi32, #tpu.memory_space<vmem>> -> memref<1x128xi32, #tpu.memory_space<vmem>>
    %dma_start3A_145 = tpu.memref_squeeze %dma_start3A_144 : memref<1x128xi32, #tpu.memory_space<vmem>> -> memref<128xi32, #tpu.memory_space<vmem>>
    %dma_start3A_146 = arith.constant 0 : i32
    %dma_start3A_147 = tpu.memref_slice %arg26[%dma_start3A_146] : memref<10240xf32, #tpu.memory_space<vmem_shared>> -> memref<10240xf32, #tpu.memory_space<vmem_shared>>
    tpu.enqueue_indirect_dma source(%dma_start3A_147 : memref<10240xf32, #tpu.memory_space<vmem_shared>>) target(%arg14 : memref<128xf32, #tpu.memory_space<vmem>>) offsets(%dma_start3A_145 : memref<128xi32, #tpu.memory_space<vmem>>) semaphore(%arg31 : memref<!tpu.dma_semaphore, #tpu.memory_space<semaphore_mem>>)
    %dma_start3A_148 = arith.constant 4 : i32
    %dma_start3A_149 = arith.constant 0 : i32
    %dma_start3A_150 = tpu.memref_slice %arg9[%dma_start3A_148, %dma_start3A_149] : memref<160x128xi32, #tpu.memory_space<vmem>> -> memref<1x128xi32, #tpu.memory_space<vmem>>
    %dma_start3A_151 = tpu.memref_squeeze %dma_start3A_150 : memref<1x128xi32, #tpu.memory_space<vmem>> -> memref<128xi32, #tpu.memory_space<vmem>>
    %dma_start3A_152 = arith.constant 0 : i32
    %dma_start3A_153 = tpu.memref_slice %arg26[%dma_start3A_152] : memref<10240xf32, #tpu.memory_space<vmem_shared>> -> memref<10240xf32, #tpu.memory_space<vmem_shared>>
    tpu.enqueue_indirect_dma source(%dma_start3A_153 : memref<10240xf32, #tpu.memory_space<vmem_shared>>) target(%arg15 : memref<128xf32, #tpu.memory_space<vmem>>) offsets(%dma_start3A_151 : memref<128xi32, #tpu.memory_space<vmem>>) semaphore(%arg32 : memref<!tpu.dma_semaphore, #tpu.memory_space<semaphore_mem>>)
    %dma_start3A_154 = arith.constant 5 : i32
    %dma_start3A_155 = arith.constant 0 : i32
    %dma_start3A_156 = tpu.memref_slice %arg9[%dma_start3A_154, %dma_start3A_155] : memref<160x128xi32, #tpu.memory_space<vmem>> -> memref<1x128xi32, #tpu.memory_space<vmem>>
    %dma_start3A_157 = tpu.memref_squeeze %dma_start3A_156 : memref<1x128xi32, #tpu.memory_space<vmem>> -> memref<128xi32, #tpu.memory_space<vmem>>
    %dma_start3A_158 = arith.constant 0 : i32
    %dma_start3A_159 = tpu.memref_slice %arg26[%dma_start3A_158] : memref<10240xf32, #tpu.memory_space<vmem_shared>> -> memref<10240xf32, #tpu.memory_space<vmem_shared>>
    tpu.enqueue_indirect_dma source(%dma_start3A_159 : memref<10240xf32, #tpu.memory_space<vmem_shared>>) target(%arg16 : memref<128xf32, #tpu.memory_space<vmem>>) offsets(%dma_start3A_157 : memref<128xi32, #tpu.memory_space<vmem>>) semaphore(%arg33 : memref<!tpu.dma_semaphore, #tpu.memory_space<semaphore_mem>>)
    %dma_start3A_160 = arith.constant 6 : i32
    %dma_start3A_161 = arith.constant 0 : i32
    %dma_start3A_162 = tpu.memref_slice %arg9[%dma_start3A_160, %dma_start3A_161] : memref<160x128xi32, #tpu.memory_space<vmem>> -> memref<1x128xi32, #tpu.memory_space<vmem>>
    %dma_start3A_163 = tpu.memref_squeeze %dma_start3A_162 : memref<1x128xi32, #tpu.memory_space<vmem>> -> memref<128xi32, #tpu.memory_space<vmem>>
    %dma_start3A_164 = arith.constant 0 : i32
    %dma_start3A_165 = tpu.memref_slice %arg26[%dma_start3A_164] : memref<10240xf32, #tpu.memory_space<vmem_shared>> -> memref<10240xf32, #tpu.memory_space<vmem_shared>>
    tpu.enqueue_indirect_dma source(%dma_start3A_165 : memref<10240xf32, #tpu.memory_space<vmem_shared>>) target(%arg17 : memref<128xf32, #tpu.memory_space<vmem>>) offsets(%dma_start3A_163 : memref<128xi32, #tpu.memory_space<vmem>>) semaphore(%arg34 : memref<!tpu.dma_semaphore, #tpu.memory_space<semaphore_mem>>)
    %dma_start3A_166 = arith.constant 7 : i32
    %dma_start3A_167 = arith.constant 0 : i32
    %dma_start3A_168 = tpu.memref_slice %arg9[%dma_start3A_166, %dma_start3A_167] : memref<160x128xi32, #tpu.memory_space<vmem>> -> memref<1x128xi32, #tpu.memory_space<vmem>>
    %dma_start3A_169 = tpu.memref_squeeze %dma_start3A_168 : memref<1x128xi32, #tpu.memory_space<vmem>> -> memref<128xi32, #tpu.memory_space<vmem>>
    %dma_start3A_170 = arith.constant 0 : i32
    %dma_start3A_171 = tpu.memref_slice %arg26[%dma_start3A_170] : memref<10240xf32, #tpu.memory_space<vmem_shared>> -> memref<10240xf32, #tpu.memory_space<vmem_shared>>
    tpu.enqueue_indirect_dma source(%dma_start3A_171 : memref<10240xf32, #tpu.memory_space<vmem_shared>>) target(%arg18 : memref<128xf32, #tpu.memory_space<vmem>>) offsets(%dma_start3A_169 : memref<128xi32, #tpu.memory_space<vmem>>) semaphore(%arg35 : memref<!tpu.dma_semaphore, #tpu.memory_space<semaphore_mem>>)
    %scan3A_172 = arith.constant 0 : i32
    %scan3A_173 = arith.constant 0 : i32
    %scan3A_174 = arith.constant 20 : i32
    %scan3A_175 = arith.addi %scan3A_173, %scan3A_174 : i32
    %scan3A_176 = arith.constant 1 : i32
    %scan3A_177 = scf.for %scan3A_240 = %scan3A_173 to %scan3A_175 step %scan3A_176 iter_args(%scan3A_241 = %scan3A_172) -> (i32)  : i32 {
      %mul3A_242 = arith.constant 8 : i32
      %mul3A_243 = arith.muli %scan3A_240, %mul3A_242 : i32
      %add3A = arith.constant 0 : i32
      %add3A_244 = arith.addi %mul3A_243, %add3A : i32
      %dma_wait3A_245 = arith.constant 0 : i32
      %dma_wait3A_246 = tpu.memref_slice %arg9[%add3A_244, %dma_wait3A_245] : memref<160x128xi32, #tpu.memory_space<vmem>> -> memref<1x128xi32, #tpu.memory_space<vmem>>
      %dma_wait3A_247 = tpu.memref_squeeze %dma_wait3A_246 : memref<1x128xi32, #tpu.memory_space<vmem>> -> memref<128xi32, #tpu.memory_space<vmem>>
      %dma_wait3A_248 = arith.constant 0 : i32
      %dma_wait3A_249 = tpu.memref_slice %arg26[%dma_wait3A_248] : memref<10240xf32, #tpu.memory_space<vmem_shared>> -> memref<10240xf32, #tpu.memory_space<vmem_shared>>
      tpu.wait_indirect_dma semaphore(%arg28 : memref<!tpu.dma_semaphore, #tpu.memory_space<semaphore_mem>>) src(%dma_wait3A_249 : memref<10240xf32, #tpu.memory_space<vmem_shared>>) dst(%arg11 : memref<128xf32, #tpu.memory_space<vmem>>)
      %dma_start3A_250 = arith.constant 0 : i32
      %dma_start3A_251 = tpu.memref_slice %arg10[%add3A_244, %dma_start3A_250] : memref<160x128xi32, #tpu.memory_space<vmem>> -> memref<1x128xi32, #tpu.memory_space<vmem>>
      %dma_start3A_252 = tpu.memref_squeeze %dma_start3A_251 : memref<1x128xi32, #tpu.memory_space<vmem>> -> memref<128xi32, #tpu.memory_space<vmem>>
      %dma_start3A_253 = arith.constant 0 : i32
      %dma_start3A_254 = tpu.memref_slice %arg27[%dma_start3A_253] : memref<10240xf32, #tpu.memory_space<vmem_shared>> -> memref<10240xf32, #tpu.memory_space<vmem_shared>>
      tpu.enqueue_indirect_dma source(%arg11 : memref<128xf32, #tpu.memory_space<vmem>>) target(%dma_start3A_254 : memref<10240xf32, #tpu.memory_space<vmem_shared>>) offsets(%dma_start3A_252 : memref<128xi32, #tpu.memory_space<vmem>>) semaphore(%arg36 : memref<!tpu.dma_semaphore, #tpu.memory_space<semaphore_mem>>) {add = true}
      %mul3A_255 = arith.constant 8 : i32
      %mul3A_256 = arith.muli %scan3A_240, %mul3A_255 : i32
      %add3A_257 = arith.constant 1 : i32
      %add3A_258 = arith.addi %mul3A_256, %add3A_257 : i32
      %dma_wait3A_259 = arith.constant 0 : i32
      %dma_wait3A_260 = tpu.memref_slice %arg9[%add3A_258, %dma_wait3A_259] : memref<160x128xi32, #tpu.memory_space<vmem>> -> memref<1x128xi32, #tpu.memory_space<vmem>>
      %dma_wait3A_261 = tpu.memref_squeeze %dma_wait3A_260 : memref<1x128xi32, #tpu.memory_space<vmem>> -> memref<128xi32, #tpu.memory_space<vmem>>
      %dma_wait3A_262 = arith.constant 0 : i32
      %dma_wait3A_263 = tpu.memref_slice %arg26[%dma_wait3A_262] : memref<10240xf32, #tpu.memory_space<vmem_shared>> -> memref<10240xf32, #tpu.memory_space<vmem_shared>>
      tpu.wait_indirect_dma semaphore(%arg29 : memref<!tpu.dma_semaphore, #tpu.memory_space<semaphore_mem>>) src(%dma_wait3A_263 : memref<10240xf32, #tpu.memory_space<vmem_shared>>) dst(%arg12 : memref<128xf32, #tpu.memory_space<vmem>>)
      %dma_start3A_264 = arith.constant 0 : i32
      %dma_start3A_265 = tpu.memref_slice %arg10[%add3A_258, %dma_start3A_264] : memref<160x128xi32, #tpu.memory_space<vmem>> -> memref<1x128xi32, #tpu.memory_space<vmem>>
      %dma_start3A_266 = tpu.memref_squeeze %dma_start3A_265 : memref<1x128xi32, #tpu.memory_space<vmem>> -> memref<128xi32, #tpu.memory_space<vmem>>
      %dma_start3A_267 = arith.constant 0 : i32
      %dma_start3A_268 = tpu.memref_slice %arg27[%dma_start3A_267] : memref<10240xf32, #tpu.memory_space<vmem_shared>> -> memref<10240xf32, #tpu.memory_space<vmem_shared>>
      tpu.enqueue_indirect_dma source(%arg12 : memref<128xf32, #tpu.memory_space<vmem>>) target(%dma_start3A_268 : memref<10240xf32, #tpu.memory_space<vmem_shared>>) offsets(%dma_start3A_266 : memref<128xi32, #tpu.memory_space<vmem>>) semaphore(%arg37 : memref<!tpu.dma_semaphore, #tpu.memory_space<semaphore_mem>>) {add = true}
      %mul3A_269 = arith.constant 8 : i32
      %mul3A_270 = arith.muli %scan3A_240, %mul3A_269 : i32
      %add3A_271 = arith.constant 2 : i32
      %add3A_272 = arith.addi %mul3A_270, %add3A_271 : i32
      %dma_wait3A_273 = arith.constant 0 : i32
      %dma_wait3A_274 = tpu.memref_slice %arg9[%add3A_272, %dma_wait3A_273] : memref<160x128xi32, #tpu.memory_space<vmem>> -> memref<1x128xi32, #tpu.memory_space<vmem>>
      %dma_wait3A_275 = tpu.memref_squeeze %dma_wait3A_274 : memref<1x128xi32, #tpu.memory_space<vmem>> -> memref<128xi32, #tpu.memory_space<vmem>>
      %dma_wait3A_276 = arith.constant 0 : i32
      %dma_wait3A_277 = tpu.memref_slice %arg26[%dma_wait3A_276] : memref<10240xf32, #tpu.memory_space<vmem_shared>> -> memref<10240xf32, #tpu.memory_space<vmem_shared>>
      tpu.wait_indirect_dma semaphore(%arg30 : memref<!tpu.dma_semaphore, #tpu.memory_space<semaphore_mem>>) src(%dma_wait3A_277 : memref<10240xf32, #tpu.memory_space<vmem_shared>>) dst(%arg13 : memref<128xf32, #tpu.memory_space<vmem>>)
      %dma_start3A_278 = arith.constant 0 : i32
      %dma_start3A_279 = tpu.memref_slice %arg10[%add3A_272, %dma_start3A_278] : memref<160x128xi32, #tpu.memory_space<vmem>> -> memref<1x128xi32, #tpu.memory_space<vmem>>
      %dma_start3A_280 = tpu.memref_squeeze %dma_start3A_279 : memref<1x128xi32, #tpu.memory_space<vmem>> -> memref<128xi32, #tpu.memory_space<vmem>>
      %dma_start3A_281 = arith.constant 0 : i32
      %dma_start3A_282 = tpu.memref_slice %arg27[%dma_start3A_281] : memref<10240xf32, #tpu.memory_space<vmem_shared>> -> memref<10240xf32, #tpu.memory_space<vmem_shared>>
      tpu.enqueue_indirect_dma source(%arg13 : memref<128xf32, #tpu.memory_space<vmem>>) target(%dma_start3A_282 : memref<10240xf32, #tpu.memory_space<vmem_shared>>) offsets(%dma_start3A_280 : memref<128xi32, #tpu.memory_space<vmem>>) semaphore(%arg38 : memref<!tpu.dma_semaphore, #tpu.memory_space<semaphore_mem>>) {add = true}
      %mul3A_283 = arith.constant 8 : i32
      %mul3A_284 = arith.muli %scan3A_240, %mul3A_283 : i32
      %add3A_285 = arith.constant 3 : i32
      %add3A_286 = arith.addi %mul3A_284, %add3A_285 : i32
      %dma_wait3A_287 = arith.constant 0 : i32
      %dma_wait3A_288 = tpu.memref_slice %arg9[%add3A_286, %dma_wait3A_287] : memref<160x128xi32, #tpu.memory_space<vmem>> -> memref<1x128xi32, #tpu.memory_space<vmem>>
      %dma_wait3A_289 = tpu.memref_squeeze %dma_wait3A_288 : memref<1x128xi32, #tpu.memory_space<vmem>> -> memref<128xi32, #tpu.memory_space<vmem>>
      %dma_wait3A_290 = arith.constant 0 : i32
      %dma_wait3A_291 = tpu.memref_slice %arg26[%dma_wait3A_290] : memref<10240xf32, #tpu.memory_space<vmem_shared>> -> memref<10240xf32, #tpu.memory_space<vmem_shared>>
      tpu.wait_indirect_dma semaphore(%arg31 : memref<!tpu.dma_semaphore, #tpu.memory_space<semaphore_mem>>) src(%dma_wait3A_291 : memref<10240xf32, #tpu.memory_space<vmem_shared>>) dst(%arg14 : memref<128xf32, #tpu.memory_space<vmem>>)
      %dma_start3A_292 = arith.constant 0 : i32
      %dma_start3A_293 = tpu.memref_slice %arg10[%add3A_286, %dma_start3A_292] : memref<160x128xi32, #tpu.memory_space<vmem>> -> memref<1x128xi32, #tpu.memory_space<vmem>>
      %dma_start3A_294 = tpu.memref_squeeze %dma_start3A_293 : memref<1x128xi32, #tpu.memory_space<vmem>> -> memref<128xi32, #tpu.memory_space<vmem>>
      %dma_start3A_295 = arith.constant 0 : i32
      %dma_start3A_296 = tpu.memref_slice %arg27[%dma_start3A_295] : memref<10240xf32, #tpu.memory_space<vmem_shared>> -> memref<10240xf32, #tpu.memory_space<vmem_shared>>
      tpu.enqueue_indirect_dma source(%arg14 : memref<128xf32, #tpu.memory_space<vmem>>) target(%dma_start3A_296 : memref<10240xf32, #tpu.memory_space<vmem_shared>>) offsets(%dma_start3A_294 : memref<128xi32, #tpu.memory_space<vmem>>) semaphore(%arg39 : memref<!tpu.dma_semaphore, #tpu.memory_space<semaphore_mem>>) {add = true}
      %mul3A_297 = arith.constant 8 : i32
      %mul3A_298 = arith.muli %scan3A_240, %mul3A_297 : i32
      %add3A_299 = arith.constant 4 : i32
      %add3A_300 = arith.addi %mul3A_298, %add3A_299 : i32
      %dma_wait3A_301 = arith.constant 0 : i32
      %dma_wait3A_302 = tpu.memref_slice %arg9[%add3A_300, %dma_wait3A_301] : memref<160x128xi32, #tpu.memory_space<vmem>> -> memref<1x128xi32, #tpu.memory_space<vmem>>
      %dma_wait3A_303 = tpu.memref_squeeze %dma_wait3A_302 : memref<1x128xi32, #tpu.memory_space<vmem>> -> memref<128xi32, #tpu.memory_space<vmem>>
      %dma_wait3A_304 = arith.constant 0 : i32
      %dma_wait3A_305 = tpu.memref_slice %arg26[%dma_wait3A_304] : memref<10240xf32, #tpu.memory_space<vmem_shared>> -> memref<10240xf32, #tpu.memory_space<vmem_shared>>
      tpu.wait_indirect_dma semaphore(%arg32 : memref<!tpu.dma_semaphore, #tpu.memory_space<semaphore_mem>>) src(%dma_wait3A_305 : memref<10240xf32, #tpu.memory_space<vmem_shared>>) dst(%arg15 : memref<128xf32, #tpu.memory_space<vmem>>)
      %dma_start3A_306 = arith.constant 0 : i32
      %dma_start3A_307 = tpu.memref_slice %arg10[%add3A_300, %dma_start3A_306] : memref<160x128xi32, #tpu.memory_space<vmem>> -> memref<1x128xi32, #tpu.memory_space<vmem>>
      %dma_start3A_308 = tpu.memref_squeeze %dma_start3A_307 : memref<1x128xi32, #tpu.memory_space<vmem>> -> memref<128xi32, #tpu.memory_space<vmem>>
      %dma_start3A_309 = arith.constant 0 : i32
      %dma_start3A_310 = tpu.memref_slice %arg27[%dma_start3A_309] : memref<10240xf32, #tpu.memory_space<vmem_shared>> -> memref<10240xf32, #tpu.memory_space<vmem_shared>>
      tpu.enqueue_indirect_dma source(%arg15 : memref<128xf32, #tpu.memory_space<vmem>>) target(%dma_start3A_310 : memref<10240xf32, #tpu.memory_space<vmem_shared>>) offsets(%dma_start3A_308 : memref<128xi32, #tpu.memory_space<vmem>>) semaphore(%arg40 : memref<!tpu.dma_semaphore, #tpu.memory_space<semaphore_mem>>) {add = true}
      %mul3A_311 = arith.constant 8 : i32
      %mul3A_312 = arith.muli %scan3A_240, %mul3A_311 : i32
      %add3A_313 = arith.constant 5 : i32
      %add3A_314 = arith.addi %mul3A_312, %add3A_313 : i32
      %dma_wait3A_315 = arith.constant 0 : i32
      %dma_wait3A_316 = tpu.memref_slice %arg9[%add3A_314, %dma_wait3A_315] : memref<160x128xi32, #tpu.memory_space<vmem>> -> memref<1x128xi32, #tpu.memory_space<vmem>>
      %dma_wait3A_317 = tpu.memref_squeeze %dma_wait3A_316 : memref<1x128xi32, #tpu.memory_space<vmem>> -> memref<128xi32, #tpu.memory_space<vmem>>
      %dma_wait3A_318 = arith.constant 0 : i32
      %dma_wait3A_319 = tpu.memref_slice %arg26[%dma_wait3A_318] : memref<10240xf32, #tpu.memory_space<vmem_shared>> -> memref<10240xf32, #tpu.memory_space<vmem_shared>>
      tpu.wait_indirect_dma semaphore(%arg33 : memref<!tpu.dma_semaphore, #tpu.memory_space<semaphore_mem>>) src(%dma_wait3A_319 : memref<10240xf32, #tpu.memory_space<vmem_shared>>) dst(%arg16 : memref<128xf32, #tpu.memory_space<vmem>>)
      %dma_start3A_320 = arith.constant 0 : i32
      %dma_start3A_321 = tpu.memref_slice %arg10[%add3A_314, %dma_start3A_320] : memref<160x128xi32, #tpu.memory_space<vmem>> -> memref<1x128xi32, #tpu.memory_space<vmem>>
      %dma_start3A_322 = tpu.memref_squeeze %dma_start3A_321 : memref<1x128xi32, #tpu.memory_space<vmem>> -> memref<128xi32, #tpu.memory_space<vmem>>
      %dma_start3A_323 = arith.constant 0 : i32
      %dma_start3A_324 = tpu.memref_slice %arg27[%dma_start3A_323] : memref<10240xf32, #tpu.memory_space<vmem_shared>> -> memref<10240xf32, #tpu.memory_space<vmem_shared>>
      tpu.enqueue_indirect_dma source(%arg16 : memref<128xf32, #tpu.memory_space<vmem>>) target(%dma_start3A_324 : memref<10240xf32, #tpu.memory_space<vmem_shared>>) offsets(%dma_start3A_322 : memref<128xi32, #tpu.memory_space<vmem>>) semaphore(%arg41 : memref<!tpu.dma_semaphore, #tpu.memory_space<semaphore_mem>>) {add = true}
      %mul3A_325 = arith.constant 8 : i32
      %mul3A_326 = arith.muli %scan3A_240, %mul3A_325 : i32
      %add3A_327 = arith.constant 6 : i32
      %add3A_328 = arith.addi %mul3A_326, %add3A_327 : i32
      %dma_wait3A_329 = arith.constant 0 : i32
      %dma_wait3A_330 = tpu.memref_slice %arg9[%add3A_328, %dma_wait3A_329] : memref<160x128xi32, #tpu.memory_space<vmem>> -> memref<1x128xi32, #tpu.memory_space<vmem>>
      %dma_wait3A_331 = tpu.memref_squeeze %dma_wait3A_330 : memref<1x128xi32, #tpu.memory_space<vmem>> -> memref<128xi32, #tpu.memory_space<vmem>>
      %dma_wait3A_332 = arith.constant 0 : i32
      %dma_wait3A_333 = tpu.memref_slice %arg26[%dma_wait3A_332] : memref<10240xf32, #tpu.memory_space<vmem_shared>> -> memref<10240xf32, #tpu.memory_space<vmem_shared>>
      tpu.wait_indirect_dma semaphore(%arg34 : memref<!tpu.dma_semaphore, #tpu.memory_space<semaphore_mem>>) src(%dma_wait3A_333 : memref<10240xf32, #tpu.memory_space<vmem_shared>>) dst(%arg17 : memref<128xf32, #tpu.memory_space<vmem>>)
      %dma_start3A_334 = arith.constant 0 : i32
      %dma_start3A_335 = tpu.memref_slice %arg10[%add3A_328, %dma_start3A_334] : memref<160x128xi32, #tpu.memory_space<vmem>> -> memref<1x128xi32, #tpu.memory_space<vmem>>
      %dma_start3A_336 = tpu.memref_squeeze %dma_start3A_335 : memref<1x128xi32, #tpu.memory_space<vmem>> -> memref<128xi32, #tpu.memory_space<vmem>>
      %dma_start3A_337 = arith.constant 0 : i32
      %dma_start3A_338 = tpu.memref_slice %arg27[%dma_start3A_337] : memref<10240xf32, #tpu.memory_space<vmem_shared>> -> memref<10240xf32, #tpu.memory_space<vmem_shared>>
      tpu.enqueue_indirect_dma source(%arg17 : memref<128xf32, #tpu.memory_space<vmem>>) target(%dma_start3A_338 : memref<10240xf32, #tpu.memory_space<vmem_shared>>) offsets(%dma_start3A_336 : memref<128xi32, #tpu.memory_space<vmem>>) semaphore(%arg42 : memref<!tpu.dma_semaphore, #tpu.memory_space<semaphore_mem>>) {add = true}
      %mul3A_339 = arith.constant 8 : i32
      %mul3A_340 = arith.muli %scan3A_240, %mul3A_339 : i32
      %add3A_341 = arith.constant 7 : i32
      %add3A_342 = arith.addi %mul3A_340, %add3A_341 : i32
      %dma_wait3A_343 = arith.constant 0 : i32
      %dma_wait3A_344 = tpu.memref_slice %arg9[%add3A_342, %dma_wait3A_343] : memref<160x128xi32, #tpu.memory_space<vmem>> -> memref<1x128xi32, #tpu.memory_space<vmem>>
      %dma_wait3A_345 = tpu.memref_squeeze %dma_wait3A_344 : memref<1x128xi32, #tpu.memory_space<vmem>> -> memref<128xi32, #tpu.memory_space<vmem>>
      %dma_wait3A_346 = arith.constant 0 : i32
      %dma_wait3A_347 = tpu.memref_slice %arg26[%dma_wait3A_346] : memref<10240xf32, #tpu.memory_space<vmem_shared>> -> memref<10240xf32, #tpu.memory_space<vmem_shared>>
      tpu.wait_indirect_dma semaphore(%arg35 : memref<!tpu.dma_semaphore, #tpu.memory_space<semaphore_mem>>) src(%dma_wait3A_347 : memref<10240xf32, #tpu.memory_space<vmem_shared>>) dst(%arg18 : memref<128xf32, #tpu.memory_space<vmem>>)
      %dma_start3A_348 = arith.constant 0 : i32
      %dma_start3A_349 = tpu.memref_slice %arg10[%add3A_342, %dma_start3A_348] : memref<160x128xi32, #tpu.memory_space<vmem>> -> memref<1x128xi32, #tpu.memory_space<vmem>>
      %dma_start3A_350 = tpu.memref_squeeze %dma_start3A_349 : memref<1x128xi32, #tpu.memory_space<vmem>> -> memref<128xi32, #tpu.memory_space<vmem>>
      %dma_start3A_351 = arith.constant 0 : i32
      %dma_start3A_352 = tpu.memref_slice %arg27[%dma_start3A_351] : memref<10240xf32, #tpu.memory_space<vmem_shared>> -> memref<10240xf32, #tpu.memory_space<vmem_shared>>
      tpu.enqueue_indirect_dma source(%arg18 : memref<128xf32, #tpu.memory_space<vmem>>) target(%dma_start3A_352 : memref<10240xf32, #tpu.memory_space<vmem_shared>>) offsets(%dma_start3A_350 : memref<128xi32, #tpu.memory_space<vmem>>) semaphore(%arg43 : memref<!tpu.dma_semaphore, #tpu.memory_space<semaphore_mem>>) {add = true}
      %mul3A_353 = arith.constant 8 : i32
      %mul3A_354 = arith.muli %scan3A_240, %mul3A_353 : i32
      %add3A_355 = arith.constant 0 : i32
      %add3A_356 = arith.addi %mul3A_354, %add3A_355 : i32
      %add3A_357 = arith.constant 8 : i32
      %add3A_358 = arith.addi %add3A_356, %add3A_357 : i32
      %lt3A = arith.constant 160 : i32
      %lt3A_359 = arith.cmpi slt, %add3A_358, %lt3A : i32
      %convert_element_type3A_360 = arith.extui %lt3A_359 : i1 to i32
      %cond3A_361 = arith.constant 0 : i32
      %cond3A_362 = arith.cmpi ne, %convert_element_type3A_360, %cond3A_361 : i32
      scf.if %cond3A_362 {
        %dma_wait3A_441 = arith.constant 0 : i32
        %dma_wait3A_442 = tpu.memref_slice %arg10[%add3A_356, %dma_wait3A_441] : memref<160x128xi32, #tpu.memory_space<vmem>> -> memref<1x128xi32, #tpu.memory_space<vmem>>
        %dma_wait3A_443 = tpu.memref_squeeze %dma_wait3A_442 : memref<1x128xi32, #tpu.memory_space<vmem>> -> memref<128xi32, #tpu.memory_space<vmem>>
        %dma_wait3A_444 = arith.constant 0 : i32
        %dma_wait3A_445 = tpu.memref_slice %arg27[%dma_wait3A_444] : memref<10240xf32, #tpu.memory_space<vmem_shared>> -> memref<10240xf32, #tpu.memory_space<vmem_shared>>
        tpu.wait_indirect_dma semaphore(%arg36 : memref<!tpu.dma_semaphore, #tpu.memory_space<semaphore_mem>>) src(%arg11 : memref<128xf32, #tpu.memory_space<vmem>>) dst(%dma_wait3A_445 : memref<10240xf32, #tpu.memory_space<vmem_shared>>)
        %add3A_446 = arith.constant 8 : i32
        %add3A_447 = arith.addi %add3A_356, %add3A_446 : i32
        %dma_start3A_448 = arith.constant 0 : i32
        %dma_start3A_449 = tpu.memref_slice %arg9[%add3A_447, %dma_start3A_448] : memref<160x128xi32, #tpu.memory_space<vmem>> -> memref<1x128xi32, #tpu.memory_space<vmem>>
        %dma_start3A_450 = tpu.memref_squeeze %dma_start3A_449 : memref<1x128xi32, #tpu.memory_space<vmem>> -> memref<128xi32, #tpu.memory_space<vmem>>
        %dma_start3A_451 = arith.constant 0 : i32
        %dma_start3A_452 = tpu.memref_slice %arg26[%dma_start3A_451] : memref<10240xf32, #tpu.memory_space<vmem_shared>> -> memref<10240xf32, #tpu.memory_space<vmem_shared>>
        tpu.enqueue_indirect_dma source(%dma_start3A_452 : memref<10240xf32, #tpu.memory_space<vmem_shared>>) target(%arg11 : memref<128xf32, #tpu.memory_space<vmem>>) offsets(%dma_start3A_450 : memref<128xi32, #tpu.memory_space<vmem>>) semaphore(%arg28 : memref<!tpu.dma_semaphore, #tpu.memory_space<semaphore_mem>>)
      } else {
      }
      %mul3A_363 = arith.constant 8 : i32
      %mul3A_364 = arith.muli %scan3A_240, %mul3A_363 : i32
      %add3A_365 = arith.constant 1 : i32
      %add3A_366 = arith.addi %mul3A_364, %add3A_365 : i32
      %add3A_367 = arith.constant 8 : i32
      %add3A_368 = arith.addi %add3A_366, %add3A_367 : i32
      %lt3A_369 = arith.constant 160 : i32
      %lt3A_370 = arith.cmpi slt, %add3A_368, %lt3A_369 : i32
      %convert_element_type3A_371 = arith.extui %lt3A_370 : i1 to i32
      %cond3A_372 = arith.constant 0 : i32
      %cond3A_373 = arith.cmpi ne, %convert_element_type3A_371, %cond3A_372 : i32
      scf.if %cond3A_373 {
        %dma_wait3A_441 = arith.constant 0 : i32
        %dma_wait3A_442 = tpu.memref_slice %arg10[%add3A_366, %dma_wait3A_441] : memref<160x128xi32, #tpu.memory_space<vmem>> -> memref<1x128xi32, #tpu.memory_space<vmem>>
        %dma_wait3A_443 = tpu.memref_squeeze %dma_wait3A_442 : memref<1x128xi32, #tpu.memory_space<vmem>> -> memref<128xi32, #tpu.memory_space<vmem>>
        %dma_wait3A_444 = arith.constant 0 : i32
        %dma_wait3A_445 = tpu.memref_slice %arg27[%dma_wait3A_444] : memref<10240xf32, #tpu.memory_space<vmem_shared>> -> memref<10240xf32, #tpu.memory_space<vmem_shared>>
        tpu.wait_indirect_dma semaphore(%arg37 : memref<!tpu.dma_semaphore, #tpu.memory_space<semaphore_mem>>) src(%arg12 : memref<128xf32, #tpu.memory_space<vmem>>) dst(%dma_wait3A_445 : memref<10240xf32, #tpu.memory_space<vmem_shared>>)
        %add3A_446 = arith.constant 8 : i32
        %add3A_447 = arith.addi %add3A_366, %add3A_446 : i32
        %dma_start3A_448 = arith.constant 0 : i32
        %dma_start3A_449 = tpu.memref_slice %arg9[%add3A_447, %dma_start3A_448] : memref<160x128xi32, #tpu.memory_space<vmem>> -> memref<1x128xi32, #tpu.memory_space<vmem>>
        %dma_start3A_450 = tpu.memref_squeeze %dma_start3A_449 : memref<1x128xi32, #tpu.memory_space<vmem>> -> memref<128xi32, #tpu.memory_space<vmem>>
        %dma_start3A_451 = arith.constant 0 : i32
        %dma_start3A_452 = tpu.memref_slice %arg26[%dma_start3A_451] : memref<10240xf32, #tpu.memory_space<vmem_shared>> -> memref<10240xf32, #tpu.memory_space<vmem_shared>>
        tpu.enqueue_indirect_dma source(%dma_start3A_452 : memref<10240xf32, #tpu.memory_space<vmem_shared>>) target(%arg12 : memref<128xf32, #tpu.memory_space<vmem>>) offsets(%dma_start3A_450 : memref<128xi32, #tpu.memory_space<vmem>>) semaphore(%arg29 : memref<!tpu.dma_semaphore, #tpu.memory_space<semaphore_mem>>)
      } else {
      }
      %mul3A_374 = arith.constant 8 : i32
      %mul3A_375 = arith.muli %scan3A_240, %mul3A_374 : i32
      %add3A_376 = arith.constant 2 : i32
      %add3A_377 = arith.addi %mul3A_375, %add3A_376 : i32
      %add3A_378 = arith.constant 8 : i32
      %add3A_379 = arith.addi %add3A_377, %add3A_378 : i32
      %lt3A_380 = arith.constant 160 : i32
      %lt3A_381 = arith.cmpi slt, %add3A_379, %lt3A_380 : i32
      %convert_element_type3A_382 = arith.extui %lt3A_381 : i1 to i32
      %cond3A_383 = arith.constant 0 : i32
      %cond3A_384 = arith.cmpi ne, %convert_element_type3A_382, %cond3A_383 : i32
      scf.if %cond3A_384 {
        %dma_wait3A_441 = arith.constant 0 : i32
        %dma_wait3A_442 = tpu.memref_slice %arg10[%add3A_377, %dma_wait3A_441] : memref<160x128xi32, #tpu.memory_space<vmem>> -> memref<1x128xi32, #tpu.memory_space<vmem>>
        %dma_wait3A_443 = tpu.memref_squeeze %dma_wait3A_442 : memref<1x128xi32, #tpu.memory_space<vmem>> -> memref<128xi32, #tpu.memory_space<vmem>>
        %dma_wait3A_444 = arith.constant 0 : i32
        %dma_wait3A_445 = tpu.memref_slice %arg27[%dma_wait3A_444] : memref<10240xf32, #tpu.memory_space<vmem_shared>> -> memref<10240xf32, #tpu.memory_space<vmem_shared>>
        tpu.wait_indirect_dma semaphore(%arg38 : memref<!tpu.dma_semaphore, #tpu.memory_space<semaphore_mem>>) src(%arg13 : memref<128xf32, #tpu.memory_space<vmem>>) dst(%dma_wait3A_445 : memref<10240xf32, #tpu.memory_space<vmem_shared>>)
        %add3A_446 = arith.constant 8 : i32
        %add3A_447 = arith.addi %add3A_377, %add3A_446 : i32
        %dma_start3A_448 = arith.constant 0 : i32
        %dma_start3A_449 = tpu.memref_slice %arg9[%add3A_447, %dma_start3A_448] : memref<160x128xi32, #tpu.memory_space<vmem>> -> memref<1x128xi32, #tpu.memory_space<vmem>>
        %dma_start3A_450 = tpu.memref_squeeze %dma_start3A_449 : memref<1x128xi32, #tpu.memory_space<vmem>> -> memref<128xi32, #tpu.memory_space<vmem>>
        %dma_start3A_451 = arith.constant 0 : i32
        %dma_start3A_452 = tpu.memref_slice %arg26[%dma_start3A_451] : memref<10240xf32, #tpu.memory_space<vmem_shared>> -> memref<10240xf32, #tpu.memory_space<vmem_shared>>
        tpu.enqueue_indirect_dma source(%dma_start3A_452 : memref<10240xf32, #tpu.memory_space<vmem_shared>>) target(%arg13 : memref<128xf32, #tpu.memory_space<vmem>>) offsets(%dma_start3A_450 : memref<128xi32, #tpu.memory_space<vmem>>) semaphore(%arg30 : memref<!tpu.dma_semaphore, #tpu.memory_space<semaphore_mem>>)
      } else {
      }
      %mul3A_385 = arith.constant 8 : i32
      %mul3A_386 = arith.muli %scan3A_240, %mul3A_385 : i32
      %add3A_387 = arith.constant 3 : i32
      %add3A_388 = arith.addi %mul3A_386, %add3A_387 : i32
      %add3A_389 = arith.constant 8 : i32
      %add3A_390 = arith.addi %add3A_388, %add3A_389 : i32
      %lt3A_391 = arith.constant 160 : i32
      %lt3A_392 = arith.cmpi slt, %add3A_390, %lt3A_391 : i32
      %convert_element_type3A_393 = arith.extui %lt3A_392 : i1 to i32
      %cond3A_394 = arith.constant 0 : i32
      %cond3A_395 = arith.cmpi ne, %convert_element_type3A_393, %cond3A_394 : i32
      scf.if %cond3A_395 {
        %dma_wait3A_441 = arith.constant 0 : i32
        %dma_wait3A_442 = tpu.memref_slice %arg10[%add3A_388, %dma_wait3A_441] : memref<160x128xi32, #tpu.memory_space<vmem>> -> memref<1x128xi32, #tpu.memory_space<vmem>>
        %dma_wait3A_443 = tpu.memref_squeeze %dma_wait3A_442 : memref<1x128xi32, #tpu.memory_space<vmem>> -> memref<128xi32, #tpu.memory_space<vmem>>
        %dma_wait3A_444 = arith.constant 0 : i32
        %dma_wait3A_445 = tpu.memref_slice %arg27[%dma_wait3A_444] : memref<10240xf32, #tpu.memory_space<vmem_shared>> -> memref<10240xf32, #tpu.memory_space<vmem_shared>>
        tpu.wait_indirect_dma semaphore(%arg39 : memref<!tpu.dma_semaphore, #tpu.memory_space<semaphore_mem>>) src(%arg14 : memref<128xf32, #tpu.memory_space<vmem>>) dst(%dma_wait3A_445 : memref<10240xf32, #tpu.memory_space<vmem_shared>>)
        %add3A_446 = arith.constant 8 : i32
        %add3A_447 = arith.addi %add3A_388, %add3A_446 : i32
        %dma_start3A_448 = arith.constant 0 : i32
        %dma_start3A_449 = tpu.memref_slice %arg9[%add3A_447, %dma_start3A_448] : memref<160x128xi32, #tpu.memory_space<vmem>> -> memref<1x128xi32, #tpu.memory_space<vmem>>
        %dma_start3A_450 = tpu.memref_squeeze %dma_start3A_449 : memref<1x128xi32, #tpu.memory_space<vmem>> -> memref<128xi32, #tpu.memory_space<vmem>>
        %dma_start3A_451 = arith.constant 0 : i32
        %dma_start3A_452 = tpu.memref_slice %arg26[%dma_start3A_451] : memref<10240xf32, #tpu.memory_space<vmem_shared>> -> memref<10240xf32, #tpu.memory_space<vmem_shared>>
        tpu.enqueue_indirect_dma source(%dma_start3A_452 : memref<10240xf32, #tpu.memory_space<vmem_shared>>) target(%arg14 : memref<128xf32, #tpu.memory_space<vmem>>) offsets(%dma_start3A_450 : memref<128xi32, #tpu.memory_space<vmem>>) semaphore(%arg31 : memref<!tpu.dma_semaphore, #tpu.memory_space<semaphore_mem>>)
      } else {
      }
      %mul3A_396 = arith.constant 8 : i32
      %mul3A_397 = arith.muli %scan3A_240, %mul3A_396 : i32
      %add3A_398 = arith.constant 4 : i32
      %add3A_399 = arith.addi %mul3A_397, %add3A_398 : i32
      %add3A_400 = arith.constant 8 : i32
      %add3A_401 = arith.addi %add3A_399, %add3A_400 : i32
      %lt3A_402 = arith.constant 160 : i32
      %lt3A_403 = arith.cmpi slt, %add3A_401, %lt3A_402 : i32
      %convert_element_type3A_404 = arith.extui %lt3A_403 : i1 to i32
      %cond3A_405 = arith.constant 0 : i32
      %cond3A_406 = arith.cmpi ne, %convert_element_type3A_404, %cond3A_405 : i32
      scf.if %cond3A_406 {
        %dma_wait3A_441 = arith.constant 0 : i32
        %dma_wait3A_442 = tpu.memref_slice %arg10[%add3A_399, %dma_wait3A_441] : memref<160x128xi32, #tpu.memory_space<vmem>> -> memref<1x128xi32, #tpu.memory_space<vmem>>
        %dma_wait3A_443 = tpu.memref_squeeze %dma_wait3A_442 : memref<1x128xi32, #tpu.memory_space<vmem>> -> memref<128xi32, #tpu.memory_space<vmem>>
        %dma_wait3A_444 = arith.constant 0 : i32
        %dma_wait3A_445 = tpu.memref_slice %arg27[%dma_wait3A_444] : memref<10240xf32, #tpu.memory_space<vmem_shared>> -> memref<10240xf32, #tpu.memory_space<vmem_shared>>
        tpu.wait_indirect_dma semaphore(%arg40 : memref<!tpu.dma_semaphore, #tpu.memory_space<semaphore_mem>>) src(%arg15 : memref<128xf32, #tpu.memory_space<vmem>>) dst(%dma_wait3A_445 : memref<10240xf32, #tpu.memory_space<vmem_shared>>)
        %add3A_446 = arith.constant 8 : i32
        %add3A_447 = arith.addi %add3A_399, %add3A_446 : i32
        %dma_start3A_448 = arith.constant 0 : i32
        %dma_start3A_449 = tpu.memref_slice %arg9[%add3A_447, %dma_start3A_448] : memref<160x128xi32, #tpu.memory_space<vmem>> -> memref<1x128xi32, #tpu.memory_space<vmem>>
        %dma_start3A_450 = tpu.memref_squeeze %dma_start3A_449 : memref<1x128xi32, #tpu.memory_space<vmem>> -> memref<128xi32, #tpu.memory_space<vmem>>
        %dma_start3A_451 = arith.constant 0 : i32
        %dma_start3A_452 = tpu.memref_slice %arg26[%dma_start3A_451] : memref<10240xf32, #tpu.memory_space<vmem_shared>> -> memref<10240xf32, #tpu.memory_space<vmem_shared>>
        tpu.enqueue_indirect_dma source(%dma_start3A_452 : memref<10240xf32, #tpu.memory_space<vmem_shared>>) target(%arg15 : memref<128xf32, #tpu.memory_space<vmem>>) offsets(%dma_start3A_450 : memref<128xi32, #tpu.memory_space<vmem>>) semaphore(%arg32 : memref<!tpu.dma_semaphore, #tpu.memory_space<semaphore_mem>>)
      } else {
      }
      %mul3A_407 = arith.constant 8 : i32
      %mul3A_408 = arith.muli %scan3A_240, %mul3A_407 : i32
      %add3A_409 = arith.constant 5 : i32
      %add3A_410 = arith.addi %mul3A_408, %add3A_409 : i32
      %add3A_411 = arith.constant 8 : i32
      %add3A_412 = arith.addi %add3A_410, %add3A_411 : i32
      %lt3A_413 = arith.constant 160 : i32
      %lt3A_414 = arith.cmpi slt, %add3A_412, %lt3A_413 : i32
      %convert_element_type3A_415 = arith.extui %lt3A_414 : i1 to i32
      %cond3A_416 = arith.constant 0 : i32
      %cond3A_417 = arith.cmpi ne, %convert_element_type3A_415, %cond3A_416 : i32
      scf.if %cond3A_417 {
        %dma_wait3A_441 = arith.constant 0 : i32
        %dma_wait3A_442 = tpu.memref_slice %arg10[%add3A_410, %dma_wait3A_441] : memref<160x128xi32, #tpu.memory_space<vmem>> -> memref<1x128xi32, #tpu.memory_space<vmem>>
        %dma_wait3A_443 = tpu.memref_squeeze %dma_wait3A_442 : memref<1x128xi32, #tpu.memory_space<vmem>> -> memref<128xi32, #tpu.memory_space<vmem>>
        %dma_wait3A_444 = arith.constant 0 : i32
        %dma_wait3A_445 = tpu.memref_slice %arg27[%dma_wait3A_444] : memref<10240xf32, #tpu.memory_space<vmem_shared>> -> memref<10240xf32, #tpu.memory_space<vmem_shared>>
        tpu.wait_indirect_dma semaphore(%arg41 : memref<!tpu.dma_semaphore, #tpu.memory_space<semaphore_mem>>) src(%arg16 : memref<128xf32, #tpu.memory_space<vmem>>) dst(%dma_wait3A_445 : memref<10240xf32, #tpu.memory_space<vmem_shared>>)
        %add3A_446 = arith.constant 8 : i32
        %add3A_447 = arith.addi %add3A_410, %add3A_446 : i32
        %dma_start3A_448 = arith.constant 0 : i32
        %dma_start3A_449 = tpu.memref_slice %arg9[%add3A_447, %dma_start3A_448] : memref<160x128xi32, #tpu.memory_space<vmem>> -> memref<1x128xi32, #tpu.memory_space<vmem>>
        %dma_start3A_450 = tpu.memref_squeeze %dma_start3A_449 : memref<1x128xi32, #tpu.memory_space<vmem>> -> memref<128xi32, #tpu.memory_space<vmem>>
        %dma_start3A_451 = arith.constant 0 : i32
        %dma_start3A_452 = tpu.memref_slice %arg26[%dma_start3A_451] : memref<10240xf32, #tpu.memory_space<vmem_shared>> -> memref<10240xf32, #tpu.memory_space<vmem_shared>>
        tpu.enqueue_indirect_dma source(%dma_start3A_452 : memref<10240xf32, #tpu.memory_space<vmem_shared>>) target(%arg16 : memref<128xf32, #tpu.memory_space<vmem>>) offsets(%dma_start3A_450 : memref<128xi32, #tpu.memory_space<vmem>>) semaphore(%arg33 : memref<!tpu.dma_semaphore, #tpu.memory_space<semaphore_mem>>)
      } else {
      }
      %mul3A_418 = arith.constant 8 : i32
      %mul3A_419 = arith.muli %scan3A_240, %mul3A_418 : i32
      %add3A_420 = arith.constant 6 : i32
      %add3A_421 = arith.addi %mul3A_419, %add3A_420 : i32
      %add3A_422 = arith.constant 8 : i32
      %add3A_423 = arith.addi %add3A_421, %add3A_422 : i32
      %lt3A_424 = arith.constant 160 : i32
      %lt3A_425 = arith.cmpi slt, %add3A_423, %lt3A_424 : i32
      %convert_element_type3A_426 = arith.extui %lt3A_425 : i1 to i32
      %cond3A_427 = arith.constant 0 : i32
      %cond3A_428 = arith.cmpi ne, %convert_element_type3A_426, %cond3A_427 : i32
      scf.if %cond3A_428 {
        %dma_wait3A_441 = arith.constant 0 : i32
        %dma_wait3A_442 = tpu.memref_slice %arg10[%add3A_421, %dma_wait3A_441] : memref<160x128xi32, #tpu.memory_space<vmem>> -> memref<1x128xi32, #tpu.memory_space<vmem>>
        %dma_wait3A_443 = tpu.memref_squeeze %dma_wait3A_442 : memref<1x128xi32, #tpu.memory_space<vmem>> -> memref<128xi32, #tpu.memory_space<vmem>>
        %dma_wait3A_444 = arith.constant 0 : i32
        %dma_wait3A_445 = tpu.memref_slice %arg27[%dma_wait3A_444] : memref<10240xf32, #tpu.memory_space<vmem_shared>> -> memref<10240xf32, #tpu.memory_space<vmem_shared>>
        tpu.wait_indirect_dma semaphore(%arg42 : memref<!tpu.dma_semaphore, #tpu.memory_space<semaphore_mem>>) src(%arg17 : memref<128xf32, #tpu.memory_space<vmem>>) dst(%dma_wait3A_445 : memref<10240xf32, #tpu.memory_space<vmem_shared>>)
        %add3A_446 = arith.constant 8 : i32
        %add3A_447 = arith.addi %add3A_421, %add3A_446 : i32
        %dma_start3A_448 = arith.constant 0 : i32
        %dma_start3A_449 = tpu.memref_slice %arg9[%add3A_447, %dma_start3A_448] : memref<160x128xi32, #tpu.memory_space<vmem>> -> memref<1x128xi32, #tpu.memory_space<vmem>>
        %dma_start3A_450 = tpu.memref_squeeze %dma_start3A_449 : memref<1x128xi32, #tpu.memory_space<vmem>> -> memref<128xi32, #tpu.memory_space<vmem>>
        %dma_start3A_451 = arith.constant 0 : i32
        %dma_start3A_452 = tpu.memref_slice %arg26[%dma_start3A_451] : memref<10240xf32, #tpu.memory_space<vmem_shared>> -> memref<10240xf32, #tpu.memory_space<vmem_shared>>
        tpu.enqueue_indirect_dma source(%dma_start3A_452 : memref<10240xf32, #tpu.memory_space<vmem_shared>>) target(%arg17 : memref<128xf32, #tpu.memory_space<vmem>>) offsets(%dma_start3A_450 : memref<128xi32, #tpu.memory_space<vmem>>) semaphore(%arg34 : memref<!tpu.dma_semaphore, #tpu.memory_space<semaphore_mem>>)
      } else {
      }
      %mul3A_429 = arith.constant 8 : i32
      %mul3A_430 = arith.muli %scan3A_240, %mul3A_429 : i32
      %add3A_431 = arith.constant 7 : i32
      %add3A_432 = arith.addi %mul3A_430, %add3A_431 : i32
      %add3A_433 = arith.constant 8 : i32
      %add3A_434 = arith.addi %add3A_432, %add3A_433 : i32
      %lt3A_435 = arith.constant 160 : i32
      %lt3A_436 = arith.cmpi slt, %add3A_434, %lt3A_435 : i32
      %convert_element_type3A_437 = arith.extui %lt3A_436 : i1 to i32
      %cond3A_438 = arith.constant 0 : i32
      %cond3A_439 = arith.cmpi ne, %convert_element_type3A_437, %cond3A_438 : i32
      scf.if %cond3A_439 {
        %dma_wait3A_441 = arith.constant 0 : i32
        %dma_wait3A_442 = tpu.memref_slice %arg10[%add3A_432, %dma_wait3A_441] : memref<160x128xi32, #tpu.memory_space<vmem>> -> memref<1x128xi32, #tpu.memory_space<vmem>>
        %dma_wait3A_443 = tpu.memref_squeeze %dma_wait3A_442 : memref<1x128xi32, #tpu.memory_space<vmem>> -> memref<128xi32, #tpu.memory_space<vmem>>
        %dma_wait3A_444 = arith.constant 0 : i32
        %dma_wait3A_445 = tpu.memref_slice %arg27[%dma_wait3A_444] : memref<10240xf32, #tpu.memory_space<vmem_shared>> -> memref<10240xf32, #tpu.memory_space<vmem_shared>>
        tpu.wait_indirect_dma semaphore(%arg43 : memref<!tpu.dma_semaphore, #tpu.memory_space<semaphore_mem>>) src(%arg18 : memref<128xf32, #tpu.memory_space<vmem>>) dst(%dma_wait3A_445 : memref<10240xf32, #tpu.memory_space<vmem_shared>>)
        %add3A_446 = arith.constant 8 : i32
        %add3A_447 = arith.addi %add3A_432, %add3A_446 : i32
        %dma_start3A_448 = arith.constant 0 : i32
        %dma_start3A_449 = tpu.memref_slice %arg9[%add3A_447, %dma_start3A_448] : memref<160x128xi32, #tpu.memory_space<vmem>> -> memref<1x128xi32, #tpu.memory_space<vmem>>
        %dma_start3A_450 = tpu.memref_squeeze %dma_start3A_449 : memref<1x128xi32, #tpu.memory_space<vmem>> -> memref<128xi32, #tpu.memory_space<vmem>>
        %dma_start3A_451 = arith.constant 0 : i32
        %dma_start3A_452 = tpu.memref_slice %arg26[%dma_start3A_451] : memref<10240xf32, #tpu.memory_space<vmem_shared>> -> memref<10240xf32, #tpu.memory_space<vmem_shared>>
        tpu.enqueue_indirect_dma source(%dma_start3A_452 : memref<10240xf32, #tpu.memory_space<vmem_shared>>) target(%arg18 : memref<128xf32, #tpu.memory_space<vmem>>) offsets(%dma_start3A_450 : memref<128xi32, #tpu.memory_space<vmem>>) semaphore(%arg35 : memref<!tpu.dma_semaphore, #tpu.memory_space<semaphore_mem>>)
      } else {
      }
      %scan3A_440 = arith.constant 0 : i32
      scf.yield %scan3A_440 : i32
    }
    %scan3A_178 = arith.constant 20 : i32
    %dma_wait3A_179 = arith.constant 152 : i32
    %dma_wait3A_180 = arith.constant 0 : i32
    %dma_wait3A_181 = tpu.memref_slice %arg10[%dma_wait3A_179, %dma_wait3A_180] : memref<160x128xi32, #tpu.memory_space<vmem>> -> memref<1x128xi32, #tpu.memory_space<vmem>>
    %dma_wait3A_182 = tpu.memref_squeeze %dma_wait3A_181 : memref<1x128xi32, #tpu.memory_space<vmem>> -> memref<128xi32, #tpu.memory_space<vmem>>
    %dma_wait3A_183 = arith.constant 0 : i32
    %dma_wait3A_184 = tpu.memref_slice %arg27[%dma_wait3A_183] : memref<10240xf32, #tpu.memory_space<vmem_shared>> -> memref<10240xf32, #tpu.memory_space<vmem_shared>>
    tpu.wait_indirect_dma semaphore(%arg36 : memref<!tpu.dma_semaphore, #tpu.memory_space<semaphore_mem>>) src(%arg11 : memref<128xf32, #tpu.memory_space<vmem>>) dst(%dma_wait3A_184 : memref<10240xf32, #tpu.memory_space<vmem_shared>>)
    %dma_wait3A_185 = arith.constant 153 : i32
    %dma_wait3A_186 = arith.constant 0 : i32
    %dma_wait3A_187 = tpu.memref_slice %arg10[%dma_wait3A_185, %dma_wait3A_186] : memref<160x128xi32, #tpu.memory_space<vmem>> -> memref<1x128xi32, #tpu.memory_space<vmem>>
    %dma_wait3A_188 = tpu.memref_squeeze %dma_wait3A_187 : memref<1x128xi32, #tpu.memory_space<vmem>> -> memref<128xi32, #tpu.memory_space<vmem>>
    %dma_wait3A_189 = arith.constant 0 : i32
    %dma_wait3A_190 = tpu.memref_slice %arg27[%dma_wait3A_189] : memref<10240xf32, #tpu.memory_space<vmem_shared>> -> memref<10240xf32, #tpu.memory_space<vmem_shared>>
    tpu.wait_indirect_dma semaphore(%arg37 : memref<!tpu.dma_semaphore, #tpu.memory_space<semaphore_mem>>) src(%arg12 : memref<128xf32, #tpu.memory_space<vmem>>) dst(%dma_wait3A_190 : memref<10240xf32, #tpu.memory_space<vmem_shared>>)
    %dma_wait3A_191 = arith.constant 154 : i32
    %dma_wait3A_192 = arith.constant 0 : i32
    %dma_wait3A_193 = tpu.memref_slice %arg10[%dma_wait3A_191, %dma_wait3A_192] : memref<160x128xi32, #tpu.memory_space<vmem>> -> memref<1x128xi32, #tpu.memory_space<vmem>>
    %dma_wait3A_194 = tpu.memref_squeeze %dma_wait3A_193 : memref<1x128xi32, #tpu.memory_space<vmem>> -> memref<128xi32, #tpu.memory_space<vmem>>
    %dma_wait3A_195 = arith.constant 0 : i32
    %dma_wait3A_196 = tpu.memref_slice %arg27[%dma_wait3A_195] : memref<10240xf32, #tpu.memory_space<vmem_shared>> -> memref<10240xf32, #tpu.memory_space<vmem_shared>>
    tpu.wait_indirect_dma semaphore(%arg38 : memref<!tpu.dma_semaphore, #tpu.memory_space<semaphore_mem>>) src(%arg13 : memref<128xf32, #tpu.memory_space<vmem>>) dst(%dma_wait3A_196 : memref<10240xf32, #tpu.memory_space<vmem_shared>>)
    %dma_wait3A_197 = arith.constant 155 : i32
    %dma_wait3A_198 = arith.constant 0 : i32
    %dma_wait3A_199 = tpu.memref_slice %arg10[%dma_wait3A_197, %dma_wait3A_198] : memref<160x128xi32, #tpu.memory_space<vmem>> -> memref<1x128xi32, #tpu.memory_space<vmem>>
    %dma_wait3A_200 = tpu.memref_squeeze %dma_wait3A_199 : memref<1x128xi32, #tpu.memory_space<vmem>> -> memref<128xi32, #tpu.memory_space<vmem>>
    %dma_wait3A_201 = arith.constant 0 : i32
    %dma_wait3A_202 = tpu.memref_slice %arg27[%dma_wait3A_201] : memref<10240xf32, #tpu.memory_space<vmem_shared>> -> memref<10240xf32, #tpu.memory_space<vmem_shared>>
    tpu.wait_indirect_dma semaphore(%arg39 : memref<!tpu.dma_semaphore, #tpu.memory_space<semaphore_mem>>) src(%arg14 : memref<128xf32, #tpu.memory_space<vmem>>) dst(%dma_wait3A_202 : memref<10240xf32, #tpu.memory_space<vmem_shared>>)
    %dma_wait3A_203 = arith.constant 156 : i32
    %dma_wait3A_204 = arith.constant 0 : i32
    %dma_wait3A_205 = tpu.memref_slice %arg10[%dma_wait3A_203, %dma_wait3A_204] : memref<160x128xi32, #tpu.memory_space<vmem>> -> memref<1x128xi32, #tpu.memory_space<vmem>>
    %dma_wait3A_206 = tpu.memref_squeeze %dma_wait3A_205 : memref<1x128xi32, #tpu.memory_space<vmem>> -> memref<128xi32, #tpu.memory_space<vmem>>
    %dma_wait3A_207 = arith.constant 0 : i32
    %dma_wait3A_208 = tpu.memref_slice %arg27[%dma_wait3A_207] : memref<10240xf32, #tpu.memory_space<vmem_shared>> -> memref<10240xf32, #tpu.memory_space<vmem_shared>>
    tpu.wait_indirect_dma semaphore(%arg40 : memref<!tpu.dma_semaphore, #tpu.memory_space<semaphore_mem>>) src(%arg15 : memref<128xf32, #tpu.memory_space<vmem>>) dst(%dma_wait3A_208 : memref<10240xf32, #tpu.memory_space<vmem_shared>>)
    %dma_wait3A_209 = arith.constant 157 : i32
    %dma_wait3A_210 = arith.constant 0 : i32
    %dma_wait3A_211 = tpu.memref_slice %arg10[%dma_wait3A_209, %dma_wait3A_210] : memref<160x128xi32, #tpu.memory_space<vmem>> -> memref<1x128xi32, #tpu.memory_space<vmem>>
    %dma_wait3A_212 = tpu.memref_squeeze %dma_wait3A_211 : memref<1x128xi32, #tpu.memory_space<vmem>> -> memref<128xi32, #tpu.memory_space<vmem>>
    %dma_wait3A_213 = arith.constant 0 : i32
    %dma_wait3A_214 = tpu.memref_slice %arg27[%dma_wait3A_213] : memref<10240xf32, #tpu.memory_space<vmem_shared>> -> memref<10240xf32, #tpu.memory_space<vmem_shared>>
    tpu.wait_indirect_dma semaphore(%arg41 : memref<!tpu.dma_semaphore, #tpu.memory_space<semaphore_mem>>) src(%arg16 : memref<128xf32, #tpu.memory_space<vmem>>) dst(%dma_wait3A_214 : memref<10240xf32, #tpu.memory_space<vmem_shared>>)
    %dma_wait3A_215 = arith.constant 158 : i32
    %dma_wait3A_216 = arith.constant 0 : i32
    %dma_wait3A_217 = tpu.memref_slice %arg10[%dma_wait3A_215, %dma_wait3A_216] : memref<160x128xi32, #tpu.memory_space<vmem>> -> memref<1x128xi32, #tpu.memory_space<vmem>>
    %dma_wait3A_218 = tpu.memref_squeeze %dma_wait3A_217 : memref<1x128xi32, #tpu.memory_space<vmem>> -> memref<128xi32, #tpu.memory_space<vmem>>
    %dma_wait3A_219 = arith.constant 0 : i32
    %dma_wait3A_220 = tpu.memref_slice %arg27[%dma_wait3A_219] : memref<10240xf32, #tpu.memory_space<vmem_shared>> -> memref<10240xf32, #tpu.memory_space<vmem_shared>>
    tpu.wait_indirect_dma semaphore(%arg42 : memref<!tpu.dma_semaphore, #tpu.memory_space<semaphore_mem>>) src(%arg17 : memref<128xf32, #tpu.memory_space<vmem>>) dst(%dma_wait3A_220 : memref<10240xf32, #tpu.memory_space<vmem_shared>>)
    %dma_wait3A_221 = arith.constant 159 : i32
    %dma_wait3A_222 = arith.constant 0 : i32
    %dma_wait3A_223 = tpu.memref_slice %arg10[%dma_wait3A_221, %dma_wait3A_222] : memref<160x128xi32, #tpu.memory_space<vmem>> -> memref<1x128xi32, #tpu.memory_space<vmem>>
    %dma_wait3A_224 = tpu.memref_squeeze %dma_wait3A_223 : memref<1x128xi32, #tpu.memory_space<vmem>> -> memref<128xi32, #tpu.memory_space<vmem>>
    %dma_wait3A_225 = arith.constant 0 : i32
    %dma_wait3A_226 = tpu.memref_slice %arg27[%dma_wait3A_225] : memref<10240xf32, #tpu.memory_space<vmem_shared>> -> memref<10240xf32, #tpu.memory_space<vmem_shared>>
    tpu.wait_indirect_dma semaphore(%arg43 : memref<!tpu.dma_semaphore, #tpu.memory_space<semaphore_mem>>) src(%arg18 : memref<128xf32, #tpu.memory_space<vmem>>) dst(%dma_wait3A_226 : memref<10240xf32, #tpu.memory_space<vmem_shared>>)
    %barrier3A_227 = arith.constant 0 : index
    tpu.barrier barrier_id(%barrier3A_227)
    "tpu.region"() ({
      %run_scoped3A = tpu.sem_alloc : memref<!tpu.dma_semaphore, #tpu.memory_space<semaphore_mem>>
      %dma_start3A_240 = tpu.memref_slice %arg27[%mul3A_0] : memref<10240xf32, #tpu.memory_space<vmem_shared>> -> memref<640xf32, #tpu.memory_space<vmem_shared>>
      %dma_start3A_241 = tpu.memref_slice %arg27[%mul3A_0] : memref<10240xf32, #tpu.memory_space<vmem_shared>> -> memref<640xf32, #tpu.memory_space<vmem_shared>>
      tpu.enqueue_dma source(%dma_start3A_241 : memref<640xf32, #tpu.memory_space<vmem_shared>>) target(%arg22 : memref<640xf32, #tpu.memory_space<vmem>>) target_semaphore(%run_scoped3A : memref<!tpu.dma_semaphore, #tpu.memory_space<semaphore_mem>>)
      %dma_wait3A_242 = tpu.memref_slice %arg27[%mul3A_0] : memref<10240xf32, #tpu.memory_space<vmem_shared>> -> memref<640xf32, #tpu.memory_space<vmem_shared>>
      %dma_wait3A_243 = tpu.memref_slice %arg27[%mul3A_0] : memref<10240xf32, #tpu.memory_space<vmem_shared>> -> memref<640xf32, #tpu.memory_space<vmem_shared>>
      tpu.wait_dma2 semaphore(%run_scoped3A : memref<!tpu.dma_semaphore, #tpu.memory_space<semaphore_mem>>) src(%dma_wait3A_243 : memref<640xf32, #tpu.memory_space<vmem_shared>>) dst(%arg22 : memref<640xf32, #tpu.memory_space<vmem>>)
      tpu.yield
    }) : () -> ()
    %get3A_228 = arith.constant 0 : index
    %get3A_229 = tpu.vector_load %arg25[%get3A_228] {strides = array<i32>} : memref<16xf32, #tpu.memory_space<vmem>>, vector<16xf32>,
    %get3A_230 = vector.shape_cast %get3A_229 : vector<16xf32> to vector<16xf32>
    %scan3A_231 = arith.constant 0 : i32
    %scan3A_232 = arith.constant 0 : i32
    %scan3A_233 = arith.constant 40 : i32
    %scan3A_234 = arith.addi %scan3A_232, %scan3A_233 : i32
    %scan3A_235 = arith.constant 1 : i32
    %scan3A_236 = scf.for %scan3A_240 = %scan3A_232 to %scan3A_234 step %scan3A_235 iter_args(%scan3A_241 = %scan3A_231) -> (i32)  : i32 {
      %mul3A_242 = arith.constant 16 : i32
      %mul3A_243 = arith.muli %scan3A_240, %mul3A_242 : i32
      %get3A_244 = arith.index_cast %mul3A_243 : i32 to index
      %get3A_245 = tpu.vector_load %arg21[%get3A_244] {strides = array<i32>} : memref<640xf32, #tpu.memory_space<vmem>>, vector<16xf32>,
      %get3A_246 = vector.shape_cast %get3A_245 : vector<16xf32> to vector<16xf32>
      %get3A_247 = arith.index_cast %mul3A_243 : i32 to index
      %get3A_248 = tpu.vector_load %arg22[%get3A_247] {strides = array<i32>} : memref<640xf32, #tpu.memory_space<vmem>>, vector<16xf32>,
      %get3A_249 = vector.shape_cast %get3A_248 : vector<16xf32> to vector<16xf32>
      %get3A_250 = arith.index_cast %mul3A_243 : i32 to index
      %get3A_251 = tpu.vector_load %arg23[%get3A_250] {strides = array<i32>} : memref<640xf32, #tpu.memory_space<vmem>>, vector<16xf32>,
      %get3A_252 = vector.shape_cast %get3A_251 : vector<16xf32> to vector<16xf32>
      %add3A = arith.addf %get3A_249, %get3A_252 : vector<16xf32>
      %mul3A_253 = arith.mulf %get3A_246, %add3A : vector<16xf32>
      %add3A_254 = arith.addf %mul3A_253, %get3A_230 : vector<16xf32>
      %swap3A = arith.index_cast %mul3A_243 : i32 to index
      %swap3A_255 = tpu.vector_load %arg20[%swap3A] {strides = array<i32>} : memref<640xf32, #tpu.memory_space<vmem>>, vector<16xf32>,
      %swap3A_256 = vector.shape_cast %swap3A_255 : vector<16xf32> to vector<16xf32>
      %swap3A_257 = vector.shape_cast %add3A_254 : vector<16xf32> to vector<16xf32>
      tpu.vector_store %arg20[%swap3A], %swap3A_257 {strides = array<i32>} : memref<640xf32, #tpu.memory_space<vmem>>, vector<16xf32>,
      %scan3A_258 = arith.constant 0 : i32
      scf.yield %scan3A_258 : i32
    }
    %scan3A_237 = arith.constant 40 : i32
    %eq3A = arith.constant 0 : i32
    %eq3A_238 = arith.cmpi eq, %arg0, %eq3A : i32
    %convert_element_type3A = arith.extui %eq3A_238 : i1 to i32
    %cond3A = arith.constant 0 : i32
    %cond3A_239 = arith.cmpi ne, %convert_element_type3A, %cond3A : i32
    scf.if %cond3A_239 {
      "tpu.region"() ({
        %run_scoped3A = tpu.sem_alloc : memref<!tpu.dma_semaphore, #tpu.memory_space<semaphore_mem>>
        %dma_start3A_240 = tpu.memref_slice %arg8[%mul3A_0] : memref<10240xf32, #tpu.memory_space<hbm>> -> memref<640xf32, #tpu.memory_space<hbm>>
        %dma_start3A_241 = tpu.memref_slice %arg8[%mul3A_0] : memref<10240xf32, #tpu.memory_space<hbm>> -> memref<640xf32, #tpu.memory_space<hbm>>
        tpu.enqueue_dma source(%arg20 : memref<640xf32, #tpu.memory_space<vmem>>) target(%dma_start3A_241 : memref<640xf32, #tpu.memory_space<hbm>>) target_semaphore(%run_scoped3A : memref<!tpu.dma_semaphore, #tpu.memory_space<semaphore_mem>>)
        %dma_wait3A_242 = tpu.memref_slice %arg8[%mul3A_0] : memref<10240xf32, #tpu.memory_space<hbm>> -> memref<640xf32, #tpu.memory_space<hbm>>
        %dma_wait3A_243 = tpu.memref_slice %arg8[%mul3A_0] : memref<10240xf32, #tpu.memory_space<hbm>> -> memref<640xf32, #tpu.memory_space<hbm>>
        tpu.wait_dma2 semaphore(%run_scoped3A : memref<!tpu.dma_semaphore, #tpu.memory_space<semaphore_mem>>) src(%arg20 : memref<640xf32, #tpu.memory_space<vmem>>) dst(%dma_wait3A_243 : memref<640xf32, #tpu.memory_space<hbm>>)
        tpu.yield
      }) : () -> ()
    } else {
    }
    return
  }
}

module attributes {stable_mosaic.version = 14 : i64} {
  func.func @_tc_a_body(%arg0: i32, %arg1: memref<1024x128xf32, #tpu.memory_space<vmem>>, %arg2: memref<128x80xf32, #tpu.memory_space<vmem>>, %arg3: memref<2x1024x1xf32, #tpu.memory_space<vmem>>, %arg4: memref<1024x80xf32, #tpu.memory_space<vmem>>, %arg5: memref<1024x1xf32, #tpu.memory_space<vmem>>) attributes {dimension_semantics = [#tpu.dimension_semantics<arbitrary>], iteration_bounds = array<i64: 10>, scalar_prefetch = 0 : i64, scratch_operands = 0 : i64, tpu.core_type = #tpu.core_type<tc>, window_params = [{transform_indices = @transform_0, window_bounds = array<i64: 1024, 128>}, {pipeline_mode = #tpu.pipeline_mode<synchronous>, transform_indices = @transform_1, window_bounds = array<i64: 128, 80>}, {transform_indices = @transform_2, window_bounds = array<i64: 2, 1024, 1>}, {transform_indices = @transform_3, window_bounds = array<i64: 1024, 80>}, {transform_indices = @transform_4, window_bounds = array<i64: 1024, 1>}]} {
    %get3A = arith.constant 0 : index
    %get3A_0 = arith.constant 0 : index
    %get3A_1 = arith.constant 0 : index
    %get3A_2 = vector.load %arg3[%get3A, %get3A_0, %get3A_1] : memref<2x1024x1xf32, #tpu.memory_space<vmem>>, vector<1x1024x1xf32>
    %get3A_3 = vector.shape_cast %get3A_2 : vector<1x1024x1xf32> to vector<1024x1xf32>
    %get3A_4 = arith.constant 1 : index
    %get3A_5 = arith.constant 0 : index
    %get3A_6 = arith.constant 0 : index
    %get3A_7 = vector.load %arg3[%get3A_4, %get3A_5, %get3A_6] : memref<2x1024x1xf32, #tpu.memory_space<vmem>>, vector<1x1024x1xf32>
    %get3A_8 = vector.shape_cast %get3A_7 : vector<1x1024x1xf32> to vector<1024x1xf32>
    %add3A = arith.addf %get3A_3, %get3A_8 : vector<1024x1xf32>
    %add3A_9 = arith.constant 1.000000e+00 : f32
    %add3A_10 = vector.broadcast %add3A_9 : f32 to vector<1024x1xf32>
    %add3A_11 = arith.addf %add3A, %add3A_10 : vector<1024x1xf32>
    %rsqrt3A = math.rsqrt %add3A_11 : vector<1024x1xf32>
    %get3A_12 = arith.constant 0 : index
    %get3A_13 = arith.constant 0 : index
    %get3A_14 = vector.load %arg1[%get3A_12, %get3A_13] : memref<1024x128xf32, #tpu.memory_space<vmem>>, vector<1024x128xf32>
    %get3A_15 = arith.constant 0 : index
    %get3A_16 = arith.constant 0 : index
    %get3A_17 = vector.load %arg2[%get3A_15, %get3A_16] : memref<128x80xf32, #tpu.memory_space<vmem>>, vector<128x80xf32>
    %dot_general3A = arith.constant dense<0.000000e+00> : vector<1024x80xf32>
    %dot_general3A_18 = tpu.matmul %get3A_14, %get3A_17, %dot_general3A {dimension_numbers = #tpu.dot_dimension_numbers<[1], [0], [0], [1], [0, 0, 1, 1], [], []>, transpose_lhs_hint = false} : vector<1024x128xf32>, vector<128x80xf32>, vector<1024x80xf32> -> vector<1024x80xf32>
    %mul3A = vector.broadcast %rsqrt3A : vector<1024x1xf32> to vector<1024x80xf32>
    %mul3A_19 = arith.mulf %dot_general3A_18, %mul3A : vector<1024x80xf32>
    %swap3A = arith.constant 0 : index
    %swap3A_20 = arith.constant 0 : index
    %swap3A_21 = vector.load %arg4[%swap3A, %swap3A_20] : memref<1024x80xf32, #tpu.memory_space<vmem>>, vector<1024x80xf32>
    tpu.vector_store %arg4[%swap3A, %swap3A_20], %mul3A_19 {strides = array<i32>} : memref<1024x80xf32, #tpu.memory_space<vmem>>, vector<1024x80xf32>,
    %swap3A_22 = arith.constant 0 : index
    %swap3A_23 = arith.constant 0 : index
    %swap3A_24 = vector.load %arg5[%swap3A_22, %swap3A_23] : memref<1024x1xf32, #tpu.memory_space<vmem>>, vector<1024x1xf32>
    tpu.vector_store %arg5[%swap3A_22, %swap3A_23], %rsqrt3A {strides = array<i32>} : memref<1024x1xf32, #tpu.memory_space<vmem>>, vector<1024x1xf32>,
    return
  }
  func.func @transform_0(%arg0: i32) -> (i32, i32) {
    %c0_i32 = arith.constant 0 : i32
    %c0_i32_0 = arith.constant 0 : i32
    return %arg0, %c0_i32 : i32, i32
  }
  func.func @transform_1(%arg0: i32) -> (i32, i32) {
    %c0_i32 = arith.constant 0 : i32
    %c0_i32_0 = arith.constant 0 : i32
    %c0_i32_1 = arith.constant 0 : i32
    return %c0_i32, %c0_i32_0 : i32, i32
  }
  func.func @transform_2(%arg0: i32) -> (i32, i32, i32) {
    %c0_i32 = arith.constant 0 : i32
    %c0_i32_0 = arith.constant 0 : i32
    %c0_i32_1 = arith.constant 0 : i32
    return %c0_i32, %arg0, %c0_i32_0 : i32, i32, i32
  }
  func.func @transform_3(%arg0: i32) -> (i32, i32) {
    %c0_i32 = arith.constant 0 : i32
    %c0_i32_0 = arith.constant 0 : i32
    return %arg0, %c0_i32 : i32, i32
  }
  func.func @transform_4(%arg0: i32) -> (i32, i32) {
    %c0_i32 = arith.constant 0 : i32
    %c0_i32_0 = arith.constant 0 : i32
    return %arg0, %c0_i32 : i32, i32
  }
}

module attributes {stable_mosaic.version = 14 : i64} {
  func.func @_tc_b_body(%arg0: i32, %arg1: memref<2x1024x80xf32, #tpu.memory_space<vmem>>, %arg2: memref<1024x80xf32, #tpu.memory_space<vmem>>, %arg3: memref<1024x1xf32, #tpu.memory_space<vmem>>, %arg4: memref<1x80xf32, #tpu.memory_space<vmem>>, %arg5: memref<80x96xf32, #tpu.memory_space<vmem>>, %arg6: memref<96x1xf32, #tpu.memory_space<vmem>>, %arg7: memref<1x96xf32, #tpu.memory_space<vmem>>, %arg8: memref<1024x1xf32, #tpu.memory_space<vmem>>, %arg9: memref<1x16xf32, #tpu.memory_space<vmem>>) attributes {dimension_semantics = [#tpu.dimension_semantics<arbitrary>], iteration_bounds = array<i64: 10>, scalar_prefetch = 0 : i64, scratch_operands = 0 : i64, tpu.core_type = #tpu.core_type<tc>, window_params = [{transform_indices = @transform_0, window_bounds = array<i64: 2, 1024, 80>}, {transform_indices = @transform_1, window_bounds = array<i64: 1024, 80>}, {transform_indices = @transform_2, window_bounds = array<i64: 1024, 1>}, {pipeline_mode = #tpu.pipeline_mode<synchronous>, transform_indices = @transform_3, window_bounds = array<i64: 1, 80>}, {pipeline_mode = #tpu.pipeline_mode<synchronous>, transform_indices = @transform_4, window_bounds = array<i64: 80, 96>}, {pipeline_mode = #tpu.pipeline_mode<synchronous>, transform_indices = @transform_5, window_bounds = array<i64: 96, 1>}, {pipeline_mode = #tpu.pipeline_mode<synchronous>, transform_indices = @transform_6, window_bounds = array<i64: 1, 96>}, {transform_indices = @transform_7, window_bounds = array<i64: 1024, 1>}, {pipeline_mode = #tpu.pipeline_mode<synchronous>, transform_indices = @transform_8, window_bounds = array<i64: 1, 16>}]} {
    %get3A = arith.constant 0 : index
    %get3A_0 = arith.constant 0 : index
    %get3A_1 = vector.load %arg3[%get3A, %get3A_0] : memref<1024x1xf32, #tpu.memory_space<vmem>>, vector<1024x1xf32>
    %get3A_2 = arith.constant 0 : index
    %get3A_3 = arith.constant 0 : index
    %get3A_4 = arith.constant 0 : index
    %get3A_5 = vector.load %arg1[%get3A_2, %get3A_3, %get3A_4] : memref<2x1024x80xf32, #tpu.memory_space<vmem>>, vector<1x1024x80xf32>
    %get3A_6 = vector.shape_cast %get3A_5 : vector<1x1024x80xf32> to vector<1024x80xf32>
    %get3A_7 = arith.constant 1 : index
    %get3A_8 = arith.constant 0 : index
    %get3A_9 = arith.constant 0 : index
    %get3A_10 = vector.load %arg1[%get3A_7, %get3A_8, %get3A_9] : memref<2x1024x80xf32, #tpu.memory_space<vmem>>, vector<1x1024x80xf32>
    %get3A_11 = vector.shape_cast %get3A_10 : vector<1x1024x80xf32> to vector<1024x80xf32>
    %add3A = arith.addf %get3A_6, %get3A_11 : vector<1024x80xf32>
    %get3A_12 = arith.constant 0 : index
    %get3A_13 = arith.constant 0 : index
    %get3A_14 = vector.load %arg2[%get3A_12, %get3A_13] : memref<1024x80xf32, #tpu.memory_space<vmem>>, vector<1024x80xf32>
    %add3A_15 = arith.addf %add3A, %get3A_14 : vector<1024x80xf32>
    %mul3A = vector.broadcast %get3A_1 : vector<1024x1xf32> to vector<1024x80xf32>
    %mul3A_16 = arith.mulf %mul3A, %add3A_15 : vector<1024x80xf32>
    %get3A_17 = arith.constant 0 : index
    %get3A_18 = arith.constant 0 : index
    %get3A_19 = vector.load %arg4[%get3A_17, %get3A_18] : memref<1x80xf32, #tpu.memory_space<vmem>>, vector<1x80xf32>
    %add3A_20 = vector.broadcast %get3A_19 : vector<1x80xf32> to vector<1024x80xf32>
    %add3A_21 = arith.addf %mul3A_16, %add3A_20 : vector<1024x80xf32>
    %max3A = arith.constant 0.000000e+00 : f32
    %max3A_22 = vector.broadcast %max3A : f32 to vector<1024x80xf32>
    %max3A_23 = arith.maximumf %add3A_21, %max3A_22 : vector<1024x80xf32>
    %get3A_24 = arith.constant 0 : index
    %get3A_25 = arith.constant 0 : index
    %get3A_26 = vector.load %arg5[%get3A_24, %get3A_25] : memref<80x96xf32, #tpu.memory_space<vmem>>, vector<80x96xf32>
    %dot_general3A = arith.constant dense<0.000000e+00> : vector<1024x96xf32>
    %dot_general3A_27 = tpu.matmul %max3A_23, %get3A_26, %dot_general3A {dimension_numbers = #tpu.dot_dimension_numbers<[1], [0], [0], [1], [0, 0, 1, 1], [], []>, transpose_lhs_hint = false} : vector<1024x80xf32>, vector<80x96xf32>, vector<1024x96xf32> -> vector<1024x96xf32>
    %get3A_28 = arith.constant 0 : index
    %get3A_29 = arith.constant 0 : index
    %get3A_30 = vector.load %arg6[%get3A_28, %get3A_29] : memref<96x1xf32, #tpu.memory_space<vmem>>, vector<96x1xf32>
    %dot_general3A_31 = arith.constant dense<0.000000e+00> : vector<1024x1xf32>
    %dot_general3A_32 = tpu.matmul %dot_general3A_27, %get3A_30, %dot_general3A_31 {dimension_numbers = #tpu.dot_dimension_numbers<[1], [0], [0], [1], [0, 0, 1, 1], [], []>, transpose_lhs_hint = false} : vector<1024x96xf32>, vector<96x1xf32>, vector<1024x1xf32> -> vector<1024x1xf32>
    %mul3A_33 = arith.mulf %get3A_1, %dot_general3A_32 : vector<1024x1xf32>
    %swap3A = arith.constant 0 : index
    %swap3A_34 = arith.constant 0 : index
    %swap3A_35 = vector.load %arg8[%swap3A, %swap3A_34] : memref<1024x1xf32, #tpu.memory_space<vmem>>, vector<1024x1xf32>
    tpu.vector_store %arg8[%swap3A, %swap3A_34], %mul3A_33 {strides = array<i32>} : memref<1024x1xf32, #tpu.memory_space<vmem>>, vector<1024x1xf32>,
    %get3A_36 = arith.constant 0 : index
    %get3A_37 = arith.constant 0 : index
    %get3A_38 = vector.load %arg7[%get3A_36, %get3A_37] : memref<1x96xf32, #tpu.memory_space<vmem>>, vector<1x96xf32>
    %get3A_39 = arith.constant 0 : index
    %get3A_40 = arith.constant 0 : index
    %get3A_41 = vector.load %arg6[%get3A_39, %get3A_40] : memref<96x1xf32, #tpu.memory_space<vmem>>, vector<96x1xf32>
    %reshape3A = vector.shape_cast %get3A_41 : vector<96x1xf32> to vector<1x96xf32>
    %mul3A_42 = arith.mulf %get3A_38, %reshape3A : vector<1x96xf32>
    %reduce_sum3A = vector.shape_cast %mul3A_42 : vector<1x96xf32> to vector<1x1x96xf32>
    %reduce_sum3A_43 = arith.constant dense<0.000000e+00> : vector<1xf32>
    %reduce_sum3A_44 = vector.multi_reduction <add>, %reduce_sum3A, %reduce_sum3A_43 [1, 2] : vector<1x1x96xf32> to vector<1xf32>
    %reduce_sum3A_45 = vector.shape_cast %reduce_sum3A_44 : vector<1xf32> to vector<1x1x1xf32>
    %reduce_sum3A_46 = vector.extract %reduce_sum3A_45[0, 0, 0] : f32 from vector<1x1x1xf32>
    %broadcast_in_dim3A = vector.broadcast %reduce_sum3A_46 : f32 to vector<1x16xf32>
    %swap3A_47 = arith.constant 0 : index
    %swap3A_48 = arith.constant 0 : index
    %swap3A_49 = vector.load %arg9[%swap3A_47, %swap3A_48] : memref<1x16xf32, #tpu.memory_space<vmem>>, vector<1x16xf32>
    tpu.vector_store %arg9[%swap3A_47, %swap3A_48], %broadcast_in_dim3A {strides = array<i32>} : memref<1x16xf32, #tpu.memory_space<vmem>>, vector<1x16xf32>,
    return
  }
  func.func @transform_0(%arg0: i32) -> (i32, i32, i32) {
    %c0_i32 = arith.constant 0 : i32
    %c0_i32_0 = arith.constant 0 : i32
    %c0_i32_1 = arith.constant 0 : i32
    return %c0_i32, %arg0, %c0_i32_0 : i32, i32, i32
  }
  func.func @transform_1(%arg0: i32) -> (i32, i32) {
    %c0_i32 = arith.constant 0 : i32
    %c0_i32_0 = arith.constant 0 : i32
    return %arg0, %c0_i32 : i32, i32
  }
  func.func @transform_2(%arg0: i32) -> (i32, i32) {
    %c0_i32 = arith.constant 0 : i32
    %c0_i32_0 = arith.constant 0 : i32
    return %arg0, %c0_i32 : i32, i32
  }
  func.func @transform_3(%arg0: i32) -> (i32, i32) {
    %c0_i32 = arith.constant 0 : i32
    %c0_i32_0 = arith.constant 0 : i32
    %c0_i32_1 = arith.constant 0 : i32
    return %c0_i32, %c0_i32_0 : i32, i32
  }
  func.func @transform_4(%arg0: i32) -> (i32, i32) {
    %c0_i32 = arith.constant 0 : i32
    %c0_i32_0 = arith.constant 0 : i32
    %c0_i32_1 = arith.constant 0 : i32
    return %c0_i32, %c0_i32_0 : i32, i32
  }
  func.func @transform_5(%arg0: i32) -> (i32, i32) {
    %c0_i32 = arith.constant 0 : i32
    %c0_i32_0 = arith.constant 0 : i32
    %c0_i32_1 = arith.constant 0 : i32
    return %c0_i32, %c0_i32_0 : i32, i32
  }
  func.func @transform_6(%arg0: i32) -> (i32, i32) {
    %c0_i32 = arith.constant 0 : i32
    %c0_i32_0 = arith.constant 0 : i32
    %c0_i32_1 = arith.constant 0 : i32
    return %c0_i32, %c0_i32_0 : i32, i32
  }
  func.func @transform_7(%arg0: i32) -> (i32, i32) {
    %c0_i32 = arith.constant 0 : i32
    %c0_i32_0 = arith.constant 0 : i32
    return %arg0, %c0_i32 : i32, i32
  }
  func.func @transform_8(%arg0: i32) -> (i32, i32) {
    %c0_i32 = arith.constant 0 : i32
    %c0_i32_0 = arith.constant 0 : i32
    %c0_i32_1 = arith.constant 0 : i32
    return %c0_i32, %c0_i32_0 : i32, i32
  }
}

</mosaic_0001>

<sc_bundles>
// kernel: kernel.10.cloned.1.call-start
scs
__scs_entry_jumppad:
0x0: {  	(pc) =	sbr.rel $0x88, $3  }
0x1: {  	(tag) =	ssettag $0x0;
	lr =	simm.s32 $0x1  }
0x2: {  	[smem:$0x3F99] =	sst lr;
	_ =	strace $0xD0000000  }
0x3: {  	_ = 	snop  }
0x4: {  	_ = 	snop  }
0x5: {  	_ = 	snop  }
0x6: {  	_ = 	snop  }
0x7: {  	_ = 	snop  }
__scs_overlays_trampoline_lowered:
0x8: {  	[smem:$0x3FA8] =	sst s0  }
0x9: {  	[smem:$0x3FA9] =	sst s1  }
0xa: {  	[smem:$0x3FAA] =	sst s2  }
0xb: {  	[smem:$0x3FAB] =	sst s3  }
0xc: {  	[smem:$0x3FAC] =	sst s4  }
0xd: {  	[smem:$0x3FAD] =	sst s5  }
0xe: {  	[smem:$0x3FAE] =	sst s6  }
0xf: {  	[smem:$0x3FAF] =	sst s7  }
0x10: {  	[smem:$0x3FB0] =	sst s8  }
0x11: {  	[smem:$0x3FB1] =	sst s9;
	s0 =	simm.s32 @!p0 $0x0  }
0x12: {  	s1 =	sld [smem:$0x3F97];
	s0 =	simm.s32 @p0 $0x1  }
0x13: {  	[smem:$0x3FB2] =	sst s0;
	s0 =	simm.s32 @!p1 $0x0  }
0x14: {  	s2 =	sld [smem:$0x3F96];
	s0 =	simm.s32 @p1 $0x1  }
0x15: {  	[smem:$0x3FB3] =	sst s0;
	s0 =	simm.s32 @!p2 $0x0  }
0x16: {  	s3 =	sld [smem:$0x3FDB];
	s0 =	simm.s32 @p2 $0x1  }
0x17: {  	s4 =	simm.s32 $0x1BF5;
	[smem:$0x3FB5] =	sst s0  }
0x18: {  	s0 =	sld [smem:$0x3F98];
	_ =	swait.ge [sflag:s4], $0x0  }
0x19: {  	s7 =	sld [smem:$0x3F99]  }
0x1a: {  	s8 =	sadd.s32 $0xFFFFE003, lr  }
0x1b: {  	s9 =	sadd.s32 $0xFFFFFEF7, lr;
	s5 =	simm.s32 $0xFFFFFFFF;
	p2 =	slt.u32 s8, $0xFFFFF086  }
0x1c: {  	p1 =	slt.u32 s9, $0xF7A;
	s5 =	simm.s32 @!p2 $0x0  }
0x1d: {  	s5 =	simm.s32 @p1 $0x1;
	p0 =	seq.s32 s7, s2  }
0x1e: {  	s7 =	smul.u32 @!p0 $0xF7A, s2;
	p2 =	seq.s32 @!p0 s5, $0x0  }
0x1f: {  	s9 =	smul.u32 $0xF7A, s1;
	s8 =	simm.s32 @!p0 $0x1BF5;
	p2 =	por !p2, p0  }
0x20: {  	[sflag:s8] =	ssyncset.s32 @!p0 $0xFFFFF086;
	s6 =	sadd.s32 @!p0 s3, s7;
	s7 =	simm.s32 @!p0 $0x108  }
0x21: {  	s3 =	sadd.s32 s3, s9;
	s6 =	sadd.s32 @!p0 $0x88, s6;
	s7 =	simm.s32 @p2 $0x1082  }
0x22: {  	[simem:s7], [sflag:s8] =	dma.local @!p0 [hbm:s6], $0xF7A  }
0x23: {  	s9 =	sor.u32 $0xD0000000, s2;
	s6 =	simm.s32 $0x108;
	_ =	swait.ge @!p0 [sflag:s8], $0x0  }
0x24: {  	s3 =	sadd.s32 $0x88, s3;
	s6 =	simm.s32 @!p1 $0x1082;
	[sflag:s4] =	ssyncset.s32 $0xFFFFF086  }
0x25: {  	[simem:s6], [sflag:s4] =	dma.local [hbm:s3], $0xF7A  }
0x26: {  	[smem:$0x3F99] =	sst s1;
	(tag) =	ssettag s2;
	_ =	strace s9  }
0x27: {  	s1 =	sld [smem:$0x3FA9]  }
0x28: {  	s2 =	sld [smem:$0x3FAA]  }
0x29: {  	s4 =	sld [smem:$0x3FAC]  }
0x2a: {  	p0 =	seq.s32 s5, $0x0;
	s5 =	sld [smem:$0x3FAD]  }
0x2b: {  	s6 =	sld [smem:$0x3FAE]  }
0x2c: {  	s7 =	sld [smem:$0x3FAF]  }
0x2d: {  	s3 =	simm.s32 $0x108;
	s8 =	sld [smem:$0x3FB0]  }
0x2e: {  	s3 =	simm.s32 @!p0 $0x1082;
	s9 =	sld [smem:$0x3FB1]  }
0x2f: {  	lr =	sadd.s32 s0, s3;
	s0 =	sld [smem:$0x3FA8]  }
0x30: {  	s3 =	sld [smem:$0x3FAB]  }
0x31: {  	[smem:$0x3FB4] =	sst s10  }
0x32: {  	s10 =	sld [smem:$0x3FB2];
	_ =	sdelay $0x3  }
0x33: {  	p0 =	seq.s32 s10, $0x1;
	s10 =	sld [smem:$0x3FB4];
	_ =	sdelay $0x3  }
0x34: {  	[smem:$0x3FB4] =	sst s10  }
0x35: {  	s10 =	sld [smem:$0x3FB3];
	_ =	sdelay $0x3  }
0x36: {  	p1 =	seq.s32 s10, $0x1;
	s10 =	sld [smem:$0x3FB4];
	_ =	sdelay $0x3  }
0x37: {  	[smem:$0x3FB4] =	sst s10  }
0x38: {  	s10 =	sld [smem:$0x3FB5]  }
0x39: {  	_ = 	snop;
	(pc) =	sbr.ind lr, $3  }
0x3a: {  	_ = 	snop  }
0x3b: {  	_ = 	snop  }
0x3c: {  	p2 =	seq.s32 s10, $0x1;
	s10 =	sld [smem:$0x3FB4]  }
0x3d: {  	_ =	shalt  }
0x3e: {  	_ =	shalt  }
0x3f: {  	_ =	shalt  }
0x40: {  	_ =	shalt  }
0x41: {  	_ =	shalt  }
0x42: {  	_ =	shalt  }
0x43: {  	_ =	shalt  }
0x44: {  	_ =	shalt  }
0x45: {  	_ =	shalt  }
0x46: {  	_ =	shalt  }
0x47: {  	_ =	shalt  }
0x48: {  	_ =	shalt  }
0x49: {  	_ =	shalt  }
0x4a: {  	_ =	shalt  }
0x4b: {  	_ =	shalt  }
0x4c: {  	_ =	shalt  }
0x4d: {  	_ =	shalt  }
0x4e: {  	_ =	shalt  }
0x4f: {  	_ =	shalt  }
0x50: {  	_ =	shalt  }
0x51: {  	_ =	shalt  }
0x52: {  	_ =	shalt  }
0x53: {  	_ =	shalt  }
0x54: {  	_ =	shalt  }
0x55: {  	_ =	shalt  }
0x56: {  	_ =	shalt  }
0x57: {  	_ =	shalt  }
0x58: {  	_ =	shalt  }
0x59: {  	_ =	shalt  }
0x5a: {  	_ =	shalt  }
0x5b: {  	_ =	shalt  }
0x5c: {  	_ =	shalt  }
0x5d: {  	_ =	shalt  }
0x5e: {  	_ =	shalt  }
0x5f: {  	_ =	shalt  }
0x60: {  	_ =	shalt  }
0x61: {  	_ =	shalt  }
0x62: {  	_ =	shalt  }
0x63: {  	_ =	shalt  }
0x64: {  	_ =	shalt  }
0x65: {  	_ =	shalt  }
0x66: {  	_ =	shalt  }
0x67: {  	_ =	shalt  }
0x68: {  	_ =	shalt  }
0x69: {  	_ =	shalt  }
0x6a: {  	_ =	shalt  }
0x6b: {  	_ =	shalt  }
0x6c: {  	_ =	shalt  }
0x6d: {  	_ =	shalt  }
0x6e: {  	_ =	shalt  }
0x6f: {  	_ =	shalt  }
0x70: {  	_ =	shalt  }
0x71: {  	_ =	shalt  }
0x72: {  	_ =	shalt  }
0x73: {  	_ =	shalt  }
0x74: {  	_ =	shalt  }
0x75: {  	_ =	shalt  }
0x76: {  	_ =	shalt  }
0x77: {  	_ =	shalt  }
0x78: {  	_ =	shalt  }
0x79: {  	_ =	shalt  }
0x7a: {  	_ =	shalt  }
0x7b: {  	_ =	shalt  }
0x7c: {  	_ =	shalt  }
0x7d: {  	_ =	shalt  }
0x7e: {  	_ =	shalt  }
0x7f: {  	_ =	shalt  }
0x80: {  	_ =	shalt  }
0x81: {  	_ =	shalt  }
0x82: {  	_ =	shalt  }
0x83: {  	_ =	shalt  }
0x84: {  	_ =	shalt  }
0x85: {  	_ =	shalt  }
0x86: {  	_ =	shalt  }
0x87: {  	_ =	shalt  }
.Lfunc_end0:
.L_simem_size_0:
called_computation.1_lowered:
.L_overlay_start_0:
0x88: {  	s2 =	sld [smem:$0x3FD9]  }
0x89: {  	s3 =	sld [smem:$0x3FFE];
	_ =	sdelay $0x1  }
0x8a: {  	s1 =	srdreg.scid  }
0x8b: {  	s0 =	sand.u32 $0x1, s1  }
0x8c: {  	s16 =	sshll.u32 s0, $0xA;
	s2 =	sadd.s32 s3, s2  }
0x8d: {  	s2 =	sadd.s32 s2, s16  }
0x8e: {  	[smem:$0x3FC0] =	sst s2  }
0x8f: {  	_ = 	snop  }
0x90: {  	(tm) =	ssettm $0x1  }
0x91: {  	s17 =	sld [smem:$0x3FFB];
	_ =	sdelay $0x3  }
0x92: {  	_ =	strace s17  }
0x93: {  	s2 =	sld [smem:$0x3FFC];
	_ =	sdelay $0x3  }
0x94: {  	_ =	strace s2  }
0x95: {  	s2 =	sld [smem:$0x3FFD];
	_ =	sdelay $0x3  }
0x96: {  	_ =	strace s2  }
0x97: {  	_ =	strace $0x8FFFFFFF  }
0x98: {  	s18 =	sld [smem:$0x3FDB];
	_ =	sdelay $0x1  }
0x99: {  	s19 =	simm.s32 $_scs_section_size  }
0x9a: {  	s4 =	simm.s32 $_size__tile_overlayer_lowered;
	s5 =	simm.s32 $_tile_overlayer_lowered  }
0x9b: {  	s22 =	simm.s32 $0x1BFF;
	s21 =	sshll.u32 s5, $0x1;
	s2 =	sadd.s32 s19, s18  }
0x9c: {  	s6 =	simm.s32 $0x0;
	s20 =	sshll.u32 s4, $0x1;
	s4 =	sadd.s32 s21, s2  }
0x9d: {  	[timem:s6], [sflag:s22] =	dma.local [hbm:s4], s20  }
0x9e: {  	_ =	swait.ge [sflag:s22], s20  }
0x9f: {  	s3 =	ssub.s32 $0x0, s20;
	[sflag:s22] =	ssyncset.done $0x0  }
0xa0: {  	[sflag:s22] =	ssyncadd.s32 s3;
	_ =	sdelay $0x1  }
0xa1: {  	s23 =	simm.s32 $0x1B8B  }
0xa2: {  	_ =	swait.ge [sflag:s23], $0x1  }
0xa3: {  	[sflag:s23] =	ssyncset.done $0x0  }
0xa4: {  	s25 =	simm.s32 $0x1B8E;
	s24 =	sld [smem:$0x3FFE];
	[sflag:s23] =	ssyncadd.s32 $0xFFFFFFFF  }
0xa5: {  	s26 =	simm.s32 $execute0_lowered;
	[smem:$0x3FD2] =	sst s25  }
0xa6: {  	s4 =	sshll.u32 s26, $0x1;
	_ =	strace $0x80000049;
	[dreg:$0x1] =	wrdreg $0xFFFFFFFF  }
0xa7: {  	s28 =	simm.s32 $_size_execute0_lowered;
	s2 =	sadd.s32 s2, s4;
	[dreg:$0x0] =	wrdreg $0x0  }
0xa8: {  	s4 =	sshll.u32 s28, $0x1;
	[dreg:$0x2] =	wrdreg s2  }
0xa9: {  	[dreg:$0x3] =	wrdreg s4  }
0xaa: {  	[dreg:$0x4] =	wrdreg $0xC0  }
0xab: {  	_ =	task [dreg:s6], $0x5FFFF  }
0xac: {  	[dreg:$0x1] =	wrdreg $0xFFFFFFFF  }
0xad: {  	[dreg:$0x0] =	wrdreg $0x60  }
0xae: {  	[dreg:$0x2] =	wrdreg s24  }
0xaf: {  	[dreg:$0x3] =	wrdreg $0x118000  }
0xb0: {  	[dreg:$0x4] =	wrdreg $0x9  }
0xb1: {  	_ =	task.clear_ibuf [dreg:s6], $0x5FFFF;
	_ =	strace $0x90000049  }
0xb2: {  	s29 =	simm.s32 $0x9;
	_ =	strace $0x8000004B  }
0xb3: {  	_ =	swait.ge [sflag:s29], $0x1  }
0xb4: {  	[sflag:s29] =	ssyncadd.s32 $0xFFFFFFFF  }
0xb5: {  	_ =	strace $0x9000004B  }
0xb6: {  	_ =	sfence  }
0xb7: {  	s30 =	sld [smem:$0x0];
	_ =	sdelay $0x2  }
0xb8: {  	s31 =	sshll.u32 s1, $0xD;
	s1 =	sshrl.u32 s1, $0x2  }
0xb9: {  	s3 =	sand.u32 $0x4000, s31;
	s1 =	sadd.s32 s1, s30  }
0xba: {  	s0 =	sor.u32 s3, s0;
	s1 =	sshll.u32 s1, $0x11  }
0xbb: {  	s0 =	sor.u32 s1, s0  }
0xbc: {  	s0 =	sadd.s32 $0x8F2B, s0  }
0xbd: {  	[sflag:s0] =	ssyncadd.remote.s32 $0x1  }
0xbe: {  	_ =	sfence.sel $0xFFFF  }
0xbf: {  	[dreg:$0x0] =	wrdreg $0xFFFFFFFF;
	(pc) =	sbr.abs _section_cstart, $3  }
0xc0: {  	[dreg:$0x1] =	wrdreg $0xFFFFFFFF  }
0xc1: {  	_ =	task.clear_ibuf [dreg:s6], $0x2FFFF;
	_ =	strace $0x9FFFFFFF  }
0xc2: {  	(tm) =	ssettm $0x7FFFFFFF  }
0xc3: {  	_ =	shalt  }
tec
execute0_lowered:
.L_overlay_start_1:
0x0: {  	(tag) =	ssettag $0x1  }
0x1: {  	s0 =	rddreg [dreg:$0x0]  }
0x2: {  	s1 =	rddreg [dreg:$0x1]  }
0x3: {  	s2 =	srdreg.scid;
	s4 =	simm.s32 $0x0;
	s7 =	stileid.u32  }
0x4: {  	s18 =	simm.s32 $0x9;
	s20 =	simm.s32 $0xF000;
	s21 =	simm.s32 $0x80  }
0x5: {  	s28 =	simm.s32 $0xC800;
	s29 =	simm.s32 $0x1;
	s30 =	simm.s32 $0x2  }
0x6: {  	s31 =	simm.s32 $0x3;
	s19 =	simm.s32 $0x6;
	s2 =	sand.u32 $0x1, s2  }
0x7: {  	[smem:$0x7FF] =	sst s4;
	s4 =	sadd.s32 $0x14600, s0;
	s11 =	smul.u32 $0xC800, s7  }
0x8: {  	s3 =	sshll.u32 s2, $0x4;
	_ =	strace $0x8000004A;
	s5 =	ssub.s32 $0x2, s2  }
0x9: {  	s2 =	smul.u32 $0xC8000, s2;
	s3 =	sor.u32 s7, s3;
	s6 =	sshrl.u32 s5, $0x1  }
0xa: {  	s7 =	sadd.s32 s11, s1;
	s23 =	sadd.s32 $0x2800, s11;
	s24 =	sadd.s32 $0x5000, s11  }
0xb: {  	s14 =	sadd.s32 $0x7800, s11;
	s15 =	sadd.s32 $0xA000, s11;
	s3 =	smul.u32 $0x500, s3  }
0xc: {  	s5 =	ssub.s32 s5, s6;
	s8 =	sadd.s32 s23, s1;
	s9 =	sadd.s32 s24, s1  }
0xd: {  	s10 =	sadd.s32 s14, s1;
	s12 =	sadd.s32 s11, s2;
	s11 =	sadd.s32 s15, s1  }
0xe: {  	s25 =	sadd.s32 s2, s24;
	s26 =	sadd.s32 s2, s14;
	s24 =	simm.s32 $0x7  }
0xf: {  	s12 =	sshrl.u32 s12, $0x3;
	s6 =	sshrl.u32 s26, $0x3;
	s3 =	sadd.s32 s3, s0  }
0x10: {  	s17 =	smax.u32 s5, $0x1;
	s26 =	simm.s32 $0x8;
	s22 =	sadd.s32 $0x600, s3  }
0x11: {  	s0 =	sadd.s32 $0x2D600, s0;
	s3 =	sadd.s32 $0xA600, s3;
	[dreg:$0x3] =	wrdreg s22  }
0x12: {  	s12 =	sadd.s32 s0, s12;
	[dreg:$0x4] =	wrdreg s3;
	s3 =	sadd.s32 s2, s23  }
0x13: {  	[dreg:$0x5] =	wrdreg s12;
	s2 =	sadd.s32 s2, s15;
	s15 =	sadd.s32 s0, s6  }
0x14: {  	s22 =	simm.s32 $0x5000;
	s23 =	simm.s32 $0x7800;
	s3 =	sshrl.u32 s3, $0x3  }
0x15: {  	s2 =	sshrl.u32 s2, $0x3;
	s13 =	sadd.s32 s0, s3;
	s3 =	sshrl.u32 s25, $0x3  }
0x16: {  	s16 =	sadd.s32 s0, s2;
	s25 =	simm.s32 $0xA000;
	s2 =	simm.s32 $0x5  }
0x17: {  	v0 =	vimm.f32 $0.0e+00;
	s14 =	sadd.s32 s0, s3;
	s0 =	simm.s32 $0x4;
	s3 =	simm.s32 $0x0  }
.LBB2_1:
0x18: {  	s5 =	simm.s32 $0x0;
	s6 =	rddreg [dreg:$0x3]  }
0x19: {  	[tilespmem:s5], [sflag:$0x9] =	stream.linear.gather [hbm4b:s6+s5], $0x2800, $0x38;
	[tilespmem:$0x1E000] =	vst v63  }
0x1a: {  	_ =	swait.ge [sflag:s18], $0x2800  }
0x1b: {  	[sflag:s18] =	ssyncset.done $0x0  }
0x1c: {  	s12 =	simm.s32 $0x2800;
	s6 =	rddreg [dreg:$0x4];
	[sflag:s18] =	ssyncadd.s32 $0xFFFFD800  }
0x1d: {  	[tilespmem:s12], [sflag:$0x9] =	stream.linear.gather [hbm4b:s6+s5], $0x2800, $0x38;
	[tilespmem:$0x1E000] =	vst v63  }
0x1e: {  	_ =	swait.ge [sflag:s18], $0x2800  }
0x1f: {  	[sflag:s18] =	ssyncset.done $0x0  }
0x20: {  	s6 =	simm.s32 $0x240;
	s5 =	simm.s32 $0x40;
	[sflag:s18] =	ssyncadd.s32 $0xFFFFD800  }
.LBB2_2:
0x21: {  	p0 =	sne.s32 s6, $0x9FC0;
	[tilespmem:s5+$0xF000] =	vst v0;
	s12 =	smov.u32 s6;
	s6 =	sadd.s32 $0x140, s6  }
.Ltmp0:
0x22: {  	[tilespmem:s5+$0xEFF0] =	vst v0;
	(pc) =	sbr.rel @p0 .LBB2_2-.Ltmp0, $4  }
0x23: {  	[tilespmem:s5+$0xEFE0] =	vst v0  }
0x24: {  	[tilespmem:s5+$0xEFC0] =	vst v0  }
0x25: {  	[tilespmem:s5+$0xEFD0] =	vst v0  }
0x26: {  	s5 =	sshra.s32 s12, $0x2  }
0x27: {  	[tilespmem:s5+$0xF000] =	vst v0  }
0x28: {  	[tilespmem:s5+$0xEFF0] =	vst v0  }
0x29: {  	[tilespmem:s5+$0xEFE0] =	vst v0  }
0x2a: {  	[tilespmem:s5+$0xEFC0] =	vst v0  }
0x2b: {  	[tilespmem:s5+$0xEFD0] =	vst v0  }
0x2c: {  	[spmem:s7] =	stream.linear.scatter [tilespmem:s20], [sflag:$0x9], $0x2800, $0x38;
	[tilespmem:$0x1E000] =	vst v63  }
0x2d: {  	_ =	swait.ge [sflag:s18], $0x2800  }
0x2e: {  	[sflag:s18] =	ssyncset.done $0x0  }
0x2f: {  	[sflag:s18] =	ssyncadd.s32 $0xFFFFD800  }
0x30: {  	[spmem:s8] =	stream.linear.scatter [tilespmem:s20], [sflag:$0x9], $0x2800, $0x38;
	[tilespmem:$0x1E000] =	vst v63  }
0x31: {  	_ =	swait.ge [sflag:s18], $0x2800  }
0x32: {  	[sflag:s18] =	ssyncset.done $0x0  }
0x33: {  	[sflag:s18] =	ssyncadd.s32 $0xFFFFD800  }
0x34: {  	[spmem:s9] =	stream.linear.scatter [tilespmem:s20], [sflag:$0x9], $0x2800, $0x38;
	[tilespmem:$0x1E000] =	vst v63  }
0x35: {  	_ =	swait.ge [sflag:s18], $0x2800  }
0x36: {  	[sflag:s18] =	ssyncset.done $0x0  }
0x37: {  	[sflag:s18] =	ssyncadd.s32 $0xFFFFD800  }
0x38: {  	[spmem:s10] =	stream.linear.scatter [tilespmem:s20], [sflag:$0x9], $0x2800, $0x38;
	[tilespmem:$0x1E000] =	vst v63  }
0x39: {  	_ =	swait.ge [sflag:s18], $0x2800  }
0x3a: {  	[sflag:s18] =	ssyncset.done $0x0  }
0x3b: {  	[sflag:s18] =	ssyncadd.s32 $0xFFFFD800  }
0x3c: {  	[spmem:s11] =	stream.linear.scatter [tilespmem:s20], [sflag:$0x9], $0x2800, $0x38;
	[tilespmem:$0x1E000] =	vst v63  }
0x3d: {  	_ =	swait.ge [sflag:s18], $0x2800  }
0x3e: {  	[sflag:s18] =	ssyncset.done $0x0  }
0x3f: {  	[sflag:s18] =	ssyncadd.s32 $0xFFFFD800  }
0x40: {  	s6 =	simm.s32 $0x0;
	[bflag:$0x0] =	sbarrier.arrive $0xFFFF  }
0x41: {  	[tilespmem:s22], [sflag:$0x1] =	stream.indirect.gather [hbm4b:s4+s21], $0x50, s6, s21, $0xb8;
	[tilespmem:$0x1E000] =	vst v63  }
0x42: {  	_ = 	snop  }
0x43: {  	[tilespmem:s23], [sflag:$0x2] =	stream.indirect.gather [hbm4b:s4+s21], $0x50, s21, s21, $0xb8;
	[tilespmem:$0x1E000] =	vst v63  }
0x44: {  	s12 =	simm.s32 $0x100  }
0x45: {  	[tilespmem:s25], [sflag:$0x3] =	stream.indirect.gather [hbm4b:s4+s21], $0x50, s12, s21, $0xb8;
	[tilespmem:$0x1E000] =	vst v63  }
0x46: {  	s6 =	simm.s32 $0x180  }
0x47: {  	[tilespmem:s28], [sflag:$0x4] =	stream.indirect.gather [hbm4b:s4+s21], $0x50, s6, s21, $0xb8;
	[tilespmem:$0x1E000] =	vst v63  }
0x48: {  	_ =	swait.ge [sflag:s29], $0x2800  }
0x49: {  	[sflag:s29] =	ssyncset.done $0x0  }
0x4a: {  	s12 =	simm.s32 $0x2800;
	[sflag:s29] =	ssyncadd.s32 $0xFFFFD800  }
0x4b: {  	[spmem:s1] =	stream.indirect.scatter.add.f32 [tilespmem:s22], [sflag:$0x5], $0x50, s12, s21, $0xb8;
	[tilespmem:$0x1E000] =	vst v63  }
0x4c: {  	_ =	swait.ge [sflag:s30], $0x2800  }
0x4d: {  	[sflag:s30] =	ssyncset.done $0x0  }
0x4e: {  	s6 =	simm.s32 $0x2880;
	[sflag:s30] =	ssyncadd.s32 $0xFFFFD800  }
0x4f: {  	[spmem:s1] =	stream.indirect.scatter.add.f32 [tilespmem:s23], [sflag:$0x6], $0x50, s6, s21, $0xb8;
	[tilespmem:$0x1E000] =	vst v63  }
0x50: {  	_ =	swait.ge [sflag:s31], $0x2800  }
0x51: {  	[sflag:s31] =	ssyncset.done $0x0  }
0x52: {  	s12 =	simm.s32 $0x2900;
	[sflag:s31] =	ssyncadd.s32 $0xFFFFD800  }
0x53: {  	[spmem:s1] =	stream.indirect.scatter.add.f32 [tilespmem:s25], [sflag:$0x7], $0x50, s12, s21, $0xb8;
	[tilespmem:$0x1E000] =	vst v63  }
0x54: {  	_ =	swait.ge [sflag:s0], $0x2800  }
0x55: {  	[sflag:s0] =	ssyncset.done $0x0  }
0x56: {  	s6 =	simm.s32 $0x2980;
	[sflag:s0] =	ssyncadd.s32 $0xFFFFD800  }
0x57: {  	[spmem:s1] =	stream.indirect.scatter.add.f32 [tilespmem:s28], [sflag:$0x8], $0x50, s6, s21, $0xb8;
	[tilespmem:$0x1E000] =	vst v63  }
0x58: {  	_ =	swait.ge [sflag:s2], $0x2800  }
0x59: {  	[sflag:s2] =	ssyncset.done $0x0  }
0x5a: {  	s12 =	simm.s32 $0x200;
	[sflag:s2] =	ssyncadd.s32 $0xFFFFD800  }
0x5b: {  	[tilespmem:s22], [sflag:$0x1] =	stream.indirect.gather [hbm4b:s4+s21], $0x50, s12, s21, $0xb8;
	[tilespmem:$0x1E000] =	vst v63  }
0x5c: {  	_ =	swait.ge [sflag:s19], $0x2800  }
0x5d: {  	[sflag:s19] =	ssyncset.done $0x0  }
0x5e: {  	s6 =	simm.s32 $0x280;
	[sflag:s19] =	ssyncadd.s32 $0xFFFFD800  }
0x5f: {  	[tilespmem:s23], [sflag:$0x2] =	stream.indirect.gather [hbm4b:s4+s21], $0x50, s6, s21, $0xb8;
	[tilespmem:$0x1E000] =	vst v63  }
0x60: {  	_ =	swait.ge [sflag:s24], $0x2800  }
0x61: {  	[sflag:s24] =	ssyncset.done $0x0  }
0x62: {  	s12 =	simm.s32 $0x300;
	[sflag:s24] =	ssyncadd.s32 $0xFFFFD800  }
0x63: {  	[tilespmem:s25], [sflag:$0x3] =	stream.indirect.gather [hbm4b:s4+s21], $0x50, s12, s21, $0xb8;
	[tilespmem:$0x1E000] =	vst v63  }
0x64: {  	_ =	swait.ge [sflag:s26], $0x2800  }
0x65: {  	[sflag:s26] =	ssyncset.done $0x0  }
0x66: {  	s5 =	simm.s32 $0x800;
	s6 =	simm.s32 $0x380;
	[sflag:s26] =	ssyncadd.s32 $0xFFFFD800  }
.LBB2_4:
0x67: {  	[tilespmem:s28], [sflag:$0x4] =	stream.indirect.gather [hbm4b:s4+s21], $0x50, s6, s21, $0xb8;
	[tilespmem:$0x1E000] =	vst v63  }
0x68: {  	s6 =	smov.u32 s5  }
0x69: {  	p0 =	sne.s32 s5, $0x9000;
	s5 =	sadd.s32 $0x800, s5;
	_ =	swait.ge [sflag:s29], $0x2800  }
0x6a: {  	s6 =	sshra.s32 s6, $0x2;
	[sflag:s29] =	ssyncset.done $0x0  }
0x6b: {  	s12 =	sadd.s32 $0x2800, s6;
	[sflag:s29] =	ssyncadd.s32 $0xFFFFD800  }
0x6c: {  	[spmem:s1] =	stream.indirect.scatter.add.f32 [tilespmem:s22], [sflag:$0x5], $0x50, s12, s21, $0xb8;
	[tilespmem:$0x1E000] =	vst v63  }
0x6d: {  	_ =	swait.ge [sflag:s30], $0x2800  }
0x6e: {  	[sflag:s30] =	ssyncset.done $0x0  }
0x6f: {  	s12 =	sadd.s32 $0x2880, s6;
	[sflag:s30] =	ssyncadd.s32 $0xFFFFD800  }
0x70: {  	[spmem:s1] =	stream.indirect.scatter.add.f32 [tilespmem:s23], [sflag:$0x6], $0x50, s12, s21, $0xb8;
	[tilespmem:$0x1E000] =	vst v63  }
0x71: {  	_ =	swait.ge [sflag:s31], $0x2800  }
0x72: {  	[sflag:s31] =	ssyncset.done $0x0  }
0x73: {  	s12 =	sadd.s32 $0x2900, s6;
	[sflag:s31] =	ssyncadd.s32 $0xFFFFD800  }
0x74: {  	[spmem:s1] =	stream.indirect.scatter.add.f32 [tilespmem:s25], [sflag:$0x7], $0x50, s12, s21, $0xb8;
	[tilespmem:$0x1E000] =	vst v63  }
0x75: {  	_ =	swait.ge [sflag:s0], $0x2800  }
0x76: {  	[sflag:s0] =	ssyncset.done $0x0  }
0x77: {  	s12 =	sadd.s32 $0x2980, s6;
	[sflag:s0] =	ssyncadd.s32 $0xFFFFD800  }
0x78: {  	[spmem:s1] =	stream.indirect.scatter.add.f32 [tilespmem:s28], [sflag:$0x8], $0x50, s12, s21, $0xb8;
	[tilespmem:$0x1E000] =	vst v63  }
0x79: {  	_ =	swait.ge [sflag:s2], $0x2800  }
0x7a: {  	[sflag:s2] =	ssyncset.done $0x0  }
0x7b: {  	s12 =	sadd.s32 $0x200, s6;
	[sflag:s2] =	ssyncadd.s32 $0xFFFFD800  }
0x7c: {  	[tilespmem:s22], [sflag:$0x1] =	stream.indirect.gather [hbm4b:s4+s21], $0x50, s12, s21, $0xb8;
	[tilespmem:$0x1E000] =	vst v63  }
0x7d: {  	_ =	swait.ge [sflag:s19], $0x2800  }
0x7e: {  	[sflag:s19] =	ssyncset.done $0x0  }
0x7f: {  	s12 =	sadd.s32 $0x280, s6;
	[sflag:s19] =	ssyncadd.s32 $0xFFFFD800  }
0x80: {  	[tilespmem:s23], [sflag:$0x2] =	stream.indirect.gather [hbm4b:s4+s21], $0x50, s12, s21, $0xb8;
	[tilespmem:$0x1E000] =	vst v63  }
0x81: {  	_ =	swait.ge [sflag:s24], $0x2800  }
0x82: {  	[sflag:s24] =	ssyncset.done $0x0  }
.Ltmp1:
0x83: {  	s12 =	sadd.s32 $0x300, s6;
	[sflag:s24] =	ssyncadd.s32 $0xFFFFD800;
	(pc) =	sbr.rel @p0 .LBB2_4-.Ltmp1, $4  }
0x84: {  	[tilespmem:s25], [sflag:$0x3] =	stream.indirect.gather [hbm4b:s4+s21], $0x50, s12, s21, $0xb8;
	[tilespmem:$0x1E000] =	vst v63  }
0x85: {  	_ =	swait.ge [sflag:s26], $0x2800  }
0x86: {  	[sflag:s26] =	ssyncset.done $0x0  }
0x87: {  	s6 =	sadd.s32 $0x380, s6;
	[sflag:s26] =	ssyncadd.s32 $0xFFFFD800  }
0x88: {  	[tilespmem:s28], [sflag:$0x4] =	stream.indirect.gather [hbm4b:s4+s21], $0x50, s6, s21, $0xb8;
	[tilespmem:$0x1E000] =	vst v63  }
0x89: {  	_ =	swait.ge [sflag:s29], $0x2800  }
0x8a: {  	[sflag:s29] =	ssyncset.done $0x0  }
0x8b: {  	s5 =	simm.s32 $0x4E00;
	[sflag:s29] =	ssyncadd.s32 $0xFFFFD800  }
0x8c: {  	[spmem:s1] =	stream.indirect.scatter.add.f32 [tilespmem:s22], [sflag:$0x5], $0x50, s5, s21, $0xb8;
	[tilespmem:$0x1E000] =	vst v63  }
0x8d: {  	_ =	swait.ge [sflag:s30], $0x2800  }
0x8e: {  	[sflag:s30] =	ssyncset.done $0x0  }
0x8f: {  	s12 =	simm.s32 $0x4E80;
	[sflag:s30] =	ssyncadd.s32 $0xFFFFD800  }
0x90: {  	[spmem:s1] =	stream.indirect.scatter.add.f32 [tilespmem:s23], [sflag:$0x6], $0x50, s12, s21, $0xb8;
	[tilespmem:$0x1E000] =	vst v63  }
0x91: {  	_ =	swait.ge [sflag:s31], $0x2800  }
0x92: {  	[sflag:s31] =	ssyncset.done $0x0  }
0x93: {  	s6 =	simm.s32 $0x4F00;
	[sflag:s31] =	ssyncadd.s32 $0xFFFFD800  }
0x94: {  	[spmem:s1] =	stream.indirect.scatter.add.f32 [tilespmem:s25], [sflag:$0x7], $0x50, s6, s21, $0xb8;
	[tilespmem:$0x1E000] =	vst v63  }
0x95: {  	_ =	swait.ge [sflag:s0], $0x2800  }
0x96: {  	[sflag:s0] =	ssyncset.done $0x0  }
0x97: {  	s12 =	simm.s32 $0x4F80;
	[sflag:s0] =	ssyncadd.s32 $0xFFFFD800  }
0x98: {  	[spmem:s1] =	stream.indirect.scatter.add.f32 [tilespmem:s28], [sflag:$0x8], $0x50, s12, s21, $0xb8;
	[tilespmem:$0x1E000] =	vst v63  }
0x99: {  	_ =	swait.ge [sflag:s2], $0x2800  }
0x9a: {  	[sflag:s2] =	ssyncset.done $0x0  }
0x9b: {  	[sflag:s2] =	ssyncadd.s32 $0xFFFFD800  }
0x9c: {  	_ =	swait.ge [sflag:s19], $0x2800  }
0x9d: {  	[sflag:s19] =	ssyncset.done $0x0  }
0x9e: {  	[sflag:s19] =	ssyncadd.s32 $0xFFFFD800  }
0x9f: {  	_ =	swait.ge [sflag:s24], $0x2800  }
0xa0: {  	[sflag:s24] =	ssyncset.done $0x0  }
0xa1: {  	[sflag:s24] =	ssyncadd.s32 $0xFFFFD800  }
0xa2: {  	_ =	swait.ge [sflag:s26], $0x2800  }
0xa3: {  	[sflag:s26] =	ssyncset.done $0x0  }
0xa4: {  	s6 =	stileid.u32;
	[sflag:s26] =	ssyncadd.s32 $0xFFFFD800  }
0xa5: {  	s5 =	sshll.u32 s6, $0x6;
	[bflag:$0x0] =	sbarrier.arrive $0xFFFF  }
0xa6: {  	s6 =	sshrl.u32 s7, $0x3;
	s5 =	sor.u32 $0x1C09, s5;
	s12 =	rddreg [dreg:$0x5]  }
0xa7: {  	[hbm:s12], [sflag:s5] =	dma.local [spmem:s6], $0x500  }
0xa8: {  	_ =	swait.ge [sflag:s18], $0x500  }
0xa9: {  	[sflag:s18] =	ssyncset.done $0x0  }
0xaa: {  	s12 =	sshrl.u32 s8, $0x3;
	[sflag:s18] =	ssyncadd.s32 $0xFFFFFB00  }
0xab: {  	[hbm:s13], [sflag:s5] =	dma.local [spmem:s12], $0x500  }
0xac: {  	_ =	swait.ge [sflag:s18], $0x500  }
0xad: {  	[sflag:s18] =	ssyncset.done $0x0  }
0xae: {  	s12 =	sshrl.u32 s9, $0x3;
	[sflag:s18] =	ssyncadd.s32 $0xFFFFFB00  }
0xaf: {  	[hbm:s14], [sflag:s5] =	dma.local [spmem:s12], $0x500  }
0xb0: {  	_ =	swait.ge [sflag:s18], $0x500  }
0xb1: {  	[sflag:s18] =	ssyncset.done $0x0  }
0xb2: {  	s12 =	sshrl.u32 s10, $0x3;
	[sflag:s18] =	ssyncadd.s32 $0xFFFFFB00  }
0xb3: {  	[hbm:s15], [sflag:s5] =	dma.local [spmem:s12], $0x500  }
0xb4: {  	s3 =	sadd.s32 $0x1, s3;
	_ =	swait.ge [sflag:s18], $0x500  }
0xb5: {  	p0 =	sne.s32 s3, s17;
	[sflag:s18] =	ssyncset.done $0x0  }
.Ltmp2:
0xb6: {  	s12 =	sshrl.u32 s11, $0x3;
	[sflag:s18] =	ssyncadd.s32 $0xFFFFFB00;
	(pc) =	sbr.rel @p0 .LBB2_1-.Ltmp2, $4  }
0xb7: {  	[hbm:s16], [sflag:s5] =	dma.local [spmem:s12], $0x500  }
0xb8: {  	_ =	swait.ge [sflag:s18], $0x500  }
0xb9: {  	[sflag:s18] =	ssyncset.done $0x0  }
0xba: {  	[sflag:s18] =	ssyncadd.s32 $0xFFFFFB00  }
0xbb: {  	_ =	sfence.sel $0x180000  }
0xbc: {  	[bflag:$0x0] =	sbarrier.arrive $0xFFFF  }
0xbd: {  	_ =	strace $0x9000004A  }
0xbe: {  	s0 =	stileid.u32;
	[bflag:$0x2] =	sbarrier.arrive $0xFFFF  }
0xbf: {  	p0 =	sne.s32 s0, $0x0;
	s0 =	rddreg [dreg:$0x2]  }
0xc0: {  	s0 =	sadd.s32 @!p0 $0x100000, s0  }
0xc1: {  	[sflag:s0] =	ssyncadd.tile.s32 @!p0 $0x1;
	_ =	shalt  }
.Lfunc_end2:
_tile_overlayer_lowered:
.L_overlay_start_2:
0xc2: {  	(tag) =	ssettag $0x2  }
0xc3: {  	s0 =	rddreg [dreg:$0x0];
	s2 =	stileid.u32  }
0xc4: {  	s1 =	rddreg [dreg:$0x1];
	p0 =	sne.s32 s2, $0x0  }
0xc5: {  	s3 =	rddreg [dreg:$0x2];
	[bflag:$0x3] =	sbarrier.arrive $0xFFFF;
	s2 =	simm.s32 @!p0 $0x1C09  }
0xc6: {  	[timem:s3], [sflag:s2] =	dma.local @!p0 [hbm:s0], s1  }
0xc7: {  	s0 =	simm.s32 @!p0 $0x9  }
0xc8: {  	_ =	swait.ge @!p0 [sflag:s0], s1  }
0xc9: {  	s1 =	ssub.s32 @!p0 $0x0, s1;
	[sflag:s0] =	ssyncset.done @!p0 $0x0  }
0xca: {  	[sflag:s0] =	ssyncadd.s32 @!p0 s1  }
0xcb: {  	[bflag:$0x3] =	sbarrier.arrive $0xFFFF  }
0xcc: {  	_ =	shalt  }

// kernel: kernel.13.cloned.1.call-start
scs
__scs_entry_jumppad:
0x0: {  	(pc) =	sbr.rel $0x88, $3  }
0x1: {  	(tag) =	ssettag $0x0;
	lr =	simm.s32 $0x1  }
0x2: {  	[smem:$0x3F99] =	sst lr;
	_ =	strace $0xD0000000  }
0x3: {  	_ = 	snop  }
0x4: {  	_ = 	snop  }
0x5: {  	_ = 	snop  }
0x6: {  	_ = 	snop  }
0x7: {  	_ = 	snop  }
__scs_overlays_trampoline_lowered:
0x8: {  	[smem:$0x3FA8] =	sst s0  }
0x9: {  	[smem:$0x3FA9] =	sst s1  }
0xa: {  	[smem:$0x3FAA] =	sst s2  }
0xb: {  	[smem:$0x3FAB] =	sst s3  }
0xc: {  	[smem:$0x3FAC] =	sst s4  }
0xd: {  	[smem:$0x3FAD] =	sst s5  }
0xe: {  	[smem:$0x3FAE] =	sst s6  }
0xf: {  	[smem:$0x3FAF] =	sst s7  }
0x10: {  	[smem:$0x3FB0] =	sst s8  }
0x11: {  	[smem:$0x3FB1] =	sst s9;
	s0 =	simm.s32 @!p0 $0x0  }
0x12: {  	s1 =	sld [smem:$0x3F97];
	s0 =	simm.s32 @p0 $0x1  }
0x13: {  	[smem:$0x3FB2] =	sst s0;
	s0 =	simm.s32 @!p1 $0x0  }
0x14: {  	s2 =	sld [smem:$0x3F96];
	s0 =	simm.s32 @p1 $0x1  }
0x15: {  	[smem:$0x3FB3] =	sst s0;
	s0 =	simm.s32 @!p2 $0x0  }
0x16: {  	s3 =	sld [smem:$0x3FDB];
	s0 =	simm.s32 @p2 $0x1  }
0x17: {  	s4 =	simm.s32 $0x1BF5;
	[smem:$0x3FB5] =	sst s0  }
0x18: {  	s0 =	sld [smem:$0x3F98];
	_ =	swait.ge [sflag:s4], $0x0  }
0x19: {  	s7 =	sld [smem:$0x3F99]  }
0x1a: {  	s8 =	sadd.s32 $0xFFFFE003, lr  }
0x1b: {  	s9 =	sadd.s32 $0xFFFFFEF7, lr;
	s5 =	simm.s32 $0xFFFFFFFF;
	p2 =	slt.u32 s8, $0xFFFFF086  }
0x1c: {  	p1 =	slt.u32 s9, $0xF7A;
	s5 =	simm.s32 @!p2 $0x0  }
0x1d: {  	s5 =	simm.s32 @p1 $0x1;
	p0 =	seq.s32 s7, s2  }
0x1e: {  	s7 =	smul.u32 @!p0 $0xF7A, s2;
	p2 =	seq.s32 @!p0 s5, $0x0  }
0x1f: {  	s9 =	smul.u32 $0xF7A, s1;
	s8 =	simm.s32 @!p0 $0x1BF5;
	p2 =	por !p2, p0  }
0x20: {  	[sflag:s8] =	ssyncset.s32 @!p0 $0xFFFFF086;
	s6 =	sadd.s32 @!p0 s3, s7;
	s7 =	simm.s32 @!p0 $0x108  }
0x21: {  	s3 =	sadd.s32 s3, s9;
	s6 =	sadd.s32 @!p0 $0x88, s6;
	s7 =	simm.s32 @p2 $0x1082  }
0x22: {  	[simem:s7], [sflag:s8] =	dma.local @!p0 [hbm:s6], $0xF7A  }
0x23: {  	s9 =	sor.u32 $0xD0000000, s2;
	s6 =	simm.s32 $0x108;
	_ =	swait.ge @!p0 [sflag:s8], $0x0  }
0x24: {  	s3 =	sadd.s32 $0x88, s3;
	s6 =	simm.s32 @!p1 $0x1082;
	[sflag:s4] =	ssyncset.s32 $0xFFFFF086  }
0x25: {  	[simem:s6], [sflag:s4] =	dma.local [hbm:s3], $0xF7A  }
0x26: {  	[smem:$0x3F99] =	sst s1;
	(tag) =	ssettag s2;
	_ =	strace s9  }
0x27: {  	s1 =	sld [smem:$0x3FA9]  }
0x28: {  	s2 =	sld [smem:$0x3FAA]  }
0x29: {  	s4 =	sld [smem:$0x3FAC]  }
0x2a: {  	p0 =	seq.s32 s5, $0x0;
	s5 =	sld [smem:$0x3FAD]  }
0x2b: {  	s6 =	sld [smem:$0x3FAE]  }
0x2c: {  	s7 =	sld [smem:$0x3FAF]  }
0x2d: {  	s3 =	simm.s32 $0x108;
	s8 =	sld [smem:$0x3FB0]  }
0x2e: {  	s3 =	simm.s32 @!p0 $0x1082;
	s9 =	sld [smem:$0x3FB1]  }
0x2f: {  	lr =	sadd.s32 s0, s3;
	s0 =	sld [smem:$0x3FA8]  }
0x30: {  	s3 =	sld [smem:$0x3FAB]  }
0x31: {  	[smem:$0x3FB4] =	sst s10  }
0x32: {  	s10 =	sld [smem:$0x3FB2];
	_ =	sdelay $0x3  }
0x33: {  	p0 =	seq.s32 s10, $0x1;
	s10 =	sld [smem:$0x3FB4];
	_ =	sdelay $0x3  }
0x34: {  	[smem:$0x3FB4] =	sst s10  }
0x35: {  	s10 =	sld [smem:$0x3FB3];
	_ =	sdelay $0x3  }
0x36: {  	p1 =	seq.s32 s10, $0x1;
	s10 =	sld [smem:$0x3FB4];
	_ =	sdelay $0x3  }
0x37: {  	[smem:$0x3FB4] =	sst s10  }
0x38: {  	s10 =	sld [smem:$0x3FB5]  }
0x39: {  	_ = 	snop;
	(pc) =	sbr.ind lr, $3  }
0x3a: {  	_ = 	snop  }
0x3b: {  	_ = 	snop  }
0x3c: {  	p2 =	seq.s32 s10, $0x1;
	s10 =	sld [smem:$0x3FB4]  }
0x3d: {  	_ =	shalt  }
0x3e: {  	_ =	shalt  }
0x3f: {  	_ =	shalt  }
0x40: {  	_ =	shalt  }
0x41: {  	_ =	shalt  }
0x42: {  	_ =	shalt  }
0x43: {  	_ =	shalt  }
0x44: {  	_ =	shalt  }
0x45: {  	_ =	shalt  }
0x46: {  	_ =	shalt  }
0x47: {  	_ =	shalt  }
0x48: {  	_ =	shalt  }
0x49: {  	_ =	shalt  }
0x4a: {  	_ =	shalt  }
0x4b: {  	_ =	shalt  }
0x4c: {  	_ =	shalt  }
0x4d: {  	_ =	shalt  }
0x4e: {  	_ =	shalt  }
0x4f: {  	_ =	shalt  }
0x50: {  	_ =	shalt  }
0x51: {  	_ =	shalt  }
0x52: {  	_ =	shalt  }
0x53: {  	_ =	shalt  }
0x54: {  	_ =	shalt  }
0x55: {  	_ =	shalt  }
0x56: {  	_ =	shalt  }
0x57: {  	_ =	shalt  }
0x58: {  	_ =	shalt  }
0x59: {  	_ =	shalt  }
0x5a: {  	_ =	shalt  }
0x5b: {  	_ =	shalt  }
0x5c: {  	_ =	shalt  }
0x5d: {  	_ =	shalt  }
0x5e: {  	_ =	shalt  }
0x5f: {  	_ =	shalt  }
0x60: {  	_ =	shalt  }
0x61: {  	_ =	shalt  }
0x62: {  	_ =	shalt  }
0x63: {  	_ =	shalt  }
0x64: {  	_ =	shalt  }
0x65: {  	_ =	shalt  }
0x66: {  	_ =	shalt  }
0x67: {  	_ =	shalt  }
0x68: {  	_ =	shalt  }
0x69: {  	_ =	shalt  }
0x6a: {  	_ =	shalt  }
0x6b: {  	_ =	shalt  }
0x6c: {  	_ =	shalt  }
0x6d: {  	_ =	shalt  }
0x6e: {  	_ =	shalt  }
0x6f: {  	_ =	shalt  }
0x70: {  	_ =	shalt  }
0x71: {  	_ =	shalt  }
0x72: {  	_ =	shalt  }
0x73: {  	_ =	shalt  }
0x74: {  	_ =	shalt  }
0x75: {  	_ =	shalt  }
0x76: {  	_ =	shalt  }
0x77: {  	_ =	shalt  }
0x78: {  	_ =	shalt  }
0x79: {  	_ =	shalt  }
0x7a: {  	_ =	shalt  }
0x7b: {  	_ =	shalt  }
0x7c: {  	_ =	shalt  }
0x7d: {  	_ =	shalt  }
0x7e: {  	_ =	shalt  }
0x7f: {  	_ =	shalt  }
0x80: {  	_ =	shalt  }
0x81: {  	_ =	shalt  }
0x82: {  	_ =	shalt  }
0x83: {  	_ =	shalt  }
0x84: {  	_ =	shalt  }
0x85: {  	_ =	shalt  }
0x86: {  	_ =	shalt  }
0x87: {  	_ =	shalt  }
.Lfunc_end0:
.L_simem_size_0:
called_computation.2_lowered:
.L_overlay_start_0:
0x88: {  	s2 =	sld [smem:$0x3FD9]  }
0x89: {  	s3 =	sld [smem:$0x3FFE];
	_ =	sdelay $0x1  }
0x8a: {  	s1 =	srdreg.scid  }
0x8b: {  	s0 =	sand.u32 $0x1, s1  }
0x8c: {  	s17 =	sshll.u32 s0, $0xA;
	s2 =	sadd.s32 s3, s2  }
0x8d: {  	s2 =	sadd.s32 s2, s17  }
0x8e: {  	[smem:$0x3FC0] =	sst s2  }
0x8f: {  	_ = 	snop  }
0x90: {  	s2 =	sld [smem:$0x3FD0];
	(tm) =	ssettm $0x1  }
0x91: {  	s18 =	sld [smem:$0x3FFB];
	_ =	sdelay $0x3  }
0x92: {  	_ =	strace s18  }
0x93: {  	s3 =	sld [smem:$0x3FFC];
	_ =	sdelay $0x3  }
0x94: {  	_ =	strace s3  }
0x95: {  	s3 =	sld [smem:$0x3FFD];
	_ =	sdelay $0x3  }
0x96: {  	_ =	strace s3  }
0x97: {  	_ =	strace $0x8FFFFFFF  }
0x98: {  	s19 =	sld [smem:$0x3FDB];
	_ =	sdelay $0x1  }
0x99: {  	s4 =	simm.s32 $_scs_section_size  }
0x9a: {  	s5 =	simm.s32 $_size__tile_overlayer_lowered;
	s6 =	simm.s32 $_tile_overlayer_lowered  }
0x9b: {  	s22 =	simm.s32 $0x1BFF;
	s21 =	sshll.u32 s6, $0x1;
	s3 =	sadd.s32 s4, s19  }
0x9c: {  	s7 =	simm.s32 $0x0;
	s20 =	sshll.u32 s5, $0x1;
	s5 =	sadd.s32 s21, s3  }
0x9d: {  	[timem:s7], [sflag:s22] =	dma.local [hbm:s5], s20  }
0x9e: {  	_ =	swait.ge [sflag:s22], s20  }
0x9f: {  	s4 =	ssub.s32 $0x0, s20;
	[sflag:s22] =	ssyncset.done $0x0  }
0xa0: {  	[sflag:s22] =	ssyncadd.s32 s4;
	_ =	sdelay $0x1  }
0xa1: {  	s23 =	simm.s32 $0x1B8B  }
0xa2: {  	_ =	swait.ge [sflag:s23], $0x1  }
0xa3: {  	[sflag:s23] =	ssyncset.done $0x0  }
0xa4: {  	s25 =	simm.s32 $0x1B8E;
	s24 =	sld [smem:$0x3FFE];
	[sflag:s23] =	ssyncadd.s32 $0xFFFFFFFF  }
0xa5: {  	s26 =	simm.s32 $execute0_lowered;
	[smem:$0x3FD2] =	sst s25  }
0xa6: {  	s5 =	sshll.u32 s26, $0x1;
	_ =	strace $0x8000004C;
	[dreg:$0x1] =	wrdreg $0xFFFFFFFF  }
0xa7: {  	s28 =	simm.s32 $_size_execute0_lowered;
	s3 =	sadd.s32 s3, s5;
	[dreg:$0x0] =	wrdreg $0x0  }
0xa8: {  	s5 =	sshll.u32 s28, $0x1;
	[dreg:$0x2] =	wrdreg s3  }
0xa9: {  	[dreg:$0x3] =	wrdreg s5  }
0xaa: {  	[dreg:$0x4] =	wrdreg $0xC0  }
0xab: {  	_ =	task [dreg:s7], $0x5FFFF  }
0xac: {  	[dreg:$0x1] =	wrdreg $0xFFFFFFFF  }
0xad: {  	[dreg:$0x0] =	wrdreg $0x60  }
0xae: {  	[dreg:$0x2] =	wrdreg s24  }
0xaf: {  	[dreg:$0x3] =	wrdreg s2  }
0xb0: {  	[dreg:$0x4] =	wrdreg $0xB3200  }
0xb1: {  	[dreg:$0x5] =	wrdreg $0xB0A00  }
0xb2: {  	[dreg:$0x6] =	wrdreg $0x9  }
0xb3: {  	_ =	task.clear_ibuf [dreg:s7], $0x7FFFF;
	_ =	strace $0x9000004C  }
0xb4: {  	s29 =	simm.s32 $0x9;
	_ =	strace $0x8000004E  }
0xb5: {  	_ =	swait.ge [sflag:s29], $0x1  }
0xb6: {  	[sflag:s29] =	ssyncadd.s32 $0xFFFFFFFF  }
0xb7: {  	_ =	strace $0x9000004E  }
0xb8: {  	_ =	sfence  }
0xb9: {  	s30 =	sld [smem:$0x0];
	_ =	sdelay $0x2  }
0xba: {  	s31 =	sshll.u32 s1, $0xD;
	s1 =	sshrl.u32 s1, $0x2  }
0xbb: {  	s3 =	sand.u32 $0x4000, s31;
	s1 =	sadd.s32 s1, s30  }
0xbc: {  	s0 =	sor.u32 s3, s0;
	s1 =	sshll.u32 s1, $0x11  }
0xbd: {  	s0 =	sor.u32 s1, s0  }
0xbe: {  	s0 =	sadd.s32 $0x8F2B, s0  }
0xbf: {  	[sflag:s0] =	ssyncadd.remote.s32 $0x1  }
0xc0: {  	_ =	sfence.sel $0xFFFF  }
0xc1: {  	[dreg:$0x0] =	wrdreg $0xFFFFFFFF;
	(pc) =	sbr.abs _section_cstart, $3  }
0xc2: {  	[dreg:$0x1] =	wrdreg $0xFFFFFFFF  }
0xc3: {  	_ =	task.clear_ibuf [dreg:s7], $0x2FFFF;
	_ =	strace $0x9FFFFFFF  }
0xc4: {  	(tm) =	ssettm $0x7FFFFFFF  }
0xc5: {  	_ =	shalt  }
tec
execute0_lowered:
.L_overlay_start_1:
0x0: {  	(tag) =	ssettag $0x1  }
0x1: {  	s0 =	rddreg [dreg:$0x0]  }
0x2: {  	s3 =	rddreg [dreg:$0x2]  }
0x3: {  	s4 =	rddreg [dreg:$0x3];
	s5 =	stileid.u32;
	s6 =	simm.s32 $0x0  }
0x4: {  	s2 =	srdreg.scid;
	s29 =	simm.s32 $0xA180;
	s31 =	simm.s32 $0xA200  }
0x5: {  	s16 =	simm.s32 $0xA300;
	s19 =	simm.s32 $0xA380;
	s17 =	simm.s32 $0x3  }
0x6: {  	s9 =	simm.s32 $0x7;
	s10 =	simm.s32 $0x8;
	s13 =	simm.s32 $0xA  }
0x7: {  	s14 =	simm.s32 $0xB;
	s28 =	simm.s32 $0xC;
	s30 =	simm.s32 $0xD  }
0x8: {  	s18 =	simm.s32 $0x10;
	s12 =	simm.s32 $0x0;
	s1 =	smul.u32 $0xA00, s5  }
0x9: {  	[smem:$0x7FF] =	sst s6;
	s5 =	smul.u32 $0x280, s5;
	s20 =	sadd.s32 $0x14C00, s0  }
0xa: {  	s2 =	sand.u32 $0x1, s2;
	_ =	strace $0x8000004D;
	[dreg:$0x5] =	wrdreg s20  }
0xb: {  	s21 =	ssub.s32 $0x2, s2;
	p0 =	sne.s32 s2, $0x0;
	s20 =	simm.s32 $0x1  }
0xc: {  	s2 =	simm.s32 $0xF;
	s1 =	sadd.s32 s1, s0;
	s7 =	sshrl.u32 s5, $0x3  }
0xd: {  	s8 =	sshrl.u32 s21, $0x1;
	s11 =	sadd.s32 s5, s3;
	s25 =	sadd.s32 s5, s4  }
0xe: {  	s0 =	sadd.s32 s7, s0;
	s6 =	ssub.s32 s21, s8;
	[dreg:$0xb] =	wrdreg s25  }
0xf: {  	s22 =	sadd.s32 $0x600, s1;
	s1 =	sadd.s32 $0xA600, s1;
	[dreg:$0xa] =	wrdreg s11  }
0x10: {  	s7 =	simm.s32 $0x4;
	s21 =	simm.s32 $0x5;
	[dreg:$0x6] =	wrdreg s22  }
0x11: {  	s8 =	simm.s32 $0x6;
	[dreg:$0x7] =	wrdreg s1;
	s23 =	sadd.s32 $0x14600, s0  }
0x12: {  	s25 =	simm.s32 $0x9;
	s24 =	sadd.s32 $0x5F800, s0;
	[dreg:$0x8] =	wrdreg s23  }
0x13: {  	s0 =	sadd.s32 $0x14E00, s0;
	s26 =	smax.u32 s6, $0x1;
	[dreg:$0x9] =	wrdreg s24  }
0x14: {  	s22 =	simm.s32 $0x80;
	s1 =	simm.s32 $0xA280;
	[dreg:$0xc] =	wrdreg s0  }
0x15: {  	s6 =	simm.s32 $0x2;
	[dreg:$0xd] =	wrdreg s26;
	s23 =	simm.s32 $0xA000  }
0x16: {  	v0 =	vimm.f32 $0.0e+00;
	s24 =	simm.s32 $0xA080;
	s26 =	simm.s32 $0xA100;
	s0 =	simm.s32 $0xE  }
.LBB2_1:
0x17: {  	[dreg:$0xe] =	wrdreg s12  }
0x18: {  	s11 =	simm.s32 $0x0;
	s5 =	rddreg [dreg:$0x6];
	s12 =	simm.s32 $0x11  }
0x19: {  	[tilespmem:s11], [sflag:$0x11] =	stream.linear.gather [hbm4b:s5+s11], $0x5000, $0x38;
	[tilespmem:$0xB5A0] =	vst v63  }
0x1a: {  	_ =	swait.ge [sflag:s12], $0x5000  }
0x1b: {  	[sflag:s12] =	ssyncset.done $0x0  }
0x1c: {  	s15 =	simm.s32 $0x5000;
	s5 =	rddreg [dreg:$0x7];
	[sflag:s12] =	ssyncadd.s32 $0xFFFFB000  }
0x1d: {  	[tilespmem:s15], [sflag:$0x11] =	stream.linear.gather [hbm4b:s5+s11], $0x5000, $0x38;
	[tilespmem:$0xB5A0] =	vst v63  }
0x1e: {  	_ =	swait.ge [sflag:s12], $0x5000  }
0x1f: {  	[sflag:s12] =	ssyncset.done $0x0  }
0x20: {  	s15 =	simm.s32 $0xA680;
	s5 =	rddreg [dreg:$0x8];
	[sflag:s12] =	ssyncadd.s32 $0xFFFFB000  }
0x21: {  	[tilespmem:s15], [sflag:$0x11] =	stream.linear.gather [hbm4b:s5+s11], $0x280, $0x38;
	[tilespmem:$0xB5A0] =	vst v63  }
0x22: {  	_ =	swait.ge [sflag:s12], $0x280  }
0x23: {  	[sflag:s12] =	ssyncset.done $0x0  }
0x24: {  	s15 =	simm.s32 $0xA900;
	s5 =	rddreg [dreg:$0x9];
	[sflag:s12] =	ssyncadd.s32 $0xFFFFFD80  }
0x25: {  	[tilespmem:s15], [sflag:$0x11] =	stream.linear.gather [hbm4b:s5+s11], $0x280, $0x38;
	[tilespmem:$0xB5A0] =	vst v63  }
0x26: {  	_ =	swait.ge [sflag:s12], $0x280  }
0x27: {  	[sflag:s12] =	ssyncset.done $0x0  }
0x28: {  	[sflag:s12] =	ssyncadd.s32 $0xFFFFFD80  }
0x29: {  	s15 =	simm.s32 $0xB080;
	s5 =	rddreg [dreg:$0x1]  }
0x2a: {  	[tilespmem:s15], [sflag:$0x11] =	stream.linear.gather [hbm4b:s5+s11], $0x10, $0x38;
	[tilespmem:$0xB5A0] =	vst v63  }
0x2b: {  	_ =	swait.ge [sflag:s12], $0x10  }
0x2c: {  	[sflag:s12] =	ssyncset.done $0x0  }
0x2d: {  	s15 =	simm.s32 $0xB090;
	s5 =	rddreg [dreg:$0x5];
	[sflag:s12] =	ssyncadd.s32 $0xFFFFFFF0  }
0x2e: {  	[tilespmem:s15], [sflag:$0x11] =	stream.linear.gather [hbm4b:s5+s11], $0x10, $0x38;
	[tilespmem:$0xB5A0] =	vst v63  }
0x2f: {  	s15 =	rddreg [dreg:$0xa];
	_ =	swait.ge [sflag:s12], $0x10  }
0x30: {  	[sflag:s12] =	ssyncset.done $0x0  }
0x31: {  	[sflag:s12] =	ssyncadd.s32 $0xFFFFFFF0  }
0x32: {  	[tilespmem:$0xA400] =	vst v0  }
0x33: {  	[tilespmem:$0xA410] =	vst v0  }
0x34: {  	[tilespmem:$0xA420] =	vst v0  }
0x35: {  	[tilespmem:$0xA430] =	vst v0  }
0x36: {  	[tilespmem:$0xA440] =	vst v0  }
0x37: {  	[tilespmem:$0xA450] =	vst v0  }
0x38: {  	[tilespmem:$0xA460] =	vst v0  }
0x39: {  	[tilespmem:$0xA470] =	vst v0  }
0x3a: {  	[tilespmem:$0xA480] =	vst v0  }
0x3b: {  	[tilespmem:$0xA490] =	vst v0  }
0x3c: {  	[tilespmem:$0xA4A0] =	vst v0  }
0x3d: {  	[tilespmem:$0xA4B0] =	vst v0  }
0x3e: {  	[tilespmem:$0xA4C0] =	vst v0  }
0x3f: {  	[tilespmem:$0xA4D0] =	vst v0  }
0x40: {  	[tilespmem:$0xA4E0] =	vst v0  }
0x41: {  	[tilespmem:$0xA4F0] =	vst v0  }
0x42: {  	[tilespmem:$0xA500] =	vst v0  }
0x43: {  	[tilespmem:$0xA510] =	vst v0  }
0x44: {  	[tilespmem:$0xA520] =	vst v0  }
0x45: {  	[tilespmem:$0xA530] =	vst v0  }
0x46: {  	[tilespmem:$0xA540] =	vst v0  }
0x47: {  	[tilespmem:$0xA550] =	vst v0  }
0x48: {  	[tilespmem:$0xA560] =	vst v0  }
0x49: {  	[tilespmem:$0xA570] =	vst v0  }
0x4a: {  	[tilespmem:$0xA580] =	vst v0  }
0x4b: {  	[tilespmem:$0xA590] =	vst v0  }
0x4c: {  	[tilespmem:$0xA5A0] =	vst v0  }
0x4d: {  	[tilespmem:$0xA5B0] =	vst v0  }
0x4e: {  	[tilespmem:$0xA5C0] =	vst v0  }
0x4f: {  	[tilespmem:$0xA5D0] =	vst v0  }
0x50: {  	[tilespmem:$0xA5E0] =	vst v0  }
0x51: {  	[tilespmem:$0xA5F0] =	vst v0  }
0x52: {  	[tilespmem:$0xA600] =	vst v0  }
0x53: {  	[tilespmem:$0xA610] =	vst v0  }
0x54: {  	[tilespmem:$0xA620] =	vst v0  }
0x55: {  	[tilespmem:$0xA630] =	vst v0  }
0x56: {  	[tilespmem:$0xA640] =	vst v0  }
0x57: {  	[tilespmem:$0xA650] =	vst v0  }
0x58: {  	[tilespmem:$0xA660] =	vst v0  }
0x59: {  	s5 =	simm.s32 $0xA400;
	[tilespmem:$0xA670] =	vst v0  }
0x5a: {  	[spmem:s15] =	stream.linear.scatter [tilespmem:s5], [sflag:$0x11], $0x280, $0x38;
	[tilespmem:$0xB5A0] =	vst v63  }
0x5b: {  	_ =	swait.ge [sflag:s12], $0x280  }
0x5c: {  	[sflag:s12] =	ssyncset.done $0x0  }
0x5d: {  	s15 =	simm.s32 $0xA680;
	s5 =	rddreg [dreg:$0xb];
	[sflag:s12] =	ssyncadd.s32 $0xFFFFFD80  }
0x5e: {  	[spmem:s5] =	stream.linear.scatter [tilespmem:s15], [sflag:$0x11], $0x280, $0x38;
	[tilespmem:$0xB5A0] =	vst v63  }
0x5f: {  	_ =	swait.ge [sflag:s12], $0x280  }
0x60: {  	[sflag:s12] =	ssyncset.done $0x0  }
0x61: {  	[sflag:s12] =	ssyncadd.s32 $0xFFFFFD80  }
0x62: {  	s11 =	simm.s32 $0x0;
	[bflag:$0x0] =	sbarrier.arrive $0xFFFF  }
0x63: {  	[tilespmem:s23], [sflag:$0x1] =	stream.indirect.gather [spmem:s4], $0x1, s11, s22, $0xb8;
	[tilespmem:$0xB5A0] =	vst v63  }
0x64: {  	_ = 	snop  }
0x65: {  	[tilespmem:s24], [sflag:$0x2] =	stream.indirect.gather [spmem:s4], $0x1, s22, s22, $0xb8;
	[tilespmem:$0xB5A0] =	vst v63  }
0x66: {  	s11 =	simm.s32 $0x100  }
0x67: {  	[tilespmem:s26], [sflag:$0x3] =	stream.indirect.gather [spmem:s4], $0x1, s11, s22, $0xb8;
	[tilespmem:$0xB5A0] =	vst v63  }
0x68: {  	s12 =	simm.s32 $0x180  }
0x69: {  	[tilespmem:s29], [sflag:$0x4] =	stream.indirect.gather [spmem:s4], $0x1, s12, s22, $0xb8;
	[tilespmem:$0xB5A0] =	vst v63  }
0x6a: {  	s15 =	simm.s32 $0x200  }
0x6b: {  	[tilespmem:s31], [sflag:$0x5] =	stream.indirect.gather [spmem:s4], $0x1, s15, s22, $0xb8;
	[tilespmem:$0xB5A0] =	vst v63  }
0x6c: {  	s11 =	simm.s32 $0x280  }
0x6d: {  	[tilespmem:s1], [sflag:$0x6] =	stream.indirect.gather [spmem:s4], $0x1, s11, s22, $0xb8;
	[tilespmem:$0xB5A0] =	vst v63  }
0x6e: {  	s12 =	simm.s32 $0x300  }
0x6f: {  	[tilespmem:s16], [sflag:$0x7] =	stream.indirect.gather [spmem:s4], $0x1, s12, s22, $0xb8;
	[tilespmem:$0xB5A0] =	vst v63  }
0x70: {  	s15 =	simm.s32 $0x380  }
0x71: {  	[tilespmem:s19], [sflag:$0x8] =	stream.indirect.gather [spmem:s4], $0x1, s15, s22, $0xb8;
	[tilespmem:$0xB5A0] =	vst v63  }
0x72: {  	_ =	swait.ge [sflag:s20], $0x80  }
0x73: {  	[sflag:s20] =	ssyncset.done $0x0  }
0x74: {  	s11 =	simm.s32 $0x5000;
	[sflag:s20] =	ssyncadd.s32 $0xFFFFFF80  }
0x75: {  	[spmem:s3] =	stream.indirect.scatter.add.f32 [tilespmem:s23], [sflag:$0x9], $0x1, s11, s22, $0xb8;
	[tilespmem:$0xB5A0] =	vst v63  }
0x76: {  	_ =	swait.ge [sflag:s6], $0x80  }
0x77: {  	[sflag:s6] =	ssyncset.done $0x0  }
0x78: {  	s12 =	simm.s32 $0x5080;
	[sflag:s6] =	ssyncadd.s32 $0xFFFFFF80  }
0x79: {  	[spmem:s3] =	stream.indirect.scatter.add.f32 [tilespmem:s24], [sflag:$0xA], $0x1, s12, s22, $0xb8;
	[tilespmem:$0xB5A0] =	vst v63  }
0x7a: {  	_ =	swait.ge [sflag:s17], $0x80  }
0x7b: {  	[sflag:s17] =	ssyncset.done $0x0  }
0x7c: {  	s15 =	simm.s32 $0x5100;
	[sflag:s17] =	ssyncadd.s32 $0xFFFFFF80  }
0x7d: {  	[spmem:s3] =	stream.indirect.scatter.add.f32 [tilespmem:s26], [sflag:$0xB], $0x1, s15, s22, $0xb8;
	[tilespmem:$0xB5A0] =	vst v63  }
0x7e: {  	_ =	swait.ge [sflag:s7], $0x80  }
0x7f: {  	[sflag:s7] =	ssyncset.done $0x0  }
0x80: {  	s11 =	simm.s32 $0x5180;
	[sflag:s7] =	ssyncadd.s32 $0xFFFFFF80  }
0x81: {  	[spmem:s3] =	stream.indirect.scatter.add.f32 [tilespmem:s29], [sflag:$0xC], $0x1, s11, s22, $0xb8;
	[tilespmem:$0xB5A0] =	vst v63  }
0x82: {  	_ =	swait.ge [sflag:s21], $0x80  }
0x83: {  	[sflag:s21] =	ssyncset.done $0x0  }
0x84: {  	s12 =	simm.s32 $0x5200;
	[sflag:s21] =	ssyncadd.s32 $0xFFFFFF80  }
0x85: {  	[spmem:s3] =	stream.indirect.scatter.add.f32 [tilespmem:s31], [sflag:$0xD], $0x1, s12, s22, $0xb8;
	[tilespmem:$0xB5A0] =	vst v63  }
0x86: {  	_ =	swait.ge [sflag:s8], $0x80  }
0x87: {  	[sflag:s8] =	ssyncset.done $0x0  }
0x88: {  	s15 =	simm.s32 $0x5280;
	[sflag:s8] =	ssyncadd.s32 $0xFFFFFF80  }
0x89: {  	[spmem:s3] =	stream.indirect.scatter.add.f32 [tilespmem:s1], [sflag:$0xE], $0x1, s15, s22, $0xb8;
	[tilespmem:$0xB5A0] =	vst v63  }
0x8a: {  	_ =	swait.ge [sflag:s9], $0x80  }
0x8b: {  	[sflag:s9] =	ssyncset.done $0x0  }
0x8c: {  	s11 =	simm.s32 $0x5300;
	[sflag:s9] =	ssyncadd.s32 $0xFFFFFF80  }
0x8d: {  	[spmem:s3] =	stream.indirect.scatter.add.f32 [tilespmem:s16], [sflag:$0xF], $0x1, s11, s22, $0xb8;
	[tilespmem:$0xB5A0] =	vst v63  }
0x8e: {  	_ =	swait.ge [sflag:s10], $0x80  }
0x8f: {  	[sflag:s10] =	ssyncset.done $0x0  }
0x90: {  	s12 =	simm.s32 $0x5380;
	[sflag:s10] =	ssyncadd.s32 $0xFFFFFF80  }
0x91: {  	[spmem:s3] =	stream.indirect.scatter.add.f32 [tilespmem:s19], [sflag:$0x10], $0x1, s12, s22, $0xb8;
	[tilespmem:$0xB5A0] =	vst v63  }
0x92: {  	_ =	swait.ge [sflag:s25], $0x80  }
0x93: {  	[sflag:s25] =	ssyncset.done $0x0  }
0x94: {  	s15 =	simm.s32 $0x400;
	[sflag:s25] =	ssyncadd.s32 $0xFFFFFF80  }
0x95: {  	[tilespmem:s23], [sflag:$0x1] =	stream.indirect.gather [spmem:s4], $0x1, s15, s22, $0xb8;
	[tilespmem:$0xB5A0] =	vst v63  }
0x96: {  	_ =	swait.ge [sflag:s13], $0x80  }
0x97: {  	[sflag:s13] =	ssyncset.done $0x0  }
0x98: {  	s11 =	simm.s32 $0x480;
	[sflag:s13] =	ssyncadd.s32 $0xFFFFFF80  }
0x99: {  	[tilespmem:s24], [sflag:$0x2] =	stream.indirect.gather [spmem:s4], $0x1, s11, s22, $0xb8;
	[tilespmem:$0xB5A0] =	vst v63  }
0x9a: {  	_ =	swait.ge [sflag:s14], $0x80  }
0x9b: {  	[sflag:s14] =	ssyncset.done $0x0  }
0x9c: {  	s12 =	simm.s32 $0x500;
	[sflag:s14] =	ssyncadd.s32 $0xFFFFFF80  }
0x9d: {  	[tilespmem:s26], [sflag:$0x3] =	stream.indirect.gather [spmem:s4], $0x1, s12, s22, $0xb8;
	[tilespmem:$0xB5A0] =	vst v63  }
0x9e: {  	_ =	swait.ge [sflag:s28], $0x80  }
0x9f: {  	[sflag:s28] =	ssyncset.done $0x0  }
0xa0: {  	s15 =	simm.s32 $0x580;
	[sflag:s28] =	ssyncadd.s32 $0xFFFFFF80  }
0xa1: {  	[tilespmem:s29], [sflag:$0x4] =	stream.indirect.gather [spmem:s4], $0x1, s15, s22, $0xb8;
	[tilespmem:$0xB5A0] =	vst v63  }
0xa2: {  	_ =	swait.ge [sflag:s30], $0x80  }
0xa3: {  	[sflag:s30] =	ssyncset.done $0x0  }
0xa4: {  	s11 =	simm.s32 $0x600;
	[sflag:s30] =	ssyncadd.s32 $0xFFFFFF80  }
0xa5: {  	[tilespmem:s31], [sflag:$0x5] =	stream.indirect.gather [spmem:s4], $0x1, s11, s22, $0xb8;
	[tilespmem:$0xB5A0] =	vst v63  }
0xa6: {  	_ =	swait.ge [sflag:s0], $0x80  }
0xa7: {  	[sflag:s0] =	ssyncset.done $0x0  }
0xa8: {  	s12 =	simm.s32 $0x680;
	[sflag:s0] =	ssyncadd.s32 $0xFFFFFF80  }
0xa9: {  	[tilespmem:s1], [sflag:$0x6] =	stream.indirect.gather [spmem:s4], $0x1, s12, s22, $0xb8;
	[tilespmem:$0xB5A0] =	vst v63  }
0xaa: {  	_ =	swait.ge [sflag:s2], $0x80  }
0xab: {  	[sflag:s2] =	ssyncset.done $0x0  }
0xac: {  	s15 =	simm.s32 $0x700;
	[sflag:s2] =	ssyncadd.s32 $0xFFFFFF80  }
0xad: {  	[tilespmem:s16], [sflag:$0x7] =	stream.indirect.gather [spmem:s4], $0x1, s15, s22, $0xb8;
	[tilespmem:$0xB5A0] =	vst v63  }
0xae: {  	_ =	swait.ge [sflag:s18], $0x80  }
0xaf: {  	[sflag:s18] =	ssyncset.done $0x0  }
0xb0: {  	s5 =	simm.s32 $0x1000;
	s11 =	simm.s32 $0x780;
	[sflag:s18] =	ssyncadd.s32 $0xFFFFFF80  }
.LBB2_2:
0xb1: {  	[tilespmem:s19], [sflag:$0x8] =	stream.indirect.gather [spmem:s4], $0x1, s11, s22, $0xb8;
	[tilespmem:$0xB5A0] =	vst v63  }
0xb2: {  	s11 =	smov.u32 s5  }
0xb3: {  	p1 =	sne.s32 s5, $0x12000;
	s5 =	sadd.s32 $0x1000, s5;
	_ =	swait.ge [sflag:s20], $0x80  }
0xb4: {  	s11 =	sshra.s32 s11, $0x2;
	[sflag:s20] =	ssyncset.done $0x0  }
0xb5: {  	s12 =	sadd.s32 $0x5000, s11;
	[sflag:s20] =	ssyncadd.s32 $0xFFFFFF80  }
0xb6: {  	[spmem:s3] =	stream.indirect.scatter.add.f32 [tilespmem:s23], [sflag:$0x9], $0x1, s12, s22, $0xb8;
	[tilespmem:$0xB5A0] =	vst v63  }
0xb7: {  	_ =	swait.ge [sflag:s6], $0x80  }
0xb8: {  	[sflag:s6] =	ssyncset.done $0x0  }
0xb9: {  	s12 =	sadd.s32 $0x5080, s11;
	[sflag:s6] =	ssyncadd.s32 $0xFFFFFF80  }
0xba: {  	[spmem:s3] =	stream.indirect.scatter.add.f32 [tilespmem:s24], [sflag:$0xA], $0x1, s12, s22, $0xb8;
	[tilespmem:$0xB5A0] =	vst v63  }
0xbb: {  	_ =	swait.ge [sflag:s17], $0x80  }
0xbc: {  	[sflag:s17] =	ssyncset.done $0x0  }
0xbd: {  	s12 =	sadd.s32 $0x5100, s11;
	[sflag:s17] =	ssyncadd.s32 $0xFFFFFF80  }
0xbe: {  	[spmem:s3] =	stream.indirect.scatter.add.f32 [tilespmem:s26], [sflag:$0xB], $0x1, s12, s22, $0xb8;
	[tilespmem:$0xB5A0] =	vst v63  }
0xbf: {  	_ =	swait.ge [sflag:s7], $0x80  }
0xc0: {  	[sflag:s7] =	ssyncset.done $0x0  }
0xc1: {  	s12 =	sadd.s32 $0x5180, s11;
	[sflag:s7] =	ssyncadd.s32 $0xFFFFFF80  }
0xc2: {  	[spmem:s3] =	stream.indirect.scatter.add.f32 [tilespmem:s29], [sflag:$0xC], $0x1, s12, s22, $0xb8;
	[tilespmem:$0xB5A0] =	vst v63  }
0xc3: {  	_ =	swait.ge [sflag:s21], $0x80  }
0xc4: {  	[sflag:s21] =	ssyncset.done $0x0  }
0xc5: {  	s12 =	sadd.s32 $0x5200, s11;
	[sflag:s21] =	ssyncadd.s32 $0xFFFFFF80  }
0xc6: {  	[spmem:s3] =	stream.indirect.scatter.add.f32 [tilespmem:s31], [sflag:$0xD], $0x1, s12, s22, $0xb8;
	[tilespmem:$0xB5A0] =	vst v63  }
0xc7: {  	_ =	swait.ge [sflag:s8], $0x80  }
0xc8: {  	[sflag:s8] =	ssyncset.done $0x0  }
0xc9: {  	s12 =	sadd.s32 $0x5280, s11;
	[sflag:s8] =	ssyncadd.s32 $0xFFFFFF80  }
0xca: {  	[spmem:s3] =	stream.indirect.scatter.add.f32 [tilespmem:s1], [sflag:$0xE], $0x1, s12, s22, $0xb8;
	[tilespmem:$0xB5A0] =	vst v63  }
0xcb: {  	_ =	swait.ge [sflag:s9], $0x80  }
0xcc: {  	[sflag:s9] =	ssyncset.done $0x0  }
0xcd: {  	s12 =	sadd.s32 $0x5300, s11;
	[sflag:s9] =	ssyncadd.s32 $0xFFFFFF80  }
0xce: {  	[spmem:s3] =	stream.indirect.scatter.add.f32 [tilespmem:s16], [sflag:$0xF], $0x1, s12, s22, $0xb8;
	[tilespmem:$0xB5A0] =	vst v63  }
0xcf: {  	_ =	swait.ge [sflag:s10], $0x80  }
0xd0: {  	[sflag:s10] =	ssyncset.done $0x0  }
0xd1: {  	s12 =	sadd.s32 $0x5380, s11;
	[sflag:s10] =	ssyncadd.s32 $0xFFFFFF80  }
0xd2: {  	[spmem:s3] =	stream.indirect.scatter.add.f32 [tilespmem:s19], [sflag:$0x10], $0x1, s12, s22, $0xb8;
	[tilespmem:$0xB5A0] =	vst v63  }
0xd3: {  	_ =	swait.ge [sflag:s25], $0x80  }
0xd4: {  	[sflag:s25] =	ssyncset.done $0x0  }
0xd5: {  	s12 =	sadd.s32 $0x400, s11;
	[sflag:s25] =	ssyncadd.s32 $0xFFFFFF80  }
0xd6: {  	[tilespmem:s23], [sflag:$0x1] =	stream.indirect.gather [spmem:s4], $0x1, s12, s22, $0xb8;
	[tilespmem:$0xB5A0] =	vst v63  }
0xd7: {  	_ =	swait.ge [sflag:s13], $0x80  }
0xd8: {  	[sflag:s13] =	ssyncset.done $0x0  }
0xd9: {  	s12 =	sadd.s32 $0x480, s11;
	[sflag:s13] =	ssyncadd.s32 $0xFFFFFF80  }
0xda: {  	[tilespmem:s24], [sflag:$0x2] =	stream.indirect.gather [spmem:s4], $0x1, s12, s22, $0xb8;
	[tilespmem:$0xB5A0] =	vst v63  }
0xdb: {  	_ =	swait.ge [sflag:s14], $0x80  }
0xdc: {  	[sflag:s14] =	ssyncset.done $0x0  }
0xdd: {  	s12 =	sadd.s32 $0x500, s11;
	[sflag:s14] =	ssyncadd.s32 $0xFFFFFF80  }
0xde: {  	[tilespmem:s26], [sflag:$0x3] =	stream.indirect.gather [spmem:s4], $0x1, s12, s22, $0xb8;
	[tilespmem:$0xB5A0] =	vst v63  }
0xdf: {  	_ =	swait.ge [sflag:s28], $0x80  }
0xe0: {  	[sflag:s28] =	ssyncset.done $0x0  }
0xe1: {  	s12 =	sadd.s32 $0x580, s11;
	[sflag:s28] =	ssyncadd.s32 $0xFFFFFF80  }
0xe2: {  	[tilespmem:s29], [sflag:$0x4] =	stream.indirect.gather [spmem:s4], $0x1, s12, s22, $0xb8;
	[tilespmem:$0xB5A0] =	vst v63  }
0xe3: {  	_ =	swait.ge [sflag:s30], $0x80  }
0xe4: {  	[sflag:s30] =	ssyncset.done $0x0  }
0xe5: {  	s12 =	sadd.s32 $0x600, s11;
	[sflag:s30] =	ssyncadd.s32 $0xFFFFFF80  }
0xe6: {  	[tilespmem:s31], [sflag:$0x5] =	stream.indirect.gather [spmem:s4], $0x1, s12, s22, $0xb8;
	[tilespmem:$0xB5A0] =	vst v63  }
0xe7: {  	_ =	swait.ge [sflag:s0], $0x80  }
0xe8: {  	[sflag:s0] =	ssyncset.done $0x0  }
0xe9: {  	s12 =	sadd.s32 $0x680, s11;
	[sflag:s0] =	ssyncadd.s32 $0xFFFFFF80  }
0xea: {  	[tilespmem:s1], [sflag:$0x6] =	stream.indirect.gather [spmem:s4], $0x1, s12, s22, $0xb8;
	[tilespmem:$0xB5A0] =	vst v63  }
0xeb: {  	_ =	swait.ge [sflag:s2], $0x80  }
0xec: {  	[sflag:s2] =	ssyncset.done $0x0  }
.Ltmp0:
0xed: {  	s12 =	sadd.s32 $0x700, s11;
	[sflag:s2] =	ssyncadd.s32 $0xFFFFFF80;
	(pc) =	sbr.rel @p1 .LBB2_2-.Ltmp0, $4  }
0xee: {  	[tilespmem:s16], [sflag:$0x7] =	stream.indirect.gather [spmem:s4], $0x1, s12, s22, $0xb8;
	[tilespmem:$0xB5A0] =	vst v63  }
0xef: {  	_ =	swait.ge [sflag:s18], $0x80  }
0xf0: {  	[sflag:s18] =	ssyncset.done $0x0  }
0xf1: {  	s11 =	sadd.s32 $0x780, s11;
	[sflag:s18] =	ssyncadd.s32 $0xFFFFFF80  }
0xf2: {  	[tilespmem:s19], [sflag:$0x8] =	stream.indirect.gather [spmem:s4], $0x1, s11, s22, $0xb8;
	[tilespmem:$0xB5A0] =	vst v63  }
0xf3: {  	_ =	swait.ge [sflag:s20], $0x80  }
0xf4: {  	[sflag:s20] =	ssyncset.done $0x0  }
0xf5: {  	s5 =	simm.s32 $0x9C00;
	[sflag:s20] =	ssyncadd.s32 $0xFFFFFF80  }
0xf6: {  	[spmem:s3] =	stream.indirect.scatter.add.f32 [tilespmem:s23], [sflag:$0x9], $0x1, s5, s22, $0xb8;
	[tilespmem:$0xB5A0] =	vst v63  }
0xf7: {  	_ =	swait.ge [sflag:s6], $0x80  }
0xf8: {  	[sflag:s6] =	ssyncset.done $0x0  }
0xf9: {  	s15 =	simm.s32 $0x9C80;
	[sflag:s6] =	ssyncadd.s32 $0xFFFFFF80  }
0xfa: {  	[spmem:s3] =	stream.indirect.scatter.add.f32 [tilespmem:s24], [sflag:$0xA], $0x1, s15, s22, $0xb8;
	[tilespmem:$0xB5A0] =	vst v63  }
0xfb: {  	_ =	swait.ge [sflag:s17], $0x80  }
0xfc: {  	[sflag:s17] =	ssyncset.done $0x0  }
0xfd: {  	s11 =	simm.s32 $0x9D00;
	[sflag:s17] =	ssyncadd.s32 $0xFFFFFF80  }
0xfe: {  	[spmem:s3] =	stream.indirect.scatter.add.f32 [tilespmem:s26], [sflag:$0xB], $0x1, s11, s22, $0xb8;
	[tilespmem:$0xB5A0] =	vst v63  }
0xff: {  	_ =	swait.ge [sflag:s7], $0x80  }
0x100: {  	[sflag:s7] =	ssyncset.done $0x0  }
0x101: {  	s12 =	simm.s32 $0x9D80;
	[sflag:s7] =	ssyncadd.s32 $0xFFFFFF80  }
0x102: {  	[spmem:s3] =	stream.indirect.scatter.add.f32 [tilespmem:s29], [sflag:$0xC], $0x1, s12, s22, $0xb8;
	[tilespmem:$0xB5A0] =	vst v63  }
0x103: {  	_ =	swait.ge [sflag:s21], $0x80  }
0x104: {  	[sflag:s21] =	ssyncset.done $0x0  }
0x105: {  	s15 =	simm.s32 $0x9E00;
	[sflag:s21] =	ssyncadd.s32 $0xFFFFFF80  }
0x106: {  	[spmem:s3] =	stream.indirect.scatter.add.f32 [tilespmem:s31], [sflag:$0xD], $0x1, s15, s22, $0xb8;
	[tilespmem:$0xB5A0] =	vst v63  }
0x107: {  	_ =	swait.ge [sflag:s8], $0x80  }
0x108: {  	[sflag:s8] =	ssyncset.done $0x0  }
0x109: {  	s11 =	simm.s32 $0x9E80;
	[sflag:s8] =	ssyncadd.s32 $0xFFFFFF80  }
0x10a: {  	[spmem:s3] =	stream.indirect.scatter.add.f32 [tilespmem:s1], [sflag:$0xE], $0x1, s11, s22, $0xb8;
	[tilespmem:$0xB5A0] =	vst v63  }
0x10b: {  	_ =	swait.ge [sflag:s9], $0x80  }
0x10c: {  	[sflag:s9] =	ssyncset.done $0x0  }
0x10d: {  	s12 =	simm.s32 $0x9F00;
	[sflag:s9] =	ssyncadd.s32 $0xFFFFFF80  }
0x10e: {  	[spmem:s3] =	stream.indirect.scatter.add.f32 [tilespmem:s16], [sflag:$0xF], $0x1, s12, s22, $0xb8;
	[tilespmem:$0xB5A0] =	vst v63  }
0x10f: {  	_ =	swait.ge [sflag:s10], $0x80  }
0x110: {  	[sflag:s10] =	ssyncset.done $0x0  }
0x111: {  	s15 =	simm.s32 $0x9F80;
	[sflag:s10] =	ssyncadd.s32 $0xFFFFFF80  }
0x112: {  	[spmem:s3] =	stream.indirect.scatter.add.f32 [tilespmem:s19], [sflag:$0x10], $0x1, s15, s22, $0xb8;
	[tilespmem:$0xB5A0] =	vst v63  }
0x113: {  	_ =	swait.ge [sflag:s25], $0x80  }
0x114: {  	[sflag:s25] =	ssyncset.done $0x0  }
0x115: {  	[sflag:s25] =	ssyncadd.s32 $0xFFFFFF80  }
0x116: {  	_ =	swait.ge [sflag:s13], $0x80  }
0x117: {  	[sflag:s13] =	ssyncset.done $0x0  }
0x118: {  	[sflag:s13] =	ssyncadd.s32 $0xFFFFFF80  }
0x119: {  	_ =	swait.ge [sflag:s14], $0x80  }
0x11a: {  	[sflag:s14] =	ssyncset.done $0x0  }
0x11b: {  	[sflag:s14] =	ssyncadd.s32 $0xFFFFFF80  }
0x11c: {  	_ =	swait.ge [sflag:s28], $0x80  }
0x11d: {  	[sflag:s28] =	ssyncset.done $0x0  }
0x11e: {  	[sflag:s28] =	ssyncadd.s32 $0xFFFFFF80  }
0x11f: {  	_ =	swait.ge [sflag:s30], $0x80  }
0x120: {  	[sflag:s30] =	ssyncset.done $0x0  }
0x121: {  	[sflag:s30] =	ssyncadd.s32 $0xFFFFFF80  }
0x122: {  	_ =	swait.ge [sflag:s0], $0x80  }
0x123: {  	[sflag:s0] =	ssyncset.done $0x0  }
0x124: {  	[sflag:s0] =	ssyncadd.s32 $0xFFFFFF80  }
0x125: {  	_ =	swait.ge [sflag:s2], $0x80  }
0x126: {  	[sflag:s2] =	ssyncset.done $0x0  }
0x127: {  	[sflag:s2] =	ssyncadd.s32 $0xFFFFFF80  }
0x128: {  	_ =	swait.ge [sflag:s18], $0x80  }
0x129: {  	[sflag:s18] =	ssyncset.done $0x0  }
0x12a: {  	[sflag:s18] =	ssyncadd.s32 $0xFFFFFF80  }
0x12b: {  	[bflag:$0x0] =	sbarrier.arrive $0xFFFF  }
0x12c: {  	s12 =	simm.s32 $0xAB80;
	s15 =	simm.s32 $0x11;
	s5 =	rddreg [dreg:$0xa]  }
0x12d: {  	[tilespmem:s12], [sflag:$0x11] =	stream.linear.gather [spmem:s5], $0x280, $0x38;
	[tilespmem:$0xB5A0] =	vst v63  }
0x12e: {  	_ =	swait.ge [sflag:s15], $0x280  }
0x12f: {  	[sflag:s15] =	ssyncset.done $0x0  }
0x130: {  	s5 =	simm.s32 $0x0;
	[sflag:s15] =	ssyncadd.s32 $0xFFFFFD80  }
0x131: {  	v3 =	vld [tilespmem:s5+$0xAB80]  }
0x132: {  	v4 =	vld [tilespmem:s5+$0xA680];
	_ =	sdelay $0x1  }
0x133: {  	v2 =	vld [tilespmem:s5+$0xA900];
	_ =	sdelay $0x1  }
0x134: {  	s11 =	simm.s32 $0x10;
	v1 =	vld [tilespmem:$0xB080]  }
0x135: {  	v5 =	vld [tilespmem:s11+$0xA680];
	v4 =	vadd.f32 v4, v3  }
0x136: {  	v3 =	vld [tilespmem:s11+$0xAB80]  }
0x137: {  	v6 =	vmul.f32 v4, v2  }
0x138: {  	v4 =	vld [tilespmem:s11+$0xA900]  }
0x139: {  	s12 =	simm.s32 $0x80;
	v6 =	vadd.f32 v6, v1  }
.LBB2_4:
0x13a: {  	s15 =	sshra.s32 s12, $0x2;
	p1 =	sne.s32 s12, $0x9C0  }
.Ltmp1:
0x13b: {  	s12 =	sadd.s32 $0x40, s12;
	v7 =	vadd.f32 v5, v3;
	v3 =	vld [tilespmem:s15+$0xAB80];
	v8 =	vmul.f32 v6, v2;
	(pc) =	sbr.rel @p1 .LBB2_4-.Ltmp1, $4  }
0x13c: {  	v5 =	vld [tilespmem:s15+$0xA680]  }
0x13d: {  	v6 =	vmul.f32 v7, v4;
	[tilespmem:s5+$0xAE00] =	vst v8;
	v2 =	vmov v4;
	s5 =	smov.u32 s11;
	s11 =	smov.u32 s15  }
0x13e: {  	v4 =	vld [tilespmem:s11+$0xA900]  }
0x13f: {  	v6 =	vadd.f32 v6, v1  }
0x140: {  	_ = 	snop  }
0x141: {  	v3 =	vadd.f32 v5, v3;
	_ =	sdelay $0x1  }
0x142: {  	v3 =	vmul.f32 v3, v4;
	_ =	sdelay $0x1  }
0x143: {  	v1 =	vadd.f32 v3, v1  }
0x144: {  	v2 =	vmul.f32 v6, v2  }
0x145: {  	v1 =	vmul.f32 v1, v4  }
0x146: {  	[tilespmem:s5+$0xAE00] =	vst v2  }
0x147: {  	s15 =	rddreg [dreg:$0xa];
	s12 =	simm.s32 $0xA400;
	[tilespmem:s11+$0xAE00] =	vst v1;
	s11 =	simm.s32 $0x11  }
0x148: {  	[spmem:s15] =	stream.linear.scatter [tilespmem:s12], [sflag:$0x11], $0x280, $0x38;
	[tilespmem:$0xB5A0] =	vst v63  }
0x149: {  	_ =	swait.ge [sflag:s11], $0x280  }
0x14a: {  	[sflag:s11] =	ssyncset.done $0x0  }
0x14b: {  	s12 =	simm.s32 $0xAE00;
	s5 =	rddreg [dreg:$0xb];
	[sflag:s11] =	ssyncadd.s32 $0xFFFFFD80  }
0x14c: {  	[spmem:s5] =	stream.linear.scatter [tilespmem:s12], [sflag:$0x11], $0x280, $0x38;
	[tilespmem:$0xB5A0] =	vst v63  }
0x14d: {  	_ =	swait.ge [sflag:s11], $0x280  }
0x14e: {  	[sflag:s11] =	ssyncset.done $0x0  }
0x14f: {  	[sflag:s11] =	ssyncadd.s32 $0xFFFFFD80  }
0x150: {  	s11 =	simm.s32 $0x0;
	[bflag:$0x0] =	sbarrier.arrive $0xFFFF  }
0x151: {  	[tilespmem:s23], [sflag:$0x1] =	stream.indirect.gather [spmem:s4], $0x1, s11, s22, $0xb8;
	[tilespmem:$0xB5A0] =	vst v63  }
0x152: {  	_ = 	snop  }
0x153: {  	[tilespmem:s24], [sflag:$0x2] =	stream.indirect.gather [spmem:s4], $0x1, s22, s22, $0xb8;
	[tilespmem:$0xB5A0] =	vst v63  }
0x154: {  	s12 =	simm.s32 $0x100  }
0x155: {  	[tilespmem:s26], [sflag:$0x3] =	stream.indirect.gather [spmem:s4], $0x1, s12, s22, $0xb8;
	[tilespmem:$0xB5A0] =	vst v63  }
0x156: {  	s11 =	simm.s32 $0x180  }
0x157: {  	[tilespmem:s29], [sflag:$0x4] =	stream.indirect.gather [spmem:s4], $0x1, s11, s22, $0xb8;
	[tilespmem:$0xB5A0] =	vst v63  }
0x158: {  	s12 =	simm.s32 $0x200  }
0x159: {  	[tilespmem:s31], [sflag:$0x5] =	stream.indirect.gather [spmem:s4], $0x1, s12, s22, $0xb8;
	[tilespmem:$0xB5A0] =	vst v63  }
0x15a: {  	s11 =	simm.s32 $0x280  }
0x15b: {  	[tilespmem:s1], [sflag:$0x6] =	stream.indirect.gather [spmem:s4], $0x1, s11, s22, $0xb8;
	[tilespmem:$0xB5A0] =	vst v63  }
0x15c: {  	s12 =	simm.s32 $0x300  }
0x15d: {  	[tilespmem:s16], [sflag:$0x7] =	stream.indirect.gather [spmem:s4], $0x1, s12, s22, $0xb8;
	[tilespmem:$0xB5A0] =	vst v63  }
0x15e: {  	s11 =	simm.s32 $0x380  }
0x15f: {  	[tilespmem:s19], [sflag:$0x8] =	stream.indirect.gather [spmem:s4], $0x1, s11, s22, $0xb8;
	[tilespmem:$0xB5A0] =	vst v63  }
0x160: {  	_ =	swait.ge [sflag:s20], $0x80  }
0x161: {  	[sflag:s20] =	ssyncset.done $0x0  }
0x162: {  	s12 =	simm.s32 $0x5000;
	[sflag:s20] =	ssyncadd.s32 $0xFFFFFF80  }
0x163: {  	[spmem:s3] =	stream.indirect.scatter.add.f32 [tilespmem:s23], [sflag:$0x9], $0x1, s12, s22, $0xb8;
	[tilespmem:$0xB5A0] =	vst v63  }
0x164: {  	_ =	swait.ge [sflag:s6], $0x80  }
0x165: {  	[sflag:s6] =	ssyncset.done $0x0  }
0x166: {  	s11 =	simm.s32 $0x5080;
	[sflag:s6] =	ssyncadd.s32 $0xFFFFFF80  }
0x167: {  	[spmem:s3] =	stream.indirect.scatter.add.f32 [tilespmem:s24], [sflag:$0xA], $0x1, s11, s22, $0xb8;
	[tilespmem:$0xB5A0] =	vst v63  }
0x168: {  	_ =	swait.ge [sflag:s17], $0x80  }
0x169: {  	[sflag:s17] =	ssyncset.done $0x0  }
0x16a: {  	s12 =	simm.s32 $0x5100;
	[sflag:s17] =	ssyncadd.s32 $0xFFFFFF80  }
0x16b: {  	[spmem:s3] =	stream.indirect.scatter.add.f32 [tilespmem:s26], [sflag:$0xB], $0x1, s12, s22, $0xb8;
	[tilespmem:$0xB5A0] =	vst v63  }
0x16c: {  	_ =	swait.ge [sflag:s7], $0x80  }
0x16d: {  	[sflag:s7] =	ssyncset.done $0x0  }
0x16e: {  	s11 =	simm.s32 $0x5180;
	[sflag:s7] =	ssyncadd.s32 $0xFFFFFF80  }
0x16f: {  	[spmem:s3] =	stream.indirect.scatter.add.f32 [tilespmem:s29], [sflag:$0xC], $0x1, s11, s22, $0xb8;
	[tilespmem:$0xB5A0] =	vst v63  }
0x170: {  	_ =	swait.ge [sflag:s21], $0x80  }
0x171: {  	[sflag:s21] =	ssyncset.done $0x0  }
0x172: {  	s12 =	simm.s32 $0x5200;
	[sflag:s21] =	ssyncadd.s32 $0xFFFFFF80  }
0x173: {  	[spmem:s3] =	stream.indirect.scatter.add.f32 [tilespmem:s31], [sflag:$0xD], $0x1, s12, s22, $0xb8;
	[tilespmem:$0xB5A0] =	vst v63  }
0x174: {  	_ =	swait.ge [sflag:s8], $0x80  }
0x175: {  	[sflag:s8] =	ssyncset.done $0x0  }
0x176: {  	s11 =	simm.s32 $0x5280;
	[sflag:s8] =	ssyncadd.s32 $0xFFFFFF80  }
0x177: {  	[spmem:s3] =	stream.indirect.scatter.add.f32 [tilespmem:s1], [sflag:$0xE], $0x1, s11, s22, $0xb8;
	[tilespmem:$0xB5A0] =	vst v63  }
0x178: {  	_ =	swait.ge [sflag:s9], $0x80  }
0x179: {  	[sflag:s9] =	ssyncset.done $0x0  }
0x17a: {  	s12 =	simm.s32 $0x5300;
	[sflag:s9] =	ssyncadd.s32 $0xFFFFFF80  }
0x17b: {  	[spmem:s3] =	stream.indirect.scatter.add.f32 [tilespmem:s16], [sflag:$0xF], $0x1, s12, s22, $0xb8;
	[tilespmem:$0xB5A0] =	vst v63  }
0x17c: {  	_ =	swait.ge [sflag:s10], $0x80  }
0x17d: {  	[sflag:s10] =	ssyncset.done $0x0  }
0x17e: {  	s11 =	simm.s32 $0x5380;
	[sflag:s10] =	ssyncadd.s32 $0xFFFFFF80  }
0x17f: {  	[spmem:s3] =	stream.indirect.scatter.add.f32 [tilespmem:s19], [sflag:$0x10], $0x1, s11, s22, $0xb8;
	[tilespmem:$0xB5A0] =	vst v63  }
0x180: {  	_ =	swait.ge [sflag:s25], $0x80  }
0x181: {  	[sflag:s25] =	ssyncset.done $0x0  }
0x182: {  	s12 =	simm.s32 $0x400;
	[sflag:s25] =	ssyncadd.s32 $0xFFFFFF80  }
0x183: {  	[tilespmem:s23], [sflag:$0x1] =	stream.indirect.gather [spmem:s4], $0x1, s12, s22, $0xb8;
	[tilespmem:$0xB5A0] =	vst v63  }
0x184: {  	_ =	swait.ge [sflag:s13], $0x80  }
0x185: {  	[sflag:s13] =	ssyncset.done $0x0  }
0x186: {  	s11 =	simm.s32 $0x480;
	[sflag:s13] =	ssyncadd.s32 $0xFFFFFF80  }
0x187: {  	[tilespmem:s24], [sflag:$0x2] =	stream.indirect.gather [spmem:s4], $0x1, s11, s22, $0xb8;
	[tilespmem:$0xB5A0] =	vst v63  }
0x188: {  	_ =	swait.ge [sflag:s14], $0x80  }
0x189: {  	[sflag:s14] =	ssyncset.done $0x0  }
0x18a: {  	s12 =	simm.s32 $0x500;
	[sflag:s14] =	ssyncadd.s32 $0xFFFFFF80  }
0x18b: {  	[tilespmem:s26], [sflag:$0x3] =	stream.indirect.gather [spmem:s4], $0x1, s12, s22, $0xb8;
	[tilespmem:$0xB5A0] =	vst v63  }
0x18c: {  	_ =	swait.ge [sflag:s28], $0x80  }
0x18d: {  	[sflag:s28] =	ssyncset.done $0x0  }
0x18e: {  	s11 =	simm.s32 $0x580;
	[sflag:s28] =	ssyncadd.s32 $0xFFFFFF80  }
0x18f: {  	[tilespmem:s29], [sflag:$0x4] =	stream.indirect.gather [spmem:s4], $0x1, s11, s22, $0xb8;
	[tilespmem:$0xB5A0] =	vst v63  }
0x190: {  	_ =	swait.ge [sflag:s30], $0x80  }
0x191: {  	[sflag:s30] =	ssyncset.done $0x0  }
0x192: {  	s12 =	simm.s32 $0x600;
	[sflag:s30] =	ssyncadd.s32 $0xFFFFFF80  }
0x193: {  	[tilespmem:s31], [sflag:$0x5] =	stream.indirect.gather [spmem:s4], $0x1, s12, s22, $0xb8;
	[tilespmem:$0xB5A0] =	vst v63  }
0x194: {  	_ =	swait.ge [sflag:s0], $0x80  }
0x195: {  	[sflag:s0] =	ssyncset.done $0x0  }
0x196: {  	s11 =	simm.s32 $0x680;
	[sflag:s0] =	ssyncadd.s32 $0xFFFFFF80  }
0x197: {  	[tilespmem:s1], [sflag:$0x6] =	stream.indirect.gather [spmem:s4], $0x1, s11, s22, $0xb8;
	[tilespmem:$0xB5A0] =	vst v63  }
0x198: {  	_ =	swait.ge [sflag:s2], $0x80  }
0x199: {  	[sflag:s2] =	ssyncset.done $0x0  }
0x19a: {  	s12 =	simm.s32 $0x700;
	[sflag:s2] =	ssyncadd.s32 $0xFFFFFF80  }
0x19b: {  	[tilespmem:s16], [sflag:$0x7] =	stream.indirect.gather [spmem:s4], $0x1, s12, s22, $0xb8;
	[tilespmem:$0xB5A0] =	vst v63  }
0x19c: {  	_ =	swait.ge [sflag:s18], $0x80  }
0x19d: {  	[sflag:s18] =	ssyncset.done $0x0  }
0x19e: {  	s5 =	simm.s32 $0x1000;
	s11 =	simm.s32 $0x780;
	[sflag:s18] =	ssyncadd.s32 $0xFFFFFF80  }
.LBB2_6:
0x19f: {  	[tilespmem:s19], [sflag:$0x8] =	stream.indirect.gather [spmem:s4], $0x1, s11, s22, $0xb8;
	[tilespmem:$0xB5A0] =	vst v63  }
0x1a0: {  	s11 =	smov.u32 s5  }
0x1a1: {  	p1 =	sne.s32 s5, $0x12000;
	s5 =	sadd.s32 $0x1000, s5;
	_ =	swait.ge [sflag:s20], $0x80  }
0x1a2: {  	s11 =	sshra.s32 s11, $0x2;
	[sflag:s20] =	ssyncset.done $0x0  }
0x1a3: {  	s12 =	sadd.s32 $0x5000, s11;
	[sflag:s20] =	ssyncadd.s32 $0xFFFFFF80  }
0x1a4: {  	[spmem:s3] =	stream.indirect.scatter.add.f32 [tilespmem:s23], [sflag:$0x9], $0x1, s12, s22, $0xb8;
	[tilespmem:$0xB5A0] =	vst v63  }
0x1a5: {  	_ =	swait.ge [sflag:s6], $0x80  }
0x1a6: {  	[sflag:s6] =	ssyncset.done $0x0  }
0x1a7: {  	s12 =	sadd.s32 $0x5080, s11;
	[sflag:s6] =	ssyncadd.s32 $0xFFFFFF80  }
0x1a8: {  	[spmem:s3] =	stream.indirect.scatter.add.f32 [tilespmem:s24], [sflag:$0xA], $0x1, s12, s22, $0xb8;
	[tilespmem:$0xB5A0] =	vst v63  }
0x1a9: {  	_ =	swait.ge [sflag:s17], $0x80  }
0x1aa: {  	[sflag:s17] =	ssyncset.done $0x0  }
0x1ab: {  	s12 =	sadd.s32 $0x5100, s11;
	[sflag:s17] =	ssyncadd.s32 $0xFFFFFF80  }
0x1ac: {  	[spmem:s3] =	stream.indirect.scatter.add.f32 [tilespmem:s26], [sflag:$0xB], $0x1, s12, s22, $0xb8;
	[tilespmem:$0xB5A0] =	vst v63  }
0x1ad: {  	_ =	swait.ge [sflag:s7], $0x80  }
0x1ae: {  	[sflag:s7] =	ssyncset.done $0x0  }
0x1af: {  	s12 =	sadd.s32 $0x5180, s11;
	[sflag:s7] =	ssyncadd.s32 $0xFFFFFF80  }
0x1b0: {  	[spmem:s3] =	stream.indirect.scatter.add.f32 [tilespmem:s29], [sflag:$0xC], $0x1, s12, s22, $0xb8;
	[tilespmem:$0xB5A0] =	vst v63  }
0x1b1: {  	_ =	swait.ge [sflag:s21], $0x80  }
0x1b2: {  	[sflag:s21] =	ssyncset.done $0x0  }
0x1b3: {  	s12 =	sadd.s32 $0x5200, s11;
	[sflag:s21] =	ssyncadd.s32 $0xFFFFFF80  }
0x1b4: {  	[spmem:s3] =	stream.indirect.scatter.add.f32 [tilespmem:s31], [sflag:$0xD], $0x1, s12, s22, $0xb8;
	[tilespmem:$0xB5A0] =	vst v63  }
0x1b5: {  	_ =	swait.ge [sflag:s8], $0x80  }
0x1b6: {  	[sflag:s8] =	ssyncset.done $0x0  }
0x1b7: {  	s12 =	sadd.s32 $0x5280, s11;
	[sflag:s8] =	ssyncadd.s32 $0xFFFFFF80  }
0x1b8: {  	[spmem:s3] =	stream.indirect.scatter.add.f32 [tilespmem:s1], [sflag:$0xE], $0x1, s12, s22, $0xb8;
	[tilespmem:$0xB5A0] =	vst v63  }
0x1b9: {  	_ =	swait.ge [sflag:s9], $0x80  }
0x1ba: {  	[sflag:s9] =	ssyncset.done $0x0  }
0x1bb: {  	s12 =	sadd.s32 $0x5300, s11;
	[sflag:s9] =	ssyncadd.s32 $0xFFFFFF80  }
0x1bc: {  	[spmem:s3] =	stream.indirect.scatter.add.f32 [tilespmem:s16], [sflag:$0xF], $0x1, s12, s22, $0xb8;
	[tilespmem:$0xB5A0] =	vst v63  }
0x1bd: {  	_ =	swait.ge [sflag:s10], $0x80  }
0x1be: {  	[sflag:s10] =	ssyncset.done $0x0  }
0x1bf: {  	s12 =	sadd.s32 $0x5380, s11;
	[sflag:s10] =	ssyncadd.s32 $0xFFFFFF80  }
0x1c0: {  	[spmem:s3] =	stream.indirect.scatter.add.f32 [tilespmem:s19], [sflag:$0x10], $0x1, s12, s22, $0xb8;
	[tilespmem:$0xB5A0] =	vst v63  }
0x1c1: {  	_ =	swait.ge [sflag:s25], $0x80  }
0x1c2: {  	[sflag:s25] =	ssyncset.done $0x0  }
0x1c3: {  	s12 =	sadd.s32 $0x400, s11;
	[sflag:s25] =	ssyncadd.s32 $0xFFFFFF80  }
0x1c4: {  	[tilespmem:s23], [sflag:$0x1] =	stream.indirect.gather [spmem:s4], $0x1, s12, s22, $0xb8;
	[tilespmem:$0xB5A0] =	vst v63  }
0x1c5: {  	_ =	swait.ge [sflag:s13], $0x80  }
0x1c6: {  	[sflag:s13] =	ssyncset.done $0x0  }
0x1c7: {  	s12 =	sadd.s32 $0x480, s11;
	[sflag:s13] =	ssyncadd.s32 $0xFFFFFF80  }
0x1c8: {  	[tilespmem:s24], [sflag:$0x2] =	stream.indirect.gather [spmem:s4], $0x1, s12, s22, $0xb8;
	[tilespmem:$0xB5A0] =	vst v63  }
0x1c9: {  	_ =	swait.ge [sflag:s14], $0x80  }
0x1ca: {  	[sflag:s14] =	ssyncset.done $0x0  }
0x1cb: {  	s12 =	sadd.s32 $0x500, s11;
	[sflag:s14] =	ssyncadd.s32 $0xFFFFFF80  }
0x1cc: {  	[tilespmem:s26], [sflag:$0x3] =	stream.indirect.gather [spmem:s4], $0x1, s12, s22, $0xb8;
	[tilespmem:$0xB5A0] =	vst v63  }
0x1cd: {  	_ =	swait.ge [sflag:s28], $0x80  }
0x1ce: {  	[sflag:s28] =	ssyncset.done $0x0  }
0x1cf: {  	s12 =	sadd.s32 $0x580, s11;
	[sflag:s28] =	ssyncadd.s32 $0xFFFFFF80  }
0x1d0: {  	[tilespmem:s29], [sflag:$0x4] =	stream.indirect.gather [spmem:s4], $0x1, s12, s22, $0xb8;
	[tilespmem:$0xB5A0] =	vst v63  }
0x1d1: {  	_ =	swait.ge [sflag:s30], $0x80  }
0x1d2: {  	[sflag:s30] =	ssyncset.done $0x0  }
0x1d3: {  	s12 =	sadd.s32 $0x600, s11;
	[sflag:s30] =	ssyncadd.s32 $0xFFFFFF80  }
0x1d4: {  	[tilespmem:s31], [sflag:$0x5] =	stream.indirect.gather [spmem:s4], $0x1, s12, s22, $0xb8;
	[tilespmem:$0xB5A0] =	vst v63  }
0x1d5: {  	_ =	swait.ge [sflag:s0], $0x80  }
0x1d6: {  	[sflag:s0] =	ssyncset.done $0x0  }
0x1d7: {  	s12 =	sadd.s32 $0x680, s11;
	[sflag:s0] =	ssyncadd.s32 $0xFFFFFF80  }
0x1d8: {  	[tilespmem:s1], [sflag:$0x6] =	stream.indirect.gather [spmem:s4], $0x1, s12, s22, $0xb8;
	[tilespmem:$0xB5A0] =	vst v63  }
0x1d9: {  	_ =	swait.ge [sflag:s2], $0x80  }
0x1da: {  	[sflag:s2] =	ssyncset.done $0x0  }
.Ltmp2:
0x1db: {  	s12 =	sadd.s32 $0x700, s11;
	[sflag:s2] =	ssyncadd.s32 $0xFFFFFF80;
	(pc) =	sbr.rel @p1 .LBB2_6-.Ltmp2, $4  }
0x1dc: {  	[tilespmem:s16], [sflag:$0x7] =	stream.indirect.gather [spmem:s4], $0x1, s12, s22, $0xb8;
	[tilespmem:$0xB5A0] =	vst v63  }
0x1dd: {  	_ =	swait.ge [sflag:s18], $0x80  }
0x1de: {  	[sflag:s18] =	ssyncset.done $0x0  }
0x1df: {  	s11 =	sadd.s32 $0x780, s11;
	[sflag:s18] =	ssyncadd.s32 $0xFFFFFF80  }
0x1e0: {  	[tilespmem:s19], [sflag:$0x8] =	stream.indirect.gather [spmem:s4], $0x1, s11, s22, $0xb8;
	[tilespmem:$0xB5A0] =	vst v63  }
0x1e1: {  	_ =	swait.ge [sflag:s20], $0x80  }
0x1e2: {  	[sflag:s20] =	ssyncset.done $0x0  }
0x1e3: {  	s5 =	simm.s32 $0x9C00;
	[sflag:s20] =	ssyncadd.s32 $0xFFFFFF80  }
0x1e4: {  	[spmem:s3] =	stream.indirect.scatter.add.f32 [tilespmem:s23], [sflag:$0x9], $0x1, s5, s22, $0xb8;
	[tilespmem:$0xB5A0] =	vst v63  }
0x1e5: {  	_ =	swait.ge [sflag:s6], $0x80  }
0x1e6: {  	[sflag:s6] =	ssyncset.done $0x0  }
0x1e7: {  	s11 =	simm.s32 $0x9C80;
	[sflag:s6] =	ssyncadd.s32 $0xFFFFFF80  }
0x1e8: {  	[spmem:s3] =	stream.indirect.scatter.add.f32 [tilespmem:s24], [sflag:$0xA], $0x1, s11, s22, $0xb8;
	[tilespmem:$0xB5A0] =	vst v63  }
0x1e9: {  	_ =	swait.ge [sflag:s17], $0x80  }
0x1ea: {  	[sflag:s17] =	ssyncset.done $0x0  }
0x1eb: {  	s12 =	simm.s32 $0x9D00;
	[sflag:s17] =	ssyncadd.s32 $0xFFFFFF80  }
0x1ec: {  	[spmem:s3] =	stream.indirect.scatter.add.f32 [tilespmem:s26], [sflag:$0xB], $0x1, s12, s22, $0xb8;
	[tilespmem:$0xB5A0] =	vst v63  }
0x1ed: {  	_ =	swait.ge [sflag:s7], $0x80  }
0x1ee: {  	[sflag:s7] =	ssyncset.done $0x0  }
0x1ef: {  	s11 =	simm.s32 $0x9D80;
	[sflag:s7] =	ssyncadd.s32 $0xFFFFFF80  }
0x1f0: {  	[spmem:s3] =	stream.indirect.scatter.add.f32 [tilespmem:s29], [sflag:$0xC], $0x1, s11, s22, $0xb8;
	[tilespmem:$0xB5A0] =	vst v63  }
0x1f1: {  	_ =	swait.ge [sflag:s21], $0x80  }
0x1f2: {  	[sflag:s21] =	ssyncset.done $0x0  }
0x1f3: {  	s12 =	simm.s32 $0x9E00;
	[sflag:s21] =	ssyncadd.s32 $0xFFFFFF80  }
0x1f4: {  	[spmem:s3] =	stream.indirect.scatter.add.f32 [tilespmem:s31], [sflag:$0xD], $0x1, s12, s22, $0xb8;
	[tilespmem:$0xB5A0] =	vst v63  }
0x1f5: {  	_ =	swait.ge [sflag:s8], $0x80  }
0x1f6: {  	[sflag:s8] =	ssyncset.done $0x0  }
0x1f7: {  	s11 =	simm.s32 $0x9E80;
	[sflag:s8] =	ssyncadd.s32 $0xFFFFFF80  }
0x1f8: {  	[spmem:s3] =	stream.indirect.scatter.add.f32 [tilespmem:s1], [sflag:$0xE], $0x1, s11, s22, $0xb8;
	[tilespmem:$0xB5A0] =	vst v63  }
0x1f9: {  	_ =	swait.ge [sflag:s9], $0x80  }
0x1fa: {  	[sflag:s9] =	ssyncset.done $0x0  }
0x1fb: {  	s12 =	simm.s32 $0x9F00;
	[sflag:s9] =	ssyncadd.s32 $0xFFFFFF80  }
0x1fc: {  	[spmem:s3] =	stream.indirect.scatter.add.f32 [tilespmem:s16], [sflag:$0xF], $0x1, s12, s22, $0xb8;
	[tilespmem:$0xB5A0] =	vst v63  }
0x1fd: {  	_ =	swait.ge [sflag:s10], $0x80  }
0x1fe: {  	[sflag:s10] =	ssyncset.done $0x0  }
0x1ff: {  	s11 =	simm.s32 $0x9F80;
	[sflag:s10] =	ssyncadd.s32 $0xFFFFFF80  }
0x200: {  	[spmem:s3] =	stream.indirect.scatter.add.f32 [tilespmem:s19], [sflag:$0x10], $0x1, s11, s22, $0xb8;
	[tilespmem:$0xB5A0] =	vst v63  }
0x201: {  	_ =	swait.ge [sflag:s25], $0x80  }
0x202: {  	[sflag:s25] =	ssyncset.done $0x0  }
0x203: {  	[sflag:s25] =	ssyncadd.s32 $0xFFFFFF80  }
0x204: {  	_ =	swait.ge [sflag:s13], $0x80  }
0x205: {  	[sflag:s13] =	ssyncset.done $0x0  }
0x206: {  	[sflag:s13] =	ssyncadd.s32 $0xFFFFFF80  }
0x207: {  	_ =	swait.ge [sflag:s14], $0x80  }
0x208: {  	[sflag:s14] =	ssyncset.done $0x0  }
0x209: {  	[sflag:s14] =	ssyncadd.s32 $0xFFFFFF80  }
0x20a: {  	_ =	swait.ge [sflag:s28], $0x80  }
0x20b: {  	[sflag:s28] =	ssyncset.done $0x0  }
0x20c: {  	[sflag:s28] =	ssyncadd.s32 $0xFFFFFF80  }
0x20d: {  	_ =	swait.ge [sflag:s30], $0x80  }
0x20e: {  	[sflag:s30] =	ssyncset.done $0x0  }
0x20f: {  	[sflag:s30] =	ssyncadd.s32 $0xFFFFFF80  }
0x210: {  	_ =	swait.ge [sflag:s0], $0x80  }
0x211: {  	[sflag:s0] =	ssyncset.done $0x0  }
0x212: {  	[sflag:s0] =	ssyncadd.s32 $0xFFFFFF80  }
0x213: {  	_ =	swait.ge [sflag:s2], $0x80  }
0x214: {  	[sflag:s2] =	ssyncset.done $0x0  }
0x215: {  	[sflag:s2] =	ssyncadd.s32 $0xFFFFFF80  }
0x216: {  	_ =	swait.ge [sflag:s18], $0x80  }
0x217: {  	[sflag:s18] =	ssyncset.done $0x0  }
0x218: {  	[sflag:s18] =	ssyncadd.s32 $0xFFFFFF80  }
0x219: {  	s12 =	simm.s32 $0xAB80;
	[bflag:$0x0] =	sbarrier.arrive $0xFFFF  }
0x21a: {  	[tilespmem:s12], [sflag:$0x11] =	stream.linear.gather [spmem:s15], $0x280, $0x38;
	[tilespmem:$0xB5A0] =	vst v63  }
0x21b: {  	s15 =	simm.s32 $0x11  }
0x21c: {  	_ =	swait.ge [sflag:s15], $0x280  }
0x21d: {  	[sflag:s15] =	ssyncset.done $0x0  }
0x21e: {  	s5 =	simm.s32 $0x0;
	[sflag:s15] =	ssyncadd.s32 $0xFFFFFD80  }
0x21f: {  	v2 =	vld [tilespmem:s5+$0xAB80]  }
0x220: {  	v3 =	vld [tilespmem:s5+$0xAE00];
	_ =	sdelay $0x1  }
0x221: {  	v4 =	vld [tilespmem:s5+$0xA900];
	_ =	sdelay $0x2  }
0x222: {  	s11 =	simm.s32 $0x10;
	v1 =	vld [tilespmem:$0xB090];
	v3 =	vadd.f32 v3, v2  }
0x223: {  	v2 =	vld [tilespmem:s11+$0xAB80]  }
0x224: {  	v5 =	vmul.f32 v3, v4;
	v4 =	vld [tilespmem:s11+$0xAE00];
	_ =	sdelay $0x1  }
0x225: {  	v3 =	vld [tilespmem:s11+$0xA900]  }
0x226: {  	s12 =	simm.s32 $0x80;
	v5 =	vadd.f32 v5, v1  }
.LBB2_8:
0x227: {  	s15 =	sshra.s32 s12, $0x2;
	p1 =	sne.s32 s12, $0x9C0  }
.Ltmp3:
0x228: {  	s12 =	sadd.s32 $0x40, s12;
	v6 =	vadd.f32 v4, v2;
	v2 =	vld [tilespmem:s15+$0xAB80];
	[tilespmem:s5+$0xA680] =	vst v5;
	(pc) =	sbr.rel @p1 .LBB2_8-.Ltmp3, $4  }
0x229: {  	s5 =	smov.u32 s11;
	s11 =	smov.u32 s15;
	v4 =	vld [tilespmem:s15+$0xAE00]  }
0x22a: {  	v5 =	vmul.f32 v6, v3  }
0x22b: {  	v3 =	vld [tilespmem:s11+$0xA900]  }
0x22c: {  	v5 =	vadd.f32 v5, v1  }
0x22d: {  	_ = 	snop  }
0x22e: {  	v2 =	vadd.f32 v4, v2;
	_ =	sdelay $0x1  }
0x22f: {  	v2 =	vmul.f32 v2, v3;
	_ =	sdelay $0x1  }
0x230: {  	v1 =	vadd.f32 v2, v1  }
0x231: {  	[tilespmem:s5+$0xA680] =	vst v5  }
0x232: {  	s12 =	rddreg [dreg:$0xc];
	s5 =	simm.s32 @!p0 $0x0;
	[tilespmem:s11+$0xA680] =	vst v1;
	s11 =	simm.s32 @!p0 $0xA680  }
0x233: {  	[hbm4b:s12+s5] =	stream.linear.scatter @!p0 [tilespmem:s11], [sflag:$0x11], $0x280, $0x38;
	[tilespmem:$0xB5A0] =	vst v63  }
0x234: {  	s5 =	simm.s32 @!p0 $0x11  }
0x235: {  	_ =	swait.ge @!p0 [sflag:s5], $0x280  }
0x236: {  	s11 =	rddreg [dreg:$0xe]  }
0x237: {  	s15 =	rddreg [dreg:$0xd];
	s12 =	sadd.s32 $0x1, s11  }
0x238: {  	p1 =	sne.s32 s12, s15  }
.Ltmp4:
0x239: {  	_ = 	snop;
	(pc) =	sbr.rel @p1 .LBB2_1-.Ltmp4, $3  }
0x23a: {  	_ =	sdelay $0x1  }
0x23b: {  	[sflag:s5] =	ssyncset.done @!p0 $0x0  }
0x23c: {  	[sflag:s5] =	ssyncadd.s32 @!p0 $0xFFFFFD80  }
0x23d: {  	_ =	sfence.sel $0x180000  }
0x23e: {  	[bflag:$0x0] =	sbarrier.arrive $0xFFFF  }
0x23f: {  	_ =	strace $0x9000004D  }
0x240: {  	s0 =	stileid.u32;
	[bflag:$0x2] =	sbarrier.arrive $0xFFFF  }
0x241: {  	p0 =	sne.s32 s0, $0x0;
	s0 =	rddreg [dreg:$0x4]  }
0x242: {  	s0 =	sadd.s32 @!p0 $0x100000, s0  }
0x243: {  	[sflag:s0] =	ssyncadd.tile.s32 @!p0 $0x1;
	_ =	shalt  }
.Lfunc_end2:
_tile_overlayer_lowered:
.L_overlay_start_2:
0x244: {  	(tag) =	ssettag $0x2  }
0x245: {  	s0 =	rddreg [dreg:$0x0];
	s2 =	stileid.u32  }
0x246: {  	s1 =	rddreg [dreg:$0x1];
	p0 =	sne.s32 s2, $0x0  }
0x247: {  	s3 =	rddreg [dreg:$0x2];
	[bflag:$0x3] =	sbarrier.arrive $0xFFFF;
	s2 =	simm.s32 @!p0 $0x1C11  }
0x248: {  	[timem:s3], [sflag:s2] =	dma.local @!p0 [hbm:s0], s1  }
0x249: {  	s0 =	simm.s32 @!p0 $0x11  }
0x24a: {  	_ =	swait.ge @!p0 [sflag:s0], s1  }
0x24b: {  	s1 =	ssub.s32 @!p0 $0x0, s1;
	[sflag:s0] =	ssyncset.done @!p0 $0x0  }
0x24c: {  	[sflag:s0] =	ssyncadd.s32 @!p0 s1  }
0x24d: {  	[bflag:$0x3] =	sbarrier.arrive $0xFFFF  }
0x24e: {  	_ =	shalt  }

// kernel: kernel.7.cloned.1.call-start
scs
__scs_entry_jumppad:
0x0: {  	(pc) =	sbr.rel $0x88, $3  }
0x1: {  	(tag) =	ssettag $0x0;
	lr =	simm.s32 $0x1  }
0x2: {  	[smem:$0x3F99] =	sst lr;
	_ =	strace $0xD0000000  }
0x3: {  	_ = 	snop  }
0x4: {  	_ = 	snop  }
0x5: {  	_ = 	snop  }
0x6: {  	_ = 	snop  }
0x7: {  	_ = 	snop  }
__scs_overlays_trampoline_lowered:
0x8: {  	[smem:$0x3FA8] =	sst s0  }
0x9: {  	[smem:$0x3FA9] =	sst s1  }
0xa: {  	[smem:$0x3FAA] =	sst s2  }
0xb: {  	[smem:$0x3FAB] =	sst s3  }
0xc: {  	[smem:$0x3FAC] =	sst s4  }
0xd: {  	[smem:$0x3FAD] =	sst s5  }
0xe: {  	[smem:$0x3FAE] =	sst s6  }
0xf: {  	[smem:$0x3FAF] =	sst s7  }
0x10: {  	[smem:$0x3FB0] =	sst s8  }
0x11: {  	[smem:$0x3FB1] =	sst s9;
	s0 =	simm.s32 @!p0 $0x0  }
0x12: {  	s1 =	sld [smem:$0x3F97];
	s0 =	simm.s32 @p0 $0x1  }
0x13: {  	[smem:$0x3FB2] =	sst s0;
	s0 =	simm.s32 @!p1 $0x0  }
0x14: {  	s2 =	sld [smem:$0x3F96];
	s0 =	simm.s32 @p1 $0x1  }
0x15: {  	[smem:$0x3FB3] =	sst s0;
	s0 =	simm.s32 @!p2 $0x0  }
0x16: {  	s3 =	sld [smem:$0x3FDB];
	s0 =	simm.s32 @p2 $0x1  }
0x17: {  	s4 =	simm.s32 $0x1BF5;
	[smem:$0x3FB5] =	sst s0  }
0x18: {  	s0 =	sld [smem:$0x3F98];
	_ =	swait.ge [sflag:s4], $0x0  }
0x19: {  	s7 =	sld [smem:$0x3F99]  }
0x1a: {  	s8 =	sadd.s32 $0xFFFFE003, lr  }
0x1b: {  	s9 =	sadd.s32 $0xFFFFFEF7, lr;
	s5 =	simm.s32 $0xFFFFFFFF;
	p2 =	slt.u32 s8, $0xFFFFF086  }
0x1c: {  	p1 =	slt.u32 s9, $0xF7A;
	s5 =	simm.s32 @!p2 $0x0  }
0x1d: {  	s5 =	simm.s32 @p1 $0x1;
	p0 =	seq.s32 s7, s2  }
0x1e: {  	s7 =	smul.u32 @!p0 $0xF7A, s2;
	p2 =	seq.s32 @!p0 s5, $0x0  }
0x1f: {  	s9 =	smul.u32 $0xF7A, s1;
	s8 =	simm.s32 @!p0 $0x1BF5;
	p2 =	por !p2, p0  }
0x20: {  	[sflag:s8] =	ssyncset.s32 @!p0 $0xFFFFF086;
	s6 =	sadd.s32 @!p0 s3, s7;
	s7 =	simm.s32 @!p0 $0x108  }
0x21: {  	s3 =	sadd.s32 s3, s9;
	s6 =	sadd.s32 @!p0 $0x88, s6;
	s7 =	simm.s32 @p2 $0x1082  }
0x22: {  	[simem:s7], [sflag:s8] =	dma.local @!p0 [hbm:s6], $0xF7A  }
0x23: {  	s9 =	sor.u32 $0xD0000000, s2;
	s6 =	simm.s32 $0x108;
	_ =	swait.ge @!p0 [sflag:s8], $0x0  }
0x24: {  	s3 =	sadd.s32 $0x88, s3;
	s6 =	simm.s32 @!p1 $0x1082;
	[sflag:s4] =	ssyncset.s32 $0xFFFFF086  }
0x25: {  	[simem:s6], [sflag:s4] =	dma.local [hbm:s3], $0xF7A  }
0x26: {  	[smem:$0x3F99] =	sst s1;
	(tag) =	ssettag s2;
	_ =	strace s9  }
0x27: {  	s1 =	sld [smem:$0x3FA9]  }
0x28: {  	s2 =	sld [smem:$0x3FAA]  }
0x29: {  	s4 =	sld [smem:$0x3FAC]  }
0x2a: {  	p0 =	seq.s32 s5, $0x0;
	s5 =	sld [smem:$0x3FAD]  }
0x2b: {  	s6 =	sld [smem:$0x3FAE]  }
0x2c: {  	s7 =	sld [smem:$0x3FAF]  }
0x2d: {  	s3 =	simm.s32 $0x108;
	s8 =	sld [smem:$0x3FB0]  }
0x2e: {  	s3 =	simm.s32 @!p0 $0x1082;
	s9 =	sld [smem:$0x3FB1]  }
0x2f: {  	lr =	sadd.s32 s0, s3;
	s0 =	sld [smem:$0x3FA8]  }
0x30: {  	s3 =	sld [smem:$0x3FAB]  }
0x31: {  	[smem:$0x3FB4] =	sst s10  }
0x32: {  	s10 =	sld [smem:$0x3FB2];
	_ =	sdelay $0x3  }
0x33: {  	p0 =	seq.s32 s10, $0x1;
	s10 =	sld [smem:$0x3FB4];
	_ =	sdelay $0x3  }
0x34: {  	[smem:$0x3FB4] =	sst s10  }
0x35: {  	s10 =	sld [smem:$0x3FB3];
	_ =	sdelay $0x3  }
0x36: {  	p1 =	seq.s32 s10, $0x1;
	s10 =	sld [smem:$0x3FB4];
	_ =	sdelay $0x3  }
0x37: {  	[smem:$0x3FB4] =	sst s10  }
0x38: {  	s10 =	sld [smem:$0x3FB5]  }
0x39: {  	_ = 	snop;
	(pc) =	sbr.ind lr, $3  }
0x3a: {  	_ = 	snop  }
0x3b: {  	_ = 	snop  }
0x3c: {  	p2 =	seq.s32 s10, $0x1;
	s10 =	sld [smem:$0x3FB4]  }
0x3d: {  	_ =	shalt  }
0x3e: {  	_ =	shalt  }
0x3f: {  	_ =	shalt  }
0x40: {  	_ =	shalt  }
0x41: {  	_ =	shalt  }
0x42: {  	_ =	shalt  }
0x43: {  	_ =	shalt  }
0x44: {  	_ =	shalt  }
0x45: {  	_ =	shalt  }
0x46: {  	_ =	shalt  }
0x47: {  	_ =	shalt  }
0x48: {  	_ =	shalt  }
0x49: {  	_ =	shalt  }
0x4a: {  	_ =	shalt  }
0x4b: {  	_ =	shalt  }
0x4c: {  	_ =	shalt  }
0x4d: {  	_ =	shalt  }
0x4e: {  	_ =	shalt  }
0x4f: {  	_ =	shalt  }
0x50: {  	_ =	shalt  }
0x51: {  	_ =	shalt  }
0x52: {  	_ =	shalt  }
0x53: {  	_ =	shalt  }
0x54: {  	_ =	shalt  }
0x55: {  	_ =	shalt  }
0x56: {  	_ =	shalt  }
0x57: {  	_ =	shalt  }
0x58: {  	_ =	shalt  }
0x59: {  	_ =	shalt  }
0x5a: {  	_ =	shalt  }
0x5b: {  	_ =	shalt  }
0x5c: {  	_ =	shalt  }
0x5d: {  	_ =	shalt  }
0x5e: {  	_ =	shalt  }
0x5f: {  	_ =	shalt  }
0x60: {  	_ =	shalt  }
0x61: {  	_ =	shalt  }
0x62: {  	_ =	shalt  }
0x63: {  	_ =	shalt  }
0x64: {  	_ =	shalt  }
0x65: {  	_ =	shalt  }
0x66: {  	_ =	shalt  }
0x67: {  	_ =	shalt  }
0x68: {  	_ =	shalt  }
0x69: {  	_ =	shalt  }
0x6a: {  	_ =	shalt  }
0x6b: {  	_ =	shalt  }
0x6c: {  	_ =	shalt  }
0x6d: {  	_ =	shalt  }
0x6e: {  	_ =	shalt  }
0x6f: {  	_ =	shalt  }
0x70: {  	_ =	shalt  }
0x71: {  	_ =	shalt  }
0x72: {  	_ =	shalt  }
0x73: {  	_ =	shalt  }
0x74: {  	_ =	shalt  }
0x75: {  	_ =	shalt  }
0x76: {  	_ =	shalt  }
0x77: {  	_ =	shalt  }
0x78: {  	_ =	shalt  }
0x79: {  	_ =	shalt  }
0x7a: {  	_ =	shalt  }
0x7b: {  	_ =	shalt  }
0x7c: {  	_ =	shalt  }
0x7d: {  	_ =	shalt  }
0x7e: {  	_ =	shalt  }
0x7f: {  	_ =	shalt  }
0x80: {  	_ =	shalt  }
0x81: {  	_ =	shalt  }
0x82: {  	_ =	shalt  }
0x83: {  	_ =	shalt  }
0x84: {  	_ =	shalt  }
0x85: {  	_ =	shalt  }
0x86: {  	_ =	shalt  }
0x87: {  	_ =	shalt  }
.Lfunc_end0:
.L_simem_size_0:
called_computation_lowered:
.L_overlay_start_0:
0x88: {  	s2 =	sld [smem:$0x3FD9]  }
0x89: {  	s3 =	sld [smem:$0x3FFE];
	_ =	sdelay $0x1  }
0x8a: {  	s1 =	srdreg.scid  }
0x8b: {  	s0 =	sand.u32 $0x1, s1  }
0x8c: {  	s16 =	sshll.u32 s0, $0xA;
	s2 =	sadd.s32 s3, s2  }
0x8d: {  	s2 =	sadd.s32 s2, s16  }
0x8e: {  	[smem:$0x3FC0] =	sst s2  }
0x8f: {  	_ = 	snop  }
0x90: {  	(tm) =	ssettm $0x1  }
0x91: {  	s17 =	sld [smem:$0x3FFB];
	_ =	sdelay $0x3  }
0x92: {  	_ =	strace s17  }
0x93: {  	s2 =	sld [smem:$0x3FFC];
	_ =	sdelay $0x3  }
0x94: {  	_ =	strace s2  }
0x95: {  	s2 =	sld [smem:$0x3FFD];
	_ =	sdelay $0x3  }
0x96: {  	_ =	strace s2  }
0x97: {  	_ =	strace $0x8FFFFFFF  }
0x98: {  	s18 =	sld [smem:$0x3FDB];
	_ =	sdelay $0x1  }
0x99: {  	s19 =	simm.s32 $_scs_section_size  }
0x9a: {  	s4 =	simm.s32 $_size__tile_overlayer_lowered;
	s5 =	simm.s32 $_tile_overlayer_lowered  }
0x9b: {  	s22 =	simm.s32 $0x1BFF;
	s21 =	sshll.u32 s5, $0x1;
	s2 =	sadd.s32 s19, s18  }
0x9c: {  	s6 =	simm.s32 $0x0;
	s20 =	sshll.u32 s4, $0x1;
	s4 =	sadd.s32 s21, s2  }
0x9d: {  	[timem:s6], [sflag:s22] =	dma.local [hbm:s4], s20  }
0x9e: {  	_ =	swait.ge [sflag:s22], s20  }
0x9f: {  	s3 =	ssub.s32 $0x0, s20;
	[sflag:s22] =	ssyncset.done $0x0  }
0xa0: {  	[sflag:s22] =	ssyncadd.s32 s3;
	_ =	sdelay $0x1  }
0xa1: {  	s23 =	simm.s32 $0x1B8B  }
0xa2: {  	_ =	swait.ge [sflag:s23], $0x1  }
0xa3: {  	[sflag:s23] =	ssyncset.done $0x0  }
0xa4: {  	s25 =	simm.s32 $0x1B8E;
	s24 =	sld [smem:$0x3FFE];
	[sflag:s23] =	ssyncadd.s32 $0xFFFFFFFF  }
0xa5: {  	s26 =	simm.s32 $execute0_lowered;
	[smem:$0x3FD2] =	sst s25  }
0xa6: {  	s4 =	sshll.u32 s26, $0x1;
	_ =	strace $0x80000046;
	[dreg:$0x1] =	wrdreg $0xFFFFFFFF  }
0xa7: {  	s28 =	simm.s32 $_size_execute0_lowered;
	s2 =	sadd.s32 s2, s4;
	[dreg:$0x0] =	wrdreg $0x0  }
0xa8: {  	s4 =	sshll.u32 s28, $0x1;
	[dreg:$0x2] =	wrdreg s2  }
0xa9: {  	[dreg:$0x3] =	wrdreg s4  }
0xaa: {  	[dreg:$0x4] =	wrdreg $0xC0  }
0xab: {  	_ =	task [dreg:s6], $0x5FFFF  }
0xac: {  	[dreg:$0x1] =	wrdreg $0xFFFFFFFF  }
0xad: {  	[dreg:$0x0] =	wrdreg $0x60  }
0xae: {  	[dreg:$0x2] =	wrdreg s24  }
0xaf: {  	[dreg:$0x3] =	wrdreg $0x2B000  }
0xb0: {  	[dreg:$0x4] =	wrdreg $0x9  }
0xb1: {  	_ =	task.clear_ibuf [dreg:s6], $0x5FFFF;
	_ =	strace $0x90000046  }
0xb2: {  	s29 =	simm.s32 $0x9;
	_ =	strace $0x80000048  }
0xb3: {  	_ =	swait.ge [sflag:s29], $0x1  }
0xb4: {  	[sflag:s29] =	ssyncadd.s32 $0xFFFFFFFF  }
0xb5: {  	_ =	strace $0x90000048  }
0xb6: {  	_ =	sfence  }
0xb7: {  	s30 =	sld [smem:$0x0];
	_ =	sdelay $0x2  }
0xb8: {  	s31 =	sshll.u32 s1, $0xD;
	s1 =	sshrl.u32 s1, $0x2  }
0xb9: {  	s3 =	sand.u32 $0x4000, s31;
	s1 =	sadd.s32 s1, s30  }
0xba: {  	s0 =	sor.u32 s3, s0;
	s1 =	sshll.u32 s1, $0x11  }
0xbb: {  	s0 =	sor.u32 s1, s0  }
0xbc: {  	s0 =	sadd.s32 $0x8F2B, s0  }
0xbd: {  	[sflag:s0] =	ssyncadd.remote.s32 $0x1  }
0xbe: {  	_ =	sfence.sel $0xFFFF  }
0xbf: {  	[dreg:$0x0] =	wrdreg $0xFFFFFFFF;
	(pc) =	sbr.abs _section_cstart, $3  }
0xc0: {  	[dreg:$0x1] =	wrdreg $0xFFFFFFFF  }
0xc1: {  	_ =	task.clear_ibuf [dreg:s6], $0x2FFFF;
	_ =	strace $0x9FFFFFFF  }
0xc2: {  	(tm) =	ssettm $0x7FFFFFFF  }
0xc3: {  	_ =	shalt  }
tec
execute0_lowered:
.L_overlay_start_1:
0x0: {  	(tag) =	ssettag $0x1  }
0x1: {  	s4 =	rddreg [dreg:$0x0];
	s0 =	srdreg.scid  }
0x2: {  	s2 =	rddreg [dreg:$0x1];
	s1 =	stileid.u32  }
0x3: {  	s3 =	simm.s32 $0x0;
	s10 =	simm.s32 $0x80;
	s11 =	simm.s32 $0x2800  }
0x4: {  	s12 =	simm.s32 $0x1;
	s5 =	sand.u32 $0x1, s0;
	s0 =	rddreg [dreg:$0x2]  }
0x5: {  	s15 =	simm.s32 $0x0;
	s7 =	smul.u32 $0x280, s1;
	[smem:$0x7FF] =	sst s3  }
0x6: {  	s13 =	sshll.u32 s1, $0x6;
	s6 =	sshll.u32 s5, $0x4;
	s8 =	smul.u32 $0x2800, s5  }
0x7: {  	_ =	strace $0x80000047;
	s5 =	ssub.s32 $0x2, s5;
	s6 =	sor.u32 s1, s6  }
0x8: {  	s13 =	sor.u32 $0x1C02, s13;
	s9 =	sshrl.u32 s5, $0x1;
	s6 =	smul.u32 $0x500, s6  }
0x9: {  	s8 =	sadd.s32 s7, s8;
	s9 =	ssub.s32 s5, s9;
	s5 =	sadd.s32 s7, s2  }
0xa: {  	s8 =	sshrl.u32 s8, $0x3;
	s7 =	smax.u32 s9, $0x1;
	s9 =	simm.s32 $0x2880  }
0xb: {  	s14 =	sshrl.u32 s5, $0x3;
	s6 =	sadd.s32 s6, s4;
	s8 =	sadd.s32 s8, s4  }
0xc: {  	v0 =	vimm.f32 $1.000000000e+00;
	v1 =	vimm.f32 $0.0e+00;
	s4 =	sadd.s32 $0xA600, s6;
	s6 =	sadd.s32 $0x14600, s8;
	s8 =	simm.s32 $0x2  }
.LBB2_1:
0xd: {  	[tilespmem:s3], [sflag:$0x2] =	stream.linear.gather [hbm4b:s4+s3], $0x2800, $0x38;
	[tilespmem:$0x2D80] =	vst v63  }
0xe: {  	_ =	swait.ge [sflag:s8], $0x2800  }
0xf: {  	[sflag:s8] =	ssyncset.done $0x0  }
0x10: {  	[sflag:s8] =	ssyncadd.s32 $0xFFFFD800  }
0x11: {  	[tilespmem:$0x2800] =	vst v0  }
0x12: {  	[tilespmem:$0x2810] =	vst v0  }
0x13: {  	[tilespmem:$0x2820] =	vst v0  }
0x14: {  	[tilespmem:$0x2830] =	vst v0  }
0x15: {  	[tilespmem:$0x2840] =	vst v0  }
0x16: {  	[tilespmem:$0x2850] =	vst v0  }
0x17: {  	[tilespmem:$0x2860] =	vst v0  }
0x18: {  	[tilespmem:$0x2870] =	vst v0  }
0x19: {  	[tilespmem:$0x2880] =	vst v1  }
0x1a: {  	[tilespmem:$0x2890] =	vst v1  }
0x1b: {  	[tilespmem:$0x28A0] =	vst v1  }
0x1c: {  	[tilespmem:$0x28B0] =	vst v1  }
0x1d: {  	[tilespmem:$0x28C0] =	vst v1  }
0x1e: {  	[tilespmem:$0x28D0] =	vst v1  }
0x1f: {  	[tilespmem:$0x28E0] =	vst v1  }
0x20: {  	[tilespmem:$0x28F0] =	vst v1  }
0x21: {  	[tilespmem:$0x2900] =	vst v1  }
0x22: {  	[tilespmem:$0x2910] =	vst v1  }
0x23: {  	[tilespmem:$0x2920] =	vst v1  }
0x24: {  	[tilespmem:$0x2930] =	vst v1  }
0x25: {  	[tilespmem:$0x2940] =	vst v1  }
0x26: {  	[tilespmem:$0x2950] =	vst v1  }
0x27: {  	[tilespmem:$0x2960] =	vst v1  }
0x28: {  	[tilespmem:$0x2970] =	vst v1  }
0x29: {  	[tilespmem:$0x2980] =	vst v1  }
0x2a: {  	[tilespmem:$0x2990] =	vst v1  }
0x2b: {  	[tilespmem:$0x29A0] =	vst v1  }
0x2c: {  	[tilespmem:$0x29B0] =	vst v1  }
0x2d: {  	[tilespmem:$0x29C0] =	vst v1  }
0x2e: {  	[tilespmem:$0x29D0] =	vst v1  }
0x2f: {  	[tilespmem:$0x29E0] =	vst v1  }
0x30: {  	[tilespmem:$0x29F0] =	vst v1  }
0x31: {  	[tilespmem:$0x2A00] =	vst v1  }
0x32: {  	[tilespmem:$0x2A10] =	vst v1  }
0x33: {  	[tilespmem:$0x2A20] =	vst v1  }
0x34: {  	[tilespmem:$0x2A30] =	vst v1  }
0x35: {  	[tilespmem:$0x2A40] =	vst v1  }
0x36: {  	[tilespmem:$0x2A50] =	vst v1  }
0x37: {  	[tilespmem:$0x2A60] =	vst v1  }
0x38: {  	[tilespmem:$0x2A70] =	vst v1  }
0x39: {  	[tilespmem:$0x2A80] =	vst v1  }
0x3a: {  	[tilespmem:$0x2A90] =	vst v1  }
0x3b: {  	[tilespmem:$0x2AA0] =	vst v1  }
0x3c: {  	[tilespmem:$0x2AB0] =	vst v1  }
0x3d: {  	[tilespmem:$0x2AC0] =	vst v1  }
0x3e: {  	[tilespmem:$0x2AD0] =	vst v1  }
0x3f: {  	[tilespmem:$0x2AE0] =	vst v1  }
0x40: {  	[tilespmem:$0x2AF0] =	vst v1  }
0x41: {  	[spmem:s5] =	stream.linear.scatter [tilespmem:s9], [sflag:$0x2], $0x280, $0x38;
	[tilespmem:$0x2D80] =	vst v63  }
0x42: {  	_ =	swait.ge [sflag:s8], $0x280  }
0x43: {  	[sflag:s8] =	ssyncset.done $0x0  }
0x44: {  	[sflag:s8] =	ssyncadd.s32 $0xFFFFFD80  }
0x45: {  	s16 =	simm.s32 $0x0;
	[bflag:$0x0] =	sbarrier.arrive $0xFFFF  }
.LBB2_2:
0x46: {  	p0 =	sne.s32 s16, $0x9E00  }
.Ltmp0:
0x47: {  	_ = 	snop;
	(pc) =	sbr.rel @p0 .LBB2_2-.Ltmp0, $3  }
0x48: {  	_ =	sdelay $0x1  }
0x49: {  	s17 =	sshra.s32 s16, $0x2;
	s16 =	sadd.s32 $0x200, s16  }
0x4a: {  	[spmem:s2] =	stream.indirect.scatter.add.f32 [tilespmem:s11], [sflag:$0x1], $0x1, s17, s10, $0xb8;
	[tilespmem:$0x2D80] =	vst v63  }
0x4b: {  	_ =	swait.ge [sflag:s12], $0x80  }
0x4c: {  	s16 =	simm.s32 $0x4F;
	[sflag:s12] =	ssyncset.done $0x0  }
.LBB2_4:
0x4d: {  	p0 =	sne.s32 s16, $0x1;
	s16 =	sadd.s32 $0xFFFFFFFF, s16;
	[sflag:s12] =	ssyncadd.s32 $0xFFFFFF80  }
.Ltmp1:
0x4e: {  	(pc) =	sbr.rel @p0 .LBB2_4-.Ltmp1, $3  }
0x4f: {  	_ =	sdelay $0x1  }
0x50: {  	_ =	swait.ge [sflag:s12], $0x80  }
0x51: {  	[sflag:s12] =	ssyncset.done $0x0  }
0x52: {  	s15 =	sadd.s32 $0x1, s15  }
0x53: {  	[sflag:s12] =	ssyncadd.s32 $0xFFFFFF80;
	p0 =	sne.s32 s15, s7  }
.Ltmp2:
0x54: {  	[bflag:$0x0] =	sbarrier.arrive $0xFFFF;
	(pc) =	sbr.rel @p0 .LBB2_1-.Ltmp2, $4  }
0x55: {  	[hbm:s6], [sflag:s13] =	dma.local [spmem:s14], $0x50  }
0x56: {  	_ =	swait.ge [sflag:s8], $0x50  }
0x57: {  	[sflag:s8] =	ssyncset.done $0x0  }
0x58: {  	[sflag:s8] =	ssyncadd.s32 $0xFFFFFFB0  }
0x59: {  	_ =	sfence.sel $0x180000  }
0x5a: {  	[bflag:$0x0] =	sbarrier.arrive $0xFFFF  }
0x5b: {  	p0 =	sne.s32 s1, $0x0;
	_ =	strace $0x90000047  }
0x5c: {  	s0 =	sadd.s32 @!p0 $0x100000, s0;
	[bflag:$0x2] =	sbarrier.arrive $0xFFFF  }
0x5d: {  	[sflag:s0] =	ssyncadd.tile.s32 @!p0 $0x1;
	_ =	shalt  }
.Lfunc_end2:
_tile_overlayer_lowered:
.L_overlay_start_2:
0x5e: {  	(tag) =	ssettag $0x2  }
0x5f: {  	s0 =	rddreg [dreg:$0x0];
	s2 =	stileid.u32  }
0x60: {  	s1 =	rddreg [dreg:$0x1];
	p0 =	sne.s32 s2, $0x0  }
0x61: {  	s3 =	rddreg [dreg:$0x2];
	[bflag:$0x3] =	sbarrier.arrive $0xFFFF;
	s2 =	simm.s32 @!p0 $0x1C02  }
0x62: {  	[timem:s3], [sflag:s2] =	dma.local @!p0 [hbm:s0], s1  }
0x63: {  	s0 =	simm.s32 @!p0 $0x2  }
0x64: {  	_ =	swait.ge @!p0 [sflag:s0], s1  }
0x65: {  	s1 =	ssub.s32 @!p0 $0x0, s1;
	[sflag:s0] =	ssyncset.done @!p0 $0x0  }
0x66: {  	[sflag:s0] =	ssyncadd.s32 @!p0 s1  }
0x67: {  	[bflag:$0x3] =	sbarrier.arrive $0xFFFF  }
0x68: {  	_ =	shalt  }

</sc_bundles>
